<compile_context>
chip_gen: v7x
topology: tpu7x:2x2x1
jax: 0.10.2.dev20260603
libtpu: 0.0.44.dev20260713+nightly
codegen_flags: <defaults>
</compile_context>

<pallas_src>
import functools

import jax
import jax.numpy as jnp
from jax import lax
from jax.experimental import pallas as pl
from jax.experimental.pallas import tpu as pltpu
from jax.experimental.pallas import tpu_sc as plsc

N = 50000
E = 800000
DIN = 128
H = 64
G = 512
HH = H // 2

NSC = 2
NT = 16
RPT = N // NT

EP = 16 * 1024 * 49
EPT = EP // NT
ROWS_PT = EPT // 128
CJ = 4
CHUNKS = ROWS_PT // CJ

SP_ROWS = N + 8

CR = 128
GPT = G // NT

_mesh = plsc.VectorSubcoreMesh(core_axis_name="c", subcore_axis_name="s")


def _agg_body(g2, src2, dstp, out, srcvA, dstvA, srcvB, dstvB, rows, spo, sem):
    c = lax.axis_index("c")
    s = lax.axis_index("s")
    base = c * N + s * RPT
    cpi = pltpu.async_copy(g2.at[pl.ds(base, RPT)], spo.at[pl.ds(s * RPT, RPT)],
                           sem)

    src_row0 = c * (EP // 128) + s * ROWS_PT
    dst_row0 = s * ROWS_PT

    pltpu.sync_copy(src2.at[pl.ds(src_row0, CJ)], srcvA)
    pltpu.sync_copy(dstp.at[pl.ds(dst_row0, CJ)], dstvA)
    cpi.wait()
    plsc.subcore_barrier()

    def pair(k, carry):
        cps = [pltpu.async_copy(g2.at[srcvA.at[j]], rows.at[j], sem)
               for j in range(CJ)]
        pltpu.sync_copy(src2.at[pl.ds(src_row0 + (2 * k + 1) * CJ, CJ)], srcvB)
        pltpu.sync_copy(dstp.at[pl.ds(dst_row0 + (2 * k + 1) * CJ, CJ)], dstvB)
        for j in range(CJ):
            cps[j].wait()
            pltpu.sync_copy(rows.at[j], spo.at[dstvA.at[j]], add=True)
        cps = [pltpu.async_copy(g2.at[srcvB.at[j]], rows.at[j], sem)
               for j in range(CJ)]
        nxt = jnp.minimum((2 * k + 2) * CJ, (CHUNKS - 2) * CJ)
        pltpu.sync_copy(src2.at[pl.ds(src_row0 + nxt, CJ)], srcvA)
        pltpu.sync_copy(dstp.at[pl.ds(dst_row0 + nxt, CJ)], dstvA)
        for j in range(CJ):
            cps[j].wait()
            pltpu.sync_copy(rows.at[j], spo.at[dstvB.at[j]], add=True)
        return carry

    lax.fori_loop(0, CHUNKS // 2, pair, 0)
    plsc.subcore_barrier()
    pltpu.sync_copy(spo.at[pl.ds(s * RPT, RPT)], out.at[pl.ds(base, RPT)])


_agg = functools.partial(
    pl.kernel,
    out_type=jax.ShapeDtypeStruct((2 * N, HH), jnp.float32),
    mesh=_mesh,
    compiler_params=pltpu.CompilerParams(use_tc_tiling_on_sc=False),
    scratch_types=[
        pltpu.VMEM((CJ, 128), jnp.int32),
        pltpu.VMEM((CJ, 128), jnp.int32),
        pltpu.VMEM((CJ, 128), jnp.int32),
        pltpu.VMEM((CJ, 128), jnp.int32),
        pltpu.VMEM((CJ, 128, HH), jnp.float32),
        pltpu.VMEM_SHARED((SP_ROWS, HH), jnp.float32),
        pltpu.SemaphoreType.DMA,
    ],
)(_agg_body)


DHH = 16
DROWS = EP // 128 // 2
DRPT = DROWS // NT
DCJ = 4
DCHUNKS = DRPT // DCJ


def _deg_body(dstp, out, dstv, ones_rows, spo):
    c = lax.axis_index("c")
    s = lax.axis_index("s")
    one16 = jnp.ones((DHH,), jnp.float32)

    def oi(i, carry):
        ones_rows[i] = one16
        return carry

    lax.fori_loop(0, 128, oi, 0)

    def zi(i, carry):
        pltpu.sync_copy(ones_rows.at[pl.ds(0, 125)],
                        spo.at[pl.ds(s * RPT + i * 125, 125)])
        return carry

    lax.fori_loop(0, 25, zi, 0)
    plsc.subcore_barrier()

    row0 = c * DROWS + s * DRPT

    def chunk(i, carry):
        pltpu.sync_copy(dstp.at[pl.ds(row0 + i * DCJ, DCJ)], dstv)
        for j in range(DCJ):
            pltpu.sync_copy(ones_rows.at[pl.ds(0, 128)], spo.at[dstv.at[j]],
                            add=True)
        return carry

    lax.fori_loop(0, DCHUNKS, chunk, 0)
    plsc.subcore_barrier()
    pltpu.sync_copy(spo.at[pl.ds(s * RPT, RPT)], out.at[pl.ds(c * N + s * RPT, RPT)])


_deg = functools.partial(
    pl.kernel,
    out_type=jax.ShapeDtypeStruct((2 * N, DHH), jnp.float32),
    mesh=_mesh,
    compiler_params=pltpu.CompilerParams(use_tc_tiling_on_sc=False),
    scratch_types=[
        pltpu.VMEM((DCJ, 128), jnp.int32),
        pltpu.VMEM((128, DHH), jnp.float32),
        pltpu.VMEM_SHARED((SP_ROWS, DHH), jnp.float32),
    ],
)(_deg_body)


def _pool_body(hid2, bounds, pooled4, bbuf, rbuf, resmax, resmean):
    c = lax.axis_index("c")
    s = lax.axis_index("s")
    pltpu.sync_copy(bounds.at[pl.ds(s * GPT, 48)], bbuf)

    lane = lax.broadcasted_iota(jnp.int32, (16,), 0)

    def extract(k):
        blk = bbuf[pl.ds((k // 16) * 16, 16)]
        sel = lane == lax.broadcast(k % 16, (16,))
        return jnp.sum(jnp.where(sel, blk, 0))

    neg = jnp.full((16,), -jnp.inf, dtype=jnp.float32)
    zero = jnp.zeros((16,), jnp.float32)

    def graph(k, carry):
        start = extract(k)
        end = extract(k + 1)
        nch = (end - start + CR - 1) // CR

        def chunk(t, acc):
            ofs = jnp.minimum(start + t * CR, N - CR)
            lo = start + t * CR
            pltpu.sync_copy(hid2.at[pl.ds(c * N + ofs, CR)], rbuf)

            def row(r, acc2):
                m0, m1, s0, s1 = acc2
                rid = ofs + r
                valid = jnp.logical_and(rid >= lo, rid < end)
                vb = lax.broadcast(valid, (16,))
                v0 = rbuf[r, pl.ds(0, 16)]
                v1 = rbuf[r, pl.ds(16, 16)]
                m0 = jnp.maximum(m0, jnp.where(vb, v0, neg))
                m1 = jnp.maximum(m1, jnp.where(vb, v1, neg))
                s0 = s0 + jnp.where(vb, v0, zero)
                s1 = s1 + jnp.where(vb, v1, zero)
                return (m0, m1, s0, s1)

            return lax.fori_loop(0, CR, row, acc)

        m0, m1, s0, s1 = lax.fori_loop(0, nch, chunk, (neg, neg, zero, zero))
        resmax[k, pl.ds(0, 16)] = m0
        resmax[k, pl.ds(16, 16)] = m1
        resmean[k, pl.ds(0, 16)] = s0
        resmean[k, pl.ds(16, 16)] = s1
        return carry

    lax.fori_loop(0, GPT, graph, 0)
    out_base = c * G + s * GPT
    pltpu.sync_copy(resmax, pooled4.at[pl.ds(out_base, GPT)])
    pltpu.sync_copy(resmean, pooled4.at[pl.ds(2 * G + out_base, GPT)])


_pool = functools.partial(
    pl.kernel,
    out_type=jax.ShapeDtypeStruct((4 * G, HH), jnp.float32),
    mesh=_mesh,
    compiler_params=pltpu.CompilerParams(use_tc_tiling_on_sc=False,
                                         needs_layout_passes=False),
    scratch_types=[
        pltpu.VMEM((48,), jnp.int32),
        pltpu.VMEM((CR, HH), jnp.float32),
        pltpu.VMEM((GPT, HH), jnp.float32),
        pltpu.VMEM((GPT, HH), jnp.float32),
    ],
)(_pool_body)


R = 1000


def _tck0_body(x_ref, dega_ref, degb_ref, wa_ref, wb_ref, g_ref, dinv_ref):
    deg = dega_ref[...] + degb_ref[...] - 1.0
    dinv = lax.rsqrt(jnp.maximum(deg, 1.0))
    xb = x_ref[...]
    g_ref[0] = dinv * jnp.dot(xb, wa_ref[...], preferred_element_type=jnp.float32)
    g_ref[1] = dinv * jnp.dot(xb, wb_ref[...], preferred_element_type=jnp.float32)
    dinv_ref[...] = dinv


def _tck0(x, dega, degb, w0a, w0b):
    return pl.pallas_call(
        _tck0_body,
        grid=(N // R,),
        in_specs=[
            pl.BlockSpec((R, DIN), lambda i: (i, 0)),
            pl.BlockSpec((R, 1), lambda i: (i, 0)),
            pl.BlockSpec((R, 1), lambda i: (i, 0)),
            pl.BlockSpec((DIN, HH), lambda i: (0, 0)),
            pl.BlockSpec((DIN, HH), lambda i: (0, 0)),
        ],
        out_specs=[
            pl.BlockSpec((2, R, HH), lambda i: (0, i, 0)),
            pl.BlockSpec((R, 1), lambda i: (i, 0)),
        ],
        out_shape=[
            jax.ShapeDtypeStruct((2, N, HH), jnp.float32),
            jax.ShapeDtypeStruct((N, 1), jnp.float32),
        ],
    )(x, dega, degb, w0a, w0b)


def _tckmid_body(a_ref, dinv_ref, ba_ref, bb_ref, waa, wab, wba, wbb, g_ref):
    dinv = dinv_ref[...]
    xa = jnp.tanh(dinv * a_ref[0] + ba_ref[...])
    xb = jnp.tanh(dinv * a_ref[1] + bb_ref[...])
    ya = (jnp.dot(xa, waa[...], preferred_element_type=jnp.float32)
          + jnp.dot(xb, wba[...], preferred_element_type=jnp.float32))
    yb = (jnp.dot(xa, wab[...], preferred_element_type=jnp.float32)
          + jnp.dot(xb, wbb[...], preferred_element_type=jnp.float32))
    g_ref[0] = dinv * ya
    g_ref[1] = dinv * yb


def _tckmid(a3, dinv, b, W):
    return pl.pallas_call(
        _tckmid_body,
        grid=(N // R,),
        in_specs=[
            pl.BlockSpec((2, R, HH), lambda i: (0, i, 0)),
            pl.BlockSpec((R, 1), lambda i: (i, 0)),
            pl.BlockSpec((1, HH), lambda i: (0, 0)),
            pl.BlockSpec((1, HH), lambda i: (0, 0)),
            pl.BlockSpec((HH, HH), lambda i: (0, 0)),
            pl.BlockSpec((HH, HH), lambda i: (0, 0)),
            pl.BlockSpec((HH, HH), lambda i: (0, 0)),
            pl.BlockSpec((HH, HH), lambda i: (0, 0)),
        ],
        out_specs=pl.BlockSpec((2, R, HH), lambda i: (0, i, 0)),
        out_shape=jax.ShapeDtypeStruct((2, N, HH), jnp.float32),
    )(a3, dinv, b[:HH].reshape(1, HH), b[HH:].reshape(1, HH),
      W[:HH, :HH], W[:HH, HH:], W[HH:, :HH], W[HH:, HH:])


def _tckf_body(a_ref, dinv_ref, ba_ref, bb_ref, h_ref):
    dinv = dinv_ref[...]
    h_ref[0] = jnp.tanh(dinv * a_ref[0] + ba_ref[...])
    h_ref[1] = jnp.tanh(dinv * a_ref[1] + bb_ref[...])


def _tckf(a3, dinv, b):
    return pl.pallas_call(
        _tckf_body,
        grid=(N // R,),
        in_specs=[
            pl.BlockSpec((2, R, HH), lambda i: (0, i, 0)),
            pl.BlockSpec((R, 1), lambda i: (i, 0)),
            pl.BlockSpec((1, HH), lambda i: (0, 0)),
            pl.BlockSpec((1, HH), lambda i: (0, 0)),
        ],
        out_specs=pl.BlockSpec((2, R, HH), lambda i: (0, i, 0)),
        out_shape=jax.ShapeDtypeStruct((2, N, HH), jnp.float32),
    )(a3, dinv, b[:HH].reshape(1, HH), b[HH:].reshape(1, HH))


def _tckt_body(p_ref, r_ref, w_ref, b_ref, pooled_ref, out_ref):
    p4 = p_ref[...]
    r = r_ref[...]
    pooled = jnp.concatenate(
        [p4[0:G], p4[G:2 * G], p4[2 * G:3 * G] * r, p4[3 * G:] * r], axis=1)
    pooled_ref[...] = pooled
    out_ref[...] = (jnp.dot(pooled, w_ref[...],
                            preferred_element_type=jnp.float32) + b_ref[...])


def _tckt(pooled4, r, Wout, bout):
    return pl.pallas_call(
        _tckt_body,
        out_shape=[
            jax.ShapeDtypeStruct((G, 2 * H), jnp.float32),
            jax.ShapeDtypeStruct((G, 1), jnp.float32),
        ],
    )(pooled4, r, Wout, bout.reshape(1, 1))


def kernel(x, edge_index, batch_index, W0, b0, W1, b1, W2, b2, W3, b3, Wout, bout):
    src = edge_index[0].astype(jnp.int32)
    dst = edge_index[1].astype(jnp.int32)
    bi = batch_index.astype(jnp.int32)

    pad = EP - E
    src_p = jnp.concatenate([src, jnp.zeros((pad,), jnp.int32)])
    src2 = jnp.concatenate([src_p, src_p + N]).reshape(2 * EP // 128, 128)
    dstp = jnp.concatenate([dst, jnp.full((pad,), N, jnp.int32)]).reshape(EP // 128, 128)
    bounds = jnp.searchsorted(bi, jnp.arange(G + 1, dtype=jnp.int32)).astype(jnp.int32)
    bounds_p = jnp.concatenate([bounds, jnp.full((15,), N, jnp.int32)])

    degw = _deg(dstp)
    g0, dinv = _tck0(x, degw[:N, :1], degw[N:, :1], W0[:, :HH], W0[:, HH:])
    a = _agg(g0.reshape(2 * N, HH), src2, dstp)
    g1 = _tckmid(a.reshape(2, N, HH), dinv, b0, W1)
    a = _agg(g1.reshape(2 * N, HH), src2, dstp)
    g2 = _tckmid(a.reshape(2, N, HH), dinv, b1, W2)
    a = _agg(g2.reshape(2 * N, HH), src2, dstp)
    g3 = _tckmid(a.reshape(2, N, HH), dinv, b2, W3)
    a = _agg(g3.reshape(2 * N, HH), src2, dstp)
    hid = _tckf(a.reshape(2, N, HH), dinv, b3)

    pooled4 = _pool(hid.reshape(2 * N, HH), bounds_p)
    cnt = (bounds[1:] - bounds[:-1]).astype(jnp.float32)
    r = (1.0 / jnp.maximum(cnt, 1.0)).reshape(G, 1)
    pooled, out = _tckt(pooled4, r, Wout, bout)
    return (out, pooled)

# --- scband reference (transcript-rebuilt; emitter-appended) ---
"""Pipeline reference for scband-gcn-88862873354807 (READ-ONLY COPY).

The authoritative reference and input builder live on the scoring server;
editing this copy changes nothing except your own understanding.
"""

import jax, jax.numpy as jnp
import numpy as np

N = 50000
E = 800000
DIN = 128
H = 64
NUM_GRAPHS = 512


def setup_inputs(seed: int = 0) -> dict:
    key = jax.random.key(seed)
    ks = jax.random.split(key, 16)
    x = jax.random.normal(ks[0], (N, DIN), dtype=jnp.float32)
    edge_index = jax.random.randint(ks[1], (2, E), 0, N, dtype=jnp.int64)
    batch_index = jnp.sort(jax.random.randint(ks[2], (N,), 0, NUM_GRAPHS, dtype=jnp.int64))
    def glorot(k, shape):
        fan_in, fan_out = shape[0], shape[1]
        s = jnp.sqrt(6.0 / (fan_in + fan_out))
        return jax.random.uniform(k, shape, dtype=jnp.float32, minval=-s, maxval=s)
    W0 = glorot(ks[3], (DIN, H)); b0 = jnp.zeros((H,), dtype=jnp.float32)
    W1 = glorot(ks[4], (H, H));   b1 = jnp.zeros((H,), dtype=jnp.float32)
    W2 = glorot(ks[5], (H, H));   b2 = jnp.zeros((H,), dtype=jnp.float32)
    W3 = glorot(ks[6], (H, H));   b3 = jnp.zeros((H,), dtype=jnp.float32)
    Wout = glorot(ks[7], (2 * H, 1)); bout = jnp.zeros((1,), dtype=jnp.float32)
    return {"x": x, "edge_index": edge_index, "batch_index": batch_index,
            "W0": W0, "b0": b0, "W1": W1, "b1": b1, "W2": W2, "b2": b2,
            "W3": W3, "b3": b3, "Wout": Wout, "bout": bout}


def _gcn_conv(x, src, dst, W, b):
    # GCNConv: add self-loops, symmetric normalization D^-1/2 A D^-1/2, then X W + b
    n = x.shape[0]
    h = x @ W
    deg = jax.ops.segment_sum(jnp.ones_like(dst, dtype=h.dtype), dst, num_segments=n)
    dinv = jax.lax.rsqrt(jnp.maximum(deg, 1.0))
    norm = dinv[src] * dinv[dst]
    msg = h[src] * norm[:, None]
    out = jnp.zeros((n, h.shape[1]), dtype=h.dtype).at[dst].add(msg)
    return out + b


def reference(x, edge_index, batch_index, W0, b0, W1, b1, W2, b2, W3, b3, Wout, bout):
    n = x.shape[0]
    loop = jnp.arange(n, dtype=edge_index.dtype)
    src = jnp.concatenate([edge_index[0], loop])
    dst = jnp.concatenate([edge_index[1], loop])
    hidden = jnp.tanh(_gcn_conv(x, src, dst, W0, b0))
    hidden = jnp.tanh(_gcn_conv(hidden, src, dst, W1, b1))
    hidden = jnp.tanh(_gcn_conv(hidden, src, dst, W2, b2))
    hidden = jnp.tanh(_gcn_conv(hidden, src, dst, W3, b3))
    gmax = jax.ops.segment_max(hidden, batch_index, num_segments=NUM_GRAPHS)
    ssum = jax.ops.segment_sum(hidden, batch_index, num_segments=NUM_GRAPHS)
    cnt = jax.ops.segment_sum(jnp.ones((n, 1), dtype=hidden.dtype), batch_index, num_segments=NUM_GRAPHS)
    gmean = ssum / jnp.maximum(cnt, 1.0)
    pooled = jnp.concatenate([gmax, gmean], axis=1)
    out = pooled @ Wout + bout
    return (out, pooled)

if __name__ == "__main__":
    import jax
    _d = setup_inputs()
    print(jax.jit(kernel)(*tuple(_d.values())))

</pallas_src>

<mosaic_0001>
#map = affine_map<(d0, d1) -> (0, 0)>
module attributes {stable_mosaic.version = 14 : i64} {
  func.func @_deg_body(%arg0: i32, %arg1: i32, %arg2: memref<6272x128xi32, #tpu.memory_space<hbm>>, %arg3: memref<100000x16xf32, #tpu.memory_space<hbm>>, %arg4: memref<4x128xi32, #tpu.memory_space<vmem>>, %arg5: memref<128x16xf32, #tpu.memory_space<vmem>>, %arg6: memref<50008x16xf32, #tpu.memory_space<vmem_shared>>) attributes {dimension_semantics = [#tpu.dimension_semantics<core_parallel>, #tpu.dimension_semantics<subcore_parallel>], iteration_bounds = array<i64: 2, 16>, scalar_prefetch = 0 : i64, scratch_operands = 3 : i64, tpu.core_type = #tpu.core_type<sc_vector_subcore>, window_params = [{transform_indices = #map}, {transform_indices = #map}]} {
    %broadcast_in_dim3A = arith.constant 1.000000e+00 : f32
    %broadcast_in_dim3A_0 = vector.broadcast %broadcast_in_dim3A : f32 to vector<16xf32>
    %scan3A = arith.constant 0 : i32
    %scan3A_1 = arith.constant 0 : i32
    %scan3A_2 = arith.constant 128 : i32
    %scan3A_3 = arith.addi %scan3A_1, %scan3A_2 : i32
    %scan3A_4 = arith.constant 1 : i32
    scf.for %scan3A_29 = %scan3A_1 to %scan3A_3 step %scan3A_4  : i32 {
      %swap3A = arith.index_cast %scan3A_29 : i32 to index
      %swap3A_30 = arith.constant 0 : index
      %swap3A_31 = tpu.vector_load %arg5[%swap3A, %swap3A_30] {strides = array<i32>} : memref<128x16xf32, #tpu.memory_space<vmem>>, vector<1x16xf32>,
      %swap3A_32 = vector.shape_cast %swap3A_31 : vector<1x16xf32> to vector<16xf32>
      %swap3A_33 = vector.shape_cast %broadcast_in_dim3A_0 : vector<16xf32> to vector<1x16xf32>
      tpu.vector_store %arg5[%swap3A, %swap3A_30], %swap3A_33 {strides = array<i32>} : memref<128x16xf32, #tpu.memory_space<vmem>>, vector<1x16xf32>,
    }
    %scan3A_5 = arith.constant 128 : i32
    %scan3A_6 = arith.constant 0 : i32
    %scan3A_7 = arith.constant 0 : i32
    %scan3A_8 = arith.constant 25 : i32
    %scan3A_9 = arith.addi %scan3A_7, %scan3A_8 : i32
    %scan3A_10 = arith.constant 1 : i32
    scf.for %scan3A_29 = %scan3A_7 to %scan3A_9 step %scan3A_10  : i32 {
      %mul3A_30 = arith.constant 3125 : i32
      %mul3A_31 = arith.muli %arg1, %mul3A_30 : i32
      %mul3A_32 = arith.constant 125 : i32
      %mul3A_33 = arith.muli %scan3A_29, %mul3A_32 : i32
      %add3A_34 = arith.addi %mul3A_31, %mul3A_33 : i32
      "tpu.region"() ({
        %run_scoped3A = tpu.sem_alloc : memref<!tpu.dma_semaphore, #tpu.memory_space<semaphore_mem>>
        %dma_start3A = arith.constant 0 : i32
        %dma_start3A_35 = arith.constant 0 : i32
        %dma_start3A_36 = tpu.memref_slice %arg5[%dma_start3A, %dma_start3A_35] : memref<128x16xf32, #tpu.memory_space<vmem>> -> memref<125x16xf32, #tpu.memory_space<vmem>>
        %dma_start3A_37 = arith.constant 0 : i32
        %dma_start3A_38 = tpu.memref_slice %arg6[%add3A_34, %dma_start3A_37] : memref<50008x16xf32, #tpu.memory_space<vmem_shared>> -> memref<125x16xf32, #tpu.memory_space<vmem_shared>>
        %dma_start3A_39 = arith.constant 0 : i32
        %dma_start3A_40 = tpu.memref_slice %arg6[%add3A_34, %dma_start3A_39] : memref<50008x16xf32, #tpu.memory_space<vmem_shared>> -> memref<125x16xf32, #tpu.memory_space<vmem_shared>>
        %dma_start3A_41 = arith.constant 0 : i32
        %dma_start3A_42 = arith.constant 0 : i32
        %dma_start3A_43 = tpu.memref_slice %arg5[%dma_start3A_41, %dma_start3A_42] : memref<128x16xf32, #tpu.memory_space<vmem>> -> memref<125x16xf32, #tpu.memory_space<vmem>>
        tpu.enqueue_dma source(%dma_start3A_43 : memref<125x16xf32, #tpu.memory_space<vmem>>) target(%dma_start3A_40 : memref<125x16xf32, #tpu.memory_space<vmem_shared>>) target_semaphore(%run_scoped3A : memref<!tpu.dma_semaphore, #tpu.memory_space<semaphore_mem>>)
        %dma_wait3A = arith.constant 0 : i32
        %dma_wait3A_44 = arith.constant 0 : i32
        %dma_wait3A_45 = tpu.memref_slice %arg5[%dma_wait3A, %dma_wait3A_44] : memref<128x16xf32, #tpu.memory_space<vmem>> -> memref<125x16xf32, #tpu.memory_space<vmem>>
        %dma_wait3A_46 = arith.constant 0 : i32
        %dma_wait3A_47 = tpu.memref_slice %arg6[%add3A_34, %dma_wait3A_46] : memref<50008x16xf32, #tpu.memory_space<vmem_shared>> -> memref<125x16xf32, #tpu.memory_space<vmem_shared>>
        %dma_wait3A_48 = arith.constant 0 : i32
        %dma_wait3A_49 = tpu.memref_slice %arg6[%add3A_34, %dma_wait3A_48] : memref<50008x16xf32, #tpu.memory_space<vmem_shared>> -> memref<125x16xf32, #tpu.memory_space<vmem_shared>>
        %dma_wait3A_50 = arith.constant 0 : i32
        %dma_wait3A_51 = arith.constant 0 : i32
        %dma_wait3A_52 = tpu.memref_slice %arg5[%dma_wait3A_50, %dma_wait3A_51] : memref<128x16xf32, #tpu.memory_space<vmem>> -> memref<125x16xf32, #tpu.memory_space<vmem>>
        tpu.wait_dma2 semaphore(%run_scoped3A : memref<!tpu.dma_semaphore, #tpu.memory_space<semaphore_mem>>) src(%dma_wait3A_52 : memref<125x16xf32, #tpu.memory_space<vmem>>) dst(%dma_wait3A_49 : memref<125x16xf32, #tpu.memory_space<vmem_shared>>)
        tpu.yield
      }) : () -> ()
    }
    %scan3A_11 = arith.constant 25 : i32
    %barrier3A = arith.constant 0 : index
    tpu.barrier barrier_id(%barrier3A)
    %mul3A = arith.constant 3136 : i32
    %mul3A_12 = arith.muli %arg0, %mul3A : i32
    %mul3A_13 = arith.constant 196 : i32
    %mul3A_14 = arith.muli %arg1, %mul3A_13 : i32
    %add3A = arith.addi %mul3A_12, %mul3A_14 : i32
    %scan3A_15 = arith.constant 0 : i32
    %scan3A_16 = arith.constant 0 : i32
    %scan3A_17 = arith.constant 49 : i32
    %scan3A_18 = arith.addi %scan3A_16, %scan3A_17 : i32
    %scan3A_19 = arith.constant 1 : i32
    scf.for %scan3A_29 = %scan3A_16 to %scan3A_18 step %scan3A_19  : i32 {
      %mul3A_30 = arith.constant 4 : i32
      %mul3A_31 = arith.muli %scan3A_29, %mul3A_30 : i32
      %add3A_32 = arith.addi %add3A, %mul3A_31 : i32
      "tpu.region"() ({
        %run_scoped3A_36 = tpu.sem_alloc : memref<!tpu.dma_semaphore, #tpu.memory_space<semaphore_mem>>
        %dma_start3A = arith.constant 0 : i32
        %dma_start3A_37 = tpu.memref_slice %arg2[%add3A_32, %dma_start3A] : memref<6272x128xi32, #tpu.memory_space<hbm>> -> memref<4x128xi32, #tpu.memory_space<hbm>>
        %dma_start3A_38 = arith.constant 0 : i32
        %dma_start3A_39 = tpu.memref_slice %arg2[%add3A_32, %dma_start3A_38] : memref<6272x128xi32, #tpu.memory_space<hbm>> -> memref<4x128xi32, #tpu.memory_space<hbm>>
        tpu.enqueue_dma source(%dma_start3A_39 : memref<4x128xi32, #tpu.memory_space<hbm>>) target(%arg4 : memref<4x128xi32, #tpu.memory_space<vmem>>) target_semaphore(%run_scoped3A_36 : memref<!tpu.dma_semaphore, #tpu.memory_space<semaphore_mem>>)
        %dma_wait3A = arith.constant 0 : i32
        %dma_wait3A_40 = tpu.memref_slice %arg2[%add3A_32, %dma_wait3A] : memref<6272x128xi32, #tpu.memory_space<hbm>> -> memref<4x128xi32, #tpu.memory_space<hbm>>
        %dma_wait3A_41 = arith.constant 0 : i32
        %dma_wait3A_42 = tpu.memref_slice %arg2[%add3A_32, %dma_wait3A_41] : memref<6272x128xi32, #tpu.memory_space<hbm>> -> memref<4x128xi32, #tpu.memory_space<hbm>>
        tpu.wait_dma2 semaphore(%run_scoped3A_36 : memref<!tpu.dma_semaphore, #tpu.memory_space<semaphore_mem>>) src(%dma_wait3A_42 : memref<4x128xi32, #tpu.memory_space<hbm>>) dst(%arg4 : memref<4x128xi32, #tpu.memory_space<vmem>>)
        tpu.yield
      }) : () -> ()
      %run_scoped3A = arith.constant 0 : i32
      "tpu.region"() ({
        %run_scoped3A_36 = tpu.sem_alloc : memref<!tpu.dma_semaphore, #tpu.memory_space<semaphore_mem>>
        %dma_start3A = arith.constant 0 : i32
        %dma_start3A_37 = arith.constant 0 : i32
        %dma_start3A_38 = tpu.memref_slice %arg5[%dma_start3A, %dma_start3A_37] : memref<128x16xf32, #tpu.memory_space<vmem>> -> memref<128x16xf32, #tpu.memory_space<vmem>>
        %dma_start3A_39 = arith.constant 0 : i32
        %dma_start3A_40 = tpu.memref_slice %arg4[%run_scoped3A, %dma_start3A_39] : memref<4x128xi32, #tpu.memory_space<vmem>> -> memref<1x128xi32, #tpu.memory_space<vmem>>
        %dma_start3A_41 = tpu.memref_squeeze %dma_start3A_40 : memref<1x128xi32, #tpu.memory_space<vmem>> -> memref<128xi32, #tpu.memory_space<vmem>>
        %dma_start3A_42 = arith.constant 0 : i32
        %dma_start3A_43 = arith.constant 0 : i32
        %dma_start3A_44 = tpu.memref_slice %arg6[%dma_start3A_42, %dma_start3A_43] : memref<50008x16xf32, #tpu.memory_space<vmem_shared>> -> memref<50008x16xf32, #tpu.memory_space<vmem_shared>>
        tpu.enqueue_indirect_dma source(%dma_start3A_38 : memref<128x16xf32, #tpu.memory_space<vmem>>) target(%dma_start3A_44 : memref<50008x16xf32, #tpu.memory_space<vmem_shared>>) offsets(%dma_start3A_41 : memref<128xi32, #tpu.memory_space<vmem>>) semaphore(%run_scoped3A_36 : memref<!tpu.dma_semaphore, #tpu.memory_space<semaphore_mem>>) {add = true}
        %dma_wait3A = arith.constant 0 : i32
        %dma_wait3A_45 = arith.constant 0 : i32
        %dma_wait3A_46 = tpu.memref_slice %arg5[%dma_wait3A, %dma_wait3A_45] : memref<128x16xf32, #tpu.memory_space<vmem>> -> memref<128x16xf32, #tpu.memory_space<vmem>>
        %dma_wait3A_47 = arith.constant 0 : i32
        %dma_wait3A_48 = tpu.memref_slice %arg4[%run_scoped3A, %dma_wait3A_47] : memref<4x128xi32, #tpu.memory_space<vmem>> -> memref<1x128xi32, #tpu.memory_space<vmem>>
        %dma_wait3A_49 = tpu.memref_squeeze %dma_wait3A_48 : memref<1x128xi32, #tpu.memory_space<vmem>> -> memref<128xi32, #tpu.memory_space<vmem>>
        %dma_wait3A_50 = arith.constant 0 : i32
        %dma_wait3A_51 = arith.constant 0 : i32
        %dma_wait3A_52 = tpu.memref_slice %arg6[%dma_wait3A_50, %dma_wait3A_51] : memref<50008x16xf32, #tpu.memory_space<vmem_shared>> -> memref<50008x16xf32, #tpu.memory_space<vmem_shared>>
        tpu.wait_indirect_dma semaphore(%run_scoped3A_36 : memref<!tpu.dma_semaphore, #tpu.memory_space<semaphore_mem>>) src(%dma_wait3A_46 : memref<128x16xf32, #tpu.memory_space<vmem>>) dst(%dma_wait3A_52 : memref<50008x16xf32, #tpu.memory_space<vmem_shared>>)
        tpu.yield
      }) : () -> ()
      %run_scoped3A_33 = arith.constant 1 : i32
      "tpu.region"() ({
        %run_scoped3A_36 = tpu.sem_alloc : memref<!tpu.dma_semaphore, #tpu.memory_space<semaphore_mem>>
        %dma_start3A = arith.constant 0 : i32
        %dma_start3A_37 = arith.constant 0 : i32
        %dma_start3A_38 = tpu.memref_slice %arg5[%dma_start3A, %dma_start3A_37] : memref<128x16xf32, #tpu.memory_space<vmem>> -> memref<128x16xf32, #tpu.memory_space<vmem>>
        %dma_start3A_39 = arith.constant 0 : i32
        %dma_start3A_40 = tpu.memref_slice %arg4[%run_scoped3A_33, %dma_start3A_39] : memref<4x128xi32, #tpu.memory_space<vmem>> -> memref<1x128xi32, #tpu.memory_space<vmem>>
        %dma_start3A_41 = tpu.memref_squeeze %dma_start3A_40 : memref<1x128xi32, #tpu.memory_space<vmem>> -> memref<128xi32, #tpu.memory_space<vmem>>
        %dma_start3A_42 = arith.constant 0 : i32
        %dma_start3A_43 = arith.constant 0 : i32
        %dma_start3A_44 = tpu.memref_slice %arg6[%dma_start3A_42, %dma_start3A_43] : memref<50008x16xf32, #tpu.memory_space<vmem_shared>> -> memref<50008x16xf32, #tpu.memory_space<vmem_shared>>
        tpu.enqueue_indirect_dma source(%dma_start3A_38 : memref<128x16xf32, #tpu.memory_space<vmem>>) target(%dma_start3A_44 : memref<50008x16xf32, #tpu.memory_space<vmem_shared>>) offsets(%dma_start3A_41 : memref<128xi32, #tpu.memory_space<vmem>>) semaphore(%run_scoped3A_36 : memref<!tpu.dma_semaphore, #tpu.memory_space<semaphore_mem>>) {add = true}
        %dma_wait3A = arith.constant 0 : i32
        %dma_wait3A_45 = arith.constant 0 : i32
        %dma_wait3A_46 = tpu.memref_slice %arg5[%dma_wait3A, %dma_wait3A_45] : memref<128x16xf32, #tpu.memory_space<vmem>> -> memref<128x16xf32, #tpu.memory_space<vmem>>
        %dma_wait3A_47 = arith.constant 0 : i32
        %dma_wait3A_48 = tpu.memref_slice %arg4[%run_scoped3A_33, %dma_wait3A_47] : memref<4x128xi32, #tpu.memory_space<vmem>> -> memref<1x128xi32, #tpu.memory_space<vmem>>
        %dma_wait3A_49 = tpu.memref_squeeze %dma_wait3A_48 : memref<1x128xi32, #tpu.memory_space<vmem>> -> memref<128xi32, #tpu.memory_space<vmem>>
        %dma_wait3A_50 = arith.constant 0 : i32
        %dma_wait3A_51 = arith.constant 0 : i32
        %dma_wait3A_52 = tpu.memref_slice %arg6[%dma_wait3A_50, %dma_wait3A_51] : memref<50008x16xf32, #tpu.memory_space<vmem_shared>> -> memref<50008x16xf32, #tpu.memory_space<vmem_shared>>
        tpu.wait_indirect_dma semaphore(%run_scoped3A_36 : memref<!tpu.dma_semaphore, #tpu.memory_space<semaphore_mem>>) src(%dma_wait3A_46 : memref<128x16xf32, #tpu.memory_space<vmem>>) dst(%dma_wait3A_52 : memref<50008x16xf32, #tpu.memory_space<vmem_shared>>)
        tpu.yield
      }) : () -> ()
      %run_scoped3A_34 = arith.constant 2 : i32
      "tpu.region"() ({
        %run_scoped3A_36 = tpu.sem_alloc : memref<!tpu.dma_semaphore, #tpu.memory_space<semaphore_mem>>
        %dma_start3A = arith.constant 0 : i32
        %dma_start3A_37 = arith.constant 0 : i32
        %dma_start3A_38 = tpu.memref_slice %arg5[%dma_start3A, %dma_start3A_37] : memref<128x16xf32, #tpu.memory_space<vmem>> -> memref<128x16xf32, #tpu.memory_space<vmem>>
        %dma_start3A_39 = arith.constant 0 : i32
        %dma_start3A_40 = tpu.memref_slice %arg4[%run_scoped3A_34, %dma_start3A_39] : memref<4x128xi32, #tpu.memory_space<vmem>> -> memref<1x128xi32, #tpu.memory_space<vmem>>
        %dma_start3A_41 = tpu.memref_squeeze %dma_start3A_40 : memref<1x128xi32, #tpu.memory_space<vmem>> -> memref<128xi32, #tpu.memory_space<vmem>>
        %dma_start3A_42 = arith.constant 0 : i32
        %dma_start3A_43 = arith.constant 0 : i32
        %dma_start3A_44 = tpu.memref_slice %arg6[%dma_start3A_42, %dma_start3A_43] : memref<50008x16xf32, #tpu.memory_space<vmem_shared>> -> memref<50008x16xf32, #tpu.memory_space<vmem_shared>>
        tpu.enqueue_indirect_dma source(%dma_start3A_38 : memref<128x16xf32, #tpu.memory_space<vmem>>) target(%dma_start3A_44 : memref<50008x16xf32, #tpu.memory_space<vmem_shared>>) offsets(%dma_start3A_41 : memref<128xi32, #tpu.memory_space<vmem>>) semaphore(%run_scoped3A_36 : memref<!tpu.dma_semaphore, #tpu.memory_space<semaphore_mem>>) {add = true}
        %dma_wait3A = arith.constant 0 : i32
        %dma_wait3A_45 = arith.constant 0 : i32
        %dma_wait3A_46 = tpu.memref_slice %arg5[%dma_wait3A, %dma_wait3A_45] : memref<128x16xf32, #tpu.memory_space<vmem>> -> memref<128x16xf32, #tpu.memory_space<vmem>>
        %dma_wait3A_47 = arith.constant 0 : i32
        %dma_wait3A_48 = tpu.memref_slice %arg4[%run_scoped3A_34, %dma_wait3A_47] : memref<4x128xi32, #tpu.memory_space<vmem>> -> memref<1x128xi32, #tpu.memory_space<vmem>>
        %dma_wait3A_49 = tpu.memref_squeeze %dma_wait3A_48 : memref<1x128xi32, #tpu.memory_space<vmem>> -> memref<128xi32, #tpu.memory_space<vmem>>
        %dma_wait3A_50 = arith.constant 0 : i32
        %dma_wait3A_51 = arith.constant 0 : i32
        %dma_wait3A_52 = tpu.memref_slice %arg6[%dma_wait3A_50, %dma_wait3A_51] : memref<50008x16xf32, #tpu.memory_space<vmem_shared>> -> memref<50008x16xf32, #tpu.memory_space<vmem_shared>>
        tpu.wait_indirect_dma semaphore(%run_scoped3A_36 : memref<!tpu.dma_semaphore, #tpu.memory_space<semaphore_mem>>) src(%dma_wait3A_46 : memref<128x16xf32, #tpu.memory_space<vmem>>) dst(%dma_wait3A_52 : memref<50008x16xf32, #tpu.memory_space<vmem_shared>>)
        tpu.yield
      }) : () -> ()
      %run_scoped3A_35 = arith.constant 3 : i32
      "tpu.region"() ({
        %run_scoped3A_36 = tpu.sem_alloc : memref<!tpu.dma_semaphore, #tpu.memory_space<semaphore_mem>>
        %dma_start3A = arith.constant 0 : i32
        %dma_start3A_37 = arith.constant 0 : i32
        %dma_start3A_38 = tpu.memref_slice %arg5[%dma_start3A, %dma_start3A_37] : memref<128x16xf32, #tpu.memory_space<vmem>> -> memref<128x16xf32, #tpu.memory_space<vmem>>
        %dma_start3A_39 = arith.constant 0 : i32
        %dma_start3A_40 = tpu.memref_slice %arg4[%run_scoped3A_35, %dma_start3A_39] : memref<4x128xi32, #tpu.memory_space<vmem>> -> memref<1x128xi32, #tpu.memory_space<vmem>>
        %dma_start3A_41 = tpu.memref_squeeze %dma_start3A_40 : memref<1x128xi32, #tpu.memory_space<vmem>> -> memref<128xi32, #tpu.memory_space<vmem>>
        %dma_start3A_42 = arith.constant 0 : i32
        %dma_start3A_43 = arith.constant 0 : i32
        %dma_start3A_44 = tpu.memref_slice %arg6[%dma_start3A_42, %dma_start3A_43] : memref<50008x16xf32, #tpu.memory_space<vmem_shared>> -> memref<50008x16xf32, #tpu.memory_space<vmem_shared>>
        tpu.enqueue_indirect_dma source(%dma_start3A_38 : memref<128x16xf32, #tpu.memory_space<vmem>>) target(%dma_start3A_44 : memref<50008x16xf32, #tpu.memory_space<vmem_shared>>) offsets(%dma_start3A_41 : memref<128xi32, #tpu.memory_space<vmem>>) semaphore(%run_scoped3A_36 : memref<!tpu.dma_semaphore, #tpu.memory_space<semaphore_mem>>) {add = true}
        %dma_wait3A = arith.constant 0 : i32
        %dma_wait3A_45 = arith.constant 0 : i32
        %dma_wait3A_46 = tpu.memref_slice %arg5[%dma_wait3A, %dma_wait3A_45] : memref<128x16xf32, #tpu.memory_space<vmem>> -> memref<128x16xf32, #tpu.memory_space<vmem>>
        %dma_wait3A_47 = arith.constant 0 : i32
        %dma_wait3A_48 = tpu.memref_slice %arg4[%run_scoped3A_35, %dma_wait3A_47] : memref<4x128xi32, #tpu.memory_space<vmem>> -> memref<1x128xi32, #tpu.memory_space<vmem>>
        %dma_wait3A_49 = tpu.memref_squeeze %dma_wait3A_48 : memref<1x128xi32, #tpu.memory_space<vmem>> -> memref<128xi32, #tpu.memory_space<vmem>>
        %dma_wait3A_50 = arith.constant 0 : i32
        %dma_wait3A_51 = arith.constant 0 : i32
        %dma_wait3A_52 = tpu.memref_slice %arg6[%dma_wait3A_50, %dma_wait3A_51] : memref<50008x16xf32, #tpu.memory_space<vmem_shared>> -> memref<50008x16xf32, #tpu.memory_space<vmem_shared>>
        tpu.wait_indirect_dma semaphore(%run_scoped3A_36 : memref<!tpu.dma_semaphore, #tpu.memory_space<semaphore_mem>>) src(%dma_wait3A_46 : memref<128x16xf32, #tpu.memory_space<vmem>>) dst(%dma_wait3A_52 : memref<50008x16xf32, #tpu.memory_space<vmem_shared>>)
        tpu.yield
      }) : () -> ()
    }
    %scan3A_20 = arith.constant 49 : i32
    %barrier3A_21 = arith.constant 0 : index
    tpu.barrier barrier_id(%barrier3A_21)
    %mul3A_22 = arith.constant 3125 : i32
    %mul3A_23 = arith.muli %arg1, %mul3A_22 : i32
    %mul3A_24 = arith.constant 50000 : i32
    %mul3A_25 = arith.muli %arg0, %mul3A_24 : i32
    %mul3A_26 = arith.constant 3125 : i32
    %mul3A_27 = arith.muli %arg1, %mul3A_26 : i32
    %add3A_28 = arith.addi %mul3A_25, %mul3A_27 : i32
    "tpu.region"() ({
      %run_scoped3A = tpu.sem_alloc : memref<!tpu.dma_semaphore, #tpu.memory_space<semaphore_mem>>
      %dma_start3A = arith.constant 0 : i32
      %dma_start3A_29 = tpu.memref_slice %arg3[%add3A_28, %dma_start3A] : memref<100000x16xf32, #tpu.memory_space<hbm>> -> memref<3125x16xf32, #tpu.memory_space<hbm>>
      %dma_start3A_30 = arith.constant 0 : i32
      %dma_start3A_31 = tpu.memref_slice %arg6[%mul3A_23, %dma_start3A_30] : memref<50008x16xf32, #tpu.memory_space<vmem_shared>> -> memref<3125x16xf32, #tpu.memory_space<vmem_shared>>
      tpu.enqueue_dma source(%dma_start3A_31 : memref<3125x16xf32, #tpu.memory_space<vmem_shared>>) target(%dma_start3A_29 : memref<3125x16xf32, #tpu.memory_space<hbm>>) target_semaphore(%run_scoped3A : memref<!tpu.dma_semaphore, #tpu.memory_space<semaphore_mem>>)
      %dma_wait3A = arith.constant 0 : i32
      %dma_wait3A_32 = tpu.memref_slice %arg3[%add3A_28, %dma_wait3A] : memref<100000x16xf32, #tpu.memory_space<hbm>> -> memref<3125x16xf32, #tpu.memory_space<hbm>>
      %dma_wait3A_33 = arith.constant 0 : i32
      %dma_wait3A_34 = tpu.memref_slice %arg6[%mul3A_23, %dma_wait3A_33] : memref<50008x16xf32, #tpu.memory_space<vmem_shared>> -> memref<3125x16xf32, #tpu.memory_space<vmem_shared>>
      tpu.wait_dma2 semaphore(%run_scoped3A : memref<!tpu.dma_semaphore, #tpu.memory_space<semaphore_mem>>) src(%dma_wait3A_34 : memref<3125x16xf32, #tpu.memory_space<vmem_shared>>) dst(%dma_wait3A_32 : memref<3125x16xf32, #tpu.memory_space<hbm>>)
      tpu.yield
    }) : () -> ()
    return
  }
}

#map = affine_map<(d0, d1) -> (0, 0)>
module attributes {stable_mosaic.version = 14 : i64} {
  func.func @_agg_body(%arg0: i32, %arg1: i32, %arg2: memref<100000x32xf32, #tpu.memory_space<hbm>>, %arg3: memref<12544x128xi32, #tpu.memory_space<hbm>>, %arg4: memref<6272x128xi32, #tpu.memory_space<hbm>>, %arg5: memref<100000x32xf32, #tpu.memory_space<hbm>>, %arg6: memref<4x128xi32, #tpu.memory_space<vmem>>, %arg7: memref<4x128xi32, #tpu.memory_space<vmem>>, %arg8: memref<4x128xi32, #tpu.memory_space<vmem>>, %arg9: memref<4x128xi32, #tpu.memory_space<vmem>>, %arg10: memref<4x128x32xf32, #tpu.memory_space<vmem>>, %arg11: memref<50008x32xf32, #tpu.memory_space<vmem_shared>>, %arg12: memref<!tpu.dma_semaphore, #tpu.memory_space<semaphore_mem>>) attributes {dimension_semantics = [#tpu.dimension_semantics<core_parallel>, #tpu.dimension_semantics<subcore_parallel>], iteration_bounds = array<i64: 2, 16>, scalar_prefetch = 0 : i64, scratch_operands = 7 : i64, tpu.core_type = #tpu.core_type<sc_vector_subcore>, window_params = [{transform_indices = #map}, {transform_indices = #map}, {transform_indices = #map}, {transform_indices = #map}]} {
    %mul3A = arith.constant 50000 : i32
    %mul3A_0 = arith.muli %arg0, %mul3A : i32
    %mul3A_1 = arith.constant 3125 : i32
    %mul3A_2 = arith.muli %arg1, %mul3A_1 : i32
    %add3A = arith.addi %mul3A_0, %mul3A_2 : i32
    %mul3A_3 = arith.constant 3125 : i32
    %mul3A_4 = arith.muli %arg1, %mul3A_3 : i32
    %dma_start3A = arith.constant 0 : i32
    %dma_start3A_5 = tpu.memref_slice %arg11[%mul3A_4, %dma_start3A] : memref<50008x32xf32, #tpu.memory_space<vmem_shared>> -> memref<3125x32xf32, #tpu.memory_space<vmem_shared>>
    %dma_start3A_6 = arith.constant 0 : i32
    %dma_start3A_7 = tpu.memref_slice %arg2[%add3A, %dma_start3A_6] : memref<100000x32xf32, #tpu.memory_space<hbm>> -> memref<3125x32xf32, #tpu.memory_space<hbm>>
    tpu.enqueue_dma source(%dma_start3A_7 : memref<3125x32xf32, #tpu.memory_space<hbm>>) target(%dma_start3A_5 : memref<3125x32xf32, #tpu.memory_space<vmem_shared>>) target_semaphore(%arg12 : memref<!tpu.dma_semaphore, #tpu.memory_space<semaphore_mem>>)
    %mul3A_8 = arith.constant 6272 : i32
    %mul3A_9 = arith.muli %arg0, %mul3A_8 : i32
    %mul3A_10 = arith.constant 392 : i32
    %mul3A_11 = arith.muli %arg1, %mul3A_10 : i32
    %add3A_12 = arith.addi %mul3A_9, %mul3A_11 : i32
    %mul3A_13 = arith.constant 392 : i32
    %mul3A_14 = arith.muli %arg1, %mul3A_13 : i32
    "tpu.region"() ({
      %run_scoped3A = tpu.sem_alloc : memref<!tpu.dma_semaphore, #tpu.memory_space<semaphore_mem>>
      %dma_start3A_26 = arith.constant 0 : i32
      %dma_start3A_27 = tpu.memref_slice %arg3[%add3A_12, %dma_start3A_26] : memref<12544x128xi32, #tpu.memory_space<hbm>> -> memref<4x128xi32, #tpu.memory_space<hbm>>
      %dma_start3A_28 = arith.constant 0 : i32
      %dma_start3A_29 = tpu.memref_slice %arg3[%add3A_12, %dma_start3A_28] : memref<12544x128xi32, #tpu.memory_space<hbm>> -> memref<4x128xi32, #tpu.memory_space<hbm>>
      tpu.enqueue_dma source(%dma_start3A_29 : memref<4x128xi32, #tpu.memory_space<hbm>>) target(%arg6 : memref<4x128xi32, #tpu.memory_space<vmem>>) target_semaphore(%run_scoped3A : memref<!tpu.dma_semaphore, #tpu.memory_space<semaphore_mem>>)
      %dma_wait3A_30 = arith.constant 0 : i32
      %dma_wait3A_31 = tpu.memref_slice %arg3[%add3A_12, %dma_wait3A_30] : memref<12544x128xi32, #tpu.memory_space<hbm>> -> memref<4x128xi32, #tpu.memory_space<hbm>>
      %dma_wait3A_32 = arith.constant 0 : i32
      %dma_wait3A_33 = tpu.memref_slice %arg3[%add3A_12, %dma_wait3A_32] : memref<12544x128xi32, #tpu.memory_space<hbm>> -> memref<4x128xi32, #tpu.memory_space<hbm>>
      tpu.wait_dma2 semaphore(%run_scoped3A : memref<!tpu.dma_semaphore, #tpu.memory_space<semaphore_mem>>) src(%dma_wait3A_33 : memref<4x128xi32, #tpu.memory_space<hbm>>) dst(%arg6 : memref<4x128xi32, #tpu.memory_space<vmem>>)
      tpu.yield
    }) : () -> ()
    "tpu.region"() ({
      %run_scoped3A = tpu.sem_alloc : memref<!tpu.dma_semaphore, #tpu.memory_space<semaphore_mem>>
      %dma_start3A_26 = arith.constant 0 : i32
      %dma_start3A_27 = tpu.memref_slice %arg4[%mul3A_14, %dma_start3A_26] : memref<6272x128xi32, #tpu.memory_space<hbm>> -> memref<4x128xi32, #tpu.memory_space<hbm>>
      %dma_start3A_28 = arith.constant 0 : i32
      %dma_start3A_29 = tpu.memref_slice %arg4[%mul3A_14, %dma_start3A_28] : memref<6272x128xi32, #tpu.memory_space<hbm>> -> memref<4x128xi32, #tpu.memory_space<hbm>>
      tpu.enqueue_dma source(%dma_start3A_29 : memref<4x128xi32, #tpu.memory_space<hbm>>) target(%arg7 : memref<4x128xi32, #tpu.memory_space<vmem>>) target_semaphore(%run_scoped3A : memref<!tpu.dma_semaphore, #tpu.memory_space<semaphore_mem>>)
      %dma_wait3A_30 = arith.constant 0 : i32
      %dma_wait3A_31 = tpu.memref_slice %arg4[%mul3A_14, %dma_wait3A_30] : memref<6272x128xi32, #tpu.memory_space<hbm>> -> memref<4x128xi32, #tpu.memory_space<hbm>>
      %dma_wait3A_32 = arith.constant 0 : i32
      %dma_wait3A_33 = tpu.memref_slice %arg4[%mul3A_14, %dma_wait3A_32] : memref<6272x128xi32, #tpu.memory_space<hbm>> -> memref<4x128xi32, #tpu.memory_space<hbm>>
      tpu.wait_dma2 semaphore(%run_scoped3A : memref<!tpu.dma_semaphore, #tpu.memory_space<semaphore_mem>>) src(%dma_wait3A_33 : memref<4x128xi32, #tpu.memory_space<hbm>>) dst(%arg7 : memref<4x128xi32, #tpu.memory_space<vmem>>)
      tpu.yield
    }) : () -> ()
    %dma_wait3A = arith.constant 0 : i32
    %dma_wait3A_15 = tpu.memref_slice %arg11[%mul3A_4, %dma_wait3A] : memref<50008x32xf32, #tpu.memory_space<vmem_shared>> -> memref<3125x32xf32, #tpu.memory_space<vmem_shared>>
    %dma_wait3A_16 = arith.constant 0 : i32
    %dma_wait3A_17 = tpu.memref_slice %arg2[%add3A, %dma_wait3A_16] : memref<100000x32xf32, #tpu.memory_space<hbm>> -> memref<3125x32xf32, #tpu.memory_space<hbm>>
    tpu.wait_dma2 semaphore(%arg12 : memref<!tpu.dma_semaphore, #tpu.memory_space<semaphore_mem>>) src(%dma_wait3A_17 : memref<3125x32xf32, #tpu.memory_space<hbm>>) dst(%dma_wait3A_15 : memref<3125x32xf32, #tpu.memory_space<vmem_shared>>)
    %barrier3A = arith.constant 0 : index
    tpu.barrier barrier_id(%barrier3A)
    %scan3A = arith.constant 0 : i32
    %scan3A_18 = arith.constant 0 : i32
    %scan3A_19 = arith.constant 49 : i32
    %scan3A_20 = arith.addi %scan3A_18, %scan3A_19 : i32
    %scan3A_21 = arith.constant 1 : i32
    scf.for %scan3A_26 = %scan3A_18 to %scan3A_20 step %scan3A_21  : i32 {
      %dma_start3A_27 = arith.constant 0 : i32
      %dma_start3A_28 = arith.constant 0 : i32
      %dma_start3A_29 = arith.constant 0 : i32
      %dma_start3A_30 = arith.constant 0 : i32
      %dma_start3A_31 = tpu.memref_slice %arg10[%dma_start3A_28, %dma_start3A_29, %dma_start3A_30] : memref<4x128x32xf32, #tpu.memory_space<vmem>> -> memref<1x128x32xf32, #tpu.memory_space<vmem>>
      %dma_start3A_32 = tpu.memref_squeeze %dma_start3A_31 : memref<1x128x32xf32, #tpu.memory_space<vmem>> -> memref<128x32xf32, #tpu.memory_space<vmem>>
      %dma_start3A_33 = arith.constant 0 : i32
      %dma_start3A_34 = tpu.memref_slice %arg6[%dma_start3A_27, %dma_start3A_33] : memref<4x128xi32, #tpu.memory_space<vmem>> -> memref<1x128xi32, #tpu.memory_space<vmem>>
      %dma_start3A_35 = tpu.memref_squeeze %dma_start3A_34 : memref<1x128xi32, #tpu.memory_space<vmem>> -> memref<128xi32, #tpu.memory_space<vmem>>
      %dma_start3A_36 = arith.constant 0 : i32
      %dma_start3A_37 = arith.constant 0 : i32
      %dma_start3A_38 = tpu.memref_slice %arg2[%dma_start3A_36, %dma_start3A_37] : memref<100000x32xf32, #tpu.memory_space<hbm>> -> memref<100000x32xf32, #tpu.memory_space<hbm>>
      tpu.enqueue_indirect_dma source(%dma_start3A_38 : memref<100000x32xf32, #tpu.memory_space<hbm>>) target(%dma_start3A_32 : memref<128x32xf32, #tpu.memory_space<vmem>>) offsets(%dma_start3A_35 : memref<128xi32, #tpu.memory_space<vmem>>) semaphore(%arg12 : memref<!tpu.dma_semaphore, #tpu.memory_space<semaphore_mem>>)
      %dma_start3A_39 = arith.constant 1 : i32
      %dma_start3A_40 = arith.constant 1 : i32
      %dma_start3A_41 = arith.constant 0 : i32
      %dma_start3A_42 = arith.constant 0 : i32
      %dma_start3A_43 = tpu.memref_slice %arg10[%dma_start3A_40, %dma_start3A_41, %dma_start3A_42] : memref<4x128x32xf32, #tpu.memory_space<vmem>> -> memref<1x128x32xf32, #tpu.memory_space<vmem>>
      %dma_start3A_44 = tpu.memref_squeeze %dma_start3A_43 : memref<1x128x32xf32, #tpu.memory_space<vmem>> -> memref<128x32xf32, #tpu.memory_space<vmem>>
      %dma_start3A_45 = arith.constant 0 : i32
      %dma_start3A_46 = tpu.memref_slice %arg6[%dma_start3A_39, %dma_start3A_45] : memref<4x128xi32, #tpu.memory_space<vmem>> -> memref<1x128xi32, #tpu.memory_space<vmem>>
      %dma_start3A_47 = tpu.memref_squeeze %dma_start3A_46 : memref<1x128xi32, #tpu.memory_space<vmem>> -> memref<128xi32, #tpu.memory_space<vmem>>
      %dma_start3A_48 = arith.constant 0 : i32
      %dma_start3A_49 = arith.constant 0 : i32
      %dma_start3A_50 = tpu.memref_slice %arg2[%dma_start3A_48, %dma_start3A_49] : memref<100000x32xf32, #tpu.memory_space<hbm>> -> memref<100000x32xf32, #tpu.memory_space<hbm>>
      tpu.enqueue_indirect_dma source(%dma_start3A_50 : memref<100000x32xf32, #tpu.memory_space<hbm>>) target(%dma_start3A_44 : memref<128x32xf32, #tpu.memory_space<vmem>>) offsets(%dma_start3A_47 : memref<128xi32, #tpu.memory_space<vmem>>) semaphore(%arg12 : memref<!tpu.dma_semaphore, #tpu.memory_space<semaphore_mem>>)
      %dma_start3A_51 = arith.constant 2 : i32
      %dma_start3A_52 = arith.constant 2 : i32
      %dma_start3A_53 = arith.constant 0 : i32
      %dma_start3A_54 = arith.constant 0 : i32
      %dma_start3A_55 = tpu.memref_slice %arg10[%dma_start3A_52, %dma_start3A_53, %dma_start3A_54] : memref<4x128x32xf32, #tpu.memory_space<vmem>> -> memref<1x128x32xf32, #tpu.memory_space<vmem>>
      %dma_start3A_56 = tpu.memref_squeeze %dma_start3A_55 : memref<1x128x32xf32, #tpu.memory_space<vmem>> -> memref<128x32xf32, #tpu.memory_space<vmem>>
      %dma_start3A_57 = arith.constant 0 : i32
      %dma_start3A_58 = tpu.memref_slice %arg6[%dma_start3A_51, %dma_start3A_57] : memref<4x128xi32, #tpu.memory_space<vmem>> -> memref<1x128xi32, #tpu.memory_space<vmem>>
      %dma_start3A_59 = tpu.memref_squeeze %dma_start3A_58 : memref<1x128xi32, #tpu.memory_space<vmem>> -> memref<128xi32, #tpu.memory_space<vmem>>
      %dma_start3A_60 = arith.constant 0 : i32
      %dma_start3A_61 = arith.constant 0 : i32
      %dma_start3A_62 = tpu.memref_slice %arg2[%dma_start3A_60, %dma_start3A_61] : memref<100000x32xf32, #tpu.memory_space<hbm>> -> memref<100000x32xf32, #tpu.memory_space<hbm>>
      tpu.enqueue_indirect_dma source(%dma_start3A_62 : memref<100000x32xf32, #tpu.memory_space<hbm>>) target(%dma_start3A_56 : memref<128x32xf32, #tpu.memory_space<vmem>>) offsets(%dma_start3A_59 : memref<128xi32, #tpu.memory_space<vmem>>) semaphore(%arg12 : memref<!tpu.dma_semaphore, #tpu.memory_space<semaphore_mem>>)
      %dma_start3A_63 = arith.constant 3 : i32
      %dma_start3A_64 = arith.constant 3 : i32
      %dma_start3A_65 = arith.constant 0 : i32
      %dma_start3A_66 = arith.constant 0 : i32
      %dma_start3A_67 = tpu.memref_slice %arg10[%dma_start3A_64, %dma_start3A_65, %dma_start3A_66] : memref<4x128x32xf32, #tpu.memory_space<vmem>> -> memref<1x128x32xf32, #tpu.memory_space<vmem>>
      %dma_start3A_68 = tpu.memref_squeeze %dma_start3A_67 : memref<1x128x32xf32, #tpu.memory_space<vmem>> -> memref<128x32xf32, #tpu.memory_space<vmem>>
      %dma_start3A_69 = arith.constant 0 : i32
      %dma_start3A_70 = tpu.memref_slice %arg6[%dma_start3A_63, %dma_start3A_69] : memref<4x128xi32, #tpu.memory_space<vmem>> -> memref<1x128xi32, #tpu.memory_space<vmem>>
      %dma_start3A_71 = tpu.memref_squeeze %dma_start3A_70 : memref<1x128xi32, #tpu.memory_space<vmem>> -> memref<128xi32, #tpu.memory_space<vmem>>
      %dma_start3A_72 = arith.constant 0 : i32
      %dma_start3A_73 = arith.constant 0 : i32
      %dma_start3A_74 = tpu.memref_slice %arg2[%dma_start3A_72, %dma_start3A_73] : memref<100000x32xf32, #tpu.memory_space<hbm>> -> memref<100000x32xf32, #tpu.memory_space<hbm>>
      tpu.enqueue_indirect_dma source(%dma_start3A_74 : memref<100000x32xf32, #tpu.memory_space<hbm>>) target(%dma_start3A_68 : memref<128x32xf32, #tpu.memory_space<vmem>>) offsets(%dma_start3A_71 : memref<128xi32, #tpu.memory_space<vmem>>) semaphore(%arg12 : memref<!tpu.dma_semaphore, #tpu.memory_space<semaphore_mem>>)
      %mul3A_75 = arith.constant 2 : i32
      %mul3A_76 = arith.muli %mul3A_75, %scan3A_26 : i32
      %add3A_77 = arith.constant 1 : i32
      %add3A_78 = arith.addi %mul3A_76, %add3A_77 : i32
      %mul3A_79 = arith.constant 4 : i32
      %mul3A_80 = arith.muli %add3A_78, %mul3A_79 : i32
      %add3A_81 = arith.addi %add3A_12, %mul3A_80 : i32
      "tpu.region"() ({
        %run_scoped3A_257 = tpu.sem_alloc : memref<!tpu.dma_semaphore, #tpu.memory_space<semaphore_mem>>
        %dma_start3A_258 = arith.constant 0 : i32
        %dma_start3A_259 = tpu.memref_slice %arg3[%add3A_81, %dma_start3A_258] : memref<12544x128xi32, #tpu.memory_space<hbm>> -> memref<4x128xi32, #tpu.memory_space<hbm>>
        %dma_start3A_260 = arith.constant 0 : i32
        %dma_start3A_261 = tpu.memref_slice %arg3[%add3A_81, %dma_start3A_260] : memref<12544x128xi32, #tpu.memory_space<hbm>> -> memref<4x128xi32, #tpu.memory_space<hbm>>
        tpu.enqueue_dma source(%dma_start3A_261 : memref<4x128xi32, #tpu.memory_space<hbm>>) target(%arg8 : memref<4x128xi32, #tpu.memory_space<vmem>>) target_semaphore(%run_scoped3A_257 : memref<!tpu.dma_semaphore, #tpu.memory_space<semaphore_mem>>)
        %dma_wait3A_262 = arith.constant 0 : i32
        %dma_wait3A_263 = tpu.memref_slice %arg3[%add3A_81, %dma_wait3A_262] : memref<12544x128xi32, #tpu.memory_space<hbm>> -> memref<4x128xi32, #tpu.memory_space<hbm>>
        %dma_wait3A_264 = arith.constant 0 : i32
        %dma_wait3A_265 = tpu.memref_slice %arg3[%add3A_81, %dma_wait3A_264] : memref<12544x128xi32, #tpu.memory_space<hbm>> -> memref<4x128xi32, #tpu.memory_space<hbm>>
        tpu.wait_dma2 semaphore(%run_scoped3A_257 : memref<!tpu.dma_semaphore, #tpu.memory_space<semaphore_mem>>) src(%dma_wait3A_265 : memref<4x128xi32, #tpu.memory_space<hbm>>) dst(%arg8 : memref<4x128xi32, #tpu.memory_space<vmem>>)
        tpu.yield
      }) : () -> ()
      %mul3A_82 = arith.constant 2 : i32
      %mul3A_83 = arith.muli %mul3A_82, %scan3A_26 : i32
      %add3A_84 = arith.constant 1 : i32
      %add3A_85 = arith.addi %mul3A_83, %add3A_84 : i32
      %mul3A_86 = arith.constant 4 : i32
      %mul3A_87 = arith.muli %add3A_85, %mul3A_86 : i32
      %add3A_88 = arith.addi %mul3A_14, %mul3A_87 : i32
      "tpu.region"() ({
        %run_scoped3A_257 = tpu.sem_alloc : memref<!tpu.dma_semaphore, #tpu.memory_space<semaphore_mem>>
        %dma_start3A_258 = arith.constant 0 : i32
        %dma_start3A_259 = tpu.memref_slice %arg4[%add3A_88, %dma_start3A_258] : memref<6272x128xi32, #tpu.memory_space<hbm>> -> memref<4x128xi32, #tpu.memory_space<hbm>>
        %dma_start3A_260 = arith.constant 0 : i32
        %dma_start3A_261 = tpu.memref_slice %arg4[%add3A_88, %dma_start3A_260] : memref<6272x128xi32, #tpu.memory_space<hbm>> -> memref<4x128xi32, #tpu.memory_space<hbm>>
        tpu.enqueue_dma source(%dma_start3A_261 : memref<4x128xi32, #tpu.memory_space<hbm>>) target(%arg9 : memref<4x128xi32, #tpu.memory_space<vmem>>) target_semaphore(%run_scoped3A_257 : memref<!tpu.dma_semaphore, #tpu.memory_space<semaphore_mem>>)
        %dma_wait3A_262 = arith.constant 0 : i32
        %dma_wait3A_263 = tpu.memref_slice %arg4[%add3A_88, %dma_wait3A_262] : memref<6272x128xi32, #tpu.memory_space<hbm>> -> memref<4x128xi32, #tpu.memory_space<hbm>>
        %dma_wait3A_264 = arith.constant 0 : i32
        %dma_wait3A_265 = tpu.memref_slice %arg4[%add3A_88, %dma_wait3A_264] : memref<6272x128xi32, #tpu.memory_space<hbm>> -> memref<4x128xi32, #tpu.memory_space<hbm>>
        tpu.wait_dma2 semaphore(%run_scoped3A_257 : memref<!tpu.dma_semaphore, #tpu.memory_space<semaphore_mem>>) src(%dma_wait3A_265 : memref<4x128xi32, #tpu.memory_space<hbm>>) dst(%arg9 : memref<4x128xi32, #tpu.memory_space<vmem>>)
        tpu.yield
      }) : () -> ()
      %dma_wait3A_89 = arith.constant 0 : i32
      %dma_wait3A_90 = arith.constant 0 : i32
      %dma_wait3A_91 = arith.constant 0 : i32
      %dma_wait3A_92 = arith.constant 0 : i32
      %dma_wait3A_93 = tpu.memref_slice %arg10[%dma_wait3A_90, %dma_wait3A_91, %dma_wait3A_92] : memref<4x128x32xf32, #tpu.memory_space<vmem>> -> memref<1x128x32xf32, #tpu.memory_space<vmem>>
      %dma_wait3A_94 = tpu.memref_squeeze %dma_wait3A_93 : memref<1x128x32xf32, #tpu.memory_space<vmem>> -> memref<128x32xf32, #tpu.memory_space<vmem>>
      %dma_wait3A_95 = arith.constant 0 : i32
      %dma_wait3A_96 = tpu.memref_slice %arg6[%dma_wait3A_89, %dma_wait3A_95] : memref<4x128xi32, #tpu.memory_space<vmem>> -> memref<1x128xi32, #tpu.memory_space<vmem>>
      %dma_wait3A_97 = tpu.memref_squeeze %dma_wait3A_96 : memref<1x128xi32, #tpu.memory_space<vmem>> -> memref<128xi32, #tpu.memory_space<vmem>>
      %dma_wait3A_98 = arith.constant 0 : i32
      %dma_wait3A_99 = arith.constant 0 : i32
      %dma_wait3A_100 = tpu.memref_slice %arg2[%dma_wait3A_98, %dma_wait3A_99] : memref<100000x32xf32, #tpu.memory_space<hbm>> -> memref<100000x32xf32, #tpu.memory_space<hbm>>
      tpu.wait_indirect_dma semaphore(%arg12 : memref<!tpu.dma_semaphore, #tpu.memory_space<semaphore_mem>>) src(%dma_wait3A_100 : memref<100000x32xf32, #tpu.memory_space<hbm>>) dst(%dma_wait3A_94 : memref<128x32xf32, #tpu.memory_space<vmem>>)
      %run_scoped3A = arith.constant 0 : i32
      %run_scoped3A_101 = arith.constant 0 : i32
      "tpu.region"() ({
        %run_scoped3A_257 = tpu.sem_alloc : memref<!tpu.dma_semaphore, #tpu.memory_space<semaphore_mem>>
        %dma_start3A_258 = arith.constant 0 : i32
        %dma_start3A_259 = arith.constant 0 : i32
        %dma_start3A_260 = tpu.memref_slice %arg10[%run_scoped3A, %dma_start3A_258, %dma_start3A_259] : memref<4x128x32xf32, #tpu.memory_space<vmem>> -> memref<1x128x32xf32, #tpu.memory_space<vmem>>
        %dma_start3A_261 = tpu.memref_squeeze %dma_start3A_260 : memref<1x128x32xf32, #tpu.memory_space<vmem>> -> memref<128x32xf32, #tpu.memory_space<vmem>>
        %dma_start3A_262 = arith.constant 0 : i32
        %dma_start3A_263 = tpu.memref_slice %arg7[%run_scoped3A_101, %dma_start3A_262] : memref<4x128xi32, #tpu.memory_space<vmem>> -> memref<1x128xi32, #tpu.memory_space<vmem>>
        %dma_start3A_264 = tpu.memref_squeeze %dma_start3A_263 : memref<1x128xi32, #tpu.memory_space<vmem>> -> memref<128xi32, #tpu.memory_space<vmem>>
        %dma_start3A_265 = arith.constant 0 : i32
        %dma_start3A_266 = arith.constant 0 : i32
        %dma_start3A_267 = tpu.memref_slice %arg11[%dma_start3A_265, %dma_start3A_266] : memref<50008x32xf32, #tpu.memory_space<vmem_shared>> -> memref<50008x32xf32, #tpu.memory_space<vmem_shared>>
        tpu.enqueue_indirect_dma source(%dma_start3A_261 : memref<128x32xf32, #tpu.memory_space<vmem>>) target(%dma_start3A_267 : memref<50008x32xf32, #tpu.memory_space<vmem_shared>>) offsets(%dma_start3A_264 : memref<128xi32, #tpu.memory_space<vmem>>) semaphore(%run_scoped3A_257 : memref<!tpu.dma_semaphore, #tpu.memory_space<semaphore_mem>>) {add = true}
        %dma_wait3A_268 = arith.constant 0 : i32
        %dma_wait3A_269 = arith.constant 0 : i32
        %dma_wait3A_270 = tpu.memref_slice %arg10[%run_scoped3A, %dma_wait3A_268, %dma_wait3A_269] : memref<4x128x32xf32, #tpu.memory_space<vmem>> -> memref<1x128x32xf32, #tpu.memory_space<vmem>>
        %dma_wait3A_271 = tpu.memref_squeeze %dma_wait3A_270 : memref<1x128x32xf32, #tpu.memory_space<vmem>> -> memref<128x32xf32, #tpu.memory_space<vmem>>
        %dma_wait3A_272 = arith.constant 0 : i32
        %dma_wait3A_273 = tpu.memref_slice %arg7[%run_scoped3A_101, %dma_wait3A_272] : memref<4x128xi32, #tpu.memory_space<vmem>> -> memref<1x128xi32, #tpu.memory_space<vmem>>
        %dma_wait3A_274 = tpu.memref_squeeze %dma_wait3A_273 : memref<1x128xi32, #tpu.memory_space<vmem>> -> memref<128xi32, #tpu.memory_space<vmem>>
        %dma_wait3A_275 = arith.constant 0 : i32
        %dma_wait3A_276 = arith.constant 0 : i32
        %dma_wait3A_277 = tpu.memref_slice %arg11[%dma_wait3A_275, %dma_wait3A_276] : memref<50008x32xf32, #tpu.memory_space<vmem_shared>> -> memref<50008x32xf32, #tpu.memory_space<vmem_shared>>
        tpu.wait_indirect_dma semaphore(%run_scoped3A_257 : memref<!tpu.dma_semaphore, #tpu.memory_space<semaphore_mem>>) src(%dma_wait3A_271 : memref<128x32xf32, #tpu.memory_space<vmem>>) dst(%dma_wait3A_277 : memref<50008x32xf32, #tpu.memory_space<vmem_shared>>)
        tpu.yield
      }) : () -> ()
      %dma_wait3A_102 = arith.constant 1 : i32
      %dma_wait3A_103 = arith.constant 1 : i32
      %dma_wait3A_104 = arith.constant 0 : i32
      %dma_wait3A_105 = arith.constant 0 : i32
      %dma_wait3A_106 = tpu.memref_slice %arg10[%dma_wait3A_103, %dma_wait3A_104, %dma_wait3A_105] : memref<4x128x32xf32, #tpu.memory_space<vmem>> -> memref<1x128x32xf32, #tpu.memory_space<vmem>>
      %dma_wait3A_107 = tpu.memref_squeeze %dma_wait3A_106 : memref<1x128x32xf32, #tpu.memory_space<vmem>> -> memref<128x32xf32, #tpu.memory_space<vmem>>
      %dma_wait3A_108 = arith.constant 0 : i32
      %dma_wait3A_109 = tpu.memref_slice %arg6[%dma_wait3A_102, %dma_wait3A_108] : memref<4x128xi32, #tpu.memory_space<vmem>> -> memref<1x128xi32, #tpu.memory_space<vmem>>
      %dma_wait3A_110 = tpu.memref_squeeze %dma_wait3A_109 : memref<1x128xi32, #tpu.memory_space<vmem>> -> memref<128xi32, #tpu.memory_space<vmem>>
      %dma_wait3A_111 = arith.constant 0 : i32
      %dma_wait3A_112 = arith.constant 0 : i32
      %dma_wait3A_113 = tpu.memref_slice %arg2[%dma_wait3A_111, %dma_wait3A_112] : memref<100000x32xf32, #tpu.memory_space<hbm>> -> memref<100000x32xf32, #tpu.memory_space<hbm>>
      tpu.wait_indirect_dma semaphore(%arg12 : memref<!tpu.dma_semaphore, #tpu.memory_space<semaphore_mem>>) src(%dma_wait3A_113 : memref<100000x32xf32, #tpu.memory_space<hbm>>) dst(%dma_wait3A_107 : memref<128x32xf32, #tpu.memory_space<vmem>>)
      %run_scoped3A_114 = arith.constant 1 : i32
      %run_scoped3A_115 = arith.constant 1 : i32
      "tpu.region"() ({
        %run_scoped3A_257 = tpu.sem_alloc : memref<!tpu.dma_semaphore, #tpu.memory_space<semaphore_mem>>
        %dma_start3A_258 = arith.constant 0 : i32
        %dma_start3A_259 = arith.constant 0 : i32
        %dma_start3A_260 = tpu.memref_slice %arg10[%run_scoped3A_114, %dma_start3A_258, %dma_start3A_259] : memref<4x128x32xf32, #tpu.memory_space<vmem>> -> memref<1x128x32xf32, #tpu.memory_space<vmem>>
        %dma_start3A_261 = tpu.memref_squeeze %dma_start3A_260 : memref<1x128x32xf32, #tpu.memory_space<vmem>> -> memref<128x32xf32, #tpu.memory_space<vmem>>
        %dma_start3A_262 = arith.constant 0 : i32
        %dma_start3A_263 = tpu.memref_slice %arg7[%run_scoped3A_115, %dma_start3A_262] : memref<4x128xi32, #tpu.memory_space<vmem>> -> memref<1x128xi32, #tpu.memory_space<vmem>>
        %dma_start3A_264 = tpu.memref_squeeze %dma_start3A_263 : memref<1x128xi32, #tpu.memory_space<vmem>> -> memref<128xi32, #tpu.memory_space<vmem>>
        %dma_start3A_265 = arith.constant 0 : i32
        %dma_start3A_266 = arith.constant 0 : i32
        %dma_start3A_267 = tpu.memref_slice %arg11[%dma_start3A_265, %dma_start3A_266] : memref<50008x32xf32, #tpu.memory_space<vmem_shared>> -> memref<50008x32xf32, #tpu.memory_space<vmem_shared>>
        tpu.enqueue_indirect_dma source(%dma_start3A_261 : memref<128x32xf32, #tpu.memory_space<vmem>>) target(%dma_start3A_267 : memref<50008x32xf32, #tpu.memory_space<vmem_shared>>) offsets(%dma_start3A_264 : memref<128xi32, #tpu.memory_space<vmem>>) semaphore(%run_scoped3A_257 : memref<!tpu.dma_semaphore, #tpu.memory_space<semaphore_mem>>) {add = true}
        %dma_wait3A_268 = arith.constant 0 : i32
        %dma_wait3A_269 = arith.constant 0 : i32
        %dma_wait3A_270 = tpu.memref_slice %arg10[%run_scoped3A_114, %dma_wait3A_268, %dma_wait3A_269] : memref<4x128x32xf32, #tpu.memory_space<vmem>> -> memref<1x128x32xf32, #tpu.memory_space<vmem>>
        %dma_wait3A_271 = tpu.memref_squeeze %dma_wait3A_270 : memref<1x128x32xf32, #tpu.memory_space<vmem>> -> memref<128x32xf32, #tpu.memory_space<vmem>>
        %dma_wait3A_272 = arith.constant 0 : i32
        %dma_wait3A_273 = tpu.memref_slice %arg7[%run_scoped3A_115, %dma_wait3A_272] : memref<4x128xi32, #tpu.memory_space<vmem>> -> memref<1x128xi32, #tpu.memory_space<vmem>>
        %dma_wait3A_274 = tpu.memref_squeeze %dma_wait3A_273 : memref<1x128xi32, #tpu.memory_space<vmem>> -> memref<128xi32, #tpu.memory_space<vmem>>
        %dma_wait3A_275 = arith.constant 0 : i32
        %dma_wait3A_276 = arith.constant 0 : i32
        %dma_wait3A_277 = tpu.memref_slice %arg11[%dma_wait3A_275, %dma_wait3A_276] : memref<50008x32xf32, #tpu.memory_space<vmem_shared>> -> memref<50008x32xf32, #tpu.memory_space<vmem_shared>>
        tpu.wait_indirect_dma semaphore(%run_scoped3A_257 : memref<!tpu.dma_semaphore, #tpu.memory_space<semaphore_mem>>) src(%dma_wait3A_271 : memref<128x32xf32, #tpu.memory_space<vmem>>) dst(%dma_wait3A_277 : memref<50008x32xf32, #tpu.memory_space<vmem_shared>>)
        tpu.yield
      }) : () -> ()
      %dma_wait3A_116 = arith.constant 2 : i32
      %dma_wait3A_117 = arith.constant 2 : i32
      %dma_wait3A_118 = arith.constant 0 : i32
      %dma_wait3A_119 = arith.constant 0 : i32
      %dma_wait3A_120 = tpu.memref_slice %arg10[%dma_wait3A_117, %dma_wait3A_118, %dma_wait3A_119] : memref<4x128x32xf32, #tpu.memory_space<vmem>> -> memref<1x128x32xf32, #tpu.memory_space<vmem>>
      %dma_wait3A_121 = tpu.memref_squeeze %dma_wait3A_120 : memref<1x128x32xf32, #tpu.memory_space<vmem>> -> memref<128x32xf32, #tpu.memory_space<vmem>>
      %dma_wait3A_122 = arith.constant 0 : i32
      %dma_wait3A_123 = tpu.memref_slice %arg6[%dma_wait3A_116, %dma_wait3A_122] : memref<4x128xi32, #tpu.memory_space<vmem>> -> memref<1x128xi32, #tpu.memory_space<vmem>>
      %dma_wait3A_124 = tpu.memref_squeeze %dma_wait3A_123 : memref<1x128xi32, #tpu.memory_space<vmem>> -> memref<128xi32, #tpu.memory_space<vmem>>
      %dma_wait3A_125 = arith.constant 0 : i32
      %dma_wait3A_126 = arith.constant 0 : i32
      %dma_wait3A_127 = tpu.memref_slice %arg2[%dma_wait3A_125, %dma_wait3A_126] : memref<100000x32xf32, #tpu.memory_space<hbm>> -> memref<100000x32xf32, #tpu.memory_space<hbm>>
      tpu.wait_indirect_dma semaphore(%arg12 : memref<!tpu.dma_semaphore, #tpu.memory_space<semaphore_mem>>) src(%dma_wait3A_127 : memref<100000x32xf32, #tpu.memory_space<hbm>>) dst(%dma_wait3A_121 : memref<128x32xf32, #tpu.memory_space<vmem>>)
      %run_scoped3A_128 = arith.constant 2 : i32
      %run_scoped3A_129 = arith.constant 2 : i32
      "tpu.region"() ({
        %run_scoped3A_257 = tpu.sem_alloc : memref<!tpu.dma_semaphore, #tpu.memory_space<semaphore_mem>>
        %dma_start3A_258 = arith.constant 0 : i32
        %dma_start3A_259 = arith.constant 0 : i32
        %dma_start3A_260 = tpu.memref_slice %arg10[%run_scoped3A_128, %dma_start3A_258, %dma_start3A_259] : memref<4x128x32xf32, #tpu.memory_space<vmem>> -> memref<1x128x32xf32, #tpu.memory_space<vmem>>
        %dma_start3A_261 = tpu.memref_squeeze %dma_start3A_260 : memref<1x128x32xf32, #tpu.memory_space<vmem>> -> memref<128x32xf32, #tpu.memory_space<vmem>>
        %dma_start3A_262 = arith.constant 0 : i32
        %dma_start3A_263 = tpu.memref_slice %arg7[%run_scoped3A_129, %dma_start3A_262] : memref<4x128xi32, #tpu.memory_space<vmem>> -> memref<1x128xi32, #tpu.memory_space<vmem>>
        %dma_start3A_264 = tpu.memref_squeeze %dma_start3A_263 : memref<1x128xi32, #tpu.memory_space<vmem>> -> memref<128xi32, #tpu.memory_space<vmem>>
        %dma_start3A_265 = arith.constant 0 : i32
        %dma_start3A_266 = arith.constant 0 : i32
        %dma_start3A_267 = tpu.memref_slice %arg11[%dma_start3A_265, %dma_start3A_266] : memref<50008x32xf32, #tpu.memory_space<vmem_shared>> -> memref<50008x32xf32, #tpu.memory_space<vmem_shared>>
        tpu.enqueue_indirect_dma source(%dma_start3A_261 : memref<128x32xf32, #tpu.memory_space<vmem>>) target(%dma_start3A_267 : memref<50008x32xf32, #tpu.memory_space<vmem_shared>>) offsets(%dma_start3A_264 : memref<128xi32, #tpu.memory_space<vmem>>) semaphore(%run_scoped3A_257 : memref<!tpu.dma_semaphore, #tpu.memory_space<semaphore_mem>>) {add = true}
        %dma_wait3A_268 = arith.constant 0 : i32
        %dma_wait3A_269 = arith.constant 0 : i32
        %dma_wait3A_270 = tpu.memref_slice %arg10[%run_scoped3A_128, %dma_wait3A_268, %dma_wait3A_269] : memref<4x128x32xf32, #tpu.memory_space<vmem>> -> memref<1x128x32xf32, #tpu.memory_space<vmem>>
        %dma_wait3A_271 = tpu.memref_squeeze %dma_wait3A_270 : memref<1x128x32xf32, #tpu.memory_space<vmem>> -> memref<128x32xf32, #tpu.memory_space<vmem>>
        %dma_wait3A_272 = arith.constant 0 : i32
        %dma_wait3A_273 = tpu.memref_slice %arg7[%run_scoped3A_129, %dma_wait3A_272] : memref<4x128xi32, #tpu.memory_space<vmem>> -> memref<1x128xi32, #tpu.memory_space<vmem>>
        %dma_wait3A_274 = tpu.memref_squeeze %dma_wait3A_273 : memref<1x128xi32, #tpu.memory_space<vmem>> -> memref<128xi32, #tpu.memory_space<vmem>>
        %dma_wait3A_275 = arith.constant 0 : i32
        %dma_wait3A_276 = arith.constant 0 : i32
        %dma_wait3A_277 = tpu.memref_slice %arg11[%dma_wait3A_275, %dma_wait3A_276] : memref<50008x32xf32, #tpu.memory_space<vmem_shared>> -> memref<50008x32xf32, #tpu.memory_space<vmem_shared>>
        tpu.wait_indirect_dma semaphore(%run_scoped3A_257 : memref<!tpu.dma_semaphore, #tpu.memory_space<semaphore_mem>>) src(%dma_wait3A_271 : memref<128x32xf32, #tpu.memory_space<vmem>>) dst(%dma_wait3A_277 : memref<50008x32xf32, #tpu.memory_space<vmem_shared>>)
        tpu.yield
      }) : () -> ()
      %dma_wait3A_130 = arith.constant 3 : i32
      %dma_wait3A_131 = arith.constant 3 : i32
      %dma_wait3A_132 = arith.constant 0 : i32
      %dma_wait3A_133 = arith.constant 0 : i32
      %dma_wait3A_134 = tpu.memref_slice %arg10[%dma_wait3A_131, %dma_wait3A_132, %dma_wait3A_133] : memref<4x128x32xf32, #tpu.memory_space<vmem>> -> memref<1x128x32xf32, #tpu.memory_space<vmem>>
      %dma_wait3A_135 = tpu.memref_squeeze %dma_wait3A_134 : memref<1x128x32xf32, #tpu.memory_space<vmem>> -> memref<128x32xf32, #tpu.memory_space<vmem>>
      %dma_wait3A_136 = arith.constant 0 : i32
      %dma_wait3A_137 = tpu.memref_slice %arg6[%dma_wait3A_130, %dma_wait3A_136] : memref<4x128xi32, #tpu.memory_space<vmem>> -> memref<1x128xi32, #tpu.memory_space<vmem>>
      %dma_wait3A_138 = tpu.memref_squeeze %dma_wait3A_137 : memref<1x128xi32, #tpu.memory_space<vmem>> -> memref<128xi32, #tpu.memory_space<vmem>>
      %dma_wait3A_139 = arith.constant 0 : i32
      %dma_wait3A_140 = arith.constant 0 : i32
      %dma_wait3A_141 = tpu.memref_slice %arg2[%dma_wait3A_139, %dma_wait3A_140] : memref<100000x32xf32, #tpu.memory_space<hbm>> -> memref<100000x32xf32, #tpu.memory_space<hbm>>
      tpu.wait_indirect_dma semaphore(%arg12 : memref<!tpu.dma_semaphore, #tpu.memory_space<semaphore_mem>>) src(%dma_wait3A_141 : memref<100000x32xf32, #tpu.memory_space<hbm>>) dst(%dma_wait3A_135 : memref<128x32xf32, #tpu.memory_space<vmem>>)
      %run_scoped3A_142 = arith.constant 3 : i32
      %run_scoped3A_143 = arith.constant 3 : i32
      "tpu.region"() ({
        %run_scoped3A_257 = tpu.sem_alloc : memref<!tpu.dma_semaphore, #tpu.memory_space<semaphore_mem>>
        %dma_start3A_258 = arith.constant 0 : i32
        %dma_start3A_259 = arith.constant 0 : i32
        %dma_start3A_260 = tpu.memref_slice %arg10[%run_scoped3A_142, %dma_start3A_258, %dma_start3A_259] : memref<4x128x32xf32, #tpu.memory_space<vmem>> -> memref<1x128x32xf32, #tpu.memory_space<vmem>>
        %dma_start3A_261 = tpu.memref_squeeze %dma_start3A_260 : memref<1x128x32xf32, #tpu.memory_space<vmem>> -> memref<128x32xf32, #tpu.memory_space<vmem>>
        %dma_start3A_262 = arith.constant 0 : i32
        %dma_start3A_263 = tpu.memref_slice %arg7[%run_scoped3A_143, %dma_start3A_262] : memref<4x128xi32, #tpu.memory_space<vmem>> -> memref<1x128xi32, #tpu.memory_space<vmem>>
        %dma_start3A_264 = tpu.memref_squeeze %dma_start3A_263 : memref<1x128xi32, #tpu.memory_space<vmem>> -> memref<128xi32, #tpu.memory_space<vmem>>
        %dma_start3A_265 = arith.constant 0 : i32
        %dma_start3A_266 = arith.constant 0 : i32
        %dma_start3A_267 = tpu.memref_slice %arg11[%dma_start3A_265, %dma_start3A_266] : memref<50008x32xf32, #tpu.memory_space<vmem_shared>> -> memref<50008x32xf32, #tpu.memory_space<vmem_shared>>
        tpu.enqueue_indirect_dma source(%dma_start3A_261 : memref<128x32xf32, #tpu.memory_space<vmem>>) target(%dma_start3A_267 : memref<50008x32xf32, #tpu.memory_space<vmem_shared>>) offsets(%dma_start3A_264 : memref<128xi32, #tpu.memory_space<vmem>>) semaphore(%run_scoped3A_257 : memref<!tpu.dma_semaphore, #tpu.memory_space<semaphore_mem>>) {add = true}
        %dma_wait3A_268 = arith.constant 0 : i32
        %dma_wait3A_269 = arith.constant 0 : i32
        %dma_wait3A_270 = tpu.memref_slice %arg10[%run_scoped3A_142, %dma_wait3A_268, %dma_wait3A_269] : memref<4x128x32xf32, #tpu.memory_space<vmem>> -> memref<1x128x32xf32, #tpu.memory_space<vmem>>
        %dma_wait3A_271 = tpu.memref_squeeze %dma_wait3A_270 : memref<1x128x32xf32, #tpu.memory_space<vmem>> -> memref<128x32xf32, #tpu.memory_space<vmem>>
        %dma_wait3A_272 = arith.constant 0 : i32
        %dma_wait3A_273 = tpu.memref_slice %arg7[%run_scoped3A_143, %dma_wait3A_272] : memref<4x128xi32, #tpu.memory_space<vmem>> -> memref<1x128xi32, #tpu.memory_space<vmem>>
        %dma_wait3A_274 = tpu.memref_squeeze %dma_wait3A_273 : memref<1x128xi32, #tpu.memory_space<vmem>> -> memref<128xi32, #tpu.memory_space<vmem>>
        %dma_wait3A_275 = arith.constant 0 : i32
        %dma_wait3A_276 = arith.constant 0 : i32
        %dma_wait3A_277 = tpu.memref_slice %arg11[%dma_wait3A_275, %dma_wait3A_276] : memref<50008x32xf32, #tpu.memory_space<vmem_shared>> -> memref<50008x32xf32, #tpu.memory_space<vmem_shared>>
        tpu.wait_indirect_dma semaphore(%run_scoped3A_257 : memref<!tpu.dma_semaphore, #tpu.memory_space<semaphore_mem>>) src(%dma_wait3A_271 : memref<128x32xf32, #tpu.memory_space<vmem>>) dst(%dma_wait3A_277 : memref<50008x32xf32, #tpu.memory_space<vmem_shared>>)
        tpu.yield
      }) : () -> ()
      %dma_start3A_144 = arith.constant 0 : i32
      %dma_start3A_145 = arith.constant 0 : i32
      %dma_start3A_146 = arith.constant 0 : i32
      %dma_start3A_147 = arith.constant 0 : i32
      %dma_start3A_148 = tpu.memref_slice %arg10[%dma_start3A_145, %dma_start3A_146, %dma_start3A_147] : memref<4x128x32xf32, #tpu.memory_space<vmem>> -> memref<1x128x32xf32, #tpu.memory_space<vmem>>
      %dma_start3A_149 = tpu.memref_squeeze %dma_start3A_148 : memref<1x128x32xf32, #tpu.memory_space<vmem>> -> memref<128x32xf32, #tpu.memory_space<vmem>>
      %dma_start3A_150 = arith.constant 0 : i32
      %dma_start3A_151 = tpu.memref_slice %arg8[%dma_start3A_144, %dma_start3A_150] : memref<4x128xi32, #tpu.memory_space<vmem>> -> memref<1x128xi32, #tpu.memory_space<vmem>>
      %dma_start3A_152 = tpu.memref_squeeze %dma_start3A_151 : memref<1x128xi32, #tpu.memory_space<vmem>> -> memref<128xi32, #tpu.memory_space<vmem>>
      %dma_start3A_153 = arith.constant 0 : i32
      %dma_start3A_154 = arith.constant 0 : i32
      %dma_start3A_155 = tpu.memref_slice %arg2[%dma_start3A_153, %dma_start3A_154] : memref<100000x32xf32, #tpu.memory_space<hbm>> -> memref<100000x32xf32, #tpu.memory_space<hbm>>
      tpu.enqueue_indirect_dma source(%dma_start3A_155 : memref<100000x32xf32, #tpu.memory_space<hbm>>) target(%dma_start3A_149 : memref<128x32xf32, #tpu.memory_space<vmem>>) offsets(%dma_start3A_152 : memref<128xi32, #tpu.memory_space<vmem>>) semaphore(%arg12 : memref<!tpu.dma_semaphore, #tpu.memory_space<semaphore_mem>>)
      %dma_start3A_156 = arith.constant 1 : i32
      %dma_start3A_157 = arith.constant 1 : i32
      %dma_start3A_158 = arith.constant 0 : i32
      %dma_start3A_159 = arith.constant 0 : i32
      %dma_start3A_160 = tpu.memref_slice %arg10[%dma_start3A_157, %dma_start3A_158, %dma_start3A_159] : memref<4x128x32xf32, #tpu.memory_space<vmem>> -> memref<1x128x32xf32, #tpu.memory_space<vmem>>
      %dma_start3A_161 = tpu.memref_squeeze %dma_start3A_160 : memref<1x128x32xf32, #tpu.memory_space<vmem>> -> memref<128x32xf32, #tpu.memory_space<vmem>>
      %dma_start3A_162 = arith.constant 0 : i32
      %dma_start3A_163 = tpu.memref_slice %arg8[%dma_start3A_156, %dma_start3A_162] : memref<4x128xi32, #tpu.memory_space<vmem>> -> memref<1x128xi32, #tpu.memory_space<vmem>>
      %dma_start3A_164 = tpu.memref_squeeze %dma_start3A_163 : memref<1x128xi32, #tpu.memory_space<vmem>> -> memref<128xi32, #tpu.memory_space<vmem>>
      %dma_start3A_165 = arith.constant 0 : i32
      %dma_start3A_166 = arith.constant 0 : i32
      %dma_start3A_167 = tpu.memref_slice %arg2[%dma_start3A_165, %dma_start3A_166] : memref<100000x32xf32, #tpu.memory_space<hbm>> -> memref<100000x32xf32, #tpu.memory_space<hbm>>
      tpu.enqueue_indirect_dma source(%dma_start3A_167 : memref<100000x32xf32, #tpu.memory_space<hbm>>) target(%dma_start3A_161 : memref<128x32xf32, #tpu.memory_space<vmem>>) offsets(%dma_start3A_164 : memref<128xi32, #tpu.memory_space<vmem>>) semaphore(%arg12 : memref<!tpu.dma_semaphore, #tpu.memory_space<semaphore_mem>>)
      %dma_start3A_168 = arith.constant 2 : i32
      %dma_start3A_169 = arith.constant 2 : i32
      %dma_start3A_170 = arith.constant 0 : i32
      %dma_start3A_171 = arith.constant 0 : i32
      %dma_start3A_172 = tpu.memref_slice %arg10[%dma_start3A_169, %dma_start3A_170, %dma_start3A_171] : memref<4x128x32xf32, #tpu.memory_space<vmem>> -> memref<1x128x32xf32, #tpu.memory_space<vmem>>
      %dma_start3A_173 = tpu.memref_squeeze %dma_start3A_172 : memref<1x128x32xf32, #tpu.memory_space<vmem>> -> memref<128x32xf32, #tpu.memory_space<vmem>>
      %dma_start3A_174 = arith.constant 0 : i32
      %dma_start3A_175 = tpu.memref_slice %arg8[%dma_start3A_168, %dma_start3A_174] : memref<4x128xi32, #tpu.memory_space<vmem>> -> memref<1x128xi32, #tpu.memory_space<vmem>>
      %dma_start3A_176 = tpu.memref_squeeze %dma_start3A_175 : memref<1x128xi32, #tpu.memory_space<vmem>> -> memref<128xi32, #tpu.memory_space<vmem>>
      %dma_start3A_177 = arith.constant 0 : i32
      %dma_start3A_178 = arith.constant 0 : i32
      %dma_start3A_179 = tpu.memref_slice %arg2[%dma_start3A_177, %dma_start3A_178] : memref<100000x32xf32, #tpu.memory_space<hbm>> -> memref<100000x32xf32, #tpu.memory_space<hbm>>
      tpu.enqueue_indirect_dma source(%dma_start3A_179 : memref<100000x32xf32, #tpu.memory_space<hbm>>) target(%dma_start3A_173 : memref<128x32xf32, #tpu.memory_space<vmem>>) offsets(%dma_start3A_176 : memref<128xi32, #tpu.memory_space<vmem>>) semaphore(%arg12 : memref<!tpu.dma_semaphore, #tpu.memory_space<semaphore_mem>>)
      %dma_start3A_180 = arith.constant 3 : i32
      %dma_start3A_181 = arith.constant 3 : i32
      %dma_start3A_182 = arith.constant 0 : i32
      %dma_start3A_183 = arith.constant 0 : i32
      %dma_start3A_184 = tpu.memref_slice %arg10[%dma_start3A_181, %dma_start3A_182, %dma_start3A_183] : memref<4x128x32xf32, #tpu.memory_space<vmem>> -> memref<1x128x32xf32, #tpu.memory_space<vmem>>
      %dma_start3A_185 = tpu.memref_squeeze %dma_start3A_184 : memref<1x128x32xf32, #tpu.memory_space<vmem>> -> memref<128x32xf32, #tpu.memory_space<vmem>>
      %dma_start3A_186 = arith.constant 0 : i32
      %dma_start3A_187 = tpu.memref_slice %arg8[%dma_start3A_180, %dma_start3A_186] : memref<4x128xi32, #tpu.memory_space<vmem>> -> memref<1x128xi32, #tpu.memory_space<vmem>>
      %dma_start3A_188 = tpu.memref_squeeze %dma_start3A_187 : memref<1x128xi32, #tpu.memory_space<vmem>> -> memref<128xi32, #tpu.memory_space<vmem>>
      %dma_start3A_189 = arith.constant 0 : i32
      %dma_start3A_190 = arith.constant 0 : i32
      %dma_start3A_191 = tpu.memref_slice %arg2[%dma_start3A_189, %dma_start3A_190] : memref<100000x32xf32, #tpu.memory_space<hbm>> -> memref<100000x32xf32, #tpu.memory_space<hbm>>
      tpu.enqueue_indirect_dma source(%dma_start3A_191 : memref<100000x32xf32, #tpu.memory_space<hbm>>) target(%dma_start3A_185 : memref<128x32xf32, #tpu.memory_space<vmem>>) offsets(%dma_start3A_188 : memref<128xi32, #tpu.memory_space<vmem>>) semaphore(%arg12 : memref<!tpu.dma_semaphore, #tpu.memory_space<semaphore_mem>>)
      %mul3A_192 = arith.constant 2 : i32
      %mul3A_193 = arith.muli %mul3A_192, %scan3A_26 : i32
      %add3A_194 = arith.constant 2 : i32
      %add3A_195 = arith.addi %mul3A_193, %add3A_194 : i32
      %mul3A_196 = arith.constant 4 : i32
      %mul3A_197 = arith.muli %add3A_195, %mul3A_196 : i32
      %min3A = arith.constant 384 : i32
      %min3A_198 = arith.minsi %mul3A_197, %min3A : i32
      %add3A_199 = arith.addi %add3A_12, %min3A_198 : i32
      "tpu.region"() ({
        %run_scoped3A_257 = tpu.sem_alloc : memref<!tpu.dma_semaphore, #tpu.memory_space<semaphore_mem>>
        %dma_start3A_258 = arith.constant 0 : i32
        %dma_start3A_259 = tpu.memref_slice %arg3[%add3A_199, %dma_start3A_258] : memref<12544x128xi32, #tpu.memory_space<hbm>> -> memref<4x128xi32, #tpu.memory_space<hbm>>
        %dma_start3A_260 = arith.constant 0 : i32
        %dma_start3A_261 = tpu.memref_slice %arg3[%add3A_199, %dma_start3A_260] : memref<12544x128xi32, #tpu.memory_space<hbm>> -> memref<4x128xi32, #tpu.memory_space<hbm>>
        tpu.enqueue_dma source(%dma_start3A_261 : memref<4x128xi32, #tpu.memory_space<hbm>>) target(%arg6 : memref<4x128xi32, #tpu.memory_space<vmem>>) target_semaphore(%run_scoped3A_257 : memref<!tpu.dma_semaphore, #tpu.memory_space<semaphore_mem>>)
        %dma_wait3A_262 = arith.constant 0 : i32
        %dma_wait3A_263 = tpu.memref_slice %arg3[%add3A_199, %dma_wait3A_262] : memref<12544x128xi32, #tpu.memory_space<hbm>> -> memref<4x128xi32, #tpu.memory_space<hbm>>
        %dma_wait3A_264 = arith.constant 0 : i32
        %dma_wait3A_265 = tpu.memref_slice %arg3[%add3A_199, %dma_wait3A_264] : memref<12544x128xi32, #tpu.memory_space<hbm>> -> memref<4x128xi32, #tpu.memory_space<hbm>>
        tpu.wait_dma2 semaphore(%run_scoped3A_257 : memref<!tpu.dma_semaphore, #tpu.memory_space<semaphore_mem>>) src(%dma_wait3A_265 : memref<4x128xi32, #tpu.memory_space<hbm>>) dst(%arg6 : memref<4x128xi32, #tpu.memory_space<vmem>>)
        tpu.yield
      }) : () -> ()
      %add3A_200 = arith.addi %mul3A_14, %min3A_198 : i32
      "tpu.region"() ({
        %run_scoped3A_257 = tpu.sem_alloc : memref<!tpu.dma_semaphore, #tpu.memory_space<semaphore_mem>>
        %dma_start3A_258 = arith.constant 0 : i32
        %dma_start3A_259 = tpu.memref_slice %arg4[%add3A_200, %dma_start3A_258] : memref<6272x128xi32, #tpu.memory_space<hbm>> -> memref<4x128xi32, #tpu.memory_space<hbm>>
        %dma_start3A_260 = arith.constant 0 : i32
        %dma_start3A_261 = tpu.memref_slice %arg4[%add3A_200, %dma_start3A_260] : memref<6272x128xi32, #tpu.memory_space<hbm>> -> memref<4x128xi32, #tpu.memory_space<hbm>>
        tpu.enqueue_dma source(%dma_start3A_261 : memref<4x128xi32, #tpu.memory_space<hbm>>) target(%arg7 : memref<4x128xi32, #tpu.memory_space<vmem>>) target_semaphore(%run_scoped3A_257 : memref<!tpu.dma_semaphore, #tpu.memory_space<semaphore_mem>>)
        %dma_wait3A_262 = arith.constant 0 : i32
        %dma_wait3A_263 = tpu.memref_slice %arg4[%add3A_200, %dma_wait3A_262] : memref<6272x128xi32, #tpu.memory_space<hbm>> -> memref<4x128xi32, #tpu.memory_space<hbm>>
        %dma_wait3A_264 = arith.constant 0 : i32
        %dma_wait3A_265 = tpu.memref_slice %arg4[%add3A_200, %dma_wait3A_264] : memref<6272x128xi32, #tpu.memory_space<hbm>> -> memref<4x128xi32, #tpu.memory_space<hbm>>
        tpu.wait_dma2 semaphore(%run_scoped3A_257 : memref<!tpu.dma_semaphore, #tpu.memory_space<semaphore_mem>>) src(%dma_wait3A_265 : memref<4x128xi32, #tpu.memory_space<hbm>>) dst(%arg7 : memref<4x128xi32, #tpu.memory_space<vmem>>)
        tpu.yield
      }) : () -> ()
      %dma_wait3A_201 = arith.constant 0 : i32
      %dma_wait3A_202 = arith.constant 0 : i32
      %dma_wait3A_203 = arith.constant 0 : i32
      %dma_wait3A_204 = arith.constant 0 : i32
      %dma_wait3A_205 = tpu.memref_slice %arg10[%dma_wait3A_202, %dma_wait3A_203, %dma_wait3A_204] : memref<4x128x32xf32, #tpu.memory_space<vmem>> -> memref<1x128x32xf32, #tpu.memory_space<vmem>>
      %dma_wait3A_206 = tpu.memref_squeeze %dma_wait3A_205 : memref<1x128x32xf32, #tpu.memory_space<vmem>> -> memref<128x32xf32, #tpu.memory_space<vmem>>
      %dma_wait3A_207 = arith.constant 0 : i32
      %dma_wait3A_208 = tpu.memref_slice %arg8[%dma_wait3A_201, %dma_wait3A_207] : memref<4x128xi32, #tpu.memory_space<vmem>> -> memref<1x128xi32, #tpu.memory_space<vmem>>
      %dma_wait3A_209 = tpu.memref_squeeze %dma_wait3A_208 : memref<1x128xi32, #tpu.memory_space<vmem>> -> memref<128xi32, #tpu.memory_space<vmem>>
      %dma_wait3A_210 = arith.constant 0 : i32
      %dma_wait3A_211 = arith.constant 0 : i32
      %dma_wait3A_212 = tpu.memref_slice %arg2[%dma_wait3A_210, %dma_wait3A_211] : memref<100000x32xf32, #tpu.memory_space<hbm>> -> memref<100000x32xf32, #tpu.memory_space<hbm>>
      tpu.wait_indirect_dma semaphore(%arg12 : memref<!tpu.dma_semaphore, #tpu.memory_space<semaphore_mem>>) src(%dma_wait3A_212 : memref<100000x32xf32, #tpu.memory_space<hbm>>) dst(%dma_wait3A_206 : memref<128x32xf32, #tpu.memory_space<vmem>>)
      %run_scoped3A_213 = arith.constant 0 : i32
      %run_scoped3A_214 = arith.constant 0 : i32
      "tpu.region"() ({
        %run_scoped3A_257 = tpu.sem_alloc : memref<!tpu.dma_semaphore, #tpu.memory_space<semaphore_mem>>
        %dma_start3A_258 = arith.constant 0 : i32
        %dma_start3A_259 = arith.constant 0 : i32
        %dma_start3A_260 = tpu.memref_slice %arg10[%run_scoped3A_213, %dma_start3A_258, %dma_start3A_259] : memref<4x128x32xf32, #tpu.memory_space<vmem>> -> memref<1x128x32xf32, #tpu.memory_space<vmem>>
        %dma_start3A_261 = tpu.memref_squeeze %dma_start3A_260 : memref<1x128x32xf32, #tpu.memory_space<vmem>> -> memref<128x32xf32, #tpu.memory_space<vmem>>
        %dma_start3A_262 = arith.constant 0 : i32
        %dma_start3A_263 = tpu.memref_slice %arg9[%run_scoped3A_214, %dma_start3A_262] : memref<4x128xi32, #tpu.memory_space<vmem>> -> memref<1x128xi32, #tpu.memory_space<vmem>>
        %dma_start3A_264 = tpu.memref_squeeze %dma_start3A_263 : memref<1x128xi32, #tpu.memory_space<vmem>> -> memref<128xi32, #tpu.memory_space<vmem>>
        %dma_start3A_265 = arith.constant 0 : i32
        %dma_start3A_266 = arith.constant 0 : i32
        %dma_start3A_267 = tpu.memref_slice %arg11[%dma_start3A_265, %dma_start3A_266] : memref<50008x32xf32, #tpu.memory_space<vmem_shared>> -> memref<50008x32xf32, #tpu.memory_space<vmem_shared>>
        tpu.enqueue_indirect_dma source(%dma_start3A_261 : memref<128x32xf32, #tpu.memory_space<vmem>>) target(%dma_start3A_267 : memref<50008x32xf32, #tpu.memory_space<vmem_shared>>) offsets(%dma_start3A_264 : memref<128xi32, #tpu.memory_space<vmem>>) semaphore(%run_scoped3A_257 : memref<!tpu.dma_semaphore, #tpu.memory_space<semaphore_mem>>) {add = true}
        %dma_wait3A_268 = arith.constant 0 : i32
        %dma_wait3A_269 = arith.constant 0 : i32
        %dma_wait3A_270 = tpu.memref_slice %arg10[%run_scoped3A_213, %dma_wait3A_268, %dma_wait3A_269] : memref<4x128x32xf32, #tpu.memory_space<vmem>> -> memref<1x128x32xf32, #tpu.memory_space<vmem>>
        %dma_wait3A_271 = tpu.memref_squeeze %dma_wait3A_270 : memref<1x128x32xf32, #tpu.memory_space<vmem>> -> memref<128x32xf32, #tpu.memory_space<vmem>>
        %dma_wait3A_272 = arith.constant 0 : i32
        %dma_wait3A_273 = tpu.memref_slice %arg9[%run_scoped3A_214, %dma_wait3A_272] : memref<4x128xi32, #tpu.memory_space<vmem>> -> memref<1x128xi32, #tpu.memory_space<vmem>>
        %dma_wait3A_274 = tpu.memref_squeeze %dma_wait3A_273 : memref<1x128xi32, #tpu.memory_space<vmem>> -> memref<128xi32, #tpu.memory_space<vmem>>
        %dma_wait3A_275 = arith.constant 0 : i32
        %dma_wait3A_276 = arith.constant 0 : i32
        %dma_wait3A_277 = tpu.memref_slice %arg11[%dma_wait3A_275, %dma_wait3A_276] : memref<50008x32xf32, #tpu.memory_space<vmem_shared>> -> memref<50008x32xf32, #tpu.memory_space<vmem_shared>>
        tpu.wait_indirect_dma semaphore(%run_scoped3A_257 : memref<!tpu.dma_semaphore, #tpu.memory_space<semaphore_mem>>) src(%dma_wait3A_271 : memref<128x32xf32, #tpu.memory_space<vmem>>) dst(%dma_wait3A_277 : memref<50008x32xf32, #tpu.memory_space<vmem_shared>>)
        tpu.yield
      }) : () -> ()
      %dma_wait3A_215 = arith.constant 1 : i32
      %dma_wait3A_216 = arith.constant 1 : i32
      %dma_wait3A_217 = arith.constant 0 : i32
      %dma_wait3A_218 = arith.constant 0 : i32
      %dma_wait3A_219 = tpu.memref_slice %arg10[%dma_wait3A_216, %dma_wait3A_217, %dma_wait3A_218] : memref<4x128x32xf32, #tpu.memory_space<vmem>> -> memref<1x128x32xf32, #tpu.memory_space<vmem>>
      %dma_wait3A_220 = tpu.memref_squeeze %dma_wait3A_219 : memref<1x128x32xf32, #tpu.memory_space<vmem>> -> memref<128x32xf32, #tpu.memory_space<vmem>>
      %dma_wait3A_221 = arith.constant 0 : i32
      %dma_wait3A_222 = tpu.memref_slice %arg8[%dma_wait3A_215, %dma_wait3A_221] : memref<4x128xi32, #tpu.memory_space<vmem>> -> memref<1x128xi32, #tpu.memory_space<vmem>>
      %dma_wait3A_223 = tpu.memref_squeeze %dma_wait3A_222 : memref<1x128xi32, #tpu.memory_space<vmem>> -> memref<128xi32, #tpu.memory_space<vmem>>
      %dma_wait3A_224 = arith.constant 0 : i32
      %dma_wait3A_225 = arith.constant 0 : i32
      %dma_wait3A_226 = tpu.memref_slice %arg2[%dma_wait3A_224, %dma_wait3A_225] : memref<100000x32xf32, #tpu.memory_space<hbm>> -> memref<100000x32xf32, #tpu.memory_space<hbm>>
      tpu.wait_indirect_dma semaphore(%arg12 : memref<!tpu.dma_semaphore, #tpu.memory_space<semaphore_mem>>) src(%dma_wait3A_226 : memref<100000x32xf32, #tpu.memory_space<hbm>>) dst(%dma_wait3A_220 : memref<128x32xf32, #tpu.memory_space<vmem>>)
      %run_scoped3A_227 = arith.constant 1 : i32
      %run_scoped3A_228 = arith.constant 1 : i32
      "tpu.region"() ({
        %run_scoped3A_257 = tpu.sem_alloc : memref<!tpu.dma_semaphore, #tpu.memory_space<semaphore_mem>>
        %dma_start3A_258 = arith.constant 0 : i32
        %dma_start3A_259 = arith.constant 0 : i32
        %dma_start3A_260 = tpu.memref_slice %arg10[%run_scoped3A_227, %dma_start3A_258, %dma_start3A_259] : memref<4x128x32xf32, #tpu.memory_space<vmem>> -> memref<1x128x32xf32, #tpu.memory_space<vmem>>
        %dma_start3A_261 = tpu.memref_squeeze %dma_start3A_260 : memref<1x128x32xf32, #tpu.memory_space<vmem>> -> memref<128x32xf32, #tpu.memory_space<vmem>>
        %dma_start3A_262 = arith.constant 0 : i32
        %dma_start3A_263 = tpu.memref_slice %arg9[%run_scoped3A_228, %dma_start3A_262] : memref<4x128xi32, #tpu.memory_space<vmem>> -> memref<1x128xi32, #tpu.memory_space<vmem>>
        %dma_start3A_264 = tpu.memref_squeeze %dma_start3A_263 : memref<1x128xi32, #tpu.memory_space<vmem>> -> memref<128xi32, #tpu.memory_space<vmem>>
        %dma_start3A_265 = arith.constant 0 : i32
        %dma_start3A_266 = arith.constant 0 : i32
        %dma_start3A_267 = tpu.memref_slice %arg11[%dma_start3A_265, %dma_start3A_266] : memref<50008x32xf32, #tpu.memory_space<vmem_shared>> -> memref<50008x32xf32, #tpu.memory_space<vmem_shared>>
        tpu.enqueue_indirect_dma source(%dma_start3A_261 : memref<128x32xf32, #tpu.memory_space<vmem>>) target(%dma_start3A_267 : memref<50008x32xf32, #tpu.memory_space<vmem_shared>>) offsets(%dma_start3A_264 : memref<128xi32, #tpu.memory_space<vmem>>) semaphore(%run_scoped3A_257 : memref<!tpu.dma_semaphore, #tpu.memory_space<semaphore_mem>>) {add = true}
        %dma_wait3A_268 = arith.constant 0 : i32
        %dma_wait3A_269 = arith.constant 0 : i32
        %dma_wait3A_270 = tpu.memref_slice %arg10[%run_scoped3A_227, %dma_wait3A_268, %dma_wait3A_269] : memref<4x128x32xf32, #tpu.memory_space<vmem>> -> memref<1x128x32xf32, #tpu.memory_space<vmem>>
        %dma_wait3A_271 = tpu.memref_squeeze %dma_wait3A_270 : memref<1x128x32xf32, #tpu.memory_space<vmem>> -> memref<128x32xf32, #tpu.memory_space<vmem>>
        %dma_wait3A_272 = arith.constant 0 : i32
        %dma_wait3A_273 = tpu.memref_slice %arg9[%run_scoped3A_228, %dma_wait3A_272] : memref<4x128xi32, #tpu.memory_space<vmem>> -> memref<1x128xi32, #tpu.memory_space<vmem>>
        %dma_wait3A_274 = tpu.memref_squeeze %dma_wait3A_273 : memref<1x128xi32, #tpu.memory_space<vmem>> -> memref<128xi32, #tpu.memory_space<vmem>>
        %dma_wait3A_275 = arith.constant 0 : i32
        %dma_wait3A_276 = arith.constant 0 : i32
        %dma_wait3A_277 = tpu.memref_slice %arg11[%dma_wait3A_275, %dma_wait3A_276] : memref<50008x32xf32, #tpu.memory_space<vmem_shared>> -> memref<50008x32xf32, #tpu.memory_space<vmem_shared>>
        tpu.wait_indirect_dma semaphore(%run_scoped3A_257 : memref<!tpu.dma_semaphore, #tpu.memory_space<semaphore_mem>>) src(%dma_wait3A_271 : memref<128x32xf32, #tpu.memory_space<vmem>>) dst(%dma_wait3A_277 : memref<50008x32xf32, #tpu.memory_space<vmem_shared>>)
        tpu.yield
      }) : () -> ()
      %dma_wait3A_229 = arith.constant 2 : i32
      %dma_wait3A_230 = arith.constant 2 : i32
      %dma_wait3A_231 = arith.constant 0 : i32
      %dma_wait3A_232 = arith.constant 0 : i32
      %dma_wait3A_233 = tpu.memref_slice %arg10[%dma_wait3A_230, %dma_wait3A_231, %dma_wait3A_232] : memref<4x128x32xf32, #tpu.memory_space<vmem>> -> memref<1x128x32xf32, #tpu.memory_space<vmem>>
      %dma_wait3A_234 = tpu.memref_squeeze %dma_wait3A_233 : memref<1x128x32xf32, #tpu.memory_space<vmem>> -> memref<128x32xf32, #tpu.memory_space<vmem>>
      %dma_wait3A_235 = arith.constant 0 : i32
      %dma_wait3A_236 = tpu.memref_slice %arg8[%dma_wait3A_229, %dma_wait3A_235] : memref<4x128xi32, #tpu.memory_space<vmem>> -> memref<1x128xi32, #tpu.memory_space<vmem>>
      %dma_wait3A_237 = tpu.memref_squeeze %dma_wait3A_236 : memref<1x128xi32, #tpu.memory_space<vmem>> -> memref<128xi32, #tpu.memory_space<vmem>>
      %dma_wait3A_238 = arith.constant 0 : i32
      %dma_wait3A_239 = arith.constant 0 : i32
      %dma_wait3A_240 = tpu.memref_slice %arg2[%dma_wait3A_238, %dma_wait3A_239] : memref<100000x32xf32, #tpu.memory_space<hbm>> -> memref<100000x32xf32, #tpu.memory_space<hbm>>
      tpu.wait_indirect_dma semaphore(%arg12 : memref<!tpu.dma_semaphore, #tpu.memory_space<semaphore_mem>>) src(%dma_wait3A_240 : memref<100000x32xf32, #tpu.memory_space<hbm>>) dst(%dma_wait3A_234 : memref<128x32xf32, #tpu.memory_space<vmem>>)
      %run_scoped3A_241 = arith.constant 2 : i32
      %run_scoped3A_242 = arith.constant 2 : i32
      "tpu.region"() ({
        %run_scoped3A_257 = tpu.sem_alloc : memref<!tpu.dma_semaphore, #tpu.memory_space<semaphore_mem>>
        %dma_start3A_258 = arith.constant 0 : i32
        %dma_start3A_259 = arith.constant 0 : i32
        %dma_start3A_260 = tpu.memref_slice %arg10[%run_scoped3A_241, %dma_start3A_258, %dma_start3A_259] : memref<4x128x32xf32, #tpu.memory_space<vmem>> -> memref<1x128x32xf32, #tpu.memory_space<vmem>>
        %dma_start3A_261 = tpu.memref_squeeze %dma_start3A_260 : memref<1x128x32xf32, #tpu.memory_space<vmem>> -> memref<128x32xf32, #tpu.memory_space<vmem>>
        %dma_start3A_262 = arith.constant 0 : i32
        %dma_start3A_263 = tpu.memref_slice %arg9[%run_scoped3A_242, %dma_start3A_262] : memref<4x128xi32, #tpu.memory_space<vmem>> -> memref<1x128xi32, #tpu.memory_space<vmem>>
        %dma_start3A_264 = tpu.memref_squeeze %dma_start3A_263 : memref<1x128xi32, #tpu.memory_space<vmem>> -> memref<128xi32, #tpu.memory_space<vmem>>
        %dma_start3A_265 = arith.constant 0 : i32
        %dma_start3A_266 = arith.constant 0 : i32
        %dma_start3A_267 = tpu.memref_slice %arg11[%dma_start3A_265, %dma_start3A_266] : memref<50008x32xf32, #tpu.memory_space<vmem_shared>> -> memref<50008x32xf32, #tpu.memory_space<vmem_shared>>
        tpu.enqueue_indirect_dma source(%dma_start3A_261 : memref<128x32xf32, #tpu.memory_space<vmem>>) target(%dma_start3A_267 : memref<50008x32xf32, #tpu.memory_space<vmem_shared>>) offsets(%dma_start3A_264 : memref<128xi32, #tpu.memory_space<vmem>>) semaphore(%run_scoped3A_257 : memref<!tpu.dma_semaphore, #tpu.memory_space<semaphore_mem>>) {add = true}
        %dma_wait3A_268 = arith.constant 0 : i32
        %dma_wait3A_269 = arith.constant 0 : i32
        %dma_wait3A_270 = tpu.memref_slice %arg10[%run_scoped3A_241, %dma_wait3A_268, %dma_wait3A_269] : memref<4x128x32xf32, #tpu.memory_space<vmem>> -> memref<1x128x32xf32, #tpu.memory_space<vmem>>
        %dma_wait3A_271 = tpu.memref_squeeze %dma_wait3A_270 : memref<1x128x32xf32, #tpu.memory_space<vmem>> -> memref<128x32xf32, #tpu.memory_space<vmem>>
        %dma_wait3A_272 = arith.constant 0 : i32
        %dma_wait3A_273 = tpu.memref_slice %arg9[%run_scoped3A_242, %dma_wait3A_272] : memref<4x128xi32, #tpu.memory_space<vmem>> -> memref<1x128xi32, #tpu.memory_space<vmem>>
        %dma_wait3A_274 = tpu.memref_squeeze %dma_wait3A_273 : memref<1x128xi32, #tpu.memory_space<vmem>> -> memref<128xi32, #tpu.memory_space<vmem>>
        %dma_wait3A_275 = arith.constant 0 : i32
        %dma_wait3A_276 = arith.constant 0 : i32
        %dma_wait3A_277 = tpu.memref_slice %arg11[%dma_wait3A_275, %dma_wait3A_276] : memref<50008x32xf32, #tpu.memory_space<vmem_shared>> -> memref<50008x32xf32, #tpu.memory_space<vmem_shared>>
        tpu.wait_indirect_dma semaphore(%run_scoped3A_257 : memref<!tpu.dma_semaphore, #tpu.memory_space<semaphore_mem>>) src(%dma_wait3A_271 : memref<128x32xf32, #tpu.memory_space<vmem>>) dst(%dma_wait3A_277 : memref<50008x32xf32, #tpu.memory_space<vmem_shared>>)
        tpu.yield
      }) : () -> ()
      %dma_wait3A_243 = arith.constant 3 : i32
      %dma_wait3A_244 = arith.constant 3 : i32
      %dma_wait3A_245 = arith.constant 0 : i32
      %dma_wait3A_246 = arith.constant 0 : i32
      %dma_wait3A_247 = tpu.memref_slice %arg10[%dma_wait3A_244, %dma_wait3A_245, %dma_wait3A_246] : memref<4x128x32xf32, #tpu.memory_space<vmem>> -> memref<1x128x32xf32, #tpu.memory_space<vmem>>
      %dma_wait3A_248 = tpu.memref_squeeze %dma_wait3A_247 : memref<1x128x32xf32, #tpu.memory_space<vmem>> -> memref<128x32xf32, #tpu.memory_space<vmem>>
      %dma_wait3A_249 = arith.constant 0 : i32
      %dma_wait3A_250 = tpu.memref_slice %arg8[%dma_wait3A_243, %dma_wait3A_249] : memref<4x128xi32, #tpu.memory_space<vmem>> -> memref<1x128xi32, #tpu.memory_space<vmem>>
      %dma_wait3A_251 = tpu.memref_squeeze %dma_wait3A_250 : memref<1x128xi32, #tpu.memory_space<vmem>> -> memref<128xi32, #tpu.memory_space<vmem>>
      %dma_wait3A_252 = arith.constant 0 : i32
      %dma_wait3A_253 = arith.constant 0 : i32
      %dma_wait3A_254 = tpu.memref_slice %arg2[%dma_wait3A_252, %dma_wait3A_253] : memref<100000x32xf32, #tpu.memory_space<hbm>> -> memref<100000x32xf32, #tpu.memory_space<hbm>>
      tpu.wait_indirect_dma semaphore(%arg12 : memref<!tpu.dma_semaphore, #tpu.memory_space<semaphore_mem>>) src(%dma_wait3A_254 : memref<100000x32xf32, #tpu.memory_space<hbm>>) dst(%dma_wait3A_248 : memref<128x32xf32, #tpu.memory_space<vmem>>)
      %run_scoped3A_255 = arith.constant 3 : i32
      %run_scoped3A_256 = arith.constant 3 : i32
      "tpu.region"() ({
        %run_scoped3A_257 = tpu.sem_alloc : memref<!tpu.dma_semaphore, #tpu.memory_space<semaphore_mem>>
        %dma_start3A_258 = arith.constant 0 : i32
        %dma_start3A_259 = arith.constant 0 : i32
        %dma_start3A_260 = tpu.memref_slice %arg10[%run_scoped3A_255, %dma_start3A_258, %dma_start3A_259] : memref<4x128x32xf32, #tpu.memory_space<vmem>> -> memref<1x128x32xf32, #tpu.memory_space<vmem>>
        %dma_start3A_261 = tpu.memref_squeeze %dma_start3A_260 : memref<1x128x32xf32, #tpu.memory_space<vmem>> -> memref<128x32xf32, #tpu.memory_space<vmem>>
        %dma_start3A_262 = arith.constant 0 : i32
        %dma_start3A_263 = tpu.memref_slice %arg9[%run_scoped3A_256, %dma_start3A_262] : memref<4x128xi32, #tpu.memory_space<vmem>> -> memref<1x128xi32, #tpu.memory_space<vmem>>
        %dma_start3A_264 = tpu.memref_squeeze %dma_start3A_263 : memref<1x128xi32, #tpu.memory_space<vmem>> -> memref<128xi32, #tpu.memory_space<vmem>>
        %dma_start3A_265 = arith.constant 0 : i32
        %dma_start3A_266 = arith.constant 0 : i32
        %dma_start3A_267 = tpu.memref_slice %arg11[%dma_start3A_265, %dma_start3A_266] : memref<50008x32xf32, #tpu.memory_space<vmem_shared>> -> memref<50008x32xf32, #tpu.memory_space<vmem_shared>>
        tpu.enqueue_indirect_dma source(%dma_start3A_261 : memref<128x32xf32, #tpu.memory_space<vmem>>) target(%dma_start3A_267 : memref<50008x32xf32, #tpu.memory_space<vmem_shared>>) offsets(%dma_start3A_264 : memref<128xi32, #tpu.memory_space<vmem>>) semaphore(%run_scoped3A_257 : memref<!tpu.dma_semaphore, #tpu.memory_space<semaphore_mem>>) {add = true}
        %dma_wait3A_268 = arith.constant 0 : i32
        %dma_wait3A_269 = arith.constant 0 : i32
        %dma_wait3A_270 = tpu.memref_slice %arg10[%run_scoped3A_255, %dma_wait3A_268, %dma_wait3A_269] : memref<4x128x32xf32, #tpu.memory_space<vmem>> -> memref<1x128x32xf32, #tpu.memory_space<vmem>>
        %dma_wait3A_271 = tpu.memref_squeeze %dma_wait3A_270 : memref<1x128x32xf32, #tpu.memory_space<vmem>> -> memref<128x32xf32, #tpu.memory_space<vmem>>
        %dma_wait3A_272 = arith.constant 0 : i32
        %dma_wait3A_273 = tpu.memref_slice %arg9[%run_scoped3A_256, %dma_wait3A_272] : memref<4x128xi32, #tpu.memory_space<vmem>> -> memref<1x128xi32, #tpu.memory_space<vmem>>
        %dma_wait3A_274 = tpu.memref_squeeze %dma_wait3A_273 : memref<1x128xi32, #tpu.memory_space<vmem>> -> memref<128xi32, #tpu.memory_space<vmem>>
        %dma_wait3A_275 = arith.constant 0 : i32
        %dma_wait3A_276 = arith.constant 0 : i32
        %dma_wait3A_277 = tpu.memref_slice %arg11[%dma_wait3A_275, %dma_wait3A_276] : memref<50008x32xf32, #tpu.memory_space<vmem_shared>> -> memref<50008x32xf32, #tpu.memory_space<vmem_shared>>
        tpu.wait_indirect_dma semaphore(%run_scoped3A_257 : memref<!tpu.dma_semaphore, #tpu.memory_space<semaphore_mem>>) src(%dma_wait3A_271 : memref<128x32xf32, #tpu.memory_space<vmem>>) dst(%dma_wait3A_277 : memref<50008x32xf32, #tpu.memory_space<vmem_shared>>)
        tpu.yield
      }) : () -> ()
    }
    %scan3A_22 = arith.constant 49 : i32
    %barrier3A_23 = arith.constant 0 : index
    tpu.barrier barrier_id(%barrier3A_23)
    %mul3A_24 = arith.constant 3125 : i32
    %mul3A_25 = arith.muli %arg1, %mul3A_24 : i32
    "tpu.region"() ({
      %run_scoped3A = tpu.sem_alloc : memref<!tpu.dma_semaphore, #tpu.memory_space<semaphore_mem>>
      %dma_start3A_26 = arith.constant 0 : i32
      %dma_start3A_27 = tpu.memref_slice %arg5[%add3A, %dma_start3A_26] : memref<100000x32xf32, #tpu.memory_space<hbm>> -> memref<3125x32xf32, #tpu.memory_space<hbm>>
      %dma_start3A_28 = arith.constant 0 : i32
      %dma_start3A_29 = tpu.memref_slice %arg11[%mul3A_25, %dma_start3A_28] : memref<50008x32xf32, #tpu.memory_space<vmem_shared>> -> memref<3125x32xf32, #tpu.memory_space<vmem_shared>>
      tpu.enqueue_dma source(%dma_start3A_29 : memref<3125x32xf32, #tpu.memory_space<vmem_shared>>) target(%dma_start3A_27 : memref<3125x32xf32, #tpu.memory_space<hbm>>) target_semaphore(%run_scoped3A : memref<!tpu.dma_semaphore, #tpu.memory_space<semaphore_mem>>)
      %dma_wait3A_30 = arith.constant 0 : i32
      %dma_wait3A_31 = tpu.memref_slice %arg5[%add3A, %dma_wait3A_30] : memref<100000x32xf32, #tpu.memory_space<hbm>> -> memref<3125x32xf32, #tpu.memory_space<hbm>>
      %dma_wait3A_32 = arith.constant 0 : i32
      %dma_wait3A_33 = tpu.memref_slice %arg11[%mul3A_25, %dma_wait3A_32] : memref<50008x32xf32, #tpu.memory_space<vmem_shared>> -> memref<3125x32xf32, #tpu.memory_space<vmem_shared>>
      tpu.wait_dma2 semaphore(%run_scoped3A : memref<!tpu.dma_semaphore, #tpu.memory_space<semaphore_mem>>) src(%dma_wait3A_33 : memref<3125x32xf32, #tpu.memory_space<vmem_shared>>) dst(%dma_wait3A_31 : memref<3125x32xf32, #tpu.memory_space<hbm>>)
      tpu.yield
    }) : () -> ()
    return
  }
}

#map = affine_map<(d0, d1) -> (0, 0)>
module attributes {stable_mosaic.version = 14 : i64} {
  func.func @_agg_body(%arg0: i32, %arg1: i32, %arg2: memref<100000x32xf32, #tpu.memory_space<hbm>>, %arg3: memref<12544x128xi32, #tpu.memory_space<hbm>>, %arg4: memref<6272x128xi32, #tpu.memory_space<hbm>>, %arg5: memref<100000x32xf32, #tpu.memory_space<hbm>>, %arg6: memref<4x128xi32, #tpu.memory_space<vmem>>, %arg7: memref<4x128xi32, #tpu.memory_space<vmem>>, %arg8: memref<4x128xi32, #tpu.memory_space<vmem>>, %arg9: memref<4x128xi32, #tpu.memory_space<vmem>>, %arg10: memref<4x128x32xf32, #tpu.memory_space<vmem>>, %arg11: memref<50008x32xf32, #tpu.memory_space<vmem_shared>>, %arg12: memref<!tpu.dma_semaphore, #tpu.memory_space<semaphore_mem>>) attributes {dimension_semantics = [#tpu.dimension_semantics<core_parallel>, #tpu.dimension_semantics<subcore_parallel>], iteration_bounds = array<i64: 2, 16>, scalar_prefetch = 0 : i64, scratch_operands = 7 : i64, tpu.core_type = #tpu.core_type<sc_vector_subcore>, window_params = [{transform_indices = #map}, {transform_indices = #map}, {transform_indices = #map}, {transform_indices = #map}]} {
    %mul3A = arith.constant 50000 : i32
    %mul3A_0 = arith.muli %arg0, %mul3A : i32
    %mul3A_1 = arith.constant 3125 : i32
    %mul3A_2 = arith.muli %arg1, %mul3A_1 : i32
    %add3A = arith.addi %mul3A_0, %mul3A_2 : i32
    %mul3A_3 = arith.constant 3125 : i32
    %mul3A_4 = arith.muli %arg1, %mul3A_3 : i32
    %dma_start3A = arith.constant 0 : i32
    %dma_start3A_5 = tpu.memref_slice %arg11[%mul3A_4, %dma_start3A] : memref<50008x32xf32, #tpu.memory_space<vmem_shared>> -> memref<3125x32xf32, #tpu.memory_space<vmem_shared>>
    %dma_start3A_6 = arith.constant 0 : i32
    %dma_start3A_7 = tpu.memref_slice %arg2[%add3A, %dma_start3A_6] : memref<100000x32xf32, #tpu.memory_space<hbm>> -> memref<3125x32xf32, #tpu.memory_space<hbm>>
    tpu.enqueue_dma source(%dma_start3A_7 : memref<3125x32xf32, #tpu.memory_space<hbm>>) target(%dma_start3A_5 : memref<3125x32xf32, #tpu.memory_space<vmem_shared>>) target_semaphore(%arg12 : memref<!tpu.dma_semaphore, #tpu.memory_space<semaphore_mem>>)
    %mul3A_8 = arith.constant 6272 : i32
    %mul3A_9 = arith.muli %arg0, %mul3A_8 : i32
    %mul3A_10 = arith.constant 392 : i32
    %mul3A_11 = arith.muli %arg1, %mul3A_10 : i32
    %add3A_12 = arith.addi %mul3A_9, %mul3A_11 : i32
    %mul3A_13 = arith.constant 392 : i32
    %mul3A_14 = arith.muli %arg1, %mul3A_13 : i32
    "tpu.region"() ({
      %run_scoped3A = tpu.sem_alloc : memref<!tpu.dma_semaphore, #tpu.memory_space<semaphore_mem>>
      %dma_start3A_26 = arith.constant 0 : i32
      %dma_start3A_27 = tpu.memref_slice %arg3[%add3A_12, %dma_start3A_26] : memref<12544x128xi32, #tpu.memory_space<hbm>> -> memref<4x128xi32, #tpu.memory_space<hbm>>
      %dma_start3A_28 = arith.constant 0 : i32
      %dma_start3A_29 = tpu.memref_slice %arg3[%add3A_12, %dma_start3A_28] : memref<12544x128xi32, #tpu.memory_space<hbm>> -> memref<4x128xi32, #tpu.memory_space<hbm>>
      tpu.enqueue_dma source(%dma_start3A_29 : memref<4x128xi32, #tpu.memory_space<hbm>>) target(%arg6 : memref<4x128xi32, #tpu.memory_space<vmem>>) target_semaphore(%run_scoped3A : memref<!tpu.dma_semaphore, #tpu.memory_space<semaphore_mem>>)
      %dma_wait3A_30 = arith.constant 0 : i32
      %dma_wait3A_31 = tpu.memref_slice %arg3[%add3A_12, %dma_wait3A_30] : memref<12544x128xi32, #tpu.memory_space<hbm>> -> memref<4x128xi32, #tpu.memory_space<hbm>>
      %dma_wait3A_32 = arith.constant 0 : i32
      %dma_wait3A_33 = tpu.memref_slice %arg3[%add3A_12, %dma_wait3A_32] : memref<12544x128xi32, #tpu.memory_space<hbm>> -> memref<4x128xi32, #tpu.memory_space<hbm>>
      tpu.wait_dma2 semaphore(%run_scoped3A : memref<!tpu.dma_semaphore, #tpu.memory_space<semaphore_mem>>) src(%dma_wait3A_33 : memref<4x128xi32, #tpu.memory_space<hbm>>) dst(%arg6 : memref<4x128xi32, #tpu.memory_space<vmem>>)
      tpu.yield
    }) : () -> ()
    "tpu.region"() ({
      %run_scoped3A = tpu.sem_alloc : memref<!tpu.dma_semaphore, #tpu.memory_space<semaphore_mem>>
      %dma_start3A_26 = arith.constant 0 : i32
      %dma_start3A_27 = tpu.memref_slice %arg4[%mul3A_14, %dma_start3A_26] : memref<6272x128xi32, #tpu.memory_space<hbm>> -> memref<4x128xi32, #tpu.memory_space<hbm>>
      %dma_start3A_28 = arith.constant 0 : i32
      %dma_start3A_29 = tpu.memref_slice %arg4[%mul3A_14, %dma_start3A_28] : memref<6272x128xi32, #tpu.memory_space<hbm>> -> memref<4x128xi32, #tpu.memory_space<hbm>>
      tpu.enqueue_dma source(%dma_start3A_29 : memref<4x128xi32, #tpu.memory_space<hbm>>) target(%arg7 : memref<4x128xi32, #tpu.memory_space<vmem>>) target_semaphore(%run_scoped3A : memref<!tpu.dma_semaphore, #tpu.memory_space<semaphore_mem>>)
      %dma_wait3A_30 = arith.constant 0 : i32
      %dma_wait3A_31 = tpu.memref_slice %arg4[%mul3A_14, %dma_wait3A_30] : memref<6272x128xi32, #tpu.memory_space<hbm>> -> memref<4x128xi32, #tpu.memory_space<hbm>>
      %dma_wait3A_32 = arith.constant 0 : i32
      %dma_wait3A_33 = tpu.memref_slice %arg4[%mul3A_14, %dma_wait3A_32] : memref<6272x128xi32, #tpu.memory_space<hbm>> -> memref<4x128xi32, #tpu.memory_space<hbm>>
      tpu.wait_dma2 semaphore(%run_scoped3A : memref<!tpu.dma_semaphore, #tpu.memory_space<semaphore_mem>>) src(%dma_wait3A_33 : memref<4x128xi32, #tpu.memory_space<hbm>>) dst(%arg7 : memref<4x128xi32, #tpu.memory_space<vmem>>)
      tpu.yield
    }) : () -> ()
    %dma_wait3A = arith.constant 0 : i32
    %dma_wait3A_15 = tpu.memref_slice %arg11[%mul3A_4, %dma_wait3A] : memref<50008x32xf32, #tpu.memory_space<vmem_shared>> -> memref<3125x32xf32, #tpu.memory_space<vmem_shared>>
    %dma_wait3A_16 = arith.constant 0 : i32
    %dma_wait3A_17 = tpu.memref_slice %arg2[%add3A, %dma_wait3A_16] : memref<100000x32xf32, #tpu.memory_space<hbm>> -> memref<3125x32xf32, #tpu.memory_space<hbm>>
    tpu.wait_dma2 semaphore(%arg12 : memref<!tpu.dma_semaphore, #tpu.memory_space<semaphore_mem>>) src(%dma_wait3A_17 : memref<3125x32xf32, #tpu.memory_space<hbm>>) dst(%dma_wait3A_15 : memref<3125x32xf32, #tpu.memory_space<vmem_shared>>)
    %barrier3A = arith.constant 0 : index
    tpu.barrier barrier_id(%barrier3A)
    %scan3A = arith.constant 0 : i32
    %scan3A_18 = arith.constant 0 : i32
    %scan3A_19 = arith.constant 49 : i32
    %scan3A_20 = arith.addi %scan3A_18, %scan3A_19 : i32
    %scan3A_21 = arith.constant 1 : i32
    scf.for %scan3A_26 = %scan3A_18 to %scan3A_20 step %scan3A_21  : i32 {
      %dma_start3A_27 = arith.constant 0 : i32
      %dma_start3A_28 = arith.constant 0 : i32
      %dma_start3A_29 = arith.constant 0 : i32
      %dma_start3A_30 = arith.constant 0 : i32
      %dma_start3A_31 = tpu.memref_slice %arg10[%dma_start3A_28, %dma_start3A_29, %dma_start3A_30] : memref<4x128x32xf32, #tpu.memory_space<vmem>> -> memref<1x128x32xf32, #tpu.memory_space<vmem>>
      %dma_start3A_32 = tpu.memref_squeeze %dma_start3A_31 : memref<1x128x32xf32, #tpu.memory_space<vmem>> -> memref<128x32xf32, #tpu.memory_space<vmem>>
      %dma_start3A_33 = arith.constant 0 : i32
      %dma_start3A_34 = tpu.memref_slice %arg6[%dma_start3A_27, %dma_start3A_33] : memref<4x128xi32, #tpu.memory_space<vmem>> -> memref<1x128xi32, #tpu.memory_space<vmem>>
      %dma_start3A_35 = tpu.memref_squeeze %dma_start3A_34 : memref<1x128xi32, #tpu.memory_space<vmem>> -> memref<128xi32, #tpu.memory_space<vmem>>
      %dma_start3A_36 = arith.constant 0 : i32
      %dma_start3A_37 = arith.constant 0 : i32
      %dma_start3A_38 = tpu.memref_slice %arg2[%dma_start3A_36, %dma_start3A_37] : memref<100000x32xf32, #tpu.memory_space<hbm>> -> memref<100000x32xf32, #tpu.memory_space<hbm>>
      tpu.enqueue_indirect_dma source(%dma_start3A_38 : memref<100000x32xf32, #tpu.memory_space<hbm>>) target(%dma_start3A_32 : memref<128x32xf32, #tpu.memory_space<vmem>>) offsets(%dma_start3A_35 : memref<128xi32, #tpu.memory_space<vmem>>) semaphore(%arg12 : memref<!tpu.dma_semaphore, #tpu.memory_space<semaphore_mem>>)
      %dma_start3A_39 = arith.constant 1 : i32
      %dma_start3A_40 = arith.constant 1 : i32
      %dma_start3A_41 = arith.constant 0 : i32
      %dma_start3A_42 = arith.constant 0 : i32
      %dma_start3A_43 = tpu.memref_slice %arg10[%dma_start3A_40, %dma_start3A_41, %dma_start3A_42] : memref<4x128x32xf32, #tpu.memory_space<vmem>> -> memref<1x128x32xf32, #tpu.memory_space<vmem>>
      %dma_start3A_44 = tpu.memref_squeeze %dma_start3A_43 : memref<1x128x32xf32, #tpu.memory_space<vmem>> -> memref<128x32xf32, #tpu.memory_space<vmem>>
      %dma_start3A_45 = arith.constant 0 : i32
      %dma_start3A_46 = tpu.memref_slice %arg6[%dma_start3A_39, %dma_start3A_45] : memref<4x128xi32, #tpu.memory_space<vmem>> -> memref<1x128xi32, #tpu.memory_space<vmem>>
      %dma_start3A_47 = tpu.memref_squeeze %dma_start3A_46 : memref<1x128xi32, #tpu.memory_space<vmem>> -> memref<128xi32, #tpu.memory_space<vmem>>
      %dma_start3A_48 = arith.constant 0 : i32
      %dma_start3A_49 = arith.constant 0 : i32
      %dma_start3A_50 = tpu.memref_slice %arg2[%dma_start3A_48, %dma_start3A_49] : memref<100000x32xf32, #tpu.memory_space<hbm>> -> memref<100000x32xf32, #tpu.memory_space<hbm>>
      tpu.enqueue_indirect_dma source(%dma_start3A_50 : memref<100000x32xf32, #tpu.memory_space<hbm>>) target(%dma_start3A_44 : memref<128x32xf32, #tpu.memory_space<vmem>>) offsets(%dma_start3A_47 : memref<128xi32, #tpu.memory_space<vmem>>) semaphore(%arg12 : memref<!tpu.dma_semaphore, #tpu.memory_space<semaphore_mem>>)
      %dma_start3A_51 = arith.constant 2 : i32
      %dma_start3A_52 = arith.constant 2 : i32
      %dma_start3A_53 = arith.constant 0 : i32
      %dma_start3A_54 = arith.constant 0 : i32
      %dma_start3A_55 = tpu.memref_slice %arg10[%dma_start3A_52, %dma_start3A_53, %dma_start3A_54] : memref<4x128x32xf32, #tpu.memory_space<vmem>> -> memref<1x128x32xf32, #tpu.memory_space<vmem>>
      %dma_start3A_56 = tpu.memref_squeeze %dma_start3A_55 : memref<1x128x32xf32, #tpu.memory_space<vmem>> -> memref<128x32xf32, #tpu.memory_space<vmem>>
      %dma_start3A_57 = arith.constant 0 : i32
      %dma_start3A_58 = tpu.memref_slice %arg6[%dma_start3A_51, %dma_start3A_57] : memref<4x128xi32, #tpu.memory_space<vmem>> -> memref<1x128xi32, #tpu.memory_space<vmem>>
      %dma_start3A_59 = tpu.memref_squeeze %dma_start3A_58 : memref<1x128xi32, #tpu.memory_space<vmem>> -> memref<128xi32, #tpu.memory_space<vmem>>
      %dma_start3A_60 = arith.constant 0 : i32
      %dma_start3A_61 = arith.constant 0 : i32
      %dma_start3A_62 = tpu.memref_slice %arg2[%dma_start3A_60, %dma_start3A_61] : memref<100000x32xf32, #tpu.memory_space<hbm>> -> memref<100000x32xf32, #tpu.memory_space<hbm>>
      tpu.enqueue_indirect_dma source(%dma_start3A_62 : memref<100000x32xf32, #tpu.memory_space<hbm>>) target(%dma_start3A_56 : memref<128x32xf32, #tpu.memory_space<vmem>>) offsets(%dma_start3A_59 : memref<128xi32, #tpu.memory_space<vmem>>) semaphore(%arg12 : memref<!tpu.dma_semaphore, #tpu.memory_space<semaphore_mem>>)
      %dma_start3A_63 = arith.constant 3 : i32
      %dma_start3A_64 = arith.constant 3 : i32
      %dma_start3A_65 = arith.constant 0 : i32
      %dma_start3A_66 = arith.constant 0 : i32
      %dma_start3A_67 = tpu.memref_slice %arg10[%dma_start3A_64, %dma_start3A_65, %dma_start3A_66] : memref<4x128x32xf32, #tpu.memory_space<vmem>> -> memref<1x128x32xf32, #tpu.memory_space<vmem>>
      %dma_start3A_68 = tpu.memref_squeeze %dma_start3A_67 : memref<1x128x32xf32, #tpu.memory_space<vmem>> -> memref<128x32xf32, #tpu.memory_space<vmem>>
      %dma_start3A_69 = arith.constant 0 : i32
      %dma_start3A_70 = tpu.memref_slice %arg6[%dma_start3A_63, %dma_start3A_69] : memref<4x128xi32, #tpu.memory_space<vmem>> -> memref<1x128xi32, #tpu.memory_space<vmem>>
      %dma_start3A_71 = tpu.memref_squeeze %dma_start3A_70 : memref<1x128xi32, #tpu.memory_space<vmem>> -> memref<128xi32, #tpu.memory_space<vmem>>
      %dma_start3A_72 = arith.constant 0 : i32
      %dma_start3A_73 = arith.constant 0 : i32
      %dma_start3A_74 = tpu.memref_slice %arg2[%dma_start3A_72, %dma_start3A_73] : memref<100000x32xf32, #tpu.memory_space<hbm>> -> memref<100000x32xf32, #tpu.memory_space<hbm>>
      tpu.enqueue_indirect_dma source(%dma_start3A_74 : memref<100000x32xf32, #tpu.memory_space<hbm>>) target(%dma_start3A_68 : memref<128x32xf32, #tpu.memory_space<vmem>>) offsets(%dma_start3A_71 : memref<128xi32, #tpu.memory_space<vmem>>) semaphore(%arg12 : memref<!tpu.dma_semaphore, #tpu.memory_space<semaphore_mem>>)
      %mul3A_75 = arith.constant 2 : i32
      %mul3A_76 = arith.muli %mul3A_75, %scan3A_26 : i32
      %add3A_77 = arith.constant 1 : i32
      %add3A_78 = arith.addi %mul3A_76, %add3A_77 : i32
      %mul3A_79 = arith.constant 4 : i32
      %mul3A_80 = arith.muli %add3A_78, %mul3A_79 : i32
      %add3A_81 = arith.addi %add3A_12, %mul3A_80 : i32
      "tpu.region"() ({
        %run_scoped3A_257 = tpu.sem_alloc : memref<!tpu.dma_semaphore, #tpu.memory_space<semaphore_mem>>
        %dma_start3A_258 = arith.constant 0 : i32
        %dma_start3A_259 = tpu.memref_slice %arg3[%add3A_81, %dma_start3A_258] : memref<12544x128xi32, #tpu.memory_space<hbm>> -> memref<4x128xi32, #tpu.memory_space<hbm>>
        %dma_start3A_260 = arith.constant 0 : i32
        %dma_start3A_261 = tpu.memref_slice %arg3[%add3A_81, %dma_start3A_260] : memref<12544x128xi32, #tpu.memory_space<hbm>> -> memref<4x128xi32, #tpu.memory_space<hbm>>
        tpu.enqueue_dma source(%dma_start3A_261 : memref<4x128xi32, #tpu.memory_space<hbm>>) target(%arg8 : memref<4x128xi32, #tpu.memory_space<vmem>>) target_semaphore(%run_scoped3A_257 : memref<!tpu.dma_semaphore, #tpu.memory_space<semaphore_mem>>)
        %dma_wait3A_262 = arith.constant 0 : i32
        %dma_wait3A_263 = tpu.memref_slice %arg3[%add3A_81, %dma_wait3A_262] : memref<12544x128xi32, #tpu.memory_space<hbm>> -> memref<4x128xi32, #tpu.memory_space<hbm>>
        %dma_wait3A_264 = arith.constant 0 : i32
        %dma_wait3A_265 = tpu.memref_slice %arg3[%add3A_81, %dma_wait3A_264] : memref<12544x128xi32, #tpu.memory_space<hbm>> -> memref<4x128xi32, #tpu.memory_space<hbm>>
        tpu.wait_dma2 semaphore(%run_scoped3A_257 : memref<!tpu.dma_semaphore, #tpu.memory_space<semaphore_mem>>) src(%dma_wait3A_265 : memref<4x128xi32, #tpu.memory_space<hbm>>) dst(%arg8 : memref<4x128xi32, #tpu.memory_space<vmem>>)
        tpu.yield
      }) : () -> ()
      %mul3A_82 = arith.constant 2 : i32
      %mul3A_83 = arith.muli %mul3A_82, %scan3A_26 : i32
      %add3A_84 = arith.constant 1 : i32
      %add3A_85 = arith.addi %mul3A_83, %add3A_84 : i32
      %mul3A_86 = arith.constant 4 : i32
      %mul3A_87 = arith.muli %add3A_85, %mul3A_86 : i32
      %add3A_88 = arith.addi %mul3A_14, %mul3A_87 : i32
      "tpu.region"() ({
        %run_scoped3A_257 = tpu.sem_alloc : memref<!tpu.dma_semaphore, #tpu.memory_space<semaphore_mem>>
        %dma_start3A_258 = arith.constant 0 : i32
        %dma_start3A_259 = tpu.memref_slice %arg4[%add3A_88, %dma_start3A_258] : memref<6272x128xi32, #tpu.memory_space<hbm>> -> memref<4x128xi32, #tpu.memory_space<hbm>>
        %dma_start3A_260 = arith.constant 0 : i32
        %dma_start3A_261 = tpu.memref_slice %arg4[%add3A_88, %dma_start3A_260] : memref<6272x128xi32, #tpu.memory_space<hbm>> -> memref<4x128xi32, #tpu.memory_space<hbm>>
        tpu.enqueue_dma source(%dma_start3A_261 : memref<4x128xi32, #tpu.memory_space<hbm>>) target(%arg9 : memref<4x128xi32, #tpu.memory_space<vmem>>) target_semaphore(%run_scoped3A_257 : memref<!tpu.dma_semaphore, #tpu.memory_space<semaphore_mem>>)
        %dma_wait3A_262 = arith.constant 0 : i32
        %dma_wait3A_263 = tpu.memref_slice %arg4[%add3A_88, %dma_wait3A_262] : memref<6272x128xi32, #tpu.memory_space<hbm>> -> memref<4x128xi32, #tpu.memory_space<hbm>>
        %dma_wait3A_264 = arith.constant 0 : i32
        %dma_wait3A_265 = tpu.memref_slice %arg4[%add3A_88, %dma_wait3A_264] : memref<6272x128xi32, #tpu.memory_space<hbm>> -> memref<4x128xi32, #tpu.memory_space<hbm>>
        tpu.wait_dma2 semaphore(%run_scoped3A_257 : memref<!tpu.dma_semaphore, #tpu.memory_space<semaphore_mem>>) src(%dma_wait3A_265 : memref<4x128xi32, #tpu.memory_space<hbm>>) dst(%arg9 : memref<4x128xi32, #tpu.memory_space<vmem>>)
        tpu.yield
      }) : () -> ()
      %dma_wait3A_89 = arith.constant 0 : i32
      %dma_wait3A_90 = arith.constant 0 : i32
      %dma_wait3A_91 = arith.constant 0 : i32
      %dma_wait3A_92 = arith.constant 0 : i32
      %dma_wait3A_93 = tpu.memref_slice %arg10[%dma_wait3A_90, %dma_wait3A_91, %dma_wait3A_92] : memref<4x128x32xf32, #tpu.memory_space<vmem>> -> memref<1x128x32xf32, #tpu.memory_space<vmem>>
      %dma_wait3A_94 = tpu.memref_squeeze %dma_wait3A_93 : memref<1x128x32xf32, #tpu.memory_space<vmem>> -> memref<128x32xf32, #tpu.memory_space<vmem>>
      %dma_wait3A_95 = arith.constant 0 : i32
      %dma_wait3A_96 = tpu.memref_slice %arg6[%dma_wait3A_89, %dma_wait3A_95] : memref<4x128xi32, #tpu.memory_space<vmem>> -> memref<1x128xi32, #tpu.memory_space<vmem>>
      %dma_wait3A_97 = tpu.memref_squeeze %dma_wait3A_96 : memref<1x128xi32, #tpu.memory_space<vmem>> -> memref<128xi32, #tpu.memory_space<vmem>>
      %dma_wait3A_98 = arith.constant 0 : i32
      %dma_wait3A_99 = arith.constant 0 : i32
      %dma_wait3A_100 = tpu.memref_slice %arg2[%dma_wait3A_98, %dma_wait3A_99] : memref<100000x32xf32, #tpu.memory_space<hbm>> -> memref<100000x32xf32, #tpu.memory_space<hbm>>
      tpu.wait_indirect_dma semaphore(%arg12 : memref<!tpu.dma_semaphore, #tpu.memory_space<semaphore_mem>>) src(%dma_wait3A_100 : memref<100000x32xf32, #tpu.memory_space<hbm>>) dst(%dma_wait3A_94 : memref<128x32xf32, #tpu.memory_space<vmem>>)
      %run_scoped3A = arith.constant 0 : i32
      %run_scoped3A_101 = arith.constant 0 : i32
      "tpu.region"() ({
        %run_scoped3A_257 = tpu.sem_alloc : memref<!tpu.dma_semaphore, #tpu.memory_space<semaphore_mem>>
        %dma_start3A_258 = arith.constant 0 : i32
        %dma_start3A_259 = arith.constant 0 : i32
        %dma_start3A_260 = tpu.memref_slice %arg10[%run_scoped3A, %dma_start3A_258, %dma_start3A_259] : memref<4x128x32xf32, #tpu.memory_space<vmem>> -> memref<1x128x32xf32, #tpu.memory_space<vmem>>
        %dma_start3A_261 = tpu.memref_squeeze %dma_start3A_260 : memref<1x128x32xf32, #tpu.memory_space<vmem>> -> memref<128x32xf32, #tpu.memory_space<vmem>>
        %dma_start3A_262 = arith.constant 0 : i32
        %dma_start3A_263 = tpu.memref_slice %arg7[%run_scoped3A_101, %dma_start3A_262] : memref<4x128xi32, #tpu.memory_space<vmem>> -> memref<1x128xi32, #tpu.memory_space<vmem>>
        %dma_start3A_264 = tpu.memref_squeeze %dma_start3A_263 : memref<1x128xi32, #tpu.memory_space<vmem>> -> memref<128xi32, #tpu.memory_space<vmem>>
        %dma_start3A_265 = arith.constant 0 : i32
        %dma_start3A_266 = arith.constant 0 : i32
        %dma_start3A_267 = tpu.memref_slice %arg11[%dma_start3A_265, %dma_start3A_266] : memref<50008x32xf32, #tpu.memory_space<vmem_shared>> -> memref<50008x32xf32, #tpu.memory_space<vmem_shared>>
        tpu.enqueue_indirect_dma source(%dma_start3A_261 : memref<128x32xf32, #tpu.memory_space<vmem>>) target(%dma_start3A_267 : memref<50008x32xf32, #tpu.memory_space<vmem_shared>>) offsets(%dma_start3A_264 : memref<128xi32, #tpu.memory_space<vmem>>) semaphore(%run_scoped3A_257 : memref<!tpu.dma_semaphore, #tpu.memory_space<semaphore_mem>>) {add = true}
        %dma_wait3A_268 = arith.constant 0 : i32
        %dma_wait3A_269 = arith.constant 0 : i32
        %dma_wait3A_270 = tpu.memref_slice %arg10[%run_scoped3A, %dma_wait3A_268, %dma_wait3A_269] : memref<4x128x32xf32, #tpu.memory_space<vmem>> -> memref<1x128x32xf32, #tpu.memory_space<vmem>>
        %dma_wait3A_271 = tpu.memref_squeeze %dma_wait3A_270 : memref<1x128x32xf32, #tpu.memory_space<vmem>> -> memref<128x32xf32, #tpu.memory_space<vmem>>
        %dma_wait3A_272 = arith.constant 0 : i32
        %dma_wait3A_273 = tpu.memref_slice %arg7[%run_scoped3A_101, %dma_wait3A_272] : memref<4x128xi32, #tpu.memory_space<vmem>> -> memref<1x128xi32, #tpu.memory_space<vmem>>
        %dma_wait3A_274 = tpu.memref_squeeze %dma_wait3A_273 : memref<1x128xi32, #tpu.memory_space<vmem>> -> memref<128xi32, #tpu.memory_space<vmem>>
        %dma_wait3A_275 = arith.constant 0 : i32
        %dma_wait3A_276 = arith.constant 0 : i32
        %dma_wait3A_277 = tpu.memref_slice %arg11[%dma_wait3A_275, %dma_wait3A_276] : memref<50008x32xf32, #tpu.memory_space<vmem_shared>> -> memref<50008x32xf32, #tpu.memory_space<vmem_shared>>
        tpu.wait_indirect_dma semaphore(%run_scoped3A_257 : memref<!tpu.dma_semaphore, #tpu.memory_space<semaphore_mem>>) src(%dma_wait3A_271 : memref<128x32xf32, #tpu.memory_space<vmem>>) dst(%dma_wait3A_277 : memref<50008x32xf32, #tpu.memory_space<vmem_shared>>)
        tpu.yield
      }) : () -> ()
      %dma_wait3A_102 = arith.constant 1 : i32
      %dma_wait3A_103 = arith.constant 1 : i32
      %dma_wait3A_104 = arith.constant 0 : i32
      %dma_wait3A_105 = arith.constant 0 : i32
      %dma_wait3A_106 = tpu.memref_slice %arg10[%dma_wait3A_103, %dma_wait3A_104, %dma_wait3A_105] : memref<4x128x32xf32, #tpu.memory_space<vmem>> -> memref<1x128x32xf32, #tpu.memory_space<vmem>>
      %dma_wait3A_107 = tpu.memref_squeeze %dma_wait3A_106 : memref<1x128x32xf32, #tpu.memory_space<vmem>> -> memref<128x32xf32, #tpu.memory_space<vmem>>
      %dma_wait3A_108 = arith.constant 0 : i32
      %dma_wait3A_109 = tpu.memref_slice %arg6[%dma_wait3A_102, %dma_wait3A_108] : memref<4x128xi32, #tpu.memory_space<vmem>> -> memref<1x128xi32, #tpu.memory_space<vmem>>
      %dma_wait3A_110 = tpu.memref_squeeze %dma_wait3A_109 : memref<1x128xi32, #tpu.memory_space<vmem>> -> memref<128xi32, #tpu.memory_space<vmem>>
      %dma_wait3A_111 = arith.constant 0 : i32
      %dma_wait3A_112 = arith.constant 0 : i32
      %dma_wait3A_113 = tpu.memref_slice %arg2[%dma_wait3A_111, %dma_wait3A_112] : memref<100000x32xf32, #tpu.memory_space<hbm>> -> memref<100000x32xf32, #tpu.memory_space<hbm>>
      tpu.wait_indirect_dma semaphore(%arg12 : memref<!tpu.dma_semaphore, #tpu.memory_space<semaphore_mem>>) src(%dma_wait3A_113 : memref<100000x32xf32, #tpu.memory_space<hbm>>) dst(%dma_wait3A_107 : memref<128x32xf32, #tpu.memory_space<vmem>>)
      %run_scoped3A_114 = arith.constant 1 : i32
      %run_scoped3A_115 = arith.constant 1 : i32
      "tpu.region"() ({
        %run_scoped3A_257 = tpu.sem_alloc : memref<!tpu.dma_semaphore, #tpu.memory_space<semaphore_mem>>
        %dma_start3A_258 = arith.constant 0 : i32
        %dma_start3A_259 = arith.constant 0 : i32
        %dma_start3A_260 = tpu.memref_slice %arg10[%run_scoped3A_114, %dma_start3A_258, %dma_start3A_259] : memref<4x128x32xf32, #tpu.memory_space<vmem>> -> memref<1x128x32xf32, #tpu.memory_space<vmem>>
        %dma_start3A_261 = tpu.memref_squeeze %dma_start3A_260 : memref<1x128x32xf32, #tpu.memory_space<vmem>> -> memref<128x32xf32, #tpu.memory_space<vmem>>
        %dma_start3A_262 = arith.constant 0 : i32
        %dma_start3A_263 = tpu.memref_slice %arg7[%run_scoped3A_115, %dma_start3A_262] : memref<4x128xi32, #tpu.memory_space<vmem>> -> memref<1x128xi32, #tpu.memory_space<vmem>>
        %dma_start3A_264 = tpu.memref_squeeze %dma_start3A_263 : memref<1x128xi32, #tpu.memory_space<vmem>> -> memref<128xi32, #tpu.memory_space<vmem>>
        %dma_start3A_265 = arith.constant 0 : i32
        %dma_start3A_266 = arith.constant 0 : i32
        %dma_start3A_267 = tpu.memref_slice %arg11[%dma_start3A_265, %dma_start3A_266] : memref<50008x32xf32, #tpu.memory_space<vmem_shared>> -> memref<50008x32xf32, #tpu.memory_space<vmem_shared>>
        tpu.enqueue_indirect_dma source(%dma_start3A_261 : memref<128x32xf32, #tpu.memory_space<vmem>>) target(%dma_start3A_267 : memref<50008x32xf32, #tpu.memory_space<vmem_shared>>) offsets(%dma_start3A_264 : memref<128xi32, #tpu.memory_space<vmem>>) semaphore(%run_scoped3A_257 : memref<!tpu.dma_semaphore, #tpu.memory_space<semaphore_mem>>) {add = true}
        %dma_wait3A_268 = arith.constant 0 : i32
        %dma_wait3A_269 = arith.constant 0 : i32
        %dma_wait3A_270 = tpu.memref_slice %arg10[%run_scoped3A_114, %dma_wait3A_268, %dma_wait3A_269] : memref<4x128x32xf32, #tpu.memory_space<vmem>> -> memref<1x128x32xf32, #tpu.memory_space<vmem>>
        %dma_wait3A_271 = tpu.memref_squeeze %dma_wait3A_270 : memref<1x128x32xf32, #tpu.memory_space<vmem>> -> memref<128x32xf32, #tpu.memory_space<vmem>>
        %dma_wait3A_272 = arith.constant 0 : i32
        %dma_wait3A_273 = tpu.memref_slice %arg7[%run_scoped3A_115, %dma_wait3A_272] : memref<4x128xi32, #tpu.memory_space<vmem>> -> memref<1x128xi32, #tpu.memory_space<vmem>>
        %dma_wait3A_274 = tpu.memref_squeeze %dma_wait3A_273 : memref<1x128xi32, #tpu.memory_space<vmem>> -> memref<128xi32, #tpu.memory_space<vmem>>
        %dma_wait3A_275 = arith.constant 0 : i32
        %dma_wait3A_276 = arith.constant 0 : i32
        %dma_wait3A_277 = tpu.memref_slice %arg11[%dma_wait3A_275, %dma_wait3A_276] : memref<50008x32xf32, #tpu.memory_space<vmem_shared>> -> memref<50008x32xf32, #tpu.memory_space<vmem_shared>>
        tpu.wait_indirect_dma semaphore(%run_scoped3A_257 : memref<!tpu.dma_semaphore, #tpu.memory_space<semaphore_mem>>) src(%dma_wait3A_271 : memref<128x32xf32, #tpu.memory_space<vmem>>) dst(%dma_wait3A_277 : memref<50008x32xf32, #tpu.memory_space<vmem_shared>>)
        tpu.yield
      }) : () -> ()
      %dma_wait3A_116 = arith.constant 2 : i32
      %dma_wait3A_117 = arith.constant 2 : i32
      %dma_wait3A_118 = arith.constant 0 : i32
      %dma_wait3A_119 = arith.constant 0 : i32
      %dma_wait3A_120 = tpu.memref_slice %arg10[%dma_wait3A_117, %dma_wait3A_118, %dma_wait3A_119] : memref<4x128x32xf32, #tpu.memory_space<vmem>> -> memref<1x128x32xf32, #tpu.memory_space<vmem>>
      %dma_wait3A_121 = tpu.memref_squeeze %dma_wait3A_120 : memref<1x128x32xf32, #tpu.memory_space<vmem>> -> memref<128x32xf32, #tpu.memory_space<vmem>>
      %dma_wait3A_122 = arith.constant 0 : i32
      %dma_wait3A_123 = tpu.memref_slice %arg6[%dma_wait3A_116, %dma_wait3A_122] : memref<4x128xi32, #tpu.memory_space<vmem>> -> memref<1x128xi32, #tpu.memory_space<vmem>>
      %dma_wait3A_124 = tpu.memref_squeeze %dma_wait3A_123 : memref<1x128xi32, #tpu.memory_space<vmem>> -> memref<128xi32, #tpu.memory_space<vmem>>
      %dma_wait3A_125 = arith.constant 0 : i32
      %dma_wait3A_126 = arith.constant 0 : i32
      %dma_wait3A_127 = tpu.memref_slice %arg2[%dma_wait3A_125, %dma_wait3A_126] : memref<100000x32xf32, #tpu.memory_space<hbm>> -> memref<100000x32xf32, #tpu.memory_space<hbm>>
      tpu.wait_indirect_dma semaphore(%arg12 : memref<!tpu.dma_semaphore, #tpu.memory_space<semaphore_mem>>) src(%dma_wait3A_127 : memref<100000x32xf32, #tpu.memory_space<hbm>>) dst(%dma_wait3A_121 : memref<128x32xf32, #tpu.memory_space<vmem>>)
      %run_scoped3A_128 = arith.constant 2 : i32
      %run_scoped3A_129 = arith.constant 2 : i32
      "tpu.region"() ({
        %run_scoped3A_257 = tpu.sem_alloc : memref<!tpu.dma_semaphore, #tpu.memory_space<semaphore_mem>>
        %dma_start3A_258 = arith.constant 0 : i32
        %dma_start3A_259 = arith.constant 0 : i32
        %dma_start3A_260 = tpu.memref_slice %arg10[%run_scoped3A_128, %dma_start3A_258, %dma_start3A_259] : memref<4x128x32xf32, #tpu.memory_space<vmem>> -> memref<1x128x32xf32, #tpu.memory_space<vmem>>
        %dma_start3A_261 = tpu.memref_squeeze %dma_start3A_260 : memref<1x128x32xf32, #tpu.memory_space<vmem>> -> memref<128x32xf32, #tpu.memory_space<vmem>>
        %dma_start3A_262 = arith.constant 0 : i32
        %dma_start3A_263 = tpu.memref_slice %arg7[%run_scoped3A_129, %dma_start3A_262] : memref<4x128xi32, #tpu.memory_space<vmem>> -> memref<1x128xi32, #tpu.memory_space<vmem>>
        %dma_start3A_264 = tpu.memref_squeeze %dma_start3A_263 : memref<1x128xi32, #tpu.memory_space<vmem>> -> memref<128xi32, #tpu.memory_space<vmem>>
        %dma_start3A_265 = arith.constant 0 : i32
        %dma_start3A_266 = arith.constant 0 : i32
        %dma_start3A_267 = tpu.memref_slice %arg11[%dma_start3A_265, %dma_start3A_266] : memref<50008x32xf32, #tpu.memory_space<vmem_shared>> -> memref<50008x32xf32, #tpu.memory_space<vmem_shared>>
        tpu.enqueue_indirect_dma source(%dma_start3A_261 : memref<128x32xf32, #tpu.memory_space<vmem>>) target(%dma_start3A_267 : memref<50008x32xf32, #tpu.memory_space<vmem_shared>>) offsets(%dma_start3A_264 : memref<128xi32, #tpu.memory_space<vmem>>) semaphore(%run_scoped3A_257 : memref<!tpu.dma_semaphore, #tpu.memory_space<semaphore_mem>>) {add = true}
        %dma_wait3A_268 = arith.constant 0 : i32
        %dma_wait3A_269 = arith.constant 0 : i32
        %dma_wait3A_270 = tpu.memref_slice %arg10[%run_scoped3A_128, %dma_wait3A_268, %dma_wait3A_269] : memref<4x128x32xf32, #tpu.memory_space<vmem>> -> memref<1x128x32xf32, #tpu.memory_space<vmem>>
        %dma_wait3A_271 = tpu.memref_squeeze %dma_wait3A_270 : memref<1x128x32xf32, #tpu.memory_space<vmem>> -> memref<128x32xf32, #tpu.memory_space<vmem>>
        %dma_wait3A_272 = arith.constant 0 : i32
        %dma_wait3A_273 = tpu.memref_slice %arg7[%run_scoped3A_129, %dma_wait3A_272] : memref<4x128xi32, #tpu.memory_space<vmem>> -> memref<1x128xi32, #tpu.memory_space<vmem>>
        %dma_wait3A_274 = tpu.memref_squeeze %dma_wait3A_273 : memref<1x128xi32, #tpu.memory_space<vmem>> -> memref<128xi32, #tpu.memory_space<vmem>>
        %dma_wait3A_275 = arith.constant 0 : i32
        %dma_wait3A_276 = arith.constant 0 : i32
        %dma_wait3A_277 = tpu.memref_slice %arg11[%dma_wait3A_275, %dma_wait3A_276] : memref<50008x32xf32, #tpu.memory_space<vmem_shared>> -> memref<50008x32xf32, #tpu.memory_space<vmem_shared>>
        tpu.wait_indirect_dma semaphore(%run_scoped3A_257 : memref<!tpu.dma_semaphore, #tpu.memory_space<semaphore_mem>>) src(%dma_wait3A_271 : memref<128x32xf32, #tpu.memory_space<vmem>>) dst(%dma_wait3A_277 : memref<50008x32xf32, #tpu.memory_space<vmem_shared>>)
        tpu.yield
      }) : () -> ()
      %dma_wait3A_130 = arith.constant 3 : i32
      %dma_wait3A_131 = arith.constant 3 : i32
      %dma_wait3A_132 = arith.constant 0 : i32
      %dma_wait3A_133 = arith.constant 0 : i32
      %dma_wait3A_134 = tpu.memref_slice %arg10[%dma_wait3A_131, %dma_wait3A_132, %dma_wait3A_133] : memref<4x128x32xf32, #tpu.memory_space<vmem>> -> memref<1x128x32xf32, #tpu.memory_space<vmem>>
      %dma_wait3A_135 = tpu.memref_squeeze %dma_wait3A_134 : memref<1x128x32xf32, #tpu.memory_space<vmem>> -> memref<128x32xf32, #tpu.memory_space<vmem>>
      %dma_wait3A_136 = arith.constant 0 : i32
      %dma_wait3A_137 = tpu.memref_slice %arg6[%dma_wait3A_130, %dma_wait3A_136] : memref<4x128xi32, #tpu.memory_space<vmem>> -> memref<1x128xi32, #tpu.memory_space<vmem>>
      %dma_wait3A_138 = tpu.memref_squeeze %dma_wait3A_137 : memref<1x128xi32, #tpu.memory_space<vmem>> -> memref<128xi32, #tpu.memory_space<vmem>>
      %dma_wait3A_139 = arith.constant 0 : i32
      %dma_wait3A_140 = arith.constant 0 : i32
      %dma_wait3A_141 = tpu.memref_slice %arg2[%dma_wait3A_139, %dma_wait3A_140] : memref<100000x32xf32, #tpu.memory_space<hbm>> -> memref<100000x32xf32, #tpu.memory_space<hbm>>
      tpu.wait_indirect_dma semaphore(%arg12 : memref<!tpu.dma_semaphore, #tpu.memory_space<semaphore_mem>>) src(%dma_wait3A_141 : memref<100000x32xf32, #tpu.memory_space<hbm>>) dst(%dma_wait3A_135 : memref<128x32xf32, #tpu.memory_space<vmem>>)
      %run_scoped3A_142 = arith.constant 3 : i32
      %run_scoped3A_143 = arith.constant 3 : i32
      "tpu.region"() ({
        %run_scoped3A_257 = tpu.sem_alloc : memref<!tpu.dma_semaphore, #tpu.memory_space<semaphore_mem>>
        %dma_start3A_258 = arith.constant 0 : i32
        %dma_start3A_259 = arith.constant 0 : i32
        %dma_start3A_260 = tpu.memref_slice %arg10[%run_scoped3A_142, %dma_start3A_258, %dma_start3A_259] : memref<4x128x32xf32, #tpu.memory_space<vmem>> -> memref<1x128x32xf32, #tpu.memory_space<vmem>>
        %dma_start3A_261 = tpu.memref_squeeze %dma_start3A_260 : memref<1x128x32xf32, #tpu.memory_space<vmem>> -> memref<128x32xf32, #tpu.memory_space<vmem>>
        %dma_start3A_262 = arith.constant 0 : i32
        %dma_start3A_263 = tpu.memref_slice %arg7[%run_scoped3A_143, %dma_start3A_262] : memref<4x128xi32, #tpu.memory_space<vmem>> -> memref<1x128xi32, #tpu.memory_space<vmem>>
        %dma_start3A_264 = tpu.memref_squeeze %dma_start3A_263 : memref<1x128xi32, #tpu.memory_space<vmem>> -> memref<128xi32, #tpu.memory_space<vmem>>
        %dma_start3A_265 = arith.constant 0 : i32
        %dma_start3A_266 = arith.constant 0 : i32
        %dma_start3A_267 = tpu.memref_slice %arg11[%dma_start3A_265, %dma_start3A_266] : memref<50008x32xf32, #tpu.memory_space<vmem_shared>> -> memref<50008x32xf32, #tpu.memory_space<vmem_shared>>
        tpu.enqueue_indirect_dma source(%dma_start3A_261 : memref<128x32xf32, #tpu.memory_space<vmem>>) target(%dma_start3A_267 : memref<50008x32xf32, #tpu.memory_space<vmem_shared>>) offsets(%dma_start3A_264 : memref<128xi32, #tpu.memory_space<vmem>>) semaphore(%run_scoped3A_257 : memref<!tpu.dma_semaphore, #tpu.memory_space<semaphore_mem>>) {add = true}
        %dma_wait3A_268 = arith.constant 0 : i32
        %dma_wait3A_269 = arith.constant 0 : i32
        %dma_wait3A_270 = tpu.memref_slice %arg10[%run_scoped3A_142, %dma_wait3A_268, %dma_wait3A_269] : memref<4x128x32xf32, #tpu.memory_space<vmem>> -> memref<1x128x32xf32, #tpu.memory_space<vmem>>
        %dma_wait3A_271 = tpu.memref_squeeze %dma_wait3A_270 : memref<1x128x32xf32, #tpu.memory_space<vmem>> -> memref<128x32xf32, #tpu.memory_space<vmem>>
        %dma_wait3A_272 = arith.constant 0 : i32
        %dma_wait3A_273 = tpu.memref_slice %arg7[%run_scoped3A_143, %dma_wait3A_272] : memref<4x128xi32, #tpu.memory_space<vmem>> -> memref<1x128xi32, #tpu.memory_space<vmem>>
        %dma_wait3A_274 = tpu.memref_squeeze %dma_wait3A_273 : memref<1x128xi32, #tpu.memory_space<vmem>> -> memref<128xi32, #tpu.memory_space<vmem>>
        %dma_wait3A_275 = arith.constant 0 : i32
        %dma_wait3A_276 = arith.constant 0 : i32
        %dma_wait3A_277 = tpu.memref_slice %arg11[%dma_wait3A_275, %dma_wait3A_276] : memref<50008x32xf32, #tpu.memory_space<vmem_shared>> -> memref<50008x32xf32, #tpu.memory_space<vmem_shared>>
        tpu.wait_indirect_dma semaphore(%run_scoped3A_257 : memref<!tpu.dma_semaphore, #tpu.memory_space<semaphore_mem>>) src(%dma_wait3A_271 : memref<128x32xf32, #tpu.memory_space<vmem>>) dst(%dma_wait3A_277 : memref<50008x32xf32, #tpu.memory_space<vmem_shared>>)
        tpu.yield
      }) : () -> ()
      %dma_start3A_144 = arith.constant 0 : i32
      %dma_start3A_145 = arith.constant 0 : i32
      %dma_start3A_146 = arith.constant 0 : i32
      %dma_start3A_147 = arith.constant 0 : i32
      %dma_start3A_148 = tpu.memref_slice %arg10[%dma_start3A_145, %dma_start3A_146, %dma_start3A_147] : memref<4x128x32xf32, #tpu.memory_space<vmem>> -> memref<1x128x32xf32, #tpu.memory_space<vmem>>
      %dma_start3A_149 = tpu.memref_squeeze %dma_start3A_148 : memref<1x128x32xf32, #tpu.memory_space<vmem>> -> memref<128x32xf32, #tpu.memory_space<vmem>>
      %dma_start3A_150 = arith.constant 0 : i32
      %dma_start3A_151 = tpu.memref_slice %arg8[%dma_start3A_144, %dma_start3A_150] : memref<4x128xi32, #tpu.memory_space<vmem>> -> memref<1x128xi32, #tpu.memory_space<vmem>>
      %dma_start3A_152 = tpu.memref_squeeze %dma_start3A_151 : memref<1x128xi32, #tpu.memory_space<vmem>> -> memref<128xi32, #tpu.memory_space<vmem>>
      %dma_start3A_153 = arith.constant 0 : i32
      %dma_start3A_154 = arith.constant 0 : i32
      %dma_start3A_155 = tpu.memref_slice %arg2[%dma_start3A_153, %dma_start3A_154] : memref<100000x32xf32, #tpu.memory_space<hbm>> -> memref<100000x32xf32, #tpu.memory_space<hbm>>
      tpu.enqueue_indirect_dma source(%dma_start3A_155 : memref<100000x32xf32, #tpu.memory_space<hbm>>) target(%dma_start3A_149 : memref<128x32xf32, #tpu.memory_space<vmem>>) offsets(%dma_start3A_152 : memref<128xi32, #tpu.memory_space<vmem>>) semaphore(%arg12 : memref<!tpu.dma_semaphore, #tpu.memory_space<semaphore_mem>>)
      %dma_start3A_156 = arith.constant 1 : i32
      %dma_start3A_157 = arith.constant 1 : i32
      %dma_start3A_158 = arith.constant 0 : i32
      %dma_start3A_159 = arith.constant 0 : i32
      %dma_start3A_160 = tpu.memref_slice %arg10[%dma_start3A_157, %dma_start3A_158, %dma_start3A_159] : memref<4x128x32xf32, #tpu.memory_space<vmem>> -> memref<1x128x32xf32, #tpu.memory_space<vmem>>
      %dma_start3A_161 = tpu.memref_squeeze %dma_start3A_160 : memref<1x128x32xf32, #tpu.memory_space<vmem>> -> memref<128x32xf32, #tpu.memory_space<vmem>>
      %dma_start3A_162 = arith.constant 0 : i32
      %dma_start3A_163 = tpu.memref_slice %arg8[%dma_start3A_156, %dma_start3A_162] : memref<4x128xi32, #tpu.memory_space<vmem>> -> memref<1x128xi32, #tpu.memory_space<vmem>>
      %dma_start3A_164 = tpu.memref_squeeze %dma_start3A_163 : memref<1x128xi32, #tpu.memory_space<vmem>> -> memref<128xi32, #tpu.memory_space<vmem>>
      %dma_start3A_165 = arith.constant 0 : i32
      %dma_start3A_166 = arith.constant 0 : i32
      %dma_start3A_167 = tpu.memref_slice %arg2[%dma_start3A_165, %dma_start3A_166] : memref<100000x32xf32, #tpu.memory_space<hbm>> -> memref<100000x32xf32, #tpu.memory_space<hbm>>
      tpu.enqueue_indirect_dma source(%dma_start3A_167 : memref<100000x32xf32, #tpu.memory_space<hbm>>) target(%dma_start3A_161 : memref<128x32xf32, #tpu.memory_space<vmem>>) offsets(%dma_start3A_164 : memref<128xi32, #tpu.memory_space<vmem>>) semaphore(%arg12 : memref<!tpu.dma_semaphore, #tpu.memory_space<semaphore_mem>>)
      %dma_start3A_168 = arith.constant 2 : i32
      %dma_start3A_169 = arith.constant 2 : i32
      %dma_start3A_170 = arith.constant 0 : i32
      %dma_start3A_171 = arith.constant 0 : i32
      %dma_start3A_172 = tpu.memref_slice %arg10[%dma_start3A_169, %dma_start3A_170, %dma_start3A_171] : memref<4x128x32xf32, #tpu.memory_space<vmem>> -> memref<1x128x32xf32, #tpu.memory_space<vmem>>
      %dma_start3A_173 = tpu.memref_squeeze %dma_start3A_172 : memref<1x128x32xf32, #tpu.memory_space<vmem>> -> memref<128x32xf32, #tpu.memory_space<vmem>>
      %dma_start3A_174 = arith.constant 0 : i32
      %dma_start3A_175 = tpu.memref_slice %arg8[%dma_start3A_168, %dma_start3A_174] : memref<4x128xi32, #tpu.memory_space<vmem>> -> memref<1x128xi32, #tpu.memory_space<vmem>>
      %dma_start3A_176 = tpu.memref_squeeze %dma_start3A_175 : memref<1x128xi32, #tpu.memory_space<vmem>> -> memref<128xi32, #tpu.memory_space<vmem>>
      %dma_start3A_177 = arith.constant 0 : i32
      %dma_start3A_178 = arith.constant 0 : i32
      %dma_start3A_179 = tpu.memref_slice %arg2[%dma_start3A_177, %dma_start3A_178] : memref<100000x32xf32, #tpu.memory_space<hbm>> -> memref<100000x32xf32, #tpu.memory_space<hbm>>
      tpu.enqueue_indirect_dma source(%dma_start3A_179 : memref<100000x32xf32, #tpu.memory_space<hbm>>) target(%dma_start3A_173 : memref<128x32xf32, #tpu.memory_space<vmem>>) offsets(%dma_start3A_176 : memref<128xi32, #tpu.memory_space<vmem>>) semaphore(%arg12 : memref<!tpu.dma_semaphore, #tpu.memory_space<semaphore_mem>>)
      %dma_start3A_180 = arith.constant 3 : i32
      %dma_start3A_181 = arith.constant 3 : i32
      %dma_start3A_182 = arith.constant 0 : i32
      %dma_start3A_183 = arith.constant 0 : i32
      %dma_start3A_184 = tpu.memref_slice %arg10[%dma_start3A_181, %dma_start3A_182, %dma_start3A_183] : memref<4x128x32xf32, #tpu.memory_space<vmem>> -> memref<1x128x32xf32, #tpu.memory_space<vmem>>
      %dma_start3A_185 = tpu.memref_squeeze %dma_start3A_184 : memref<1x128x32xf32, #tpu.memory_space<vmem>> -> memref<128x32xf32, #tpu.memory_space<vmem>>
      %dma_start3A_186 = arith.constant 0 : i32
      %dma_start3A_187 = tpu.memref_slice %arg8[%dma_start3A_180, %dma_start3A_186] : memref<4x128xi32, #tpu.memory_space<vmem>> -> memref<1x128xi32, #tpu.memory_space<vmem>>
      %dma_start3A_188 = tpu.memref_squeeze %dma_start3A_187 : memref<1x128xi32, #tpu.memory_space<vmem>> -> memref<128xi32, #tpu.memory_space<vmem>>
      %dma_start3A_189 = arith.constant 0 : i32
      %dma_start3A_190 = arith.constant 0 : i32
      %dma_start3A_191 = tpu.memref_slice %arg2[%dma_start3A_189, %dma_start3A_190] : memref<100000x32xf32, #tpu.memory_space<hbm>> -> memref<100000x32xf32, #tpu.memory_space<hbm>>
      tpu.enqueue_indirect_dma source(%dma_start3A_191 : memref<100000x32xf32, #tpu.memory_space<hbm>>) target(%dma_start3A_185 : memref<128x32xf32, #tpu.memory_space<vmem>>) offsets(%dma_start3A_188 : memref<128xi32, #tpu.memory_space<vmem>>) semaphore(%arg12 : memref<!tpu.dma_semaphore, #tpu.memory_space<semaphore_mem>>)
      %mul3A_192 = arith.constant 2 : i32
      %mul3A_193 = arith.muli %mul3A_192, %scan3A_26 : i32
      %add3A_194 = arith.constant 2 : i32
      %add3A_195 = arith.addi %mul3A_193, %add3A_194 : i32
      %mul3A_196 = arith.constant 4 : i32
      %mul3A_197 = arith.muli %add3A_195, %mul3A_196 : i32
      %min3A = arith.constant 384 : i32
      %min3A_198 = arith.minsi %mul3A_197, %min3A : i32
      %add3A_199 = arith.addi %add3A_12, %min3A_198 : i32
      "tpu.region"() ({
        %run_scoped3A_257 = tpu.sem_alloc : memref<!tpu.dma_semaphore, #tpu.memory_space<semaphore_mem>>
        %dma_start3A_258 = arith.constant 0 : i32
        %dma_start3A_259 = tpu.memref_slice %arg3[%add3A_199, %dma_start3A_258] : memref<12544x128xi32, #tpu.memory_space<hbm>> -> memref<4x128xi32, #tpu.memory_space<hbm>>
        %dma_start3A_260 = arith.constant 0 : i32
        %dma_start3A_261 = tpu.memref_slice %arg3[%add3A_199, %dma_start3A_260] : memref<12544x128xi32, #tpu.memory_space<hbm>> -> memref<4x128xi32, #tpu.memory_space<hbm>>
        tpu.enqueue_dma source(%dma_start3A_261 : memref<4x128xi32, #tpu.memory_space<hbm>>) target(%arg6 : memref<4x128xi32, #tpu.memory_space<vmem>>) target_semaphore(%run_scoped3A_257 : memref<!tpu.dma_semaphore, #tpu.memory_space<semaphore_mem>>)
        %dma_wait3A_262 = arith.constant 0 : i32
        %dma_wait3A_263 = tpu.memref_slice %arg3[%add3A_199, %dma_wait3A_262] : memref<12544x128xi32, #tpu.memory_space<hbm>> -> memref<4x128xi32, #tpu.memory_space<hbm>>
        %dma_wait3A_264 = arith.constant 0 : i32
        %dma_wait3A_265 = tpu.memref_slice %arg3[%add3A_199, %dma_wait3A_264] : memref<12544x128xi32, #tpu.memory_space<hbm>> -> memref<4x128xi32, #tpu.memory_space<hbm>>
        tpu.wait_dma2 semaphore(%run_scoped3A_257 : memref<!tpu.dma_semaphore, #tpu.memory_space<semaphore_mem>>) src(%dma_wait3A_265 : memref<4x128xi32, #tpu.memory_space<hbm>>) dst(%arg6 : memref<4x128xi32, #tpu.memory_space<vmem>>)
        tpu.yield
      }) : () -> ()
      %add3A_200 = arith.addi %mul3A_14, %min3A_198 : i32
      "tpu.region"() ({
        %run_scoped3A_257 = tpu.sem_alloc : memref<!tpu.dma_semaphore, #tpu.memory_space<semaphore_mem>>
        %dma_start3A_258 = arith.constant 0 : i32
        %dma_start3A_259 = tpu.memref_slice %arg4[%add3A_200, %dma_start3A_258] : memref<6272x128xi32, #tpu.memory_space<hbm>> -> memref<4x128xi32, #tpu.memory_space<hbm>>
        %dma_start3A_260 = arith.constant 0 : i32
        %dma_start3A_261 = tpu.memref_slice %arg4[%add3A_200, %dma_start3A_260] : memref<6272x128xi32, #tpu.memory_space<hbm>> -> memref<4x128xi32, #tpu.memory_space<hbm>>
        tpu.enqueue_dma source(%dma_start3A_261 : memref<4x128xi32, #tpu.memory_space<hbm>>) target(%arg7 : memref<4x128xi32, #tpu.memory_space<vmem>>) target_semaphore(%run_scoped3A_257 : memref<!tpu.dma_semaphore, #tpu.memory_space<semaphore_mem>>)
        %dma_wait3A_262 = arith.constant 0 : i32
        %dma_wait3A_263 = tpu.memref_slice %arg4[%add3A_200, %dma_wait3A_262] : memref<6272x128xi32, #tpu.memory_space<hbm>> -> memref<4x128xi32, #tpu.memory_space<hbm>>
        %dma_wait3A_264 = arith.constant 0 : i32
        %dma_wait3A_265 = tpu.memref_slice %arg4[%add3A_200, %dma_wait3A_264] : memref<6272x128xi32, #tpu.memory_space<hbm>> -> memref<4x128xi32, #tpu.memory_space<hbm>>
        tpu.wait_dma2 semaphore(%run_scoped3A_257 : memref<!tpu.dma_semaphore, #tpu.memory_space<semaphore_mem>>) src(%dma_wait3A_265 : memref<4x128xi32, #tpu.memory_space<hbm>>) dst(%arg7 : memref<4x128xi32, #tpu.memory_space<vmem>>)
        tpu.yield
      }) : () -> ()
      %dma_wait3A_201 = arith.constant 0 : i32
      %dma_wait3A_202 = arith.constant 0 : i32
      %dma_wait3A_203 = arith.constant 0 : i32
      %dma_wait3A_204 = arith.constant 0 : i32
      %dma_wait3A_205 = tpu.memref_slice %arg10[%dma_wait3A_202, %dma_wait3A_203, %dma_wait3A_204] : memref<4x128x32xf32, #tpu.memory_space<vmem>> -> memref<1x128x32xf32, #tpu.memory_space<vmem>>
      %dma_wait3A_206 = tpu.memref_squeeze %dma_wait3A_205 : memref<1x128x32xf32, #tpu.memory_space<vmem>> -> memref<128x32xf32, #tpu.memory_space<vmem>>
      %dma_wait3A_207 = arith.constant 0 : i32
      %dma_wait3A_208 = tpu.memref_slice %arg8[%dma_wait3A_201, %dma_wait3A_207] : memref<4x128xi32, #tpu.memory_space<vmem>> -> memref<1x128xi32, #tpu.memory_space<vmem>>
      %dma_wait3A_209 = tpu.memref_squeeze %dma_wait3A_208 : memref<1x128xi32, #tpu.memory_space<vmem>> -> memref<128xi32, #tpu.memory_space<vmem>>
      %dma_wait3A_210 = arith.constant 0 : i32
      %dma_wait3A_211 = arith.constant 0 : i32
      %dma_wait3A_212 = tpu.memref_slice %arg2[%dma_wait3A_210, %dma_wait3A_211] : memref<100000x32xf32, #tpu.memory_space<hbm>> -> memref<100000x32xf32, #tpu.memory_space<hbm>>
      tpu.wait_indirect_dma semaphore(%arg12 : memref<!tpu.dma_semaphore, #tpu.memory_space<semaphore_mem>>) src(%dma_wait3A_212 : memref<100000x32xf32, #tpu.memory_space<hbm>>) dst(%dma_wait3A_206 : memref<128x32xf32, #tpu.memory_space<vmem>>)
      %run_scoped3A_213 = arith.constant 0 : i32
      %run_scoped3A_214 = arith.constant 0 : i32
      "tpu.region"() ({
        %run_scoped3A_257 = tpu.sem_alloc : memref<!tpu.dma_semaphore, #tpu.memory_space<semaphore_mem>>
        %dma_start3A_258 = arith.constant 0 : i32
        %dma_start3A_259 = arith.constant 0 : i32
        %dma_start3A_260 = tpu.memref_slice %arg10[%run_scoped3A_213, %dma_start3A_258, %dma_start3A_259] : memref<4x128x32xf32, #tpu.memory_space<vmem>> -> memref<1x128x32xf32, #tpu.memory_space<vmem>>
        %dma_start3A_261 = tpu.memref_squeeze %dma_start3A_260 : memref<1x128x32xf32, #tpu.memory_space<vmem>> -> memref<128x32xf32, #tpu.memory_space<vmem>>
        %dma_start3A_262 = arith.constant 0 : i32
        %dma_start3A_263 = tpu.memref_slice %arg9[%run_scoped3A_214, %dma_start3A_262] : memref<4x128xi32, #tpu.memory_space<vmem>> -> memref<1x128xi32, #tpu.memory_space<vmem>>
        %dma_start3A_264 = tpu.memref_squeeze %dma_start3A_263 : memref<1x128xi32, #tpu.memory_space<vmem>> -> memref<128xi32, #tpu.memory_space<vmem>>
        %dma_start3A_265 = arith.constant 0 : i32
        %dma_start3A_266 = arith.constant 0 : i32
        %dma_start3A_267 = tpu.memref_slice %arg11[%dma_start3A_265, %dma_start3A_266] : memref<50008x32xf32, #tpu.memory_space<vmem_shared>> -> memref<50008x32xf32, #tpu.memory_space<vmem_shared>>
        tpu.enqueue_indirect_dma source(%dma_start3A_261 : memref<128x32xf32, #tpu.memory_space<vmem>>) target(%dma_start3A_267 : memref<50008x32xf32, #tpu.memory_space<vmem_shared>>) offsets(%dma_start3A_264 : memref<128xi32, #tpu.memory_space<vmem>>) semaphore(%run_scoped3A_257 : memref<!tpu.dma_semaphore, #tpu.memory_space<semaphore_mem>>) {add = true}
        %dma_wait3A_268 = arith.constant 0 : i32
        %dma_wait3A_269 = arith.constant 0 : i32
        %dma_wait3A_270 = tpu.memref_slice %arg10[%run_scoped3A_213, %dma_wait3A_268, %dma_wait3A_269] : memref<4x128x32xf32, #tpu.memory_space<vmem>> -> memref<1x128x32xf32, #tpu.memory_space<vmem>>
        %dma_wait3A_271 = tpu.memref_squeeze %dma_wait3A_270 : memref<1x128x32xf32, #tpu.memory_space<vmem>> -> memref<128x32xf32, #tpu.memory_space<vmem>>
        %dma_wait3A_272 = arith.constant 0 : i32
        %dma_wait3A_273 = tpu.memref_slice %arg9[%run_scoped3A_214, %dma_wait3A_272] : memref<4x128xi32, #tpu.memory_space<vmem>> -> memref<1x128xi32, #tpu.memory_space<vmem>>
        %dma_wait3A_274 = tpu.memref_squeeze %dma_wait3A_273 : memref<1x128xi32, #tpu.memory_space<vmem>> -> memref<128xi32, #tpu.memory_space<vmem>>
        %dma_wait3A_275 = arith.constant 0 : i32
        %dma_wait3A_276 = arith.constant 0 : i32
        %dma_wait3A_277 = tpu.memref_slice %arg11[%dma_wait3A_275, %dma_wait3A_276] : memref<50008x32xf32, #tpu.memory_space<vmem_shared>> -> memref<50008x32xf32, #tpu.memory_space<vmem_shared>>
        tpu.wait_indirect_dma semaphore(%run_scoped3A_257 : memref<!tpu.dma_semaphore, #tpu.memory_space<semaphore_mem>>) src(%dma_wait3A_271 : memref<128x32xf32, #tpu.memory_space<vmem>>) dst(%dma_wait3A_277 : memref<50008x32xf32, #tpu.memory_space<vmem_shared>>)
        tpu.yield
      }) : () -> ()
      %dma_wait3A_215 = arith.constant 1 : i32
      %dma_wait3A_216 = arith.constant 1 : i32
      %dma_wait3A_217 = arith.constant 0 : i32
      %dma_wait3A_218 = arith.constant 0 : i32
      %dma_wait3A_219 = tpu.memref_slice %arg10[%dma_wait3A_216, %dma_wait3A_217, %dma_wait3A_218] : memref<4x128x32xf32, #tpu.memory_space<vmem>> -> memref<1x128x32xf32, #tpu.memory_space<vmem>>
      %dma_wait3A_220 = tpu.memref_squeeze %dma_wait3A_219 : memref<1x128x32xf32, #tpu.memory_space<vmem>> -> memref<128x32xf32, #tpu.memory_space<vmem>>
      %dma_wait3A_221 = arith.constant 0 : i32
      %dma_wait3A_222 = tpu.memref_slice %arg8[%dma_wait3A_215, %dma_wait3A_221] : memref<4x128xi32, #tpu.memory_space<vmem>> -> memref<1x128xi32, #tpu.memory_space<vmem>>
      %dma_wait3A_223 = tpu.memref_squeeze %dma_wait3A_222 : memref<1x128xi32, #tpu.memory_space<vmem>> -> memref<128xi32, #tpu.memory_space<vmem>>
      %dma_wait3A_224 = arith.constant 0 : i32
      %dma_wait3A_225 = arith.constant 0 : i32
      %dma_wait3A_226 = tpu.memref_slice %arg2[%dma_wait3A_224, %dma_wait3A_225] : memref<100000x32xf32, #tpu.memory_space<hbm>> -> memref<100000x32xf32, #tpu.memory_space<hbm>>
      tpu.wait_indirect_dma semaphore(%arg12 : memref<!tpu.dma_semaphore, #tpu.memory_space<semaphore_mem>>) src(%dma_wait3A_226 : memref<100000x32xf32, #tpu.memory_space<hbm>>) dst(%dma_wait3A_220 : memref<128x32xf32, #tpu.memory_space<vmem>>)
      %run_scoped3A_227 = arith.constant 1 : i32
      %run_scoped3A_228 = arith.constant 1 : i32
      "tpu.region"() ({
        %run_scoped3A_257 = tpu.sem_alloc : memref<!tpu.dma_semaphore, #tpu.memory_space<semaphore_mem>>
        %dma_start3A_258 = arith.constant 0 : i32
        %dma_start3A_259 = arith.constant 0 : i32
        %dma_start3A_260 = tpu.memref_slice %arg10[%run_scoped3A_227, %dma_start3A_258, %dma_start3A_259] : memref<4x128x32xf32, #tpu.memory_space<vmem>> -> memref<1x128x32xf32, #tpu.memory_space<vmem>>
        %dma_start3A_261 = tpu.memref_squeeze %dma_start3A_260 : memref<1x128x32xf32, #tpu.memory_space<vmem>> -> memref<128x32xf32, #tpu.memory_space<vmem>>
        %dma_start3A_262 = arith.constant 0 : i32
        %dma_start3A_263 = tpu.memref_slice %arg9[%run_scoped3A_228, %dma_start3A_262] : memref<4x128xi32, #tpu.memory_space<vmem>> -> memref<1x128xi32, #tpu.memory_space<vmem>>
        %dma_start3A_264 = tpu.memref_squeeze %dma_start3A_263 : memref<1x128xi32, #tpu.memory_space<vmem>> -> memref<128xi32, #tpu.memory_space<vmem>>
        %dma_start3A_265 = arith.constant 0 : i32
        %dma_start3A_266 = arith.constant 0 : i32
        %dma_start3A_267 = tpu.memref_slice %arg11[%dma_start3A_265, %dma_start3A_266] : memref<50008x32xf32, #tpu.memory_space<vmem_shared>> -> memref<50008x32xf32, #tpu.memory_space<vmem_shared>>
        tpu.enqueue_indirect_dma source(%dma_start3A_261 : memref<128x32xf32, #tpu.memory_space<vmem>>) target(%dma_start3A_267 : memref<50008x32xf32, #tpu.memory_space<vmem_shared>>) offsets(%dma_start3A_264 : memref<128xi32, #tpu.memory_space<vmem>>) semaphore(%run_scoped3A_257 : memref<!tpu.dma_semaphore, #tpu.memory_space<semaphore_mem>>) {add = true}
        %dma_wait3A_268 = arith.constant 0 : i32
        %dma_wait3A_269 = arith.constant 0 : i32
        %dma_wait3A_270 = tpu.memref_slice %arg10[%run_scoped3A_227, %dma_wait3A_268, %dma_wait3A_269] : memref<4x128x32xf32, #tpu.memory_space<vmem>> -> memref<1x128x32xf32, #tpu.memory_space<vmem>>
        %dma_wait3A_271 = tpu.memref_squeeze %dma_wait3A_270 : memref<1x128x32xf32, #tpu.memory_space<vmem>> -> memref<128x32xf32, #tpu.memory_space<vmem>>
        %dma_wait3A_272 = arith.constant 0 : i32
        %dma_wait3A_273 = tpu.memref_slice %arg9[%run_scoped3A_228, %dma_wait3A_272] : memref<4x128xi32, #tpu.memory_space<vmem>> -> memref<1x128xi32, #tpu.memory_space<vmem>>
        %dma_wait3A_274 = tpu.memref_squeeze %dma_wait3A_273 : memref<1x128xi32, #tpu.memory_space<vmem>> -> memref<128xi32, #tpu.memory_space<vmem>>
        %dma_wait3A_275 = arith.constant 0 : i32
        %dma_wait3A_276 = arith.constant 0 : i32
        %dma_wait3A_277 = tpu.memref_slice %arg11[%dma_wait3A_275, %dma_wait3A_276] : memref<50008x32xf32, #tpu.memory_space<vmem_shared>> -> memref<50008x32xf32, #tpu.memory_space<vmem_shared>>
        tpu.wait_indirect_dma semaphore(%run_scoped3A_257 : memref<!tpu.dma_semaphore, #tpu.memory_space<semaphore_mem>>) src(%dma_wait3A_271 : memref<128x32xf32, #tpu.memory_space<vmem>>) dst(%dma_wait3A_277 : memref<50008x32xf32, #tpu.memory_space<vmem_shared>>)
        tpu.yield
      }) : () -> ()
      %dma_wait3A_229 = arith.constant 2 : i32
      %dma_wait3A_230 = arith.constant 2 : i32
      %dma_wait3A_231 = arith.constant 0 : i32
      %dma_wait3A_232 = arith.constant 0 : i32
      %dma_wait3A_233 = tpu.memref_slice %arg10[%dma_wait3A_230, %dma_wait3A_231, %dma_wait3A_232] : memref<4x128x32xf32, #tpu.memory_space<vmem>> -> memref<1x128x32xf32, #tpu.memory_space<vmem>>
      %dma_wait3A_234 = tpu.memref_squeeze %dma_wait3A_233 : memref<1x128x32xf32, #tpu.memory_space<vmem>> -> memref<128x32xf32, #tpu.memory_space<vmem>>
      %dma_wait3A_235 = arith.constant 0 : i32
      %dma_wait3A_236 = tpu.memref_slice %arg8[%dma_wait3A_229, %dma_wait3A_235] : memref<4x128xi32, #tpu.memory_space<vmem>> -> memref<1x128xi32, #tpu.memory_space<vmem>>
      %dma_wait3A_237 = tpu.memref_squeeze %dma_wait3A_236 : memref<1x128xi32, #tpu.memory_space<vmem>> -> memref<128xi32, #tpu.memory_space<vmem>>
      %dma_wait3A_238 = arith.constant 0 : i32
      %dma_wait3A_239 = arith.constant 0 : i32
      %dma_wait3A_240 = tpu.memref_slice %arg2[%dma_wait3A_238, %dma_wait3A_239] : memref<100000x32xf32, #tpu.memory_space<hbm>> -> memref<100000x32xf32, #tpu.memory_space<hbm>>
      tpu.wait_indirect_dma semaphore(%arg12 : memref<!tpu.dma_semaphore, #tpu.memory_space<semaphore_mem>>) src(%dma_wait3A_240 : memref<100000x32xf32, #tpu.memory_space<hbm>>) dst(%dma_wait3A_234 : memref<128x32xf32, #tpu.memory_space<vmem>>)
      %run_scoped3A_241 = arith.constant 2 : i32
      %run_scoped3A_242 = arith.constant 2 : i32
      "tpu.region"() ({
        %run_scoped3A_257 = tpu.sem_alloc : memref<!tpu.dma_semaphore, #tpu.memory_space<semaphore_mem>>
        %dma_start3A_258 = arith.constant 0 : i32
        %dma_start3A_259 = arith.constant 0 : i32
        %dma_start3A_260 = tpu.memref_slice %arg10[%run_scoped3A_241, %dma_start3A_258, %dma_start3A_259] : memref<4x128x32xf32, #tpu.memory_space<vmem>> -> memref<1x128x32xf32, #tpu.memory_space<vmem>>
        %dma_start3A_261 = tpu.memref_squeeze %dma_start3A_260 : memref<1x128x32xf32, #tpu.memory_space<vmem>> -> memref<128x32xf32, #tpu.memory_space<vmem>>
        %dma_start3A_262 = arith.constant 0 : i32
        %dma_start3A_263 = tpu.memref_slice %arg9[%run_scoped3A_242, %dma_start3A_262] : memref<4x128xi32, #tpu.memory_space<vmem>> -> memref<1x128xi32, #tpu.memory_space<vmem>>
        %dma_start3A_264 = tpu.memref_squeeze %dma_start3A_263 : memref<1x128xi32, #tpu.memory_space<vmem>> -> memref<128xi32, #tpu.memory_space<vmem>>
        %dma_start3A_265 = arith.constant 0 : i32
        %dma_start3A_266 = arith.constant 0 : i32
        %dma_start3A_267 = tpu.memref_slice %arg11[%dma_start3A_265, %dma_start3A_266] : memref<50008x32xf32, #tpu.memory_space<vmem_shared>> -> memref<50008x32xf32, #tpu.memory_space<vmem_shared>>
        tpu.enqueue_indirect_dma source(%dma_start3A_261 : memref<128x32xf32, #tpu.memory_space<vmem>>) target(%dma_start3A_267 : memref<50008x32xf32, #tpu.memory_space<vmem_shared>>) offsets(%dma_start3A_264 : memref<128xi32, #tpu.memory_space<vmem>>) semaphore(%run_scoped3A_257 : memref<!tpu.dma_semaphore, #tpu.memory_space<semaphore_mem>>) {add = true}
        %dma_wait3A_268 = arith.constant 0 : i32
        %dma_wait3A_269 = arith.constant 0 : i32
        %dma_wait3A_270 = tpu.memref_slice %arg10[%run_scoped3A_241, %dma_wait3A_268, %dma_wait3A_269] : memref<4x128x32xf32, #tpu.memory_space<vmem>> -> memref<1x128x32xf32, #tpu.memory_space<vmem>>
        %dma_wait3A_271 = tpu.memref_squeeze %dma_wait3A_270 : memref<1x128x32xf32, #tpu.memory_space<vmem>> -> memref<128x32xf32, #tpu.memory_space<vmem>>
        %dma_wait3A_272 = arith.constant 0 : i32
        %dma_wait3A_273 = tpu.memref_slice %arg9[%run_scoped3A_242, %dma_wait3A_272] : memref<4x128xi32, #tpu.memory_space<vmem>> -> memref<1x128xi32, #tpu.memory_space<vmem>>
        %dma_wait3A_274 = tpu.memref_squeeze %dma_wait3A_273 : memref<1x128xi32, #tpu.memory_space<vmem>> -> memref<128xi32, #tpu.memory_space<vmem>>
        %dma_wait3A_275 = arith.constant 0 : i32
        %dma_wait3A_276 = arith.constant 0 : i32
        %dma_wait3A_277 = tpu.memref_slice %arg11[%dma_wait3A_275, %dma_wait3A_276] : memref<50008x32xf32, #tpu.memory_space<vmem_shared>> -> memref<50008x32xf32, #tpu.memory_space<vmem_shared>>
        tpu.wait_indirect_dma semaphore(%run_scoped3A_257 : memref<!tpu.dma_semaphore, #tpu.memory_space<semaphore_mem>>) src(%dma_wait3A_271 : memref<128x32xf32, #tpu.memory_space<vmem>>) dst(%dma_wait3A_277 : memref<50008x32xf32, #tpu.memory_space<vmem_shared>>)
        tpu.yield
      }) : () -> ()
      %dma_wait3A_243 = arith.constant 3 : i32
      %dma_wait3A_244 = arith.constant 3 : i32
      %dma_wait3A_245 = arith.constant 0 : i32
      %dma_wait3A_246 = arith.constant 0 : i32
      %dma_wait3A_247 = tpu.memref_slice %arg10[%dma_wait3A_244, %dma_wait3A_245, %dma_wait3A_246] : memref<4x128x32xf32, #tpu.memory_space<vmem>> -> memref<1x128x32xf32, #tpu.memory_space<vmem>>
      %dma_wait3A_248 = tpu.memref_squeeze %dma_wait3A_247 : memref<1x128x32xf32, #tpu.memory_space<vmem>> -> memref<128x32xf32, #tpu.memory_space<vmem>>
      %dma_wait3A_249 = arith.constant 0 : i32
      %dma_wait3A_250 = tpu.memref_slice %arg8[%dma_wait3A_243, %dma_wait3A_249] : memref<4x128xi32, #tpu.memory_space<vmem>> -> memref<1x128xi32, #tpu.memory_space<vmem>>
      %dma_wait3A_251 = tpu.memref_squeeze %dma_wait3A_250 : memref<1x128xi32, #tpu.memory_space<vmem>> -> memref<128xi32, #tpu.memory_space<vmem>>
      %dma_wait3A_252 = arith.constant 0 : i32
      %dma_wait3A_253 = arith.constant 0 : i32
      %dma_wait3A_254 = tpu.memref_slice %arg2[%dma_wait3A_252, %dma_wait3A_253] : memref<100000x32xf32, #tpu.memory_space<hbm>> -> memref<100000x32xf32, #tpu.memory_space<hbm>>
      tpu.wait_indirect_dma semaphore(%arg12 : memref<!tpu.dma_semaphore, #tpu.memory_space<semaphore_mem>>) src(%dma_wait3A_254 : memref<100000x32xf32, #tpu.memory_space<hbm>>) dst(%dma_wait3A_248 : memref<128x32xf32, #tpu.memory_space<vmem>>)
      %run_scoped3A_255 = arith.constant 3 : i32
      %run_scoped3A_256 = arith.constant 3 : i32
      "tpu.region"() ({
        %run_scoped3A_257 = tpu.sem_alloc : memref<!tpu.dma_semaphore, #tpu.memory_space<semaphore_mem>>
        %dma_start3A_258 = arith.constant 0 : i32
        %dma_start3A_259 = arith.constant 0 : i32
        %dma_start3A_260 = tpu.memref_slice %arg10[%run_scoped3A_255, %dma_start3A_258, %dma_start3A_259] : memref<4x128x32xf32, #tpu.memory_space<vmem>> -> memref<1x128x32xf32, #tpu.memory_space<vmem>>
        %dma_start3A_261 = tpu.memref_squeeze %dma_start3A_260 : memref<1x128x32xf32, #tpu.memory_space<vmem>> -> memref<128x32xf32, #tpu.memory_space<vmem>>
        %dma_start3A_262 = arith.constant 0 : i32
        %dma_start3A_263 = tpu.memref_slice %arg9[%run_scoped3A_256, %dma_start3A_262] : memref<4x128xi32, #tpu.memory_space<vmem>> -> memref<1x128xi32, #tpu.memory_space<vmem>>
        %dma_start3A_264 = tpu.memref_squeeze %dma_start3A_263 : memref<1x128xi32, #tpu.memory_space<vmem>> -> memref<128xi32, #tpu.memory_space<vmem>>
        %dma_start3A_265 = arith.constant 0 : i32
        %dma_start3A_266 = arith.constant 0 : i32
        %dma_start3A_267 = tpu.memref_slice %arg11[%dma_start3A_265, %dma_start3A_266] : memref<50008x32xf32, #tpu.memory_space<vmem_shared>> -> memref<50008x32xf32, #tpu.memory_space<vmem_shared>>
        tpu.enqueue_indirect_dma source(%dma_start3A_261 : memref<128x32xf32, #tpu.memory_space<vmem>>) target(%dma_start3A_267 : memref<50008x32xf32, #tpu.memory_space<vmem_shared>>) offsets(%dma_start3A_264 : memref<128xi32, #tpu.memory_space<vmem>>) semaphore(%run_scoped3A_257 : memref<!tpu.dma_semaphore, #tpu.memory_space<semaphore_mem>>) {add = true}
        %dma_wait3A_268 = arith.constant 0 : i32
        %dma_wait3A_269 = arith.constant 0 : i32
        %dma_wait3A_270 = tpu.memref_slice %arg10[%run_scoped3A_255, %dma_wait3A_268, %dma_wait3A_269] : memref<4x128x32xf32, #tpu.memory_space<vmem>> -> memref<1x128x32xf32, #tpu.memory_space<vmem>>
        %dma_wait3A_271 = tpu.memref_squeeze %dma_wait3A_270 : memref<1x128x32xf32, #tpu.memory_space<vmem>> -> memref<128x32xf32, #tpu.memory_space<vmem>>
        %dma_wait3A_272 = arith.constant 0 : i32
        %dma_wait3A_273 = tpu.memref_slice %arg9[%run_scoped3A_256, %dma_wait3A_272] : memref<4x128xi32, #tpu.memory_space<vmem>> -> memref<1x128xi32, #tpu.memory_space<vmem>>
        %dma_wait3A_274 = tpu.memref_squeeze %dma_wait3A_273 : memref<1x128xi32, #tpu.memory_space<vmem>> -> memref<128xi32, #tpu.memory_space<vmem>>
        %dma_wait3A_275 = arith.constant 0 : i32
        %dma_wait3A_276 = arith.constant 0 : i32
        %dma_wait3A_277 = tpu.memref_slice %arg11[%dma_wait3A_275, %dma_wait3A_276] : memref<50008x32xf32, #tpu.memory_space<vmem_shared>> -> memref<50008x32xf32, #tpu.memory_space<vmem_shared>>
        tpu.wait_indirect_dma semaphore(%run_scoped3A_257 : memref<!tpu.dma_semaphore, #tpu.memory_space<semaphore_mem>>) src(%dma_wait3A_271 : memref<128x32xf32, #tpu.memory_space<vmem>>) dst(%dma_wait3A_277 : memref<50008x32xf32, #tpu.memory_space<vmem_shared>>)
        tpu.yield
      }) : () -> ()
    }
    %scan3A_22 = arith.constant 49 : i32
    %barrier3A_23 = arith.constant 0 : index
    tpu.barrier barrier_id(%barrier3A_23)
    %mul3A_24 = arith.constant 3125 : i32
    %mul3A_25 = arith.muli %arg1, %mul3A_24 : i32
    "tpu.region"() ({
      %run_scoped3A = tpu.sem_alloc : memref<!tpu.dma_semaphore, #tpu.memory_space<semaphore_mem>>
      %dma_start3A_26 = arith.constant 0 : i32
      %dma_start3A_27 = tpu.memref_slice %arg5[%add3A, %dma_start3A_26] : memref<100000x32xf32, #tpu.memory_space<hbm>> -> memref<3125x32xf32, #tpu.memory_space<hbm>>
      %dma_start3A_28 = arith.constant 0 : i32
      %dma_start3A_29 = tpu.memref_slice %arg11[%mul3A_25, %dma_start3A_28] : memref<50008x32xf32, #tpu.memory_space<vmem_shared>> -> memref<3125x32xf32, #tpu.memory_space<vmem_shared>>
      tpu.enqueue_dma source(%dma_start3A_29 : memref<3125x32xf32, #tpu.memory_space<vmem_shared>>) target(%dma_start3A_27 : memref<3125x32xf32, #tpu.memory_space<hbm>>) target_semaphore(%run_scoped3A : memref<!tpu.dma_semaphore, #tpu.memory_space<semaphore_mem>>)
      %dma_wait3A_30 = arith.constant 0 : i32
      %dma_wait3A_31 = tpu.memref_slice %arg5[%add3A, %dma_wait3A_30] : memref<100000x32xf32, #tpu.memory_space<hbm>> -> memref<3125x32xf32, #tpu.memory_space<hbm>>
      %dma_wait3A_32 = arith.constant 0 : i32
      %dma_wait3A_33 = tpu.memref_slice %arg11[%mul3A_25, %dma_wait3A_32] : memref<50008x32xf32, #tpu.memory_space<vmem_shared>> -> memref<3125x32xf32, #tpu.memory_space<vmem_shared>>
      tpu.wait_dma2 semaphore(%run_scoped3A : memref<!tpu.dma_semaphore, #tpu.memory_space<semaphore_mem>>) src(%dma_wait3A_33 : memref<3125x32xf32, #tpu.memory_space<vmem_shared>>) dst(%dma_wait3A_31 : memref<3125x32xf32, #tpu.memory_space<hbm>>)
      tpu.yield
    }) : () -> ()
    return
  }
}

#map = affine_map<(d0, d1) -> (0, 0)>
module attributes {stable_mosaic.version = 14 : i64} {
  func.func @_agg_body(%arg0: i32, %arg1: i32, %arg2: memref<100000x32xf32, #tpu.memory_space<hbm>>, %arg3: memref<12544x128xi32, #tpu.memory_space<hbm>>, %arg4: memref<6272x128xi32, #tpu.memory_space<hbm>>, %arg5: memref<100000x32xf32, #tpu.memory_space<hbm>>, %arg6: memref<4x128xi32, #tpu.memory_space<vmem>>, %arg7: memref<4x128xi32, #tpu.memory_space<vmem>>, %arg8: memref<4x128xi32, #tpu.memory_space<vmem>>, %arg9: memref<4x128xi32, #tpu.memory_space<vmem>>, %arg10: memref<4x128x32xf32, #tpu.memory_space<vmem>>, %arg11: memref<50008x32xf32, #tpu.memory_space<vmem_shared>>, %arg12: memref<!tpu.dma_semaphore, #tpu.memory_space<semaphore_mem>>) attributes {dimension_semantics = [#tpu.dimension_semantics<core_parallel>, #tpu.dimension_semantics<subcore_parallel>], iteration_bounds = array<i64: 2, 16>, scalar_prefetch = 0 : i64, scratch_operands = 7 : i64, tpu.core_type = #tpu.core_type<sc_vector_subcore>, window_params = [{transform_indices = #map}, {transform_indices = #map}, {transform_indices = #map}, {transform_indices = #map}]} {
    %mul3A = arith.constant 50000 : i32
    %mul3A_0 = arith.muli %arg0, %mul3A : i32
    %mul3A_1 = arith.constant 3125 : i32
    %mul3A_2 = arith.muli %arg1, %mul3A_1 : i32
    %add3A = arith.addi %mul3A_0, %mul3A_2 : i32
    %mul3A_3 = arith.constant 3125 : i32
    %mul3A_4 = arith.muli %arg1, %mul3A_3 : i32
    %dma_start3A = arith.constant 0 : i32
    %dma_start3A_5 = tpu.memref_slice %arg11[%mul3A_4, %dma_start3A] : memref<50008x32xf32, #tpu.memory_space<vmem_shared>> -> memref<3125x32xf32, #tpu.memory_space<vmem_shared>>
    %dma_start3A_6 = arith.constant 0 : i32
    %dma_start3A_7 = tpu.memref_slice %arg2[%add3A, %dma_start3A_6] : memref<100000x32xf32, #tpu.memory_space<hbm>> -> memref<3125x32xf32, #tpu.memory_space<hbm>>
    tpu.enqueue_dma source(%dma_start3A_7 : memref<3125x32xf32, #tpu.memory_space<hbm>>) target(%dma_start3A_5 : memref<3125x32xf32, #tpu.memory_space<vmem_shared>>) target_semaphore(%arg12 : memref<!tpu.dma_semaphore, #tpu.memory_space<semaphore_mem>>)
    %mul3A_8 = arith.constant 6272 : i32
    %mul3A_9 = arith.muli %arg0, %mul3A_8 : i32
    %mul3A_10 = arith.constant 392 : i32
    %mul3A_11 = arith.muli %arg1, %mul3A_10 : i32
    %add3A_12 = arith.addi %mul3A_9, %mul3A_11 : i32
    %mul3A_13 = arith.constant 392 : i32
    %mul3A_14 = arith.muli %arg1, %mul3A_13 : i32
    "tpu.region"() ({
      %run_scoped3A = tpu.sem_alloc : memref<!tpu.dma_semaphore, #tpu.memory_space<semaphore_mem>>
      %dma_start3A_26 = arith.constant 0 : i32
      %dma_start3A_27 = tpu.memref_slice %arg3[%add3A_12, %dma_start3A_26] : memref<12544x128xi32, #tpu.memory_space<hbm>> -> memref<4x128xi32, #tpu.memory_space<hbm>>
      %dma_start3A_28 = arith.constant 0 : i32
      %dma_start3A_29 = tpu.memref_slice %arg3[%add3A_12, %dma_start3A_28] : memref<12544x128xi32, #tpu.memory_space<hbm>> -> memref<4x128xi32, #tpu.memory_space<hbm>>
      tpu.enqueue_dma source(%dma_start3A_29 : memref<4x128xi32, #tpu.memory_space<hbm>>) target(%arg6 : memref<4x128xi32, #tpu.memory_space<vmem>>) target_semaphore(%run_scoped3A : memref<!tpu.dma_semaphore, #tpu.memory_space<semaphore_mem>>)
      %dma_wait3A_30 = arith.constant 0 : i32
      %dma_wait3A_31 = tpu.memref_slice %arg3[%add3A_12, %dma_wait3A_30] : memref<12544x128xi32, #tpu.memory_space<hbm>> -> memref<4x128xi32, #tpu.memory_space<hbm>>
      %dma_wait3A_32 = arith.constant 0 : i32
      %dma_wait3A_33 = tpu.memref_slice %arg3[%add3A_12, %dma_wait3A_32] : memref<12544x128xi32, #tpu.memory_space<hbm>> -> memref<4x128xi32, #tpu.memory_space<hbm>>
      tpu.wait_dma2 semaphore(%run_scoped3A : memref<!tpu.dma_semaphore, #tpu.memory_space<semaphore_mem>>) src(%dma_wait3A_33 : memref<4x128xi32, #tpu.memory_space<hbm>>) dst(%arg6 : memref<4x128xi32, #tpu.memory_space<vmem>>)
      tpu.yield
    }) : () -> ()
    "tpu.region"() ({
      %run_scoped3A = tpu.sem_alloc : memref<!tpu.dma_semaphore, #tpu.memory_space<semaphore_mem>>
      %dma_start3A_26 = arith.constant 0 : i32
      %dma_start3A_27 = tpu.memref_slice %arg4[%mul3A_14, %dma_start3A_26] : memref<6272x128xi32, #tpu.memory_space<hbm>> -> memref<4x128xi32, #tpu.memory_space<hbm>>
      %dma_start3A_28 = arith.constant 0 : i32
      %dma_start3A_29 = tpu.memref_slice %arg4[%mul3A_14, %dma_start3A_28] : memref<6272x128xi32, #tpu.memory_space<hbm>> -> memref<4x128xi32, #tpu.memory_space<hbm>>
      tpu.enqueue_dma source(%dma_start3A_29 : memref<4x128xi32, #tpu.memory_space<hbm>>) target(%arg7 : memref<4x128xi32, #tpu.memory_space<vmem>>) target_semaphore(%run_scoped3A : memref<!tpu.dma_semaphore, #tpu.memory_space<semaphore_mem>>)
      %dma_wait3A_30 = arith.constant 0 : i32
      %dma_wait3A_31 = tpu.memref_slice %arg4[%mul3A_14, %dma_wait3A_30] : memref<6272x128xi32, #tpu.memory_space<hbm>> -> memref<4x128xi32, #tpu.memory_space<hbm>>
      %dma_wait3A_32 = arith.constant 0 : i32
      %dma_wait3A_33 = tpu.memref_slice %arg4[%mul3A_14, %dma_wait3A_32] : memref<6272x128xi32, #tpu.memory_space<hbm>> -> memref<4x128xi32, #tpu.memory_space<hbm>>
      tpu.wait_dma2 semaphore(%run_scoped3A : memref<!tpu.dma_semaphore, #tpu.memory_space<semaphore_mem>>) src(%dma_wait3A_33 : memref<4x128xi32, #tpu.memory_space<hbm>>) dst(%arg7 : memref<4x128xi32, #tpu.memory_space<vmem>>)
      tpu.yield
    }) : () -> ()
    %dma_wait3A = arith.constant 0 : i32
    %dma_wait3A_15 = tpu.memref_slice %arg11[%mul3A_4, %dma_wait3A] : memref<50008x32xf32, #tpu.memory_space<vmem_shared>> -> memref<3125x32xf32, #tpu.memory_space<vmem_shared>>
    %dma_wait3A_16 = arith.constant 0 : i32
    %dma_wait3A_17 = tpu.memref_slice %arg2[%add3A, %dma_wait3A_16] : memref<100000x32xf32, #tpu.memory_space<hbm>> -> memref<3125x32xf32, #tpu.memory_space<hbm>>
    tpu.wait_dma2 semaphore(%arg12 : memref<!tpu.dma_semaphore, #tpu.memory_space<semaphore_mem>>) src(%dma_wait3A_17 : memref<3125x32xf32, #tpu.memory_space<hbm>>) dst(%dma_wait3A_15 : memref<3125x32xf32, #tpu.memory_space<vmem_shared>>)
    %barrier3A = arith.constant 0 : index
    tpu.barrier barrier_id(%barrier3A)
    %scan3A = arith.constant 0 : i32
    %scan3A_18 = arith.constant 0 : i32
    %scan3A_19 = arith.constant 49 : i32
    %scan3A_20 = arith.addi %scan3A_18, %scan3A_19 : i32
    %scan3A_21 = arith.constant 1 : i32
    scf.for %scan3A_26 = %scan3A_18 to %scan3A_20 step %scan3A_21  : i32 {
      %dma_start3A_27 = arith.constant 0 : i32
      %dma_start3A_28 = arith.constant 0 : i32
      %dma_start3A_29 = arith.constant 0 : i32
      %dma_start3A_30 = arith.constant 0 : i32
      %dma_start3A_31 = tpu.memref_slice %arg10[%dma_start3A_28, %dma_start3A_29, %dma_start3A_30] : memref<4x128x32xf32, #tpu.memory_space<vmem>> -> memref<1x128x32xf32, #tpu.memory_space<vmem>>
      %dma_start3A_32 = tpu.memref_squeeze %dma_start3A_31 : memref<1x128x32xf32, #tpu.memory_space<vmem>> -> memref<128x32xf32, #tpu.memory_space<vmem>>
      %dma_start3A_33 = arith.constant 0 : i32
      %dma_start3A_34 = tpu.memref_slice %arg6[%dma_start3A_27, %dma_start3A_33] : memref<4x128xi32, #tpu.memory_space<vmem>> -> memref<1x128xi32, #tpu.memory_space<vmem>>
      %dma_start3A_35 = tpu.memref_squeeze %dma_start3A_34 : memref<1x128xi32, #tpu.memory_space<vmem>> -> memref<128xi32, #tpu.memory_space<vmem>>
      %dma_start3A_36 = arith.constant 0 : i32
      %dma_start3A_37 = arith.constant 0 : i32
      %dma_start3A_38 = tpu.memref_slice %arg2[%dma_start3A_36, %dma_start3A_37] : memref<100000x32xf32, #tpu.memory_space<hbm>> -> memref<100000x32xf32, #tpu.memory_space<hbm>>
      tpu.enqueue_indirect_dma source(%dma_start3A_38 : memref<100000x32xf32, #tpu.memory_space<hbm>>) target(%dma_start3A_32 : memref<128x32xf32, #tpu.memory_space<vmem>>) offsets(%dma_start3A_35 : memref<128xi32, #tpu.memory_space<vmem>>) semaphore(%arg12 : memref<!tpu.dma_semaphore, #tpu.memory_space<semaphore_mem>>)
      %dma_start3A_39 = arith.constant 1 : i32
      %dma_start3A_40 = arith.constant 1 : i32
      %dma_start3A_41 = arith.constant 0 : i32
      %dma_start3A_42 = arith.constant 0 : i32
      %dma_start3A_43 = tpu.memref_slice %arg10[%dma_start3A_40, %dma_start3A_41, %dma_start3A_42] : memref<4x128x32xf32, #tpu.memory_space<vmem>> -> memref<1x128x32xf32, #tpu.memory_space<vmem>>
      %dma_start3A_44 = tpu.memref_squeeze %dma_start3A_43 : memref<1x128x32xf32, #tpu.memory_space<vmem>> -> memref<128x32xf32, #tpu.memory_space<vmem>>
      %dma_start3A_45 = arith.constant 0 : i32
      %dma_start3A_46 = tpu.memref_slice %arg6[%dma_start3A_39, %dma_start3A_45] : memref<4x128xi32, #tpu.memory_space<vmem>> -> memref<1x128xi32, #tpu.memory_space<vmem>>
      %dma_start3A_47 = tpu.memref_squeeze %dma_start3A_46 : memref<1x128xi32, #tpu.memory_space<vmem>> -> memref<128xi32, #tpu.memory_space<vmem>>
      %dma_start3A_48 = arith.constant 0 : i32
      %dma_start3A_49 = arith.constant 0 : i32
      %dma_start3A_50 = tpu.memref_slice %arg2[%dma_start3A_48, %dma_start3A_49] : memref<100000x32xf32, #tpu.memory_space<hbm>> -> memref<100000x32xf32, #tpu.memory_space<hbm>>
      tpu.enqueue_indirect_dma source(%dma_start3A_50 : memref<100000x32xf32, #tpu.memory_space<hbm>>) target(%dma_start3A_44 : memref<128x32xf32, #tpu.memory_space<vmem>>) offsets(%dma_start3A_47 : memref<128xi32, #tpu.memory_space<vmem>>) semaphore(%arg12 : memref<!tpu.dma_semaphore, #tpu.memory_space<semaphore_mem>>)
      %dma_start3A_51 = arith.constant 2 : i32
      %dma_start3A_52 = arith.constant 2 : i32
      %dma_start3A_53 = arith.constant 0 : i32
      %dma_start3A_54 = arith.constant 0 : i32
      %dma_start3A_55 = tpu.memref_slice %arg10[%dma_start3A_52, %dma_start3A_53, %dma_start3A_54] : memref<4x128x32xf32, #tpu.memory_space<vmem>> -> memref<1x128x32xf32, #tpu.memory_space<vmem>>
      %dma_start3A_56 = tpu.memref_squeeze %dma_start3A_55 : memref<1x128x32xf32, #tpu.memory_space<vmem>> -> memref<128x32xf32, #tpu.memory_space<vmem>>
      %dma_start3A_57 = arith.constant 0 : i32
      %dma_start3A_58 = tpu.memref_slice %arg6[%dma_start3A_51, %dma_start3A_57] : memref<4x128xi32, #tpu.memory_space<vmem>> -> memref<1x128xi32, #tpu.memory_space<vmem>>
      %dma_start3A_59 = tpu.memref_squeeze %dma_start3A_58 : memref<1x128xi32, #tpu.memory_space<vmem>> -> memref<128xi32, #tpu.memory_space<vmem>>
      %dma_start3A_60 = arith.constant 0 : i32
      %dma_start3A_61 = arith.constant 0 : i32
      %dma_start3A_62 = tpu.memref_slice %arg2[%dma_start3A_60, %dma_start3A_61] : memref<100000x32xf32, #tpu.memory_space<hbm>> -> memref<100000x32xf32, #tpu.memory_space<hbm>>
      tpu.enqueue_indirect_dma source(%dma_start3A_62 : memref<100000x32xf32, #tpu.memory_space<hbm>>) target(%dma_start3A_56 : memref<128x32xf32, #tpu.memory_space<vmem>>) offsets(%dma_start3A_59 : memref<128xi32, #tpu.memory_space<vmem>>) semaphore(%arg12 : memref<!tpu.dma_semaphore, #tpu.memory_space<semaphore_mem>>)
      %dma_start3A_63 = arith.constant 3 : i32
      %dma_start3A_64 = arith.constant 3 : i32
      %dma_start3A_65 = arith.constant 0 : i32
      %dma_start3A_66 = arith.constant 0 : i32
      %dma_start3A_67 = tpu.memref_slice %arg10[%dma_start3A_64, %dma_start3A_65, %dma_start3A_66] : memref<4x128x32xf32, #tpu.memory_space<vmem>> -> memref<1x128x32xf32, #tpu.memory_space<vmem>>
      %dma_start3A_68 = tpu.memref_squeeze %dma_start3A_67 : memref<1x128x32xf32, #tpu.memory_space<vmem>> -> memref<128x32xf32, #tpu.memory_space<vmem>>
      %dma_start3A_69 = arith.constant 0 : i32
      %dma_start3A_70 = tpu.memref_slice %arg6[%dma_start3A_63, %dma_start3A_69] : memref<4x128xi32, #tpu.memory_space<vmem>> -> memref<1x128xi32, #tpu.memory_space<vmem>>
      %dma_start3A_71 = tpu.memref_squeeze %dma_start3A_70 : memref<1x128xi32, #tpu.memory_space<vmem>> -> memref<128xi32, #tpu.memory_space<vmem>>
      %dma_start3A_72 = arith.constant 0 : i32
      %dma_start3A_73 = arith.constant 0 : i32
      %dma_start3A_74 = tpu.memref_slice %arg2[%dma_start3A_72, %dma_start3A_73] : memref<100000x32xf32, #tpu.memory_space<hbm>> -> memref<100000x32xf32, #tpu.memory_space<hbm>>
      tpu.enqueue_indirect_dma source(%dma_start3A_74 : memref<100000x32xf32, #tpu.memory_space<hbm>>) target(%dma_start3A_68 : memref<128x32xf32, #tpu.memory_space<vmem>>) offsets(%dma_start3A_71 : memref<128xi32, #tpu.memory_space<vmem>>) semaphore(%arg12 : memref<!tpu.dma_semaphore, #tpu.memory_space<semaphore_mem>>)
      %mul3A_75 = arith.constant 2 : i32
      %mul3A_76 = arith.muli %mul3A_75, %scan3A_26 : i32
      %add3A_77 = arith.constant 1 : i32
      %add3A_78 = arith.addi %mul3A_76, %add3A_77 : i32
      %mul3A_79 = arith.constant 4 : i32
      %mul3A_80 = arith.muli %add3A_78, %mul3A_79 : i32
      %add3A_81 = arith.addi %add3A_12, %mul3A_80 : i32
      "tpu.region"() ({
        %run_scoped3A_257 = tpu.sem_alloc : memref<!tpu.dma_semaphore, #tpu.memory_space<semaphore_mem>>
        %dma_start3A_258 = arith.constant 0 : i32
        %dma_start3A_259 = tpu.memref_slice %arg3[%add3A_81, %dma_start3A_258] : memref<12544x128xi32, #tpu.memory_space<hbm>> -> memref<4x128xi32, #tpu.memory_space<hbm>>
        %dma_start3A_260 = arith.constant 0 : i32
        %dma_start3A_261 = tpu.memref_slice %arg3[%add3A_81, %dma_start3A_260] : memref<12544x128xi32, #tpu.memory_space<hbm>> -> memref<4x128xi32, #tpu.memory_space<hbm>>
        tpu.enqueue_dma source(%dma_start3A_261 : memref<4x128xi32, #tpu.memory_space<hbm>>) target(%arg8 : memref<4x128xi32, #tpu.memory_space<vmem>>) target_semaphore(%run_scoped3A_257 : memref<!tpu.dma_semaphore, #tpu.memory_space<semaphore_mem>>)
        %dma_wait3A_262 = arith.constant 0 : i32
        %dma_wait3A_263 = tpu.memref_slice %arg3[%add3A_81, %dma_wait3A_262] : memref<12544x128xi32, #tpu.memory_space<hbm>> -> memref<4x128xi32, #tpu.memory_space<hbm>>
        %dma_wait3A_264 = arith.constant 0 : i32
        %dma_wait3A_265 = tpu.memref_slice %arg3[%add3A_81, %dma_wait3A_264] : memref<12544x128xi32, #tpu.memory_space<hbm>> -> memref<4x128xi32, #tpu.memory_space<hbm>>
        tpu.wait_dma2 semaphore(%run_scoped3A_257 : memref<!tpu.dma_semaphore, #tpu.memory_space<semaphore_mem>>) src(%dma_wait3A_265 : memref<4x128xi32, #tpu.memory_space<hbm>>) dst(%arg8 : memref<4x128xi32, #tpu.memory_space<vmem>>)
        tpu.yield
      }) : () -> ()
      %mul3A_82 = arith.constant 2 : i32
      %mul3A_83 = arith.muli %mul3A_82, %scan3A_26 : i32
      %add3A_84 = arith.constant 1 : i32
      %add3A_85 = arith.addi %mul3A_83, %add3A_84 : i32
      %mul3A_86 = arith.constant 4 : i32
      %mul3A_87 = arith.muli %add3A_85, %mul3A_86 : i32
      %add3A_88 = arith.addi %mul3A_14, %mul3A_87 : i32
      "tpu.region"() ({
        %run_scoped3A_257 = tpu.sem_alloc : memref<!tpu.dma_semaphore, #tpu.memory_space<semaphore_mem>>
        %dma_start3A_258 = arith.constant 0 : i32
        %dma_start3A_259 = tpu.memref_slice %arg4[%add3A_88, %dma_start3A_258] : memref<6272x128xi32, #tpu.memory_space<hbm>> -> memref<4x128xi32, #tpu.memory_space<hbm>>
        %dma_start3A_260 = arith.constant 0 : i32
        %dma_start3A_261 = tpu.memref_slice %arg4[%add3A_88, %dma_start3A_260] : memref<6272x128xi32, #tpu.memory_space<hbm>> -> memref<4x128xi32, #tpu.memory_space<hbm>>
        tpu.enqueue_dma source(%dma_start3A_261 : memref<4x128xi32, #tpu.memory_space<hbm>>) target(%arg9 : memref<4x128xi32, #tpu.memory_space<vmem>>) target_semaphore(%run_scoped3A_257 : memref<!tpu.dma_semaphore, #tpu.memory_space<semaphore_mem>>)
        %dma_wait3A_262 = arith.constant 0 : i32
        %dma_wait3A_263 = tpu.memref_slice %arg4[%add3A_88, %dma_wait3A_262] : memref<6272x128xi32, #tpu.memory_space<hbm>> -> memref<4x128xi32, #tpu.memory_space<hbm>>
        %dma_wait3A_264 = arith.constant 0 : i32
        %dma_wait3A_265 = tpu.memref_slice %arg4[%add3A_88, %dma_wait3A_264] : memref<6272x128xi32, #tpu.memory_space<hbm>> -> memref<4x128xi32, #tpu.memory_space<hbm>>
        tpu.wait_dma2 semaphore(%run_scoped3A_257 : memref<!tpu.dma_semaphore, #tpu.memory_space<semaphore_mem>>) src(%dma_wait3A_265 : memref<4x128xi32, #tpu.memory_space<hbm>>) dst(%arg9 : memref<4x128xi32, #tpu.memory_space<vmem>>)
        tpu.yield
      }) : () -> ()
      %dma_wait3A_89 = arith.constant 0 : i32
      %dma_wait3A_90 = arith.constant 0 : i32
      %dma_wait3A_91 = arith.constant 0 : i32
      %dma_wait3A_92 = arith.constant 0 : i32
      %dma_wait3A_93 = tpu.memref_slice %arg10[%dma_wait3A_90, %dma_wait3A_91, %dma_wait3A_92] : memref<4x128x32xf32, #tpu.memory_space<vmem>> -> memref<1x128x32xf32, #tpu.memory_space<vmem>>
      %dma_wait3A_94 = tpu.memref_squeeze %dma_wait3A_93 : memref<1x128x32xf32, #tpu.memory_space<vmem>> -> memref<128x32xf32, #tpu.memory_space<vmem>>
      %dma_wait3A_95 = arith.constant 0 : i32
      %dma_wait3A_96 = tpu.memref_slice %arg6[%dma_wait3A_89, %dma_wait3A_95] : memref<4x128xi32, #tpu.memory_space<vmem>> -> memref<1x128xi32, #tpu.memory_space<vmem>>
      %dma_wait3A_97 = tpu.memref_squeeze %dma_wait3A_96 : memref<1x128xi32, #tpu.memory_space<vmem>> -> memref<128xi32, #tpu.memory_space<vmem>>
      %dma_wait3A_98 = arith.constant 0 : i32
      %dma_wait3A_99 = arith.constant 0 : i32
      %dma_wait3A_100 = tpu.memref_slice %arg2[%dma_wait3A_98, %dma_wait3A_99] : memref<100000x32xf32, #tpu.memory_space<hbm>> -> memref<100000x32xf32, #tpu.memory_space<hbm>>
      tpu.wait_indirect_dma semaphore(%arg12 : memref<!tpu.dma_semaphore, #tpu.memory_space<semaphore_mem>>) src(%dma_wait3A_100 : memref<100000x32xf32, #tpu.memory_space<hbm>>) dst(%dma_wait3A_94 : memref<128x32xf32, #tpu.memory_space<vmem>>)
      %run_scoped3A = arith.constant 0 : i32
      %run_scoped3A_101 = arith.constant 0 : i32
      "tpu.region"() ({
        %run_scoped3A_257 = tpu.sem_alloc : memref<!tpu.dma_semaphore, #tpu.memory_space<semaphore_mem>>
        %dma_start3A_258 = arith.constant 0 : i32
        %dma_start3A_259 = arith.constant 0 : i32
        %dma_start3A_260 = tpu.memref_slice %arg10[%run_scoped3A, %dma_start3A_258, %dma_start3A_259] : memref<4x128x32xf32, #tpu.memory_space<vmem>> -> memref<1x128x32xf32, #tpu.memory_space<vmem>>
        %dma_start3A_261 = tpu.memref_squeeze %dma_start3A_260 : memref<1x128x32xf32, #tpu.memory_space<vmem>> -> memref<128x32xf32, #tpu.memory_space<vmem>>
        %dma_start3A_262 = arith.constant 0 : i32
        %dma_start3A_263 = tpu.memref_slice %arg7[%run_scoped3A_101, %dma_start3A_262] : memref<4x128xi32, #tpu.memory_space<vmem>> -> memref<1x128xi32, #tpu.memory_space<vmem>>
        %dma_start3A_264 = tpu.memref_squeeze %dma_start3A_263 : memref<1x128xi32, #tpu.memory_space<vmem>> -> memref<128xi32, #tpu.memory_space<vmem>>
        %dma_start3A_265 = arith.constant 0 : i32
        %dma_start3A_266 = arith.constant 0 : i32
        %dma_start3A_267 = tpu.memref_slice %arg11[%dma_start3A_265, %dma_start3A_266] : memref<50008x32xf32, #tpu.memory_space<vmem_shared>> -> memref<50008x32xf32, #tpu.memory_space<vmem_shared>>
        tpu.enqueue_indirect_dma source(%dma_start3A_261 : memref<128x32xf32, #tpu.memory_space<vmem>>) target(%dma_start3A_267 : memref<50008x32xf32, #tpu.memory_space<vmem_shared>>) offsets(%dma_start3A_264 : memref<128xi32, #tpu.memory_space<vmem>>) semaphore(%run_scoped3A_257 : memref<!tpu.dma_semaphore, #tpu.memory_space<semaphore_mem>>) {add = true}
        %dma_wait3A_268 = arith.constant 0 : i32
        %dma_wait3A_269 = arith.constant 0 : i32
        %dma_wait3A_270 = tpu.memref_slice %arg10[%run_scoped3A, %dma_wait3A_268, %dma_wait3A_269] : memref<4x128x32xf32, #tpu.memory_space<vmem>> -> memref<1x128x32xf32, #tpu.memory_space<vmem>>
        %dma_wait3A_271 = tpu.memref_squeeze %dma_wait3A_270 : memref<1x128x32xf32, #tpu.memory_space<vmem>> -> memref<128x32xf32, #tpu.memory_space<vmem>>
        %dma_wait3A_272 = arith.constant 0 : i32
        %dma_wait3A_273 = tpu.memref_slice %arg7[%run_scoped3A_101, %dma_wait3A_272] : memref<4x128xi32, #tpu.memory_space<vmem>> -> memref<1x128xi32, #tpu.memory_space<vmem>>
        %dma_wait3A_274 = tpu.memref_squeeze %dma_wait3A_273 : memref<1x128xi32, #tpu.memory_space<vmem>> -> memref<128xi32, #tpu.memory_space<vmem>>
        %dma_wait3A_275 = arith.constant 0 : i32
        %dma_wait3A_276 = arith.constant 0 : i32
        %dma_wait3A_277 = tpu.memref_slice %arg11[%dma_wait3A_275, %dma_wait3A_276] : memref<50008x32xf32, #tpu.memory_space<vmem_shared>> -> memref<50008x32xf32, #tpu.memory_space<vmem_shared>>
        tpu.wait_indirect_dma semaphore(%run_scoped3A_257 : memref<!tpu.dma_semaphore, #tpu.memory_space<semaphore_mem>>) src(%dma_wait3A_271 : memref<128x32xf32, #tpu.memory_space<vmem>>) dst(%dma_wait3A_277 : memref<50008x32xf32, #tpu.memory_space<vmem_shared>>)
        tpu.yield
      }) : () -> ()
      %dma_wait3A_102 = arith.constant 1 : i32
      %dma_wait3A_103 = arith.constant 1 : i32
      %dma_wait3A_104 = arith.constant 0 : i32
      %dma_wait3A_105 = arith.constant 0 : i32
      %dma_wait3A_106 = tpu.memref_slice %arg10[%dma_wait3A_103, %dma_wait3A_104, %dma_wait3A_105] : memref<4x128x32xf32, #tpu.memory_space<vmem>> -> memref<1x128x32xf32, #tpu.memory_space<vmem>>
      %dma_wait3A_107 = tpu.memref_squeeze %dma_wait3A_106 : memref<1x128x32xf32, #tpu.memory_space<vmem>> -> memref<128x32xf32, #tpu.memory_space<vmem>>
      %dma_wait3A_108 = arith.constant 0 : i32
      %dma_wait3A_109 = tpu.memref_slice %arg6[%dma_wait3A_102, %dma_wait3A_108] : memref<4x128xi32, #tpu.memory_space<vmem>> -> memref<1x128xi32, #tpu.memory_space<vmem>>
      %dma_wait3A_110 = tpu.memref_squeeze %dma_wait3A_109 : memref<1x128xi32, #tpu.memory_space<vmem>> -> memref<128xi32, #tpu.memory_space<vmem>>
      %dma_wait3A_111 = arith.constant 0 : i32
      %dma_wait3A_112 = arith.constant 0 : i32
      %dma_wait3A_113 = tpu.memref_slice %arg2[%dma_wait3A_111, %dma_wait3A_112] : memref<100000x32xf32, #tpu.memory_space<hbm>> -> memref<100000x32xf32, #tpu.memory_space<hbm>>
      tpu.wait_indirect_dma semaphore(%arg12 : memref<!tpu.dma_semaphore, #tpu.memory_space<semaphore_mem>>) src(%dma_wait3A_113 : memref<100000x32xf32, #tpu.memory_space<hbm>>) dst(%dma_wait3A_107 : memref<128x32xf32, #tpu.memory_space<vmem>>)
      %run_scoped3A_114 = arith.constant 1 : i32
      %run_scoped3A_115 = arith.constant 1 : i32
      "tpu.region"() ({
        %run_scoped3A_257 = tpu.sem_alloc : memref<!tpu.dma_semaphore, #tpu.memory_space<semaphore_mem>>
        %dma_start3A_258 = arith.constant 0 : i32
        %dma_start3A_259 = arith.constant 0 : i32
        %dma_start3A_260 = tpu.memref_slice %arg10[%run_scoped3A_114, %dma_start3A_258, %dma_start3A_259] : memref<4x128x32xf32, #tpu.memory_space<vmem>> -> memref<1x128x32xf32, #tpu.memory_space<vmem>>
        %dma_start3A_261 = tpu.memref_squeeze %dma_start3A_260 : memref<1x128x32xf32, #tpu.memory_space<vmem>> -> memref<128x32xf32, #tpu.memory_space<vmem>>
        %dma_start3A_262 = arith.constant 0 : i32
        %dma_start3A_263 = tpu.memref_slice %arg7[%run_scoped3A_115, %dma_start3A_262] : memref<4x128xi32, #tpu.memory_space<vmem>> -> memref<1x128xi32, #tpu.memory_space<vmem>>
        %dma_start3A_264 = tpu.memref_squeeze %dma_start3A_263 : memref<1x128xi32, #tpu.memory_space<vmem>> -> memref<128xi32, #tpu.memory_space<vmem>>
        %dma_start3A_265 = arith.constant 0 : i32
        %dma_start3A_266 = arith.constant 0 : i32
        %dma_start3A_267 = tpu.memref_slice %arg11[%dma_start3A_265, %dma_start3A_266] : memref<50008x32xf32, #tpu.memory_space<vmem_shared>> -> memref<50008x32xf32, #tpu.memory_space<vmem_shared>>
        tpu.enqueue_indirect_dma source(%dma_start3A_261 : memref<128x32xf32, #tpu.memory_space<vmem>>) target(%dma_start3A_267 : memref<50008x32xf32, #tpu.memory_space<vmem_shared>>) offsets(%dma_start3A_264 : memref<128xi32, #tpu.memory_space<vmem>>) semaphore(%run_scoped3A_257 : memref<!tpu.dma_semaphore, #tpu.memory_space<semaphore_mem>>) {add = true}
        %dma_wait3A_268 = arith.constant 0 : i32
        %dma_wait3A_269 = arith.constant 0 : i32
        %dma_wait3A_270 = tpu.memref_slice %arg10[%run_scoped3A_114, %dma_wait3A_268, %dma_wait3A_269] : memref<4x128x32xf32, #tpu.memory_space<vmem>> -> memref<1x128x32xf32, #tpu.memory_space<vmem>>
        %dma_wait3A_271 = tpu.memref_squeeze %dma_wait3A_270 : memref<1x128x32xf32, #tpu.memory_space<vmem>> -> memref<128x32xf32, #tpu.memory_space<vmem>>
        %dma_wait3A_272 = arith.constant 0 : i32
        %dma_wait3A_273 = tpu.memref_slice %arg7[%run_scoped3A_115, %dma_wait3A_272] : memref<4x128xi32, #tpu.memory_space<vmem>> -> memref<1x128xi32, #tpu.memory_space<vmem>>
        %dma_wait3A_274 = tpu.memref_squeeze %dma_wait3A_273 : memref<1x128xi32, #tpu.memory_space<vmem>> -> memref<128xi32, #tpu.memory_space<vmem>>
        %dma_wait3A_275 = arith.constant 0 : i32
        %dma_wait3A_276 = arith.constant 0 : i32
        %dma_wait3A_277 = tpu.memref_slice %arg11[%dma_wait3A_275, %dma_wait3A_276] : memref<50008x32xf32, #tpu.memory_space<vmem_shared>> -> memref<50008x32xf32, #tpu.memory_space<vmem_shared>>
        tpu.wait_indirect_dma semaphore(%run_scoped3A_257 : memref<!tpu.dma_semaphore, #tpu.memory_space<semaphore_mem>>) src(%dma_wait3A_271 : memref<128x32xf32, #tpu.memory_space<vmem>>) dst(%dma_wait3A_277 : memref<50008x32xf32, #tpu.memory_space<vmem_shared>>)
        tpu.yield
      }) : () -> ()
      %dma_wait3A_116 = arith.constant 2 : i32
      %dma_wait3A_117 = arith.constant 2 : i32
      %dma_wait3A_118 = arith.constant 0 : i32
      %dma_wait3A_119 = arith.constant 0 : i32
      %dma_wait3A_120 = tpu.memref_slice %arg10[%dma_wait3A_117, %dma_wait3A_118, %dma_wait3A_119] : memref<4x128x32xf32, #tpu.memory_space<vmem>> -> memref<1x128x32xf32, #tpu.memory_space<vmem>>
      %dma_wait3A_121 = tpu.memref_squeeze %dma_wait3A_120 : memref<1x128x32xf32, #tpu.memory_space<vmem>> -> memref<128x32xf32, #tpu.memory_space<vmem>>
      %dma_wait3A_122 = arith.constant 0 : i32
      %dma_wait3A_123 = tpu.memref_slice %arg6[%dma_wait3A_116, %dma_wait3A_122] : memref<4x128xi32, #tpu.memory_space<vmem>> -> memref<1x128xi32, #tpu.memory_space<vmem>>
      %dma_wait3A_124 = tpu.memref_squeeze %dma_wait3A_123 : memref<1x128xi32, #tpu.memory_space<vmem>> -> memref<128xi32, #tpu.memory_space<vmem>>
      %dma_wait3A_125 = arith.constant 0 : i32
      %dma_wait3A_126 = arith.constant 0 : i32
      %dma_wait3A_127 = tpu.memref_slice %arg2[%dma_wait3A_125, %dma_wait3A_126] : memref<100000x32xf32, #tpu.memory_space<hbm>> -> memref<100000x32xf32, #tpu.memory_space<hbm>>
      tpu.wait_indirect_dma semaphore(%arg12 : memref<!tpu.dma_semaphore, #tpu.memory_space<semaphore_mem>>) src(%dma_wait3A_127 : memref<100000x32xf32, #tpu.memory_space<hbm>>) dst(%dma_wait3A_121 : memref<128x32xf32, #tpu.memory_space<vmem>>)
      %run_scoped3A_128 = arith.constant 2 : i32
      %run_scoped3A_129 = arith.constant 2 : i32
      "tpu.region"() ({
        %run_scoped3A_257 = tpu.sem_alloc : memref<!tpu.dma_semaphore, #tpu.memory_space<semaphore_mem>>
        %dma_start3A_258 = arith.constant 0 : i32
        %dma_start3A_259 = arith.constant 0 : i32
        %dma_start3A_260 = tpu.memref_slice %arg10[%run_scoped3A_128, %dma_start3A_258, %dma_start3A_259] : memref<4x128x32xf32, #tpu.memory_space<vmem>> -> memref<1x128x32xf32, #tpu.memory_space<vmem>>
        %dma_start3A_261 = tpu.memref_squeeze %dma_start3A_260 : memref<1x128x32xf32, #tpu.memory_space<vmem>> -> memref<128x32xf32, #tpu.memory_space<vmem>>
        %dma_start3A_262 = arith.constant 0 : i32
        %dma_start3A_263 = tpu.memref_slice %arg7[%run_scoped3A_129, %dma_start3A_262] : memref<4x128xi32, #tpu.memory_space<vmem>> -> memref<1x128xi32, #tpu.memory_space<vmem>>
        %dma_start3A_264 = tpu.memref_squeeze %dma_start3A_263 : memref<1x128xi32, #tpu.memory_space<vmem>> -> memref<128xi32, #tpu.memory_space<vmem>>
        %dma_start3A_265 = arith.constant 0 : i32
        %dma_start3A_266 = arith.constant 0 : i32
        %dma_start3A_267 = tpu.memref_slice %arg11[%dma_start3A_265, %dma_start3A_266] : memref<50008x32xf32, #tpu.memory_space<vmem_shared>> -> memref<50008x32xf32, #tpu.memory_space<vmem_shared>>
        tpu.enqueue_indirect_dma source(%dma_start3A_261 : memref<128x32xf32, #tpu.memory_space<vmem>>) target(%dma_start3A_267 : memref<50008x32xf32, #tpu.memory_space<vmem_shared>>) offsets(%dma_start3A_264 : memref<128xi32, #tpu.memory_space<vmem>>) semaphore(%run_scoped3A_257 : memref<!tpu.dma_semaphore, #tpu.memory_space<semaphore_mem>>) {add = true}
        %dma_wait3A_268 = arith.constant 0 : i32
        %dma_wait3A_269 = arith.constant 0 : i32
        %dma_wait3A_270 = tpu.memref_slice %arg10[%run_scoped3A_128, %dma_wait3A_268, %dma_wait3A_269] : memref<4x128x32xf32, #tpu.memory_space<vmem>> -> memref<1x128x32xf32, #tpu.memory_space<vmem>>
        %dma_wait3A_271 = tpu.memref_squeeze %dma_wait3A_270 : memref<1x128x32xf32, #tpu.memory_space<vmem>> -> memref<128x32xf32, #tpu.memory_space<vmem>>
        %dma_wait3A_272 = arith.constant 0 : i32
        %dma_wait3A_273 = tpu.memref_slice %arg7[%run_scoped3A_129, %dma_wait3A_272] : memref<4x128xi32, #tpu.memory_space<vmem>> -> memref<1x128xi32, #tpu.memory_space<vmem>>
        %dma_wait3A_274 = tpu.memref_squeeze %dma_wait3A_273 : memref<1x128xi32, #tpu.memory_space<vmem>> -> memref<128xi32, #tpu.memory_space<vmem>>
        %dma_wait3A_275 = arith.constant 0 : i32
        %dma_wait3A_276 = arith.constant 0 : i32
        %dma_wait3A_277 = tpu.memref_slice %arg11[%dma_wait3A_275, %dma_wait3A_276] : memref<50008x32xf32, #tpu.memory_space<vmem_shared>> -> memref<50008x32xf32, #tpu.memory_space<vmem_shared>>
        tpu.wait_indirect_dma semaphore(%run_scoped3A_257 : memref<!tpu.dma_semaphore, #tpu.memory_space<semaphore_mem>>) src(%dma_wait3A_271 : memref<128x32xf32, #tpu.memory_space<vmem>>) dst(%dma_wait3A_277 : memref<50008x32xf32, #tpu.memory_space<vmem_shared>>)
        tpu.yield
      }) : () -> ()
      %dma_wait3A_130 = arith.constant 3 : i32
      %dma_wait3A_131 = arith.constant 3 : i32
      %dma_wait3A_132 = arith.constant 0 : i32
      %dma_wait3A_133 = arith.constant 0 : i32
      %dma_wait3A_134 = tpu.memref_slice %arg10[%dma_wait3A_131, %dma_wait3A_132, %dma_wait3A_133] : memref<4x128x32xf32, #tpu.memory_space<vmem>> -> memref<1x128x32xf32, #tpu.memory_space<vmem>>
      %dma_wait3A_135 = tpu.memref_squeeze %dma_wait3A_134 : memref<1x128x32xf32, #tpu.memory_space<vmem>> -> memref<128x32xf32, #tpu.memory_space<vmem>>
      %dma_wait3A_136 = arith.constant 0 : i32
      %dma_wait3A_137 = tpu.memref_slice %arg6[%dma_wait3A_130, %dma_wait3A_136] : memref<4x128xi32, #tpu.memory_space<vmem>> -> memref<1x128xi32, #tpu.memory_space<vmem>>
      %dma_wait3A_138 = tpu.memref_squeeze %dma_wait3A_137 : memref<1x128xi32, #tpu.memory_space<vmem>> -> memref<128xi32, #tpu.memory_space<vmem>>
      %dma_wait3A_139 = arith.constant 0 : i32
      %dma_wait3A_140 = arith.constant 0 : i32
      %dma_wait3A_141 = tpu.memref_slice %arg2[%dma_wait3A_139, %dma_wait3A_140] : memref<100000x32xf32, #tpu.memory_space<hbm>> -> memref<100000x32xf32, #tpu.memory_space<hbm>>
      tpu.wait_indirect_dma semaphore(%arg12 : memref<!tpu.dma_semaphore, #tpu.memory_space<semaphore_mem>>) src(%dma_wait3A_141 : memref<100000x32xf32, #tpu.memory_space<hbm>>) dst(%dma_wait3A_135 : memref<128x32xf32, #tpu.memory_space<vmem>>)
      %run_scoped3A_142 = arith.constant 3 : i32
      %run_scoped3A_143 = arith.constant 3 : i32
      "tpu.region"() ({
        %run_scoped3A_257 = tpu.sem_alloc : memref<!tpu.dma_semaphore, #tpu.memory_space<semaphore_mem>>
        %dma_start3A_258 = arith.constant 0 : i32
        %dma_start3A_259 = arith.constant 0 : i32
        %dma_start3A_260 = tpu.memref_slice %arg10[%run_scoped3A_142, %dma_start3A_258, %dma_start3A_259] : memref<4x128x32xf32, #tpu.memory_space<vmem>> -> memref<1x128x32xf32, #tpu.memory_space<vmem>>
        %dma_start3A_261 = tpu.memref_squeeze %dma_start3A_260 : memref<1x128x32xf32, #tpu.memory_space<vmem>> -> memref<128x32xf32, #tpu.memory_space<vmem>>
        %dma_start3A_262 = arith.constant 0 : i32
        %dma_start3A_263 = tpu.memref_slice %arg7[%run_scoped3A_143, %dma_start3A_262] : memref<4x128xi32, #tpu.memory_space<vmem>> -> memref<1x128xi32, #tpu.memory_space<vmem>>
        %dma_start3A_264 = tpu.memref_squeeze %dma_start3A_263 : memref<1x128xi32, #tpu.memory_space<vmem>> -> memref<128xi32, #tpu.memory_space<vmem>>
        %dma_start3A_265 = arith.constant 0 : i32
        %dma_start3A_266 = arith.constant 0 : i32
        %dma_start3A_267 = tpu.memref_slice %arg11[%dma_start3A_265, %dma_start3A_266] : memref<50008x32xf32, #tpu.memory_space<vmem_shared>> -> memref<50008x32xf32, #tpu.memory_space<vmem_shared>>
        tpu.enqueue_indirect_dma source(%dma_start3A_261 : memref<128x32xf32, #tpu.memory_space<vmem>>) target(%dma_start3A_267 : memref<50008x32xf32, #tpu.memory_space<vmem_shared>>) offsets(%dma_start3A_264 : memref<128xi32, #tpu.memory_space<vmem>>) semaphore(%run_scoped3A_257 : memref<!tpu.dma_semaphore, #tpu.memory_space<semaphore_mem>>) {add = true}
        %dma_wait3A_268 = arith.constant 0 : i32
        %dma_wait3A_269 = arith.constant 0 : i32
        %dma_wait3A_270 = tpu.memref_slice %arg10[%run_scoped3A_142, %dma_wait3A_268, %dma_wait3A_269] : memref<4x128x32xf32, #tpu.memory_space<vmem>> -> memref<1x128x32xf32, #tpu.memory_space<vmem>>
        %dma_wait3A_271 = tpu.memref_squeeze %dma_wait3A_270 : memref<1x128x32xf32, #tpu.memory_space<vmem>> -> memref<128x32xf32, #tpu.memory_space<vmem>>
        %dma_wait3A_272 = arith.constant 0 : i32
        %dma_wait3A_273 = tpu.memref_slice %arg7[%run_scoped3A_143, %dma_wait3A_272] : memref<4x128xi32, #tpu.memory_space<vmem>> -> memref<1x128xi32, #tpu.memory_space<vmem>>
        %dma_wait3A_274 = tpu.memref_squeeze %dma_wait3A_273 : memref<1x128xi32, #tpu.memory_space<vmem>> -> memref<128xi32, #tpu.memory_space<vmem>>
        %dma_wait3A_275 = arith.constant 0 : i32
        %dma_wait3A_276 = arith.constant 0 : i32
        %dma_wait3A_277 = tpu.memref_slice %arg11[%dma_wait3A_275, %dma_wait3A_276] : memref<50008x32xf32, #tpu.memory_space<vmem_shared>> -> memref<50008x32xf32, #tpu.memory_space<vmem_shared>>
        tpu.wait_indirect_dma semaphore(%run_scoped3A_257 : memref<!tpu.dma_semaphore, #tpu.memory_space<semaphore_mem>>) src(%dma_wait3A_271 : memref<128x32xf32, #tpu.memory_space<vmem>>) dst(%dma_wait3A_277 : memref<50008x32xf32, #tpu.memory_space<vmem_shared>>)
        tpu.yield
      }) : () -> ()
      %dma_start3A_144 = arith.constant 0 : i32
      %dma_start3A_145 = arith.constant 0 : i32
      %dma_start3A_146 = arith.constant 0 : i32
      %dma_start3A_147 = arith.constant 0 : i32
      %dma_start3A_148 = tpu.memref_slice %arg10[%dma_start3A_145, %dma_start3A_146, %dma_start3A_147] : memref<4x128x32xf32, #tpu.memory_space<vmem>> -> memref<1x128x32xf32, #tpu.memory_space<vmem>>
      %dma_start3A_149 = tpu.memref_squeeze %dma_start3A_148 : memref<1x128x32xf32, #tpu.memory_space<vmem>> -> memref<128x32xf32, #tpu.memory_space<vmem>>
      %dma_start3A_150 = arith.constant 0 : i32
      %dma_start3A_151 = tpu.memref_slice %arg8[%dma_start3A_144, %dma_start3A_150] : memref<4x128xi32, #tpu.memory_space<vmem>> -> memref<1x128xi32, #tpu.memory_space<vmem>>
      %dma_start3A_152 = tpu.memref_squeeze %dma_start3A_151 : memref<1x128xi32, #tpu.memory_space<vmem>> -> memref<128xi32, #tpu.memory_space<vmem>>
      %dma_start3A_153 = arith.constant 0 : i32
      %dma_start3A_154 = arith.constant 0 : i32
      %dma_start3A_155 = tpu.memref_slice %arg2[%dma_start3A_153, %dma_start3A_154] : memref<100000x32xf32, #tpu.memory_space<hbm>> -> memref<100000x32xf32, #tpu.memory_space<hbm>>
      tpu.enqueue_indirect_dma source(%dma_start3A_155 : memref<100000x32xf32, #tpu.memory_space<hbm>>) target(%dma_start3A_149 : memref<128x32xf32, #tpu.memory_space<vmem>>) offsets(%dma_start3A_152 : memref<128xi32, #tpu.memory_space<vmem>>) semaphore(%arg12 : memref<!tpu.dma_semaphore, #tpu.memory_space<semaphore_mem>>)
      %dma_start3A_156 = arith.constant 1 : i32
      %dma_start3A_157 = arith.constant 1 : i32
      %dma_start3A_158 = arith.constant 0 : i32
      %dma_start3A_159 = arith.constant 0 : i32
      %dma_start3A_160 = tpu.memref_slice %arg10[%dma_start3A_157, %dma_start3A_158, %dma_start3A_159] : memref<4x128x32xf32, #tpu.memory_space<vmem>> -> memref<1x128x32xf32, #tpu.memory_space<vmem>>
      %dma_start3A_161 = tpu.memref_squeeze %dma_start3A_160 : memref<1x128x32xf32, #tpu.memory_space<vmem>> -> memref<128x32xf32, #tpu.memory_space<vmem>>
      %dma_start3A_162 = arith.constant 0 : i32
      %dma_start3A_163 = tpu.memref_slice %arg8[%dma_start3A_156, %dma_start3A_162] : memref<4x128xi32, #tpu.memory_space<vmem>> -> memref<1x128xi32, #tpu.memory_space<vmem>>
      %dma_start3A_164 = tpu.memref_squeeze %dma_start3A_163 : memref<1x128xi32, #tpu.memory_space<vmem>> -> memref<128xi32, #tpu.memory_space<vmem>>
      %dma_start3A_165 = arith.constant 0 : i32
      %dma_start3A_166 = arith.constant 0 : i32
      %dma_start3A_167 = tpu.memref_slice %arg2[%dma_start3A_165, %dma_start3A_166] : memref<100000x32xf32, #tpu.memory_space<hbm>> -> memref<100000x32xf32, #tpu.memory_space<hbm>>
      tpu.enqueue_indirect_dma source(%dma_start3A_167 : memref<100000x32xf32, #tpu.memory_space<hbm>>) target(%dma_start3A_161 : memref<128x32xf32, #tpu.memory_space<vmem>>) offsets(%dma_start3A_164 : memref<128xi32, #tpu.memory_space<vmem>>) semaphore(%arg12 : memref<!tpu.dma_semaphore, #tpu.memory_space<semaphore_mem>>)
      %dma_start3A_168 = arith.constant 2 : i32
      %dma_start3A_169 = arith.constant 2 : i32
      %dma_start3A_170 = arith.constant 0 : i32
      %dma_start3A_171 = arith.constant 0 : i32
      %dma_start3A_172 = tpu.memref_slice %arg10[%dma_start3A_169, %dma_start3A_170, %dma_start3A_171] : memref<4x128x32xf32, #tpu.memory_space<vmem>> -> memref<1x128x32xf32, #tpu.memory_space<vmem>>
      %dma_start3A_173 = tpu.memref_squeeze %dma_start3A_172 : memref<1x128x32xf32, #tpu.memory_space<vmem>> -> memref<128x32xf32, #tpu.memory_space<vmem>>
      %dma_start3A_174 = arith.constant 0 : i32
      %dma_start3A_175 = tpu.memref_slice %arg8[%dma_start3A_168, %dma_start3A_174] : memref<4x128xi32, #tpu.memory_space<vmem>> -> memref<1x128xi32, #tpu.memory_space<vmem>>
      %dma_start3A_176 = tpu.memref_squeeze %dma_start3A_175 : memref<1x128xi32, #tpu.memory_space<vmem>> -> memref<128xi32, #tpu.memory_space<vmem>>
      %dma_start3A_177 = arith.constant 0 : i32
      %dma_start3A_178 = arith.constant 0 : i32
      %dma_start3A_179 = tpu.memref_slice %arg2[%dma_start3A_177, %dma_start3A_178] : memref<100000x32xf32, #tpu.memory_space<hbm>> -> memref<100000x32xf32, #tpu.memory_space<hbm>>
      tpu.enqueue_indirect_dma source(%dma_start3A_179 : memref<100000x32xf32, #tpu.memory_space<hbm>>) target(%dma_start3A_173 : memref<128x32xf32, #tpu.memory_space<vmem>>) offsets(%dma_start3A_176 : memref<128xi32, #tpu.memory_space<vmem>>) semaphore(%arg12 : memref<!tpu.dma_semaphore, #tpu.memory_space<semaphore_mem>>)
      %dma_start3A_180 = arith.constant 3 : i32
      %dma_start3A_181 = arith.constant 3 : i32
      %dma_start3A_182 = arith.constant 0 : i32
      %dma_start3A_183 = arith.constant 0 : i32
      %dma_start3A_184 = tpu.memref_slice %arg10[%dma_start3A_181, %dma_start3A_182, %dma_start3A_183] : memref<4x128x32xf32, #tpu.memory_space<vmem>> -> memref<1x128x32xf32, #tpu.memory_space<vmem>>
      %dma_start3A_185 = tpu.memref_squeeze %dma_start3A_184 : memref<1x128x32xf32, #tpu.memory_space<vmem>> -> memref<128x32xf32, #tpu.memory_space<vmem>>
      %dma_start3A_186 = arith.constant 0 : i32
      %dma_start3A_187 = tpu.memref_slice %arg8[%dma_start3A_180, %dma_start3A_186] : memref<4x128xi32, #tpu.memory_space<vmem>> -> memref<1x128xi32, #tpu.memory_space<vmem>>
      %dma_start3A_188 = tpu.memref_squeeze %dma_start3A_187 : memref<1x128xi32, #tpu.memory_space<vmem>> -> memref<128xi32, #tpu.memory_space<vmem>>
      %dma_start3A_189 = arith.constant 0 : i32
      %dma_start3A_190 = arith.constant 0 : i32
      %dma_start3A_191 = tpu.memref_slice %arg2[%dma_start3A_189, %dma_start3A_190] : memref<100000x32xf32, #tpu.memory_space<hbm>> -> memref<100000x32xf32, #tpu.memory_space<hbm>>
      tpu.enqueue_indirect_dma source(%dma_start3A_191 : memref<100000x32xf32, #tpu.memory_space<hbm>>) target(%dma_start3A_185 : memref<128x32xf32, #tpu.memory_space<vmem>>) offsets(%dma_start3A_188 : memref<128xi32, #tpu.memory_space<vmem>>) semaphore(%arg12 : memref<!tpu.dma_semaphore, #tpu.memory_space<semaphore_mem>>)
      %mul3A_192 = arith.constant 2 : i32
      %mul3A_193 = arith.muli %mul3A_192, %scan3A_26 : i32
      %add3A_194 = arith.constant 2 : i32
      %add3A_195 = arith.addi %mul3A_193, %add3A_194 : i32
      %mul3A_196 = arith.constant 4 : i32
      %mul3A_197 = arith.muli %add3A_195, %mul3A_196 : i32
      %min3A = arith.constant 384 : i32
      %min3A_198 = arith.minsi %mul3A_197, %min3A : i32
      %add3A_199 = arith.addi %add3A_12, %min3A_198 : i32
      "tpu.region"() ({
        %run_scoped3A_257 = tpu.sem_alloc : memref<!tpu.dma_semaphore, #tpu.memory_space<semaphore_mem>>
        %dma_start3A_258 = arith.constant 0 : i32
        %dma_start3A_259 = tpu.memref_slice %arg3[%add3A_199, %dma_start3A_258] : memref<12544x128xi32, #tpu.memory_space<hbm>> -> memref<4x128xi32, #tpu.memory_space<hbm>>
        %dma_start3A_260 = arith.constant 0 : i32
        %dma_start3A_261 = tpu.memref_slice %arg3[%add3A_199, %dma_start3A_260] : memref<12544x128xi32, #tpu.memory_space<hbm>> -> memref<4x128xi32, #tpu.memory_space<hbm>>
        tpu.enqueue_dma source(%dma_start3A_261 : memref<4x128xi32, #tpu.memory_space<hbm>>) target(%arg6 : memref<4x128xi32, #tpu.memory_space<vmem>>) target_semaphore(%run_scoped3A_257 : memref<!tpu.dma_semaphore, #tpu.memory_space<semaphore_mem>>)
        %dma_wait3A_262 = arith.constant 0 : i32
        %dma_wait3A_263 = tpu.memref_slice %arg3[%add3A_199, %dma_wait3A_262] : memref<12544x128xi32, #tpu.memory_space<hbm>> -> memref<4x128xi32, #tpu.memory_space<hbm>>
        %dma_wait3A_264 = arith.constant 0 : i32
        %dma_wait3A_265 = tpu.memref_slice %arg3[%add3A_199, %dma_wait3A_264] : memref<12544x128xi32, #tpu.memory_space<hbm>> -> memref<4x128xi32, #tpu.memory_space<hbm>>
        tpu.wait_dma2 semaphore(%run_scoped3A_257 : memref<!tpu.dma_semaphore, #tpu.memory_space<semaphore_mem>>) src(%dma_wait3A_265 : memref<4x128xi32, #tpu.memory_space<hbm>>) dst(%arg6 : memref<4x128xi32, #tpu.memory_space<vmem>>)
        tpu.yield
      }) : () -> ()
      %add3A_200 = arith.addi %mul3A_14, %min3A_198 : i32
      "tpu.region"() ({
        %run_scoped3A_257 = tpu.sem_alloc : memref<!tpu.dma_semaphore, #tpu.memory_space<semaphore_mem>>
        %dma_start3A_258 = arith.constant 0 : i32
        %dma_start3A_259 = tpu.memref_slice %arg4[%add3A_200, %dma_start3A_258] : memref<6272x128xi32, #tpu.memory_space<hbm>> -> memref<4x128xi32, #tpu.memory_space<hbm>>
        %dma_start3A_260 = arith.constant 0 : i32
        %dma_start3A_261 = tpu.memref_slice %arg4[%add3A_200, %dma_start3A_260] : memref<6272x128xi32, #tpu.memory_space<hbm>> -> memref<4x128xi32, #tpu.memory_space<hbm>>
        tpu.enqueue_dma source(%dma_start3A_261 : memref<4x128xi32, #tpu.memory_space<hbm>>) target(%arg7 : memref<4x128xi32, #tpu.memory_space<vmem>>) target_semaphore(%run_scoped3A_257 : memref<!tpu.dma_semaphore, #tpu.memory_space<semaphore_mem>>)
        %dma_wait3A_262 = arith.constant 0 : i32
        %dma_wait3A_263 = tpu.memref_slice %arg4[%add3A_200, %dma_wait3A_262] : memref<6272x128xi32, #tpu.memory_space<hbm>> -> memref<4x128xi32, #tpu.memory_space<hbm>>
        %dma_wait3A_264 = arith.constant 0 : i32
        %dma_wait3A_265 = tpu.memref_slice %arg4[%add3A_200, %dma_wait3A_264] : memref<6272x128xi32, #tpu.memory_space<hbm>> -> memref<4x128xi32, #tpu.memory_space<hbm>>
        tpu.wait_dma2 semaphore(%run_scoped3A_257 : memref<!tpu.dma_semaphore, #tpu.memory_space<semaphore_mem>>) src(%dma_wait3A_265 : memref<4x128xi32, #tpu.memory_space<hbm>>) dst(%arg7 : memref<4x128xi32, #tpu.memory_space<vmem>>)
        tpu.yield
      }) : () -> ()
      %dma_wait3A_201 = arith.constant 0 : i32
      %dma_wait3A_202 = arith.constant 0 : i32
      %dma_wait3A_203 = arith.constant 0 : i32
      %dma_wait3A_204 = arith.constant 0 : i32
      %dma_wait3A_205 = tpu.memref_slice %arg10[%dma_wait3A_202, %dma_wait3A_203, %dma_wait3A_204] : memref<4x128x32xf32, #tpu.memory_space<vmem>> -> memref<1x128x32xf32, #tpu.memory_space<vmem>>
      %dma_wait3A_206 = tpu.memref_squeeze %dma_wait3A_205 : memref<1x128x32xf32, #tpu.memory_space<vmem>> -> memref<128x32xf32, #tpu.memory_space<vmem>>
      %dma_wait3A_207 = arith.constant 0 : i32
      %dma_wait3A_208 = tpu.memref_slice %arg8[%dma_wait3A_201, %dma_wait3A_207] : memref<4x128xi32, #tpu.memory_space<vmem>> -> memref<1x128xi32, #tpu.memory_space<vmem>>
      %dma_wait3A_209 = tpu.memref_squeeze %dma_wait3A_208 : memref<1x128xi32, #tpu.memory_space<vmem>> -> memref<128xi32, #tpu.memory_space<vmem>>
      %dma_wait3A_210 = arith.constant 0 : i32
      %dma_wait3A_211 = arith.constant 0 : i32
      %dma_wait3A_212 = tpu.memref_slice %arg2[%dma_wait3A_210, %dma_wait3A_211] : memref<100000x32xf32, #tpu.memory_space<hbm>> -> memref<100000x32xf32, #tpu.memory_space<hbm>>
      tpu.wait_indirect_dma semaphore(%arg12 : memref<!tpu.dma_semaphore, #tpu.memory_space<semaphore_mem>>) src(%dma_wait3A_212 : memref<100000x32xf32, #tpu.memory_space<hbm>>) dst(%dma_wait3A_206 : memref<128x32xf32, #tpu.memory_space<vmem>>)
      %run_scoped3A_213 = arith.constant 0 : i32
      %run_scoped3A_214 = arith.constant 0 : i32
      "tpu.region"() ({
        %run_scoped3A_257 = tpu.sem_alloc : memref<!tpu.dma_semaphore, #tpu.memory_space<semaphore_mem>>
        %dma_start3A_258 = arith.constant 0 : i32
        %dma_start3A_259 = arith.constant 0 : i32
        %dma_start3A_260 = tpu.memref_slice %arg10[%run_scoped3A_213, %dma_start3A_258, %dma_start3A_259] : memref<4x128x32xf32, #tpu.memory_space<vmem>> -> memref<1x128x32xf32, #tpu.memory_space<vmem>>
        %dma_start3A_261 = tpu.memref_squeeze %dma_start3A_260 : memref<1x128x32xf32, #tpu.memory_space<vmem>> -> memref<128x32xf32, #tpu.memory_space<vmem>>
        %dma_start3A_262 = arith.constant 0 : i32
        %dma_start3A_263 = tpu.memref_slice %arg9[%run_scoped3A_214, %dma_start3A_262] : memref<4x128xi32, #tpu.memory_space<vmem>> -> memref<1x128xi32, #tpu.memory_space<vmem>>
        %dma_start3A_264 = tpu.memref_squeeze %dma_start3A_263 : memref<1x128xi32, #tpu.memory_space<vmem>> -> memref<128xi32, #tpu.memory_space<vmem>>
        %dma_start3A_265 = arith.constant 0 : i32
        %dma_start3A_266 = arith.constant 0 : i32
        %dma_start3A_267 = tpu.memref_slice %arg11[%dma_start3A_265, %dma_start3A_266] : memref<50008x32xf32, #tpu.memory_space<vmem_shared>> -> memref<50008x32xf32, #tpu.memory_space<vmem_shared>>
        tpu.enqueue_indirect_dma source(%dma_start3A_261 : memref<128x32xf32, #tpu.memory_space<vmem>>) target(%dma_start3A_267 : memref<50008x32xf32, #tpu.memory_space<vmem_shared>>) offsets(%dma_start3A_264 : memref<128xi32, #tpu.memory_space<vmem>>) semaphore(%run_scoped3A_257 : memref<!tpu.dma_semaphore, #tpu.memory_space<semaphore_mem>>) {add = true}
        %dma_wait3A_268 = arith.constant 0 : i32
        %dma_wait3A_269 = arith.constant 0 : i32
        %dma_wait3A_270 = tpu.memref_slice %arg10[%run_scoped3A_213, %dma_wait3A_268, %dma_wait3A_269] : memref<4x128x32xf32, #tpu.memory_space<vmem>> -> memref<1x128x32xf32, #tpu.memory_space<vmem>>
        %dma_wait3A_271 = tpu.memref_squeeze %dma_wait3A_270 : memref<1x128x32xf32, #tpu.memory_space<vmem>> -> memref<128x32xf32, #tpu.memory_space<vmem>>
        %dma_wait3A_272 = arith.constant 0 : i32
        %dma_wait3A_273 = tpu.memref_slice %arg9[%run_scoped3A_214, %dma_wait3A_272] : memref<4x128xi32, #tpu.memory_space<vmem>> -> memref<1x128xi32, #tpu.memory_space<vmem>>
        %dma_wait3A_274 = tpu.memref_squeeze %dma_wait3A_273 : memref<1x128xi32, #tpu.memory_space<vmem>> -> memref<128xi32, #tpu.memory_space<vmem>>
        %dma_wait3A_275 = arith.constant 0 : i32
        %dma_wait3A_276 = arith.constant 0 : i32
        %dma_wait3A_277 = tpu.memref_slice %arg11[%dma_wait3A_275, %dma_wait3A_276] : memref<50008x32xf32, #tpu.memory_space<vmem_shared>> -> memref<50008x32xf32, #tpu.memory_space<vmem_shared>>
        tpu.wait_indirect_dma semaphore(%run_scoped3A_257 : memref<!tpu.dma_semaphore, #tpu.memory_space<semaphore_mem>>) src(%dma_wait3A_271 : memref<128x32xf32, #tpu.memory_space<vmem>>) dst(%dma_wait3A_277 : memref<50008x32xf32, #tpu.memory_space<vmem_shared>>)
        tpu.yield
      }) : () -> ()
      %dma_wait3A_215 = arith.constant 1 : i32
      %dma_wait3A_216 = arith.constant 1 : i32
      %dma_wait3A_217 = arith.constant 0 : i32
      %dma_wait3A_218 = arith.constant 0 : i32
      %dma_wait3A_219 = tpu.memref_slice %arg10[%dma_wait3A_216, %dma_wait3A_217, %dma_wait3A_218] : memref<4x128x32xf32, #tpu.memory_space<vmem>> -> memref<1x128x32xf32, #tpu.memory_space<vmem>>
      %dma_wait3A_220 = tpu.memref_squeeze %dma_wait3A_219 : memref<1x128x32xf32, #tpu.memory_space<vmem>> -> memref<128x32xf32, #tpu.memory_space<vmem>>
      %dma_wait3A_221 = arith.constant 0 : i32
      %dma_wait3A_222 = tpu.memref_slice %arg8[%dma_wait3A_215, %dma_wait3A_221] : memref<4x128xi32, #tpu.memory_space<vmem>> -> memref<1x128xi32, #tpu.memory_space<vmem>>
      %dma_wait3A_223 = tpu.memref_squeeze %dma_wait3A_222 : memref<1x128xi32, #tpu.memory_space<vmem>> -> memref<128xi32, #tpu.memory_space<vmem>>
      %dma_wait3A_224 = arith.constant 0 : i32
      %dma_wait3A_225 = arith.constant 0 : i32
      %dma_wait3A_226 = tpu.memref_slice %arg2[%dma_wait3A_224, %dma_wait3A_225] : memref<100000x32xf32, #tpu.memory_space<hbm>> -> memref<100000x32xf32, #tpu.memory_space<hbm>>
      tpu.wait_indirect_dma semaphore(%arg12 : memref<!tpu.dma_semaphore, #tpu.memory_space<semaphore_mem>>) src(%dma_wait3A_226 : memref<100000x32xf32, #tpu.memory_space<hbm>>) dst(%dma_wait3A_220 : memref<128x32xf32, #tpu.memory_space<vmem>>)
      %run_scoped3A_227 = arith.constant 1 : i32
      %run_scoped3A_228 = arith.constant 1 : i32
      "tpu.region"() ({
        %run_scoped3A_257 = tpu.sem_alloc : memref<!tpu.dma_semaphore, #tpu.memory_space<semaphore_mem>>
        %dma_start3A_258 = arith.constant 0 : i32
        %dma_start3A_259 = arith.constant 0 : i32
        %dma_start3A_260 = tpu.memref_slice %arg10[%run_scoped3A_227, %dma_start3A_258, %dma_start3A_259] : memref<4x128x32xf32, #tpu.memory_space<vmem>> -> memref<1x128x32xf32, #tpu.memory_space<vmem>>
        %dma_start3A_261 = tpu.memref_squeeze %dma_start3A_260 : memref<1x128x32xf32, #tpu.memory_space<vmem>> -> memref<128x32xf32, #tpu.memory_space<vmem>>
        %dma_start3A_262 = arith.constant 0 : i32
        %dma_start3A_263 = tpu.memref_slice %arg9[%run_scoped3A_228, %dma_start3A_262] : memref<4x128xi32, #tpu.memory_space<vmem>> -> memref<1x128xi32, #tpu.memory_space<vmem>>
        %dma_start3A_264 = tpu.memref_squeeze %dma_start3A_263 : memref<1x128xi32, #tpu.memory_space<vmem>> -> memref<128xi32, #tpu.memory_space<vmem>>
        %dma_start3A_265 = arith.constant 0 : i32
        %dma_start3A_266 = arith.constant 0 : i32
        %dma_start3A_267 = tpu.memref_slice %arg11[%dma_start3A_265, %dma_start3A_266] : memref<50008x32xf32, #tpu.memory_space<vmem_shared>> -> memref<50008x32xf32, #tpu.memory_space<vmem_shared>>
        tpu.enqueue_indirect_dma source(%dma_start3A_261 : memref<128x32xf32, #tpu.memory_space<vmem>>) target(%dma_start3A_267 : memref<50008x32xf32, #tpu.memory_space<vmem_shared>>) offsets(%dma_start3A_264 : memref<128xi32, #tpu.memory_space<vmem>>) semaphore(%run_scoped3A_257 : memref<!tpu.dma_semaphore, #tpu.memory_space<semaphore_mem>>) {add = true}
        %dma_wait3A_268 = arith.constant 0 : i32
        %dma_wait3A_269 = arith.constant 0 : i32
        %dma_wait3A_270 = tpu.memref_slice %arg10[%run_scoped3A_227, %dma_wait3A_268, %dma_wait3A_269] : memref<4x128x32xf32, #tpu.memory_space<vmem>> -> memref<1x128x32xf32, #tpu.memory_space<vmem>>
        %dma_wait3A_271 = tpu.memref_squeeze %dma_wait3A_270 : memref<1x128x32xf32, #tpu.memory_space<vmem>> -> memref<128x32xf32, #tpu.memory_space<vmem>>
        %dma_wait3A_272 = arith.constant 0 : i32
        %dma_wait3A_273 = tpu.memref_slice %arg9[%run_scoped3A_228, %dma_wait3A_272] : memref<4x128xi32, #tpu.memory_space<vmem>> -> memref<1x128xi32, #tpu.memory_space<vmem>>
        %dma_wait3A_274 = tpu.memref_squeeze %dma_wait3A_273 : memref<1x128xi32, #tpu.memory_space<vmem>> -> memref<128xi32, #tpu.memory_space<vmem>>
        %dma_wait3A_275 = arith.constant 0 : i32
        %dma_wait3A_276 = arith.constant 0 : i32
        %dma_wait3A_277 = tpu.memref_slice %arg11[%dma_wait3A_275, %dma_wait3A_276] : memref<50008x32xf32, #tpu.memory_space<vmem_shared>> -> memref<50008x32xf32, #tpu.memory_space<vmem_shared>>
        tpu.wait_indirect_dma semaphore(%run_scoped3A_257 : memref<!tpu.dma_semaphore, #tpu.memory_space<semaphore_mem>>) src(%dma_wait3A_271 : memref<128x32xf32, #tpu.memory_space<vmem>>) dst(%dma_wait3A_277 : memref<50008x32xf32, #tpu.memory_space<vmem_shared>>)
        tpu.yield
      }) : () -> ()
      %dma_wait3A_229 = arith.constant 2 : i32
      %dma_wait3A_230 = arith.constant 2 : i32
      %dma_wait3A_231 = arith.constant 0 : i32
      %dma_wait3A_232 = arith.constant 0 : i32
      %dma_wait3A_233 = tpu.memref_slice %arg10[%dma_wait3A_230, %dma_wait3A_231, %dma_wait3A_232] : memref<4x128x32xf32, #tpu.memory_space<vmem>> -> memref<1x128x32xf32, #tpu.memory_space<vmem>>
      %dma_wait3A_234 = tpu.memref_squeeze %dma_wait3A_233 : memref<1x128x32xf32, #tpu.memory_space<vmem>> -> memref<128x32xf32, #tpu.memory_space<vmem>>
      %dma_wait3A_235 = arith.constant 0 : i32
      %dma_wait3A_236 = tpu.memref_slice %arg8[%dma_wait3A_229, %dma_wait3A_235] : memref<4x128xi32, #tpu.memory_space<vmem>> -> memref<1x128xi32, #tpu.memory_space<vmem>>
      %dma_wait3A_237 = tpu.memref_squeeze %dma_wait3A_236 : memref<1x128xi32, #tpu.memory_space<vmem>> -> memref<128xi32, #tpu.memory_space<vmem>>
      %dma_wait3A_238 = arith.constant 0 : i32
      %dma_wait3A_239 = arith.constant 0 : i32
      %dma_wait3A_240 = tpu.memref_slice %arg2[%dma_wait3A_238, %dma_wait3A_239] : memref<100000x32xf32, #tpu.memory_space<hbm>> -> memref<100000x32xf32, #tpu.memory_space<hbm>>
      tpu.wait_indirect_dma semaphore(%arg12 : memref<!tpu.dma_semaphore, #tpu.memory_space<semaphore_mem>>) src(%dma_wait3A_240 : memref<100000x32xf32, #tpu.memory_space<hbm>>) dst(%dma_wait3A_234 : memref<128x32xf32, #tpu.memory_space<vmem>>)
      %run_scoped3A_241 = arith.constant 2 : i32
      %run_scoped3A_242 = arith.constant 2 : i32
      "tpu.region"() ({
        %run_scoped3A_257 = tpu.sem_alloc : memref<!tpu.dma_semaphore, #tpu.memory_space<semaphore_mem>>
        %dma_start3A_258 = arith.constant 0 : i32
        %dma_start3A_259 = arith.constant 0 : i32
        %dma_start3A_260 = tpu.memref_slice %arg10[%run_scoped3A_241, %dma_start3A_258, %dma_start3A_259] : memref<4x128x32xf32, #tpu.memory_space<vmem>> -> memref<1x128x32xf32, #tpu.memory_space<vmem>>
        %dma_start3A_261 = tpu.memref_squeeze %dma_start3A_260 : memref<1x128x32xf32, #tpu.memory_space<vmem>> -> memref<128x32xf32, #tpu.memory_space<vmem>>
        %dma_start3A_262 = arith.constant 0 : i32
        %dma_start3A_263 = tpu.memref_slice %arg9[%run_scoped3A_242, %dma_start3A_262] : memref<4x128xi32, #tpu.memory_space<vmem>> -> memref<1x128xi32, #tpu.memory_space<vmem>>
        %dma_start3A_264 = tpu.memref_squeeze %dma_start3A_263 : memref<1x128xi32, #tpu.memory_space<vmem>> -> memref<128xi32, #tpu.memory_space<vmem>>
        %dma_start3A_265 = arith.constant 0 : i32
        %dma_start3A_266 = arith.constant 0 : i32
        %dma_start3A_267 = tpu.memref_slice %arg11[%dma_start3A_265, %dma_start3A_266] : memref<50008x32xf32, #tpu.memory_space<vmem_shared>> -> memref<50008x32xf32, #tpu.memory_space<vmem_shared>>
        tpu.enqueue_indirect_dma source(%dma_start3A_261 : memref<128x32xf32, #tpu.memory_space<vmem>>) target(%dma_start3A_267 : memref<50008x32xf32, #tpu.memory_space<vmem_shared>>) offsets(%dma_start3A_264 : memref<128xi32, #tpu.memory_space<vmem>>) semaphore(%run_scoped3A_257 : memref<!tpu.dma_semaphore, #tpu.memory_space<semaphore_mem>>) {add = true}
        %dma_wait3A_268 = arith.constant 0 : i32
        %dma_wait3A_269 = arith.constant 0 : i32
        %dma_wait3A_270 = tpu.memref_slice %arg10[%run_scoped3A_241, %dma_wait3A_268, %dma_wait3A_269] : memref<4x128x32xf32, #tpu.memory_space<vmem>> -> memref<1x128x32xf32, #tpu.memory_space<vmem>>
        %dma_wait3A_271 = tpu.memref_squeeze %dma_wait3A_270 : memref<1x128x32xf32, #tpu.memory_space<vmem>> -> memref<128x32xf32, #tpu.memory_space<vmem>>
        %dma_wait3A_272 = arith.constant 0 : i32
        %dma_wait3A_273 = tpu.memref_slice %arg9[%run_scoped3A_242, %dma_wait3A_272] : memref<4x128xi32, #tpu.memory_space<vmem>> -> memref<1x128xi32, #tpu.memory_space<vmem>>
        %dma_wait3A_274 = tpu.memref_squeeze %dma_wait3A_273 : memref<1x128xi32, #tpu.memory_space<vmem>> -> memref<128xi32, #tpu.memory_space<vmem>>
        %dma_wait3A_275 = arith.constant 0 : i32
        %dma_wait3A_276 = arith.constant 0 : i32
        %dma_wait3A_277 = tpu.memref_slice %arg11[%dma_wait3A_275, %dma_wait3A_276] : memref<50008x32xf32, #tpu.memory_space<vmem_shared>> -> memref<50008x32xf32, #tpu.memory_space<vmem_shared>>
        tpu.wait_indirect_dma semaphore(%run_scoped3A_257 : memref<!tpu.dma_semaphore, #tpu.memory_space<semaphore_mem>>) src(%dma_wait3A_271 : memref<128x32xf32, #tpu.memory_space<vmem>>) dst(%dma_wait3A_277 : memref<50008x32xf32, #tpu.memory_space<vmem_shared>>)
        tpu.yield
      }) : () -> ()
      %dma_wait3A_243 = arith.constant 3 : i32
      %dma_wait3A_244 = arith.constant 3 : i32
      %dma_wait3A_245 = arith.constant 0 : i32
      %dma_wait3A_246 = arith.constant 0 : i32
      %dma_wait3A_247 = tpu.memref_slice %arg10[%dma_wait3A_244, %dma_wait3A_245, %dma_wait3A_246] : memref<4x128x32xf32, #tpu.memory_space<vmem>> -> memref<1x128x32xf32, #tpu.memory_space<vmem>>
      %dma_wait3A_248 = tpu.memref_squeeze %dma_wait3A_247 : memref<1x128x32xf32, #tpu.memory_space<vmem>> -> memref<128x32xf32, #tpu.memory_space<vmem>>
      %dma_wait3A_249 = arith.constant 0 : i32
      %dma_wait3A_250 = tpu.memref_slice %arg8[%dma_wait3A_243, %dma_wait3A_249] : memref<4x128xi32, #tpu.memory_space<vmem>> -> memref<1x128xi32, #tpu.memory_space<vmem>>
      %dma_wait3A_251 = tpu.memref_squeeze %dma_wait3A_250 : memref<1x128xi32, #tpu.memory_space<vmem>> -> memref<128xi32, #tpu.memory_space<vmem>>
      %dma_wait3A_252 = arith.constant 0 : i32
      %dma_wait3A_253 = arith.constant 0 : i32
      %dma_wait3A_254 = tpu.memref_slice %arg2[%dma_wait3A_252, %dma_wait3A_253] : memref<100000x32xf32, #tpu.memory_space<hbm>> -> memref<100000x32xf32, #tpu.memory_space<hbm>>
      tpu.wait_indirect_dma semaphore(%arg12 : memref<!tpu.dma_semaphore, #tpu.memory_space<semaphore_mem>>) src(%dma_wait3A_254 : memref<100000x32xf32, #tpu.memory_space<hbm>>) dst(%dma_wait3A_248 : memref<128x32xf32, #tpu.memory_space<vmem>>)
      %run_scoped3A_255 = arith.constant 3 : i32
      %run_scoped3A_256 = arith.constant 3 : i32
      "tpu.region"() ({
        %run_scoped3A_257 = tpu.sem_alloc : memref<!tpu.dma_semaphore, #tpu.memory_space<semaphore_mem>>
        %dma_start3A_258 = arith.constant 0 : i32
        %dma_start3A_259 = arith.constant 0 : i32
        %dma_start3A_260 = tpu.memref_slice %arg10[%run_scoped3A_255, %dma_start3A_258, %dma_start3A_259] : memref<4x128x32xf32, #tpu.memory_space<vmem>> -> memref<1x128x32xf32, #tpu.memory_space<vmem>>
        %dma_start3A_261 = tpu.memref_squeeze %dma_start3A_260 : memref<1x128x32xf32, #tpu.memory_space<vmem>> -> memref<128x32xf32, #tpu.memory_space<vmem>>
        %dma_start3A_262 = arith.constant 0 : i32
        %dma_start3A_263 = tpu.memref_slice %arg9[%run_scoped3A_256, %dma_start3A_262] : memref<4x128xi32, #tpu.memory_space<vmem>> -> memref<1x128xi32, #tpu.memory_space<vmem>>
        %dma_start3A_264 = tpu.memref_squeeze %dma_start3A_263 : memref<1x128xi32, #tpu.memory_space<vmem>> -> memref<128xi32, #tpu.memory_space<vmem>>
        %dma_start3A_265 = arith.constant 0 : i32
        %dma_start3A_266 = arith.constant 0 : i32
        %dma_start3A_267 = tpu.memref_slice %arg11[%dma_start3A_265, %dma_start3A_266] : memref<50008x32xf32, #tpu.memory_space<vmem_shared>> -> memref<50008x32xf32, #tpu.memory_space<vmem_shared>>
        tpu.enqueue_indirect_dma source(%dma_start3A_261 : memref<128x32xf32, #tpu.memory_space<vmem>>) target(%dma_start3A_267 : memref<50008x32xf32, #tpu.memory_space<vmem_shared>>) offsets(%dma_start3A_264 : memref<128xi32, #tpu.memory_space<vmem>>) semaphore(%run_scoped3A_257 : memref<!tpu.dma_semaphore, #tpu.memory_space<semaphore_mem>>) {add = true}
        %dma_wait3A_268 = arith.constant 0 : i32
        %dma_wait3A_269 = arith.constant 0 : i32
        %dma_wait3A_270 = tpu.memref_slice %arg10[%run_scoped3A_255, %dma_wait3A_268, %dma_wait3A_269] : memref<4x128x32xf32, #tpu.memory_space<vmem>> -> memref<1x128x32xf32, #tpu.memory_space<vmem>>
        %dma_wait3A_271 = tpu.memref_squeeze %dma_wait3A_270 : memref<1x128x32xf32, #tpu.memory_space<vmem>> -> memref<128x32xf32, #tpu.memory_space<vmem>>
        %dma_wait3A_272 = arith.constant 0 : i32
        %dma_wait3A_273 = tpu.memref_slice %arg9[%run_scoped3A_256, %dma_wait3A_272] : memref<4x128xi32, #tpu.memory_space<vmem>> -> memref<1x128xi32, #tpu.memory_space<vmem>>
        %dma_wait3A_274 = tpu.memref_squeeze %dma_wait3A_273 : memref<1x128xi32, #tpu.memory_space<vmem>> -> memref<128xi32, #tpu.memory_space<vmem>>
        %dma_wait3A_275 = arith.constant 0 : i32
        %dma_wait3A_276 = arith.constant 0 : i32
        %dma_wait3A_277 = tpu.memref_slice %arg11[%dma_wait3A_275, %dma_wait3A_276] : memref<50008x32xf32, #tpu.memory_space<vmem_shared>> -> memref<50008x32xf32, #tpu.memory_space<vmem_shared>>
        tpu.wait_indirect_dma semaphore(%run_scoped3A_257 : memref<!tpu.dma_semaphore, #tpu.memory_space<semaphore_mem>>) src(%dma_wait3A_271 : memref<128x32xf32, #tpu.memory_space<vmem>>) dst(%dma_wait3A_277 : memref<50008x32xf32, #tpu.memory_space<vmem_shared>>)
        tpu.yield
      }) : () -> ()
    }
    %scan3A_22 = arith.constant 49 : i32
    %barrier3A_23 = arith.constant 0 : index
    tpu.barrier barrier_id(%barrier3A_23)
    %mul3A_24 = arith.constant 3125 : i32
    %mul3A_25 = arith.muli %arg1, %mul3A_24 : i32
    "tpu.region"() ({
      %run_scoped3A = tpu.sem_alloc : memref<!tpu.dma_semaphore, #tpu.memory_space<semaphore_mem>>
      %dma_start3A_26 = arith.constant 0 : i32
      %dma_start3A_27 = tpu.memref_slice %arg5[%add3A, %dma_start3A_26] : memref<100000x32xf32, #tpu.memory_space<hbm>> -> memref<3125x32xf32, #tpu.memory_space<hbm>>
      %dma_start3A_28 = arith.constant 0 : i32
      %dma_start3A_29 = tpu.memref_slice %arg11[%mul3A_25, %dma_start3A_28] : memref<50008x32xf32, #tpu.memory_space<vmem_shared>> -> memref<3125x32xf32, #tpu.memory_space<vmem_shared>>
      tpu.enqueue_dma source(%dma_start3A_29 : memref<3125x32xf32, #tpu.memory_space<vmem_shared>>) target(%dma_start3A_27 : memref<3125x32xf32, #tpu.memory_space<hbm>>) target_semaphore(%run_scoped3A : memref<!tpu.dma_semaphore, #tpu.memory_space<semaphore_mem>>)
      %dma_wait3A_30 = arith.constant 0 : i32
      %dma_wait3A_31 = tpu.memref_slice %arg5[%add3A, %dma_wait3A_30] : memref<100000x32xf32, #tpu.memory_space<hbm>> -> memref<3125x32xf32, #tpu.memory_space<hbm>>
      %dma_wait3A_32 = arith.constant 0 : i32
      %dma_wait3A_33 = tpu.memref_slice %arg11[%mul3A_25, %dma_wait3A_32] : memref<50008x32xf32, #tpu.memory_space<vmem_shared>> -> memref<3125x32xf32, #tpu.memory_space<vmem_shared>>
      tpu.wait_dma2 semaphore(%run_scoped3A : memref<!tpu.dma_semaphore, #tpu.memory_space<semaphore_mem>>) src(%dma_wait3A_33 : memref<3125x32xf32, #tpu.memory_space<vmem_shared>>) dst(%dma_wait3A_31 : memref<3125x32xf32, #tpu.memory_space<hbm>>)
      tpu.yield
    }) : () -> ()
    return
  }
}

#map = affine_map<(d0, d1) -> (0, 0)>
module attributes {stable_mosaic.version = 14 : i64} {
  func.func @_agg_body(%arg0: i32, %arg1: i32, %arg2: memref<100000x32xf32, #tpu.memory_space<hbm>>, %arg3: memref<12544x128xi32, #tpu.memory_space<hbm>>, %arg4: memref<6272x128xi32, #tpu.memory_space<hbm>>, %arg5: memref<100000x32xf32, #tpu.memory_space<hbm>>, %arg6: memref<4x128xi32, #tpu.memory_space<vmem>>, %arg7: memref<4x128xi32, #tpu.memory_space<vmem>>, %arg8: memref<4x128xi32, #tpu.memory_space<vmem>>, %arg9: memref<4x128xi32, #tpu.memory_space<vmem>>, %arg10: memref<4x128x32xf32, #tpu.memory_space<vmem>>, %arg11: memref<50008x32xf32, #tpu.memory_space<vmem_shared>>, %arg12: memref<!tpu.dma_semaphore, #tpu.memory_space<semaphore_mem>>) attributes {dimension_semantics = [#tpu.dimension_semantics<core_parallel>, #tpu.dimension_semantics<subcore_parallel>], iteration_bounds = array<i64: 2, 16>, scalar_prefetch = 0 : i64, scratch_operands = 7 : i64, tpu.core_type = #tpu.core_type<sc_vector_subcore>, window_params = [{transform_indices = #map}, {transform_indices = #map}, {transform_indices = #map}, {transform_indices = #map}]} {
    %mul3A = arith.constant 50000 : i32
    %mul3A_0 = arith.muli %arg0, %mul3A : i32
    %mul3A_1 = arith.constant 3125 : i32
    %mul3A_2 = arith.muli %arg1, %mul3A_1 : i32
    %add3A = arith.addi %mul3A_0, %mul3A_2 : i32
    %mul3A_3 = arith.constant 3125 : i32
    %mul3A_4 = arith.muli %arg1, %mul3A_3 : i32
    %dma_start3A = arith.constant 0 : i32
    %dma_start3A_5 = tpu.memref_slice %arg11[%mul3A_4, %dma_start3A] : memref<50008x32xf32, #tpu.memory_space<vmem_shared>> -> memref<3125x32xf32, #tpu.memory_space<vmem_shared>>
    %dma_start3A_6 = arith.constant 0 : i32
    %dma_start3A_7 = tpu.memref_slice %arg2[%add3A, %dma_start3A_6] : memref<100000x32xf32, #tpu.memory_space<hbm>> -> memref<3125x32xf32, #tpu.memory_space<hbm>>
    tpu.enqueue_dma source(%dma_start3A_7 : memref<3125x32xf32, #tpu.memory_space<hbm>>) target(%dma_start3A_5 : memref<3125x32xf32, #tpu.memory_space<vmem_shared>>) target_semaphore(%arg12 : memref<!tpu.dma_semaphore, #tpu.memory_space<semaphore_mem>>)
    %mul3A_8 = arith.constant 6272 : i32
    %mul3A_9 = arith.muli %arg0, %mul3A_8 : i32
    %mul3A_10 = arith.constant 392 : i32
    %mul3A_11 = arith.muli %arg1, %mul3A_10 : i32
    %add3A_12 = arith.addi %mul3A_9, %mul3A_11 : i32
    %mul3A_13 = arith.constant 392 : i32
    %mul3A_14 = arith.muli %arg1, %mul3A_13 : i32
    "tpu.region"() ({
      %run_scoped3A = tpu.sem_alloc : memref<!tpu.dma_semaphore, #tpu.memory_space<semaphore_mem>>
      %dma_start3A_26 = arith.constant 0 : i32
      %dma_start3A_27 = tpu.memref_slice %arg3[%add3A_12, %dma_start3A_26] : memref<12544x128xi32, #tpu.memory_space<hbm>> -> memref<4x128xi32, #tpu.memory_space<hbm>>
      %dma_start3A_28 = arith.constant 0 : i32
      %dma_start3A_29 = tpu.memref_slice %arg3[%add3A_12, %dma_start3A_28] : memref<12544x128xi32, #tpu.memory_space<hbm>> -> memref<4x128xi32, #tpu.memory_space<hbm>>
      tpu.enqueue_dma source(%dma_start3A_29 : memref<4x128xi32, #tpu.memory_space<hbm>>) target(%arg6 : memref<4x128xi32, #tpu.memory_space<vmem>>) target_semaphore(%run_scoped3A : memref<!tpu.dma_semaphore, #tpu.memory_space<semaphore_mem>>)
      %dma_wait3A_30 = arith.constant 0 : i32
      %dma_wait3A_31 = tpu.memref_slice %arg3[%add3A_12, %dma_wait3A_30] : memref<12544x128xi32, #tpu.memory_space<hbm>> -> memref<4x128xi32, #tpu.memory_space<hbm>>
      %dma_wait3A_32 = arith.constant 0 : i32
      %dma_wait3A_33 = tpu.memref_slice %arg3[%add3A_12, %dma_wait3A_32] : memref<12544x128xi32, #tpu.memory_space<hbm>> -> memref<4x128xi32, #tpu.memory_space<hbm>>
      tpu.wait_dma2 semaphore(%run_scoped3A : memref<!tpu.dma_semaphore, #tpu.memory_space<semaphore_mem>>) src(%dma_wait3A_33 : memref<4x128xi32, #tpu.memory_space<hbm>>) dst(%arg6 : memref<4x128xi32, #tpu.memory_space<vmem>>)
      tpu.yield
    }) : () -> ()
    "tpu.region"() ({
      %run_scoped3A = tpu.sem_alloc : memref<!tpu.dma_semaphore, #tpu.memory_space<semaphore_mem>>
      %dma_start3A_26 = arith.constant 0 : i32
      %dma_start3A_27 = tpu.memref_slice %arg4[%mul3A_14, %dma_start3A_26] : memref<6272x128xi32, #tpu.memory_space<hbm>> -> memref<4x128xi32, #tpu.memory_space<hbm>>
      %dma_start3A_28 = arith.constant 0 : i32
      %dma_start3A_29 = tpu.memref_slice %arg4[%mul3A_14, %dma_start3A_28] : memref<6272x128xi32, #tpu.memory_space<hbm>> -> memref<4x128xi32, #tpu.memory_space<hbm>>
      tpu.enqueue_dma source(%dma_start3A_29 : memref<4x128xi32, #tpu.memory_space<hbm>>) target(%arg7 : memref<4x128xi32, #tpu.memory_space<vmem>>) target_semaphore(%run_scoped3A : memref<!tpu.dma_semaphore, #tpu.memory_space<semaphore_mem>>)
      %dma_wait3A_30 = arith.constant 0 : i32
      %dma_wait3A_31 = tpu.memref_slice %arg4[%mul3A_14, %dma_wait3A_30] : memref<6272x128xi32, #tpu.memory_space<hbm>> -> memref<4x128xi32, #tpu.memory_space<hbm>>
      %dma_wait3A_32 = arith.constant 0 : i32
      %dma_wait3A_33 = tpu.memref_slice %arg4[%mul3A_14, %dma_wait3A_32] : memref<6272x128xi32, #tpu.memory_space<hbm>> -> memref<4x128xi32, #tpu.memory_space<hbm>>
      tpu.wait_dma2 semaphore(%run_scoped3A : memref<!tpu.dma_semaphore, #tpu.memory_space<semaphore_mem>>) src(%dma_wait3A_33 : memref<4x128xi32, #tpu.memory_space<hbm>>) dst(%arg7 : memref<4x128xi32, #tpu.memory_space<vmem>>)
      tpu.yield
    }) : () -> ()
    %dma_wait3A = arith.constant 0 : i32
    %dma_wait3A_15 = tpu.memref_slice %arg11[%mul3A_4, %dma_wait3A] : memref<50008x32xf32, #tpu.memory_space<vmem_shared>> -> memref<3125x32xf32, #tpu.memory_space<vmem_shared>>
    %dma_wait3A_16 = arith.constant 0 : i32
    %dma_wait3A_17 = tpu.memref_slice %arg2[%add3A, %dma_wait3A_16] : memref<100000x32xf32, #tpu.memory_space<hbm>> -> memref<3125x32xf32, #tpu.memory_space<hbm>>
    tpu.wait_dma2 semaphore(%arg12 : memref<!tpu.dma_semaphore, #tpu.memory_space<semaphore_mem>>) src(%dma_wait3A_17 : memref<3125x32xf32, #tpu.memory_space<hbm>>) dst(%dma_wait3A_15 : memref<3125x32xf32, #tpu.memory_space<vmem_shared>>)
    %barrier3A = arith.constant 0 : index
    tpu.barrier barrier_id(%barrier3A)
    %scan3A = arith.constant 0 : i32
    %scan3A_18 = arith.constant 0 : i32
    %scan3A_19 = arith.constant 49 : i32
    %scan3A_20 = arith.addi %scan3A_18, %scan3A_19 : i32
    %scan3A_21 = arith.constant 1 : i32
    scf.for %scan3A_26 = %scan3A_18 to %scan3A_20 step %scan3A_21  : i32 {
      %dma_start3A_27 = arith.constant 0 : i32
      %dma_start3A_28 = arith.constant 0 : i32
      %dma_start3A_29 = arith.constant 0 : i32
      %dma_start3A_30 = arith.constant 0 : i32
      %dma_start3A_31 = tpu.memref_slice %arg10[%dma_start3A_28, %dma_start3A_29, %dma_start3A_30] : memref<4x128x32xf32, #tpu.memory_space<vmem>> -> memref<1x128x32xf32, #tpu.memory_space<vmem>>
      %dma_start3A_32 = tpu.memref_squeeze %dma_start3A_31 : memref<1x128x32xf32, #tpu.memory_space<vmem>> -> memref<128x32xf32, #tpu.memory_space<vmem>>
      %dma_start3A_33 = arith.constant 0 : i32
      %dma_start3A_34 = tpu.memref_slice %arg6[%dma_start3A_27, %dma_start3A_33] : memref<4x128xi32, #tpu.memory_space<vmem>> -> memref<1x128xi32, #tpu.memory_space<vmem>>
      %dma_start3A_35 = tpu.memref_squeeze %dma_start3A_34 : memref<1x128xi32, #tpu.memory_space<vmem>> -> memref<128xi32, #tpu.memory_space<vmem>>
      %dma_start3A_36 = arith.constant 0 : i32
      %dma_start3A_37 = arith.constant 0 : i32
      %dma_start3A_38 = tpu.memref_slice %arg2[%dma_start3A_36, %dma_start3A_37] : memref<100000x32xf32, #tpu.memory_space<hbm>> -> memref<100000x32xf32, #tpu.memory_space<hbm>>
      tpu.enqueue_indirect_dma source(%dma_start3A_38 : memref<100000x32xf32, #tpu.memory_space<hbm>>) target(%dma_start3A_32 : memref<128x32xf32, #tpu.memory_space<vmem>>) offsets(%dma_start3A_35 : memref<128xi32, #tpu.memory_space<vmem>>) semaphore(%arg12 : memref<!tpu.dma_semaphore, #tpu.memory_space<semaphore_mem>>)
      %dma_start3A_39 = arith.constant 1 : i32
      %dma_start3A_40 = arith.constant 1 : i32
      %dma_start3A_41 = arith.constant 0 : i32
      %dma_start3A_42 = arith.constant 0 : i32
      %dma_start3A_43 = tpu.memref_slice %arg10[%dma_start3A_40, %dma_start3A_41, %dma_start3A_42] : memref<4x128x32xf32, #tpu.memory_space<vmem>> -> memref<1x128x32xf32, #tpu.memory_space<vmem>>
      %dma_start3A_44 = tpu.memref_squeeze %dma_start3A_43 : memref<1x128x32xf32, #tpu.memory_space<vmem>> -> memref<128x32xf32, #tpu.memory_space<vmem>>
      %dma_start3A_45 = arith.constant 0 : i32
      %dma_start3A_46 = tpu.memref_slice %arg6[%dma_start3A_39, %dma_start3A_45] : memref<4x128xi32, #tpu.memory_space<vmem>> -> memref<1x128xi32, #tpu.memory_space<vmem>>
      %dma_start3A_47 = tpu.memref_squeeze %dma_start3A_46 : memref<1x128xi32, #tpu.memory_space<vmem>> -> memref<128xi32, #tpu.memory_space<vmem>>
      %dma_start3A_48 = arith.constant 0 : i32
      %dma_start3A_49 = arith.constant 0 : i32
      %dma_start3A_50 = tpu.memref_slice %arg2[%dma_start3A_48, %dma_start3A_49] : memref<100000x32xf32, #tpu.memory_space<hbm>> -> memref<100000x32xf32, #tpu.memory_space<hbm>>
      tpu.enqueue_indirect_dma source(%dma_start3A_50 : memref<100000x32xf32, #tpu.memory_space<hbm>>) target(%dma_start3A_44 : memref<128x32xf32, #tpu.memory_space<vmem>>) offsets(%dma_start3A_47 : memref<128xi32, #tpu.memory_space<vmem>>) semaphore(%arg12 : memref<!tpu.dma_semaphore, #tpu.memory_space<semaphore_mem>>)
      %dma_start3A_51 = arith.constant 2 : i32
      %dma_start3A_52 = arith.constant 2 : i32
      %dma_start3A_53 = arith.constant 0 : i32
      %dma_start3A_54 = arith.constant 0 : i32
      %dma_start3A_55 = tpu.memref_slice %arg10[%dma_start3A_52, %dma_start3A_53, %dma_start3A_54] : memref<4x128x32xf32, #tpu.memory_space<vmem>> -> memref<1x128x32xf32, #tpu.memory_space<vmem>>
      %dma_start3A_56 = tpu.memref_squeeze %dma_start3A_55 : memref<1x128x32xf32, #tpu.memory_space<vmem>> -> memref<128x32xf32, #tpu.memory_space<vmem>>
      %dma_start3A_57 = arith.constant 0 : i32
      %dma_start3A_58 = tpu.memref_slice %arg6[%dma_start3A_51, %dma_start3A_57] : memref<4x128xi32, #tpu.memory_space<vmem>> -> memref<1x128xi32, #tpu.memory_space<vmem>>
      %dma_start3A_59 = tpu.memref_squeeze %dma_start3A_58 : memref<1x128xi32, #tpu.memory_space<vmem>> -> memref<128xi32, #tpu.memory_space<vmem>>
      %dma_start3A_60 = arith.constant 0 : i32
      %dma_start3A_61 = arith.constant 0 : i32
      %dma_start3A_62 = tpu.memref_slice %arg2[%dma_start3A_60, %dma_start3A_61] : memref<100000x32xf32, #tpu.memory_space<hbm>> -> memref<100000x32xf32, #tpu.memory_space<hbm>>
      tpu.enqueue_indirect_dma source(%dma_start3A_62 : memref<100000x32xf32, #tpu.memory_space<hbm>>) target(%dma_start3A_56 : memref<128x32xf32, #tpu.memory_space<vmem>>) offsets(%dma_start3A_59 : memref<128xi32, #tpu.memory_space<vmem>>) semaphore(%arg12 : memref<!tpu.dma_semaphore, #tpu.memory_space<semaphore_mem>>)
      %dma_start3A_63 = arith.constant 3 : i32
      %dma_start3A_64 = arith.constant 3 : i32
      %dma_start3A_65 = arith.constant 0 : i32
      %dma_start3A_66 = arith.constant 0 : i32
      %dma_start3A_67 = tpu.memref_slice %arg10[%dma_start3A_64, %dma_start3A_65, %dma_start3A_66] : memref<4x128x32xf32, #tpu.memory_space<vmem>> -> memref<1x128x32xf32, #tpu.memory_space<vmem>>
      %dma_start3A_68 = tpu.memref_squeeze %dma_start3A_67 : memref<1x128x32xf32, #tpu.memory_space<vmem>> -> memref<128x32xf32, #tpu.memory_space<vmem>>
      %dma_start3A_69 = arith.constant 0 : i32
      %dma_start3A_70 = tpu.memref_slice %arg6[%dma_start3A_63, %dma_start3A_69] : memref<4x128xi32, #tpu.memory_space<vmem>> -> memref<1x128xi32, #tpu.memory_space<vmem>>
      %dma_start3A_71 = tpu.memref_squeeze %dma_start3A_70 : memref<1x128xi32, #tpu.memory_space<vmem>> -> memref<128xi32, #tpu.memory_space<vmem>>
      %dma_start3A_72 = arith.constant 0 : i32
      %dma_start3A_73 = arith.constant 0 : i32
      %dma_start3A_74 = tpu.memref_slice %arg2[%dma_start3A_72, %dma_start3A_73] : memref<100000x32xf32, #tpu.memory_space<hbm>> -> memref<100000x32xf32, #tpu.memory_space<hbm>>
      tpu.enqueue_indirect_dma source(%dma_start3A_74 : memref<100000x32xf32, #tpu.memory_space<hbm>>) target(%dma_start3A_68 : memref<128x32xf32, #tpu.memory_space<vmem>>) offsets(%dma_start3A_71 : memref<128xi32, #tpu.memory_space<vmem>>) semaphore(%arg12 : memref<!tpu.dma_semaphore, #tpu.memory_space<semaphore_mem>>)
      %mul3A_75 = arith.constant 2 : i32
      %mul3A_76 = arith.muli %mul3A_75, %scan3A_26 : i32
      %add3A_77 = arith.constant 1 : i32
      %add3A_78 = arith.addi %mul3A_76, %add3A_77 : i32
      %mul3A_79 = arith.constant 4 : i32
      %mul3A_80 = arith.muli %add3A_78, %mul3A_79 : i32
      %add3A_81 = arith.addi %add3A_12, %mul3A_80 : i32
      "tpu.region"() ({
        %run_scoped3A_257 = tpu.sem_alloc : memref<!tpu.dma_semaphore, #tpu.memory_space<semaphore_mem>>
        %dma_start3A_258 = arith.constant 0 : i32
        %dma_start3A_259 = tpu.memref_slice %arg3[%add3A_81, %dma_start3A_258] : memref<12544x128xi32, #tpu.memory_space<hbm>> -> memref<4x128xi32, #tpu.memory_space<hbm>>
        %dma_start3A_260 = arith.constant 0 : i32
        %dma_start3A_261 = tpu.memref_slice %arg3[%add3A_81, %dma_start3A_260] : memref<12544x128xi32, #tpu.memory_space<hbm>> -> memref<4x128xi32, #tpu.memory_space<hbm>>
        tpu.enqueue_dma source(%dma_start3A_261 : memref<4x128xi32, #tpu.memory_space<hbm>>) target(%arg8 : memref<4x128xi32, #tpu.memory_space<vmem>>) target_semaphore(%run_scoped3A_257 : memref<!tpu.dma_semaphore, #tpu.memory_space<semaphore_mem>>)
        %dma_wait3A_262 = arith.constant 0 : i32
        %dma_wait3A_263 = tpu.memref_slice %arg3[%add3A_81, %dma_wait3A_262] : memref<12544x128xi32, #tpu.memory_space<hbm>> -> memref<4x128xi32, #tpu.memory_space<hbm>>
        %dma_wait3A_264 = arith.constant 0 : i32
        %dma_wait3A_265 = tpu.memref_slice %arg3[%add3A_81, %dma_wait3A_264] : memref<12544x128xi32, #tpu.memory_space<hbm>> -> memref<4x128xi32, #tpu.memory_space<hbm>>
        tpu.wait_dma2 semaphore(%run_scoped3A_257 : memref<!tpu.dma_semaphore, #tpu.memory_space<semaphore_mem>>) src(%dma_wait3A_265 : memref<4x128xi32, #tpu.memory_space<hbm>>) dst(%arg8 : memref<4x128xi32, #tpu.memory_space<vmem>>)
        tpu.yield
      }) : () -> ()
      %mul3A_82 = arith.constant 2 : i32
      %mul3A_83 = arith.muli %mul3A_82, %scan3A_26 : i32
      %add3A_84 = arith.constant 1 : i32
      %add3A_85 = arith.addi %mul3A_83, %add3A_84 : i32
      %mul3A_86 = arith.constant 4 : i32
      %mul3A_87 = arith.muli %add3A_85, %mul3A_86 : i32
      %add3A_88 = arith.addi %mul3A_14, %mul3A_87 : i32
      "tpu.region"() ({
        %run_scoped3A_257 = tpu.sem_alloc : memref<!tpu.dma_semaphore, #tpu.memory_space<semaphore_mem>>
        %dma_start3A_258 = arith.constant 0 : i32
        %dma_start3A_259 = tpu.memref_slice %arg4[%add3A_88, %dma_start3A_258] : memref<6272x128xi32, #tpu.memory_space<hbm>> -> memref<4x128xi32, #tpu.memory_space<hbm>>
        %dma_start3A_260 = arith.constant 0 : i32
        %dma_start3A_261 = tpu.memref_slice %arg4[%add3A_88, %dma_start3A_260] : memref<6272x128xi32, #tpu.memory_space<hbm>> -> memref<4x128xi32, #tpu.memory_space<hbm>>
        tpu.enqueue_dma source(%dma_start3A_261 : memref<4x128xi32, #tpu.memory_space<hbm>>) target(%arg9 : memref<4x128xi32, #tpu.memory_space<vmem>>) target_semaphore(%run_scoped3A_257 : memref<!tpu.dma_semaphore, #tpu.memory_space<semaphore_mem>>)
        %dma_wait3A_262 = arith.constant 0 : i32
        %dma_wait3A_263 = tpu.memref_slice %arg4[%add3A_88, %dma_wait3A_262] : memref<6272x128xi32, #tpu.memory_space<hbm>> -> memref<4x128xi32, #tpu.memory_space<hbm>>
        %dma_wait3A_264 = arith.constant 0 : i32
        %dma_wait3A_265 = tpu.memref_slice %arg4[%add3A_88, %dma_wait3A_264] : memref<6272x128xi32, #tpu.memory_space<hbm>> -> memref<4x128xi32, #tpu.memory_space<hbm>>
        tpu.wait_dma2 semaphore(%run_scoped3A_257 : memref<!tpu.dma_semaphore, #tpu.memory_space<semaphore_mem>>) src(%dma_wait3A_265 : memref<4x128xi32, #tpu.memory_space<hbm>>) dst(%arg9 : memref<4x128xi32, #tpu.memory_space<vmem>>)
        tpu.yield
      }) : () -> ()
      %dma_wait3A_89 = arith.constant 0 : i32
      %dma_wait3A_90 = arith.constant 0 : i32
      %dma_wait3A_91 = arith.constant 0 : i32
      %dma_wait3A_92 = arith.constant 0 : i32
      %dma_wait3A_93 = tpu.memref_slice %arg10[%dma_wait3A_90, %dma_wait3A_91, %dma_wait3A_92] : memref<4x128x32xf32, #tpu.memory_space<vmem>> -> memref<1x128x32xf32, #tpu.memory_space<vmem>>
      %dma_wait3A_94 = tpu.memref_squeeze %dma_wait3A_93 : memref<1x128x32xf32, #tpu.memory_space<vmem>> -> memref<128x32xf32, #tpu.memory_space<vmem>>
      %dma_wait3A_95 = arith.constant 0 : i32
      %dma_wait3A_96 = tpu.memref_slice %arg6[%dma_wait3A_89, %dma_wait3A_95] : memref<4x128xi32, #tpu.memory_space<vmem>> -> memref<1x128xi32, #tpu.memory_space<vmem>>
      %dma_wait3A_97 = tpu.memref_squeeze %dma_wait3A_96 : memref<1x128xi32, #tpu.memory_space<vmem>> -> memref<128xi32, #tpu.memory_space<vmem>>
      %dma_wait3A_98 = arith.constant 0 : i32
      %dma_wait3A_99 = arith.constant 0 : i32
      %dma_wait3A_100 = tpu.memref_slice %arg2[%dma_wait3A_98, %dma_wait3A_99] : memref<100000x32xf32, #tpu.memory_space<hbm>> -> memref<100000x32xf32, #tpu.memory_space<hbm>>
      tpu.wait_indirect_dma semaphore(%arg12 : memref<!tpu.dma_semaphore, #tpu.memory_space<semaphore_mem>>) src(%dma_wait3A_100 : memref<100000x32xf32, #tpu.memory_space<hbm>>) dst(%dma_wait3A_94 : memref<128x32xf32, #tpu.memory_space<vmem>>)
      %run_scoped3A = arith.constant 0 : i32
      %run_scoped3A_101 = arith.constant 0 : i32
      "tpu.region"() ({
        %run_scoped3A_257 = tpu.sem_alloc : memref<!tpu.dma_semaphore, #tpu.memory_space<semaphore_mem>>
        %dma_start3A_258 = arith.constant 0 : i32
        %dma_start3A_259 = arith.constant 0 : i32
        %dma_start3A_260 = tpu.memref_slice %arg10[%run_scoped3A, %dma_start3A_258, %dma_start3A_259] : memref<4x128x32xf32, #tpu.memory_space<vmem>> -> memref<1x128x32xf32, #tpu.memory_space<vmem>>
        %dma_start3A_261 = tpu.memref_squeeze %dma_start3A_260 : memref<1x128x32xf32, #tpu.memory_space<vmem>> -> memref<128x32xf32, #tpu.memory_space<vmem>>
        %dma_start3A_262 = arith.constant 0 : i32
        %dma_start3A_263 = tpu.memref_slice %arg7[%run_scoped3A_101, %dma_start3A_262] : memref<4x128xi32, #tpu.memory_space<vmem>> -> memref<1x128xi32, #tpu.memory_space<vmem>>
        %dma_start3A_264 = tpu.memref_squeeze %dma_start3A_263 : memref<1x128xi32, #tpu.memory_space<vmem>> -> memref<128xi32, #tpu.memory_space<vmem>>
        %dma_start3A_265 = arith.constant 0 : i32
        %dma_start3A_266 = arith.constant 0 : i32
        %dma_start3A_267 = tpu.memref_slice %arg11[%dma_start3A_265, %dma_start3A_266] : memref<50008x32xf32, #tpu.memory_space<vmem_shared>> -> memref<50008x32xf32, #tpu.memory_space<vmem_shared>>
        tpu.enqueue_indirect_dma source(%dma_start3A_261 : memref<128x32xf32, #tpu.memory_space<vmem>>) target(%dma_start3A_267 : memref<50008x32xf32, #tpu.memory_space<vmem_shared>>) offsets(%dma_start3A_264 : memref<128xi32, #tpu.memory_space<vmem>>) semaphore(%run_scoped3A_257 : memref<!tpu.dma_semaphore, #tpu.memory_space<semaphore_mem>>) {add = true}
        %dma_wait3A_268 = arith.constant 0 : i32
        %dma_wait3A_269 = arith.constant 0 : i32
        %dma_wait3A_270 = tpu.memref_slice %arg10[%run_scoped3A, %dma_wait3A_268, %dma_wait3A_269] : memref<4x128x32xf32, #tpu.memory_space<vmem>> -> memref<1x128x32xf32, #tpu.memory_space<vmem>>
        %dma_wait3A_271 = tpu.memref_squeeze %dma_wait3A_270 : memref<1x128x32xf32, #tpu.memory_space<vmem>> -> memref<128x32xf32, #tpu.memory_space<vmem>>
        %dma_wait3A_272 = arith.constant 0 : i32
        %dma_wait3A_273 = tpu.memref_slice %arg7[%run_scoped3A_101, %dma_wait3A_272] : memref<4x128xi32, #tpu.memory_space<vmem>> -> memref<1x128xi32, #tpu.memory_space<vmem>>
        %dma_wait3A_274 = tpu.memref_squeeze %dma_wait3A_273 : memref<1x128xi32, #tpu.memory_space<vmem>> -> memref<128xi32, #tpu.memory_space<vmem>>
        %dma_wait3A_275 = arith.constant 0 : i32
        %dma_wait3A_276 = arith.constant 0 : i32
        %dma_wait3A_277 = tpu.memref_slice %arg11[%dma_wait3A_275, %dma_wait3A_276] : memref<50008x32xf32, #tpu.memory_space<vmem_shared>> -> memref<50008x32xf32, #tpu.memory_space<vmem_shared>>
        tpu.wait_indirect_dma semaphore(%run_scoped3A_257 : memref<!tpu.dma_semaphore, #tpu.memory_space<semaphore_mem>>) src(%dma_wait3A_271 : memref<128x32xf32, #tpu.memory_space<vmem>>) dst(%dma_wait3A_277 : memref<50008x32xf32, #tpu.memory_space<vmem_shared>>)
        tpu.yield
      }) : () -> ()
      %dma_wait3A_102 = arith.constant 1 : i32
      %dma_wait3A_103 = arith.constant 1 : i32
      %dma_wait3A_104 = arith.constant 0 : i32
      %dma_wait3A_105 = arith.constant 0 : i32
      %dma_wait3A_106 = tpu.memref_slice %arg10[%dma_wait3A_103, %dma_wait3A_104, %dma_wait3A_105] : memref<4x128x32xf32, #tpu.memory_space<vmem>> -> memref<1x128x32xf32, #tpu.memory_space<vmem>>
      %dma_wait3A_107 = tpu.memref_squeeze %dma_wait3A_106 : memref<1x128x32xf32, #tpu.memory_space<vmem>> -> memref<128x32xf32, #tpu.memory_space<vmem>>
      %dma_wait3A_108 = arith.constant 0 : i32
      %dma_wait3A_109 = tpu.memref_slice %arg6[%dma_wait3A_102, %dma_wait3A_108] : memref<4x128xi32, #tpu.memory_space<vmem>> -> memref<1x128xi32, #tpu.memory_space<vmem>>
      %dma_wait3A_110 = tpu.memref_squeeze %dma_wait3A_109 : memref<1x128xi32, #tpu.memory_space<vmem>> -> memref<128xi32, #tpu.memory_space<vmem>>
      %dma_wait3A_111 = arith.constant 0 : i32
      %dma_wait3A_112 = arith.constant 0 : i32
      %dma_wait3A_113 = tpu.memref_slice %arg2[%dma_wait3A_111, %dma_wait3A_112] : memref<100000x32xf32, #tpu.memory_space<hbm>> -> memref<100000x32xf32, #tpu.memory_space<hbm>>
      tpu.wait_indirect_dma semaphore(%arg12 : memref<!tpu.dma_semaphore, #tpu.memory_space<semaphore_mem>>) src(%dma_wait3A_113 : memref<100000x32xf32, #tpu.memory_space<hbm>>) dst(%dma_wait3A_107 : memref<128x32xf32, #tpu.memory_space<vmem>>)
      %run_scoped3A_114 = arith.constant 1 : i32
      %run_scoped3A_115 = arith.constant 1 : i32
      "tpu.region"() ({
        %run_scoped3A_257 = tpu.sem_alloc : memref<!tpu.dma_semaphore, #tpu.memory_space<semaphore_mem>>
        %dma_start3A_258 = arith.constant 0 : i32
        %dma_start3A_259 = arith.constant 0 : i32
        %dma_start3A_260 = tpu.memref_slice %arg10[%run_scoped3A_114, %dma_start3A_258, %dma_start3A_259] : memref<4x128x32xf32, #tpu.memory_space<vmem>> -> memref<1x128x32xf32, #tpu.memory_space<vmem>>
        %dma_start3A_261 = tpu.memref_squeeze %dma_start3A_260 : memref<1x128x32xf32, #tpu.memory_space<vmem>> -> memref<128x32xf32, #tpu.memory_space<vmem>>
        %dma_start3A_262 = arith.constant 0 : i32
        %dma_start3A_263 = tpu.memref_slice %arg7[%run_scoped3A_115, %dma_start3A_262] : memref<4x128xi32, #tpu.memory_space<vmem>> -> memref<1x128xi32, #tpu.memory_space<vmem>>
        %dma_start3A_264 = tpu.memref_squeeze %dma_start3A_263 : memref<1x128xi32, #tpu.memory_space<vmem>> -> memref<128xi32, #tpu.memory_space<vmem>>
        %dma_start3A_265 = arith.constant 0 : i32
        %dma_start3A_266 = arith.constant 0 : i32
        %dma_start3A_267 = tpu.memref_slice %arg11[%dma_start3A_265, %dma_start3A_266] : memref<50008x32xf32, #tpu.memory_space<vmem_shared>> -> memref<50008x32xf32, #tpu.memory_space<vmem_shared>>
        tpu.enqueue_indirect_dma source(%dma_start3A_261 : memref<128x32xf32, #tpu.memory_space<vmem>>) target(%dma_start3A_267 : memref<50008x32xf32, #tpu.memory_space<vmem_shared>>) offsets(%dma_start3A_264 : memref<128xi32, #tpu.memory_space<vmem>>) semaphore(%run_scoped3A_257 : memref<!tpu.dma_semaphore, #tpu.memory_space<semaphore_mem>>) {add = true}
        %dma_wait3A_268 = arith.constant 0 : i32
        %dma_wait3A_269 = arith.constant 0 : i32
        %dma_wait3A_270 = tpu.memref_slice %arg10[%run_scoped3A_114, %dma_wait3A_268, %dma_wait3A_269] : memref<4x128x32xf32, #tpu.memory_space<vmem>> -> memref<1x128x32xf32, #tpu.memory_space<vmem>>
        %dma_wait3A_271 = tpu.memref_squeeze %dma_wait3A_270 : memref<1x128x32xf32, #tpu.memory_space<vmem>> -> memref<128x32xf32, #tpu.memory_space<vmem>>
        %dma_wait3A_272 = arith.constant 0 : i32
        %dma_wait3A_273 = tpu.memref_slice %arg7[%run_scoped3A_115, %dma_wait3A_272] : memref<4x128xi32, #tpu.memory_space<vmem>> -> memref<1x128xi32, #tpu.memory_space<vmem>>
        %dma_wait3A_274 = tpu.memref_squeeze %dma_wait3A_273 : memref<1x128xi32, #tpu.memory_space<vmem>> -> memref<128xi32, #tpu.memory_space<vmem>>
        %dma_wait3A_275 = arith.constant 0 : i32
        %dma_wait3A_276 = arith.constant 0 : i32
        %dma_wait3A_277 = tpu.memref_slice %arg11[%dma_wait3A_275, %dma_wait3A_276] : memref<50008x32xf32, #tpu.memory_space<vmem_shared>> -> memref<50008x32xf32, #tpu.memory_space<vmem_shared>>
        tpu.wait_indirect_dma semaphore(%run_scoped3A_257 : memref<!tpu.dma_semaphore, #tpu.memory_space<semaphore_mem>>) src(%dma_wait3A_271 : memref<128x32xf32, #tpu.memory_space<vmem>>) dst(%dma_wait3A_277 : memref<50008x32xf32, #tpu.memory_space<vmem_shared>>)
        tpu.yield
      }) : () -> ()
      %dma_wait3A_116 = arith.constant 2 : i32
      %dma_wait3A_117 = arith.constant 2 : i32
      %dma_wait3A_118 = arith.constant 0 : i32
      %dma_wait3A_119 = arith.constant 0 : i32
      %dma_wait3A_120 = tpu.memref_slice %arg10[%dma_wait3A_117, %dma_wait3A_118, %dma_wait3A_119] : memref<4x128x32xf32, #tpu.memory_space<vmem>> -> memref<1x128x32xf32, #tpu.memory_space<vmem>>
      %dma_wait3A_121 = tpu.memref_squeeze %dma_wait3A_120 : memref<1x128x32xf32, #tpu.memory_space<vmem>> -> memref<128x32xf32, #tpu.memory_space<vmem>>
      %dma_wait3A_122 = arith.constant 0 : i32
      %dma_wait3A_123 = tpu.memref_slice %arg6[%dma_wait3A_116, %dma_wait3A_122] : memref<4x128xi32, #tpu.memory_space<vmem>> -> memref<1x128xi32, #tpu.memory_space<vmem>>
      %dma_wait3A_124 = tpu.memref_squeeze %dma_wait3A_123 : memref<1x128xi32, #tpu.memory_space<vmem>> -> memref<128xi32, #tpu.memory_space<vmem>>
      %dma_wait3A_125 = arith.constant 0 : i32
      %dma_wait3A_126 = arith.constant 0 : i32
      %dma_wait3A_127 = tpu.memref_slice %arg2[%dma_wait3A_125, %dma_wait3A_126] : memref<100000x32xf32, #tpu.memory_space<hbm>> -> memref<100000x32xf32, #tpu.memory_space<hbm>>
      tpu.wait_indirect_dma semaphore(%arg12 : memref<!tpu.dma_semaphore, #tpu.memory_space<semaphore_mem>>) src(%dma_wait3A_127 : memref<100000x32xf32, #tpu.memory_space<hbm>>) dst(%dma_wait3A_121 : memref<128x32xf32, #tpu.memory_space<vmem>>)
      %run_scoped3A_128 = arith.constant 2 : i32
      %run_scoped3A_129 = arith.constant 2 : i32
      "tpu.region"() ({
        %run_scoped3A_257 = tpu.sem_alloc : memref<!tpu.dma_semaphore, #tpu.memory_space<semaphore_mem>>
        %dma_start3A_258 = arith.constant 0 : i32
        %dma_start3A_259 = arith.constant 0 : i32
        %dma_start3A_260 = tpu.memref_slice %arg10[%run_scoped3A_128, %dma_start3A_258, %dma_start3A_259] : memref<4x128x32xf32, #tpu.memory_space<vmem>> -> memref<1x128x32xf32, #tpu.memory_space<vmem>>
        %dma_start3A_261 = tpu.memref_squeeze %dma_start3A_260 : memref<1x128x32xf32, #tpu.memory_space<vmem>> -> memref<128x32xf32, #tpu.memory_space<vmem>>
        %dma_start3A_262 = arith.constant 0 : i32
        %dma_start3A_263 = tpu.memref_slice %arg7[%run_scoped3A_129, %dma_start3A_262] : memref<4x128xi32, #tpu.memory_space<vmem>> -> memref<1x128xi32, #tpu.memory_space<vmem>>
        %dma_start3A_264 = tpu.memref_squeeze %dma_start3A_263 : memref<1x128xi32, #tpu.memory_space<vmem>> -> memref<128xi32, #tpu.memory_space<vmem>>
        %dma_start3A_265 = arith.constant 0 : i32
        %dma_start3A_266 = arith.constant 0 : i32
        %dma_start3A_267 = tpu.memref_slice %arg11[%dma_start3A_265, %dma_start3A_266] : memref<50008x32xf32, #tpu.memory_space<vmem_shared>> -> memref<50008x32xf32, #tpu.memory_space<vmem_shared>>
        tpu.enqueue_indirect_dma source(%dma_start3A_261 : memref<128x32xf32, #tpu.memory_space<vmem>>) target(%dma_start3A_267 : memref<50008x32xf32, #tpu.memory_space<vmem_shared>>) offsets(%dma_start3A_264 : memref<128xi32, #tpu.memory_space<vmem>>) semaphore(%run_scoped3A_257 : memref<!tpu.dma_semaphore, #tpu.memory_space<semaphore_mem>>) {add = true}
        %dma_wait3A_268 = arith.constant 0 : i32
        %dma_wait3A_269 = arith.constant 0 : i32
        %dma_wait3A_270 = tpu.memref_slice %arg10[%run_scoped3A_128, %dma_wait3A_268, %dma_wait3A_269] : memref<4x128x32xf32, #tpu.memory_space<vmem>> -> memref<1x128x32xf32, #tpu.memory_space<vmem>>
        %dma_wait3A_271 = tpu.memref_squeeze %dma_wait3A_270 : memref<1x128x32xf32, #tpu.memory_space<vmem>> -> memref<128x32xf32, #tpu.memory_space<vmem>>
        %dma_wait3A_272 = arith.constant 0 : i32
        %dma_wait3A_273 = tpu.memref_slice %arg7[%run_scoped3A_129, %dma_wait3A_272] : memref<4x128xi32, #tpu.memory_space<vmem>> -> memref<1x128xi32, #tpu.memory_space<vmem>>
        %dma_wait3A_274 = tpu.memref_squeeze %dma_wait3A_273 : memref<1x128xi32, #tpu.memory_space<vmem>> -> memref<128xi32, #tpu.memory_space<vmem>>
        %dma_wait3A_275 = arith.constant 0 : i32
        %dma_wait3A_276 = arith.constant 0 : i32
        %dma_wait3A_277 = tpu.memref_slice %arg11[%dma_wait3A_275, %dma_wait3A_276] : memref<50008x32xf32, #tpu.memory_space<vmem_shared>> -> memref<50008x32xf32, #tpu.memory_space<vmem_shared>>
        tpu.wait_indirect_dma semaphore(%run_scoped3A_257 : memref<!tpu.dma_semaphore, #tpu.memory_space<semaphore_mem>>) src(%dma_wait3A_271 : memref<128x32xf32, #tpu.memory_space<vmem>>) dst(%dma_wait3A_277 : memref<50008x32xf32, #tpu.memory_space<vmem_shared>>)
        tpu.yield
      }) : () -> ()
      %dma_wait3A_130 = arith.constant 3 : i32
      %dma_wait3A_131 = arith.constant 3 : i32
      %dma_wait3A_132 = arith.constant 0 : i32
      %dma_wait3A_133 = arith.constant 0 : i32
      %dma_wait3A_134 = tpu.memref_slice %arg10[%dma_wait3A_131, %dma_wait3A_132, %dma_wait3A_133] : memref<4x128x32xf32, #tpu.memory_space<vmem>> -> memref<1x128x32xf32, #tpu.memory_space<vmem>>
      %dma_wait3A_135 = tpu.memref_squeeze %dma_wait3A_134 : memref<1x128x32xf32, #tpu.memory_space<vmem>> -> memref<128x32xf32, #tpu.memory_space<vmem>>
      %dma_wait3A_136 = arith.constant 0 : i32
      %dma_wait3A_137 = tpu.memref_slice %arg6[%dma_wait3A_130, %dma_wait3A_136] : memref<4x128xi32, #tpu.memory_space<vmem>> -> memref<1x128xi32, #tpu.memory_space<vmem>>
      %dma_wait3A_138 = tpu.memref_squeeze %dma_wait3A_137 : memref<1x128xi32, #tpu.memory_space<vmem>> -> memref<128xi32, #tpu.memory_space<vmem>>
      %dma_wait3A_139 = arith.constant 0 : i32
      %dma_wait3A_140 = arith.constant 0 : i32
      %dma_wait3A_141 = tpu.memref_slice %arg2[%dma_wait3A_139, %dma_wait3A_140] : memref<100000x32xf32, #tpu.memory_space<hbm>> -> memref<100000x32xf32, #tpu.memory_space<hbm>>
      tpu.wait_indirect_dma semaphore(%arg12 : memref<!tpu.dma_semaphore, #tpu.memory_space<semaphore_mem>>) src(%dma_wait3A_141 : memref<100000x32xf32, #tpu.memory_space<hbm>>) dst(%dma_wait3A_135 : memref<128x32xf32, #tpu.memory_space<vmem>>)
      %run_scoped3A_142 = arith.constant 3 : i32
      %run_scoped3A_143 = arith.constant 3 : i32
      "tpu.region"() ({
        %run_scoped3A_257 = tpu.sem_alloc : memref<!tpu.dma_semaphore, #tpu.memory_space<semaphore_mem>>
        %dma_start3A_258 = arith.constant 0 : i32
        %dma_start3A_259 = arith.constant 0 : i32
        %dma_start3A_260 = tpu.memref_slice %arg10[%run_scoped3A_142, %dma_start3A_258, %dma_start3A_259] : memref<4x128x32xf32, #tpu.memory_space<vmem>> -> memref<1x128x32xf32, #tpu.memory_space<vmem>>
        %dma_start3A_261 = tpu.memref_squeeze %dma_start3A_260 : memref<1x128x32xf32, #tpu.memory_space<vmem>> -> memref<128x32xf32, #tpu.memory_space<vmem>>
        %dma_start3A_262 = arith.constant 0 : i32
        %dma_start3A_263 = tpu.memref_slice %arg7[%run_scoped3A_143, %dma_start3A_262] : memref<4x128xi32, #tpu.memory_space<vmem>> -> memref<1x128xi32, #tpu.memory_space<vmem>>
        %dma_start3A_264 = tpu.memref_squeeze %dma_start3A_263 : memref<1x128xi32, #tpu.memory_space<vmem>> -> memref<128xi32, #tpu.memory_space<vmem>>
        %dma_start3A_265 = arith.constant 0 : i32
        %dma_start3A_266 = arith.constant 0 : i32
        %dma_start3A_267 = tpu.memref_slice %arg11[%dma_start3A_265, %dma_start3A_266] : memref<50008x32xf32, #tpu.memory_space<vmem_shared>> -> memref<50008x32xf32, #tpu.memory_space<vmem_shared>>
        tpu.enqueue_indirect_dma source(%dma_start3A_261 : memref<128x32xf32, #tpu.memory_space<vmem>>) target(%dma_start3A_267 : memref<50008x32xf32, #tpu.memory_space<vmem_shared>>) offsets(%dma_start3A_264 : memref<128xi32, #tpu.memory_space<vmem>>) semaphore(%run_scoped3A_257 : memref<!tpu.dma_semaphore, #tpu.memory_space<semaphore_mem>>) {add = true}
        %dma_wait3A_268 = arith.constant 0 : i32
        %dma_wait3A_269 = arith.constant 0 : i32
        %dma_wait3A_270 = tpu.memref_slice %arg10[%run_scoped3A_142, %dma_wait3A_268, %dma_wait3A_269] : memref<4x128x32xf32, #tpu.memory_space<vmem>> -> memref<1x128x32xf32, #tpu.memory_space<vmem>>
        %dma_wait3A_271 = tpu.memref_squeeze %dma_wait3A_270 : memref<1x128x32xf32, #tpu.memory_space<vmem>> -> memref<128x32xf32, #tpu.memory_space<vmem>>
        %dma_wait3A_272 = arith.constant 0 : i32
        %dma_wait3A_273 = tpu.memref_slice %arg7[%run_scoped3A_143, %dma_wait3A_272] : memref<4x128xi32, #tpu.memory_space<vmem>> -> memref<1x128xi32, #tpu.memory_space<vmem>>
        %dma_wait3A_274 = tpu.memref_squeeze %dma_wait3A_273 : memref<1x128xi32, #tpu.memory_space<vmem>> -> memref<128xi32, #tpu.memory_space<vmem>>
        %dma_wait3A_275 = arith.constant 0 : i32
        %dma_wait3A_276 = arith.constant 0 : i32
        %dma_wait3A_277 = tpu.memref_slice %arg11[%dma_wait3A_275, %dma_wait3A_276] : memref<50008x32xf32, #tpu.memory_space<vmem_shared>> -> memref<50008x32xf32, #tpu.memory_space<vmem_shared>>
        tpu.wait_indirect_dma semaphore(%run_scoped3A_257 : memref<!tpu.dma_semaphore, #tpu.memory_space<semaphore_mem>>) src(%dma_wait3A_271 : memref<128x32xf32, #tpu.memory_space<vmem>>) dst(%dma_wait3A_277 : memref<50008x32xf32, #tpu.memory_space<vmem_shared>>)
        tpu.yield
      }) : () -> ()
      %dma_start3A_144 = arith.constant 0 : i32
      %dma_start3A_145 = arith.constant 0 : i32
      %dma_start3A_146 = arith.constant 0 : i32
      %dma_start3A_147 = arith.constant 0 : i32
      %dma_start3A_148 = tpu.memref_slice %arg10[%dma_start3A_145, %dma_start3A_146, %dma_start3A_147] : memref<4x128x32xf32, #tpu.memory_space<vmem>> -> memref<1x128x32xf32, #tpu.memory_space<vmem>>
      %dma_start3A_149 = tpu.memref_squeeze %dma_start3A_148 : memref<1x128x32xf32, #tpu.memory_space<vmem>> -> memref<128x32xf32, #tpu.memory_space<vmem>>
      %dma_start3A_150 = arith.constant 0 : i32
      %dma_start3A_151 = tpu.memref_slice %arg8[%dma_start3A_144, %dma_start3A_150] : memref<4x128xi32, #tpu.memory_space<vmem>> -> memref<1x128xi32, #tpu.memory_space<vmem>>
      %dma_start3A_152 = tpu.memref_squeeze %dma_start3A_151 : memref<1x128xi32, #tpu.memory_space<vmem>> -> memref<128xi32, #tpu.memory_space<vmem>>
      %dma_start3A_153 = arith.constant 0 : i32
      %dma_start3A_154 = arith.constant 0 : i32
      %dma_start3A_155 = tpu.memref_slice %arg2[%dma_start3A_153, %dma_start3A_154] : memref<100000x32xf32, #tpu.memory_space<hbm>> -> memref<100000x32xf32, #tpu.memory_space<hbm>>
      tpu.enqueue_indirect_dma source(%dma_start3A_155 : memref<100000x32xf32, #tpu.memory_space<hbm>>) target(%dma_start3A_149 : memref<128x32xf32, #tpu.memory_space<vmem>>) offsets(%dma_start3A_152 : memref<128xi32, #tpu.memory_space<vmem>>) semaphore(%arg12 : memref<!tpu.dma_semaphore, #tpu.memory_space<semaphore_mem>>)
      %dma_start3A_156 = arith.constant 1 : i32
      %dma_start3A_157 = arith.constant 1 : i32
      %dma_start3A_158 = arith.constant 0 : i32
      %dma_start3A_159 = arith.constant 0 : i32
      %dma_start3A_160 = tpu.memref_slice %arg10[%dma_start3A_157, %dma_start3A_158, %dma_start3A_159] : memref<4x128x32xf32, #tpu.memory_space<vmem>> -> memref<1x128x32xf32, #tpu.memory_space<vmem>>
      %dma_start3A_161 = tpu.memref_squeeze %dma_start3A_160 : memref<1x128x32xf32, #tpu.memory_space<vmem>> -> memref<128x32xf32, #tpu.memory_space<vmem>>
      %dma_start3A_162 = arith.constant 0 : i32
      %dma_start3A_163 = tpu.memref_slice %arg8[%dma_start3A_156, %dma_start3A_162] : memref<4x128xi32, #tpu.memory_space<vmem>> -> memref<1x128xi32, #tpu.memory_space<vmem>>
      %dma_start3A_164 = tpu.memref_squeeze %dma_start3A_163 : memref<1x128xi32, #tpu.memory_space<vmem>> -> memref<128xi32, #tpu.memory_space<vmem>>
      %dma_start3A_165 = arith.constant 0 : i32
      %dma_start3A_166 = arith.constant 0 : i32
      %dma_start3A_167 = tpu.memref_slice %arg2[%dma_start3A_165, %dma_start3A_166] : memref<100000x32xf32, #tpu.memory_space<hbm>> -> memref<100000x32xf32, #tpu.memory_space<hbm>>
      tpu.enqueue_indirect_dma source(%dma_start3A_167 : memref<100000x32xf32, #tpu.memory_space<hbm>>) target(%dma_start3A_161 : memref<128x32xf32, #tpu.memory_space<vmem>>) offsets(%dma_start3A_164 : memref<128xi32, #tpu.memory_space<vmem>>) semaphore(%arg12 : memref<!tpu.dma_semaphore, #tpu.memory_space<semaphore_mem>>)
      %dma_start3A_168 = arith.constant 2 : i32
      %dma_start3A_169 = arith.constant 2 : i32
      %dma_start3A_170 = arith.constant 0 : i32
      %dma_start3A_171 = arith.constant 0 : i32
      %dma_start3A_172 = tpu.memref_slice %arg10[%dma_start3A_169, %dma_start3A_170, %dma_start3A_171] : memref<4x128x32xf32, #tpu.memory_space<vmem>> -> memref<1x128x32xf32, #tpu.memory_space<vmem>>
      %dma_start3A_173 = tpu.memref_squeeze %dma_start3A_172 : memref<1x128x32xf32, #tpu.memory_space<vmem>> -> memref<128x32xf32, #tpu.memory_space<vmem>>
      %dma_start3A_174 = arith.constant 0 : i32
      %dma_start3A_175 = tpu.memref_slice %arg8[%dma_start3A_168, %dma_start3A_174] : memref<4x128xi32, #tpu.memory_space<vmem>> -> memref<1x128xi32, #tpu.memory_space<vmem>>
      %dma_start3A_176 = tpu.memref_squeeze %dma_start3A_175 : memref<1x128xi32, #tpu.memory_space<vmem>> -> memref<128xi32, #tpu.memory_space<vmem>>
      %dma_start3A_177 = arith.constant 0 : i32
      %dma_start3A_178 = arith.constant 0 : i32
      %dma_start3A_179 = tpu.memref_slice %arg2[%dma_start3A_177, %dma_start3A_178] : memref<100000x32xf32, #tpu.memory_space<hbm>> -> memref<100000x32xf32, #tpu.memory_space<hbm>>
      tpu.enqueue_indirect_dma source(%dma_start3A_179 : memref<100000x32xf32, #tpu.memory_space<hbm>>) target(%dma_start3A_173 : memref<128x32xf32, #tpu.memory_space<vmem>>) offsets(%dma_start3A_176 : memref<128xi32, #tpu.memory_space<vmem>>) semaphore(%arg12 : memref<!tpu.dma_semaphore, #tpu.memory_space<semaphore_mem>>)
      %dma_start3A_180 = arith.constant 3 : i32
      %dma_start3A_181 = arith.constant 3 : i32
      %dma_start3A_182 = arith.constant 0 : i32
      %dma_start3A_183 = arith.constant 0 : i32
      %dma_start3A_184 = tpu.memref_slice %arg10[%dma_start3A_181, %dma_start3A_182, %dma_start3A_183] : memref<4x128x32xf32, #tpu.memory_space<vmem>> -> memref<1x128x32xf32, #tpu.memory_space<vmem>>
      %dma_start3A_185 = tpu.memref_squeeze %dma_start3A_184 : memref<1x128x32xf32, #tpu.memory_space<vmem>> -> memref<128x32xf32, #tpu.memory_space<vmem>>
      %dma_start3A_186 = arith.constant 0 : i32
      %dma_start3A_187 = tpu.memref_slice %arg8[%dma_start3A_180, %dma_start3A_186] : memref<4x128xi32, #tpu.memory_space<vmem>> -> memref<1x128xi32, #tpu.memory_space<vmem>>
      %dma_start3A_188 = tpu.memref_squeeze %dma_start3A_187 : memref<1x128xi32, #tpu.memory_space<vmem>> -> memref<128xi32, #tpu.memory_space<vmem>>
      %dma_start3A_189 = arith.constant 0 : i32
      %dma_start3A_190 = arith.constant 0 : i32
      %dma_start3A_191 = tpu.memref_slice %arg2[%dma_start3A_189, %dma_start3A_190] : memref<100000x32xf32, #tpu.memory_space<hbm>> -> memref<100000x32xf32, #tpu.memory_space<hbm>>
      tpu.enqueue_indirect_dma source(%dma_start3A_191 : memref<100000x32xf32, #tpu.memory_space<hbm>>) target(%dma_start3A_185 : memref<128x32xf32, #tpu.memory_space<vmem>>) offsets(%dma_start3A_188 : memref<128xi32, #tpu.memory_space<vmem>>) semaphore(%arg12 : memref<!tpu.dma_semaphore, #tpu.memory_space<semaphore_mem>>)
      %mul3A_192 = arith.constant 2 : i32
      %mul3A_193 = arith.muli %mul3A_192, %scan3A_26 : i32
      %add3A_194 = arith.constant 2 : i32
      %add3A_195 = arith.addi %mul3A_193, %add3A_194 : i32
      %mul3A_196 = arith.constant 4 : i32
      %mul3A_197 = arith.muli %add3A_195, %mul3A_196 : i32
      %min3A = arith.constant 384 : i32
      %min3A_198 = arith.minsi %mul3A_197, %min3A : i32
      %add3A_199 = arith.addi %add3A_12, %min3A_198 : i32
      "tpu.region"() ({
        %run_scoped3A_257 = tpu.sem_alloc : memref<!tpu.dma_semaphore, #tpu.memory_space<semaphore_mem>>
        %dma_start3A_258 = arith.constant 0 : i32
        %dma_start3A_259 = tpu.memref_slice %arg3[%add3A_199, %dma_start3A_258] : memref<12544x128xi32, #tpu.memory_space<hbm>> -> memref<4x128xi32, #tpu.memory_space<hbm>>
        %dma_start3A_260 = arith.constant 0 : i32
        %dma_start3A_261 = tpu.memref_slice %arg3[%add3A_199, %dma_start3A_260] : memref<12544x128xi32, #tpu.memory_space<hbm>> -> memref<4x128xi32, #tpu.memory_space<hbm>>
        tpu.enqueue_dma source(%dma_start3A_261 : memref<4x128xi32, #tpu.memory_space<hbm>>) target(%arg6 : memref<4x128xi32, #tpu.memory_space<vmem>>) target_semaphore(%run_scoped3A_257 : memref<!tpu.dma_semaphore, #tpu.memory_space<semaphore_mem>>)
        %dma_wait3A_262 = arith.constant 0 : i32
        %dma_wait3A_263 = tpu.memref_slice %arg3[%add3A_199, %dma_wait3A_262] : memref<12544x128xi32, #tpu.memory_space<hbm>> -> memref<4x128xi32, #tpu.memory_space<hbm>>
        %dma_wait3A_264 = arith.constant 0 : i32
        %dma_wait3A_265 = tpu.memref_slice %arg3[%add3A_199, %dma_wait3A_264] : memref<12544x128xi32, #tpu.memory_space<hbm>> -> memref<4x128xi32, #tpu.memory_space<hbm>>
        tpu.wait_dma2 semaphore(%run_scoped3A_257 : memref<!tpu.dma_semaphore, #tpu.memory_space<semaphore_mem>>) src(%dma_wait3A_265 : memref<4x128xi32, #tpu.memory_space<hbm>>) dst(%arg6 : memref<4x128xi32, #tpu.memory_space<vmem>>)
        tpu.yield
      }) : () -> ()
      %add3A_200 = arith.addi %mul3A_14, %min3A_198 : i32
      "tpu.region"() ({
        %run_scoped3A_257 = tpu.sem_alloc : memref<!tpu.dma_semaphore, #tpu.memory_space<semaphore_mem>>
        %dma_start3A_258 = arith.constant 0 : i32
        %dma_start3A_259 = tpu.memref_slice %arg4[%add3A_200, %dma_start3A_258] : memref<6272x128xi32, #tpu.memory_space<hbm>> -> memref<4x128xi32, #tpu.memory_space<hbm>>
        %dma_start3A_260 = arith.constant 0 : i32
        %dma_start3A_261 = tpu.memref_slice %arg4[%add3A_200, %dma_start3A_260] : memref<6272x128xi32, #tpu.memory_space<hbm>> -> memref<4x128xi32, #tpu.memory_space<hbm>>
        tpu.enqueue_dma source(%dma_start3A_261 : memref<4x128xi32, #tpu.memory_space<hbm>>) target(%arg7 : memref<4x128xi32, #tpu.memory_space<vmem>>) target_semaphore(%run_scoped3A_257 : memref<!tpu.dma_semaphore, #tpu.memory_space<semaphore_mem>>)
        %dma_wait3A_262 = arith.constant 0 : i32
        %dma_wait3A_263 = tpu.memref_slice %arg4[%add3A_200, %dma_wait3A_262] : memref<6272x128xi32, #tpu.memory_space<hbm>> -> memref<4x128xi32, #tpu.memory_space<hbm>>
        %dma_wait3A_264 = arith.constant 0 : i32
        %dma_wait3A_265 = tpu.memref_slice %arg4[%add3A_200, %dma_wait3A_264] : memref<6272x128xi32, #tpu.memory_space<hbm>> -> memref<4x128xi32, #tpu.memory_space<hbm>>
        tpu.wait_dma2 semaphore(%run_scoped3A_257 : memref<!tpu.dma_semaphore, #tpu.memory_space<semaphore_mem>>) src(%dma_wait3A_265 : memref<4x128xi32, #tpu.memory_space<hbm>>) dst(%arg7 : memref<4x128xi32, #tpu.memory_space<vmem>>)
        tpu.yield
      }) : () -> ()
      %dma_wait3A_201 = arith.constant 0 : i32
      %dma_wait3A_202 = arith.constant 0 : i32
      %dma_wait3A_203 = arith.constant 0 : i32
      %dma_wait3A_204 = arith.constant 0 : i32
      %dma_wait3A_205 = tpu.memref_slice %arg10[%dma_wait3A_202, %dma_wait3A_203, %dma_wait3A_204] : memref<4x128x32xf32, #tpu.memory_space<vmem>> -> memref<1x128x32xf32, #tpu.memory_space<vmem>>
      %dma_wait3A_206 = tpu.memref_squeeze %dma_wait3A_205 : memref<1x128x32xf32, #tpu.memory_space<vmem>> -> memref<128x32xf32, #tpu.memory_space<vmem>>
      %dma_wait3A_207 = arith.constant 0 : i32
      %dma_wait3A_208 = tpu.memref_slice %arg8[%dma_wait3A_201, %dma_wait3A_207] : memref<4x128xi32, #tpu.memory_space<vmem>> -> memref<1x128xi32, #tpu.memory_space<vmem>>
      %dma_wait3A_209 = tpu.memref_squeeze %dma_wait3A_208 : memref<1x128xi32, #tpu.memory_space<vmem>> -> memref<128xi32, #tpu.memory_space<vmem>>
      %dma_wait3A_210 = arith.constant 0 : i32
      %dma_wait3A_211 = arith.constant 0 : i32
      %dma_wait3A_212 = tpu.memref_slice %arg2[%dma_wait3A_210, %dma_wait3A_211] : memref<100000x32xf32, #tpu.memory_space<hbm>> -> memref<100000x32xf32, #tpu.memory_space<hbm>>
      tpu.wait_indirect_dma semaphore(%arg12 : memref<!tpu.dma_semaphore, #tpu.memory_space<semaphore_mem>>) src(%dma_wait3A_212 : memref<100000x32xf32, #tpu.memory_space<hbm>>) dst(%dma_wait3A_206 : memref<128x32xf32, #tpu.memory_space<vmem>>)
      %run_scoped3A_213 = arith.constant 0 : i32
      %run_scoped3A_214 = arith.constant 0 : i32
      "tpu.region"() ({
        %run_scoped3A_257 = tpu.sem_alloc : memref<!tpu.dma_semaphore, #tpu.memory_space<semaphore_mem>>
        %dma_start3A_258 = arith.constant 0 : i32
        %dma_start3A_259 = arith.constant 0 : i32
        %dma_start3A_260 = tpu.memref_slice %arg10[%run_scoped3A_213, %dma_start3A_258, %dma_start3A_259] : memref<4x128x32xf32, #tpu.memory_space<vmem>> -> memref<1x128x32xf32, #tpu.memory_space<vmem>>
        %dma_start3A_261 = tpu.memref_squeeze %dma_start3A_260 : memref<1x128x32xf32, #tpu.memory_space<vmem>> -> memref<128x32xf32, #tpu.memory_space<vmem>>
        %dma_start3A_262 = arith.constant 0 : i32
        %dma_start3A_263 = tpu.memref_slice %arg9[%run_scoped3A_214, %dma_start3A_262] : memref<4x128xi32, #tpu.memory_space<vmem>> -> memref<1x128xi32, #tpu.memory_space<vmem>>
        %dma_start3A_264 = tpu.memref_squeeze %dma_start3A_263 : memref<1x128xi32, #tpu.memory_space<vmem>> -> memref<128xi32, #tpu.memory_space<vmem>>
        %dma_start3A_265 = arith.constant 0 : i32
        %dma_start3A_266 = arith.constant 0 : i32
        %dma_start3A_267 = tpu.memref_slice %arg11[%dma_start3A_265, %dma_start3A_266] : memref<50008x32xf32, #tpu.memory_space<vmem_shared>> -> memref<50008x32xf32, #tpu.memory_space<vmem_shared>>
        tpu.enqueue_indirect_dma source(%dma_start3A_261 : memref<128x32xf32, #tpu.memory_space<vmem>>) target(%dma_start3A_267 : memref<50008x32xf32, #tpu.memory_space<vmem_shared>>) offsets(%dma_start3A_264 : memref<128xi32, #tpu.memory_space<vmem>>) semaphore(%run_scoped3A_257 : memref<!tpu.dma_semaphore, #tpu.memory_space<semaphore_mem>>) {add = true}
        %dma_wait3A_268 = arith.constant 0 : i32
        %dma_wait3A_269 = arith.constant 0 : i32
        %dma_wait3A_270 = tpu.memref_slice %arg10[%run_scoped3A_213, %dma_wait3A_268, %dma_wait3A_269] : memref<4x128x32xf32, #tpu.memory_space<vmem>> -> memref<1x128x32xf32, #tpu.memory_space<vmem>>
        %dma_wait3A_271 = tpu.memref_squeeze %dma_wait3A_270 : memref<1x128x32xf32, #tpu.memory_space<vmem>> -> memref<128x32xf32, #tpu.memory_space<vmem>>
        %dma_wait3A_272 = arith.constant 0 : i32
        %dma_wait3A_273 = tpu.memref_slice %arg9[%run_scoped3A_214, %dma_wait3A_272] : memref<4x128xi32, #tpu.memory_space<vmem>> -> memref<1x128xi32, #tpu.memory_space<vmem>>
        %dma_wait3A_274 = tpu.memref_squeeze %dma_wait3A_273 : memref<1x128xi32, #tpu.memory_space<vmem>> -> memref<128xi32, #tpu.memory_space<vmem>>
        %dma_wait3A_275 = arith.constant 0 : i32
        %dma_wait3A_276 = arith.constant 0 : i32
        %dma_wait3A_277 = tpu.memref_slice %arg11[%dma_wait3A_275, %dma_wait3A_276] : memref<50008x32xf32, #tpu.memory_space<vmem_shared>> -> memref<50008x32xf32, #tpu.memory_space<vmem_shared>>
        tpu.wait_indirect_dma semaphore(%run_scoped3A_257 : memref<!tpu.dma_semaphore, #tpu.memory_space<semaphore_mem>>) src(%dma_wait3A_271 : memref<128x32xf32, #tpu.memory_space<vmem>>) dst(%dma_wait3A_277 : memref<50008x32xf32, #tpu.memory_space<vmem_shared>>)
        tpu.yield
      }) : () -> ()
      %dma_wait3A_215 = arith.constant 1 : i32
      %dma_wait3A_216 = arith.constant 1 : i32
      %dma_wait3A_217 = arith.constant 0 : i32
      %dma_wait3A_218 = arith.constant 0 : i32
      %dma_wait3A_219 = tpu.memref_slice %arg10[%dma_wait3A_216, %dma_wait3A_217, %dma_wait3A_218] : memref<4x128x32xf32, #tpu.memory_space<vmem>> -> memref<1x128x32xf32, #tpu.memory_space<vmem>>
      %dma_wait3A_220 = tpu.memref_squeeze %dma_wait3A_219 : memref<1x128x32xf32, #tpu.memory_space<vmem>> -> memref<128x32xf32, #tpu.memory_space<vmem>>
      %dma_wait3A_221 = arith.constant 0 : i32
      %dma_wait3A_222 = tpu.memref_slice %arg8[%dma_wait3A_215, %dma_wait3A_221] : memref<4x128xi32, #tpu.memory_space<vmem>> -> memref<1x128xi32, #tpu.memory_space<vmem>>
      %dma_wait3A_223 = tpu.memref_squeeze %dma_wait3A_222 : memref<1x128xi32, #tpu.memory_space<vmem>> -> memref<128xi32, #tpu.memory_space<vmem>>
      %dma_wait3A_224 = arith.constant 0 : i32
      %dma_wait3A_225 = arith.constant 0 : i32
      %dma_wait3A_226 = tpu.memref_slice %arg2[%dma_wait3A_224, %dma_wait3A_225] : memref<100000x32xf32, #tpu.memory_space<hbm>> -> memref<100000x32xf32, #tpu.memory_space<hbm>>
      tpu.wait_indirect_dma semaphore(%arg12 : memref<!tpu.dma_semaphore, #tpu.memory_space<semaphore_mem>>) src(%dma_wait3A_226 : memref<100000x32xf32, #tpu.memory_space<hbm>>) dst(%dma_wait3A_220 : memref<128x32xf32, #tpu.memory_space<vmem>>)
      %run_scoped3A_227 = arith.constant 1 : i32
      %run_scoped3A_228 = arith.constant 1 : i32
      "tpu.region"() ({
        %run_scoped3A_257 = tpu.sem_alloc : memref<!tpu.dma_semaphore, #tpu.memory_space<semaphore_mem>>
        %dma_start3A_258 = arith.constant 0 : i32
        %dma_start3A_259 = arith.constant 0 : i32
        %dma_start3A_260 = tpu.memref_slice %arg10[%run_scoped3A_227, %dma_start3A_258, %dma_start3A_259] : memref<4x128x32xf32, #tpu.memory_space<vmem>> -> memref<1x128x32xf32, #tpu.memory_space<vmem>>
        %dma_start3A_261 = tpu.memref_squeeze %dma_start3A_260 : memref<1x128x32xf32, #tpu.memory_space<vmem>> -> memref<128x32xf32, #tpu.memory_space<vmem>>
        %dma_start3A_262 = arith.constant 0 : i32
        %dma_start3A_263 = tpu.memref_slice %arg9[%run_scoped3A_228, %dma_start3A_262] : memref<4x128xi32, #tpu.memory_space<vmem>> -> memref<1x128xi32, #tpu.memory_space<vmem>>
        %dma_start3A_264 = tpu.memref_squeeze %dma_start3A_263 : memref<1x128xi32, #tpu.memory_space<vmem>> -> memref<128xi32, #tpu.memory_space<vmem>>
        %dma_start3A_265 = arith.constant 0 : i32
        %dma_start3A_266 = arith.constant 0 : i32
        %dma_start3A_267 = tpu.memref_slice %arg11[%dma_start3A_265, %dma_start3A_266] : memref<50008x32xf32, #tpu.memory_space<vmem_shared>> -> memref<50008x32xf32, #tpu.memory_space<vmem_shared>>
        tpu.enqueue_indirect_dma source(%dma_start3A_261 : memref<128x32xf32, #tpu.memory_space<vmem>>) target(%dma_start3A_267 : memref<50008x32xf32, #tpu.memory_space<vmem_shared>>) offsets(%dma_start3A_264 : memref<128xi32, #tpu.memory_space<vmem>>) semaphore(%run_scoped3A_257 : memref<!tpu.dma_semaphore, #tpu.memory_space<semaphore_mem>>) {add = true}
        %dma_wait3A_268 = arith.constant 0 : i32
        %dma_wait3A_269 = arith.constant 0 : i32
        %dma_wait3A_270 = tpu.memref_slice %arg10[%run_scoped3A_227, %dma_wait3A_268, %dma_wait3A_269] : memref<4x128x32xf32, #tpu.memory_space<vmem>> -> memref<1x128x32xf32, #tpu.memory_space<vmem>>
        %dma_wait3A_271 = tpu.memref_squeeze %dma_wait3A_270 : memref<1x128x32xf32, #tpu.memory_space<vmem>> -> memref<128x32xf32, #tpu.memory_space<vmem>>
        %dma_wait3A_272 = arith.constant 0 : i32
        %dma_wait3A_273 = tpu.memref_slice %arg9[%run_scoped3A_228, %dma_wait3A_272] : memref<4x128xi32, #tpu.memory_space<vmem>> -> memref<1x128xi32, #tpu.memory_space<vmem>>
        %dma_wait3A_274 = tpu.memref_squeeze %dma_wait3A_273 : memref<1x128xi32, #tpu.memory_space<vmem>> -> memref<128xi32, #tpu.memory_space<vmem>>
        %dma_wait3A_275 = arith.constant 0 : i32
        %dma_wait3A_276 = arith.constant 0 : i32
        %dma_wait3A_277 = tpu.memref_slice %arg11[%dma_wait3A_275, %dma_wait3A_276] : memref<50008x32xf32, #tpu.memory_space<vmem_shared>> -> memref<50008x32xf32, #tpu.memory_space<vmem_shared>>
        tpu.wait_indirect_dma semaphore(%run_scoped3A_257 : memref<!tpu.dma_semaphore, #tpu.memory_space<semaphore_mem>>) src(%dma_wait3A_271 : memref<128x32xf32, #tpu.memory_space<vmem>>) dst(%dma_wait3A_277 : memref<50008x32xf32, #tpu.memory_space<vmem_shared>>)
        tpu.yield
      }) : () -> ()
      %dma_wait3A_229 = arith.constant 2 : i32
      %dma_wait3A_230 = arith.constant 2 : i32
      %dma_wait3A_231 = arith.constant 0 : i32
      %dma_wait3A_232 = arith.constant 0 : i32
      %dma_wait3A_233 = tpu.memref_slice %arg10[%dma_wait3A_230, %dma_wait3A_231, %dma_wait3A_232] : memref<4x128x32xf32, #tpu.memory_space<vmem>> -> memref<1x128x32xf32, #tpu.memory_space<vmem>>
      %dma_wait3A_234 = tpu.memref_squeeze %dma_wait3A_233 : memref<1x128x32xf32, #tpu.memory_space<vmem>> -> memref<128x32xf32, #tpu.memory_space<vmem>>
      %dma_wait3A_235 = arith.constant 0 : i32
      %dma_wait3A_236 = tpu.memref_slice %arg8[%dma_wait3A_229, %dma_wait3A_235] : memref<4x128xi32, #tpu.memory_space<vmem>> -> memref<1x128xi32, #tpu.memory_space<vmem>>
      %dma_wait3A_237 = tpu.memref_squeeze %dma_wait3A_236 : memref<1x128xi32, #tpu.memory_space<vmem>> -> memref<128xi32, #tpu.memory_space<vmem>>
      %dma_wait3A_238 = arith.constant 0 : i32
      %dma_wait3A_239 = arith.constant 0 : i32
      %dma_wait3A_240 = tpu.memref_slice %arg2[%dma_wait3A_238, %dma_wait3A_239] : memref<100000x32xf32, #tpu.memory_space<hbm>> -> memref<100000x32xf32, #tpu.memory_space<hbm>>
      tpu.wait_indirect_dma semaphore(%arg12 : memref<!tpu.dma_semaphore, #tpu.memory_space<semaphore_mem>>) src(%dma_wait3A_240 : memref<100000x32xf32, #tpu.memory_space<hbm>>) dst(%dma_wait3A_234 : memref<128x32xf32, #tpu.memory_space<vmem>>)
      %run_scoped3A_241 = arith.constant 2 : i32
      %run_scoped3A_242 = arith.constant 2 : i32
      "tpu.region"() ({
        %run_scoped3A_257 = tpu.sem_alloc : memref<!tpu.dma_semaphore, #tpu.memory_space<semaphore_mem>>
        %dma_start3A_258 = arith.constant 0 : i32
        %dma_start3A_259 = arith.constant 0 : i32
        %dma_start3A_260 = tpu.memref_slice %arg10[%run_scoped3A_241, %dma_start3A_258, %dma_start3A_259] : memref<4x128x32xf32, #tpu.memory_space<vmem>> -> memref<1x128x32xf32, #tpu.memory_space<vmem>>
        %dma_start3A_261 = tpu.memref_squeeze %dma_start3A_260 : memref<1x128x32xf32, #tpu.memory_space<vmem>> -> memref<128x32xf32, #tpu.memory_space<vmem>>
        %dma_start3A_262 = arith.constant 0 : i32
        %dma_start3A_263 = tpu.memref_slice %arg9[%run_scoped3A_242, %dma_start3A_262] : memref<4x128xi32, #tpu.memory_space<vmem>> -> memref<1x128xi32, #tpu.memory_space<vmem>>
        %dma_start3A_264 = tpu.memref_squeeze %dma_start3A_263 : memref<1x128xi32, #tpu.memory_space<vmem>> -> memref<128xi32, #tpu.memory_space<vmem>>
        %dma_start3A_265 = arith.constant 0 : i32
        %dma_start3A_266 = arith.constant 0 : i32
        %dma_start3A_267 = tpu.memref_slice %arg11[%dma_start3A_265, %dma_start3A_266] : memref<50008x32xf32, #tpu.memory_space<vmem_shared>> -> memref<50008x32xf32, #tpu.memory_space<vmem_shared>>
        tpu.enqueue_indirect_dma source(%dma_start3A_261 : memref<128x32xf32, #tpu.memory_space<vmem>>) target(%dma_start3A_267 : memref<50008x32xf32, #tpu.memory_space<vmem_shared>>) offsets(%dma_start3A_264 : memref<128xi32, #tpu.memory_space<vmem>>) semaphore(%run_scoped3A_257 : memref<!tpu.dma_semaphore, #tpu.memory_space<semaphore_mem>>) {add = true}
        %dma_wait3A_268 = arith.constant 0 : i32
        %dma_wait3A_269 = arith.constant 0 : i32
        %dma_wait3A_270 = tpu.memref_slice %arg10[%run_scoped3A_241, %dma_wait3A_268, %dma_wait3A_269] : memref<4x128x32xf32, #tpu.memory_space<vmem>> -> memref<1x128x32xf32, #tpu.memory_space<vmem>>
        %dma_wait3A_271 = tpu.memref_squeeze %dma_wait3A_270 : memref<1x128x32xf32, #tpu.memory_space<vmem>> -> memref<128x32xf32, #tpu.memory_space<vmem>>
        %dma_wait3A_272 = arith.constant 0 : i32
        %dma_wait3A_273 = tpu.memref_slice %arg9[%run_scoped3A_242, %dma_wait3A_272] : memref<4x128xi32, #tpu.memory_space<vmem>> -> memref<1x128xi32, #tpu.memory_space<vmem>>
        %dma_wait3A_274 = tpu.memref_squeeze %dma_wait3A_273 : memref<1x128xi32, #tpu.memory_space<vmem>> -> memref<128xi32, #tpu.memory_space<vmem>>
        %dma_wait3A_275 = arith.constant 0 : i32
        %dma_wait3A_276 = arith.constant 0 : i32
        %dma_wait3A_277 = tpu.memref_slice %arg11[%dma_wait3A_275, %dma_wait3A_276] : memref<50008x32xf32, #tpu.memory_space<vmem_shared>> -> memref<50008x32xf32, #tpu.memory_space<vmem_shared>>
        tpu.wait_indirect_dma semaphore(%run_scoped3A_257 : memref<!tpu.dma_semaphore, #tpu.memory_space<semaphore_mem>>) src(%dma_wait3A_271 : memref<128x32xf32, #tpu.memory_space<vmem>>) dst(%dma_wait3A_277 : memref<50008x32xf32, #tpu.memory_space<vmem_shared>>)
        tpu.yield
      }) : () -> ()
      %dma_wait3A_243 = arith.constant 3 : i32
      %dma_wait3A_244 = arith.constant 3 : i32
      %dma_wait3A_245 = arith.constant 0 : i32
      %dma_wait3A_246 = arith.constant 0 : i32
      %dma_wait3A_247 = tpu.memref_slice %arg10[%dma_wait3A_244, %dma_wait3A_245, %dma_wait3A_246] : memref<4x128x32xf32, #tpu.memory_space<vmem>> -> memref<1x128x32xf32, #tpu.memory_space<vmem>>
      %dma_wait3A_248 = tpu.memref_squeeze %dma_wait3A_247 : memref<1x128x32xf32, #tpu.memory_space<vmem>> -> memref<128x32xf32, #tpu.memory_space<vmem>>
      %dma_wait3A_249 = arith.constant 0 : i32
      %dma_wait3A_250 = tpu.memref_slice %arg8[%dma_wait3A_243, %dma_wait3A_249] : memref<4x128xi32, #tpu.memory_space<vmem>> -> memref<1x128xi32, #tpu.memory_space<vmem>>
      %dma_wait3A_251 = tpu.memref_squeeze %dma_wait3A_250 : memref<1x128xi32, #tpu.memory_space<vmem>> -> memref<128xi32, #tpu.memory_space<vmem>>
      %dma_wait3A_252 = arith.constant 0 : i32
      %dma_wait3A_253 = arith.constant 0 : i32
      %dma_wait3A_254 = tpu.memref_slice %arg2[%dma_wait3A_252, %dma_wait3A_253] : memref<100000x32xf32, #tpu.memory_space<hbm>> -> memref<100000x32xf32, #tpu.memory_space<hbm>>
      tpu.wait_indirect_dma semaphore(%arg12 : memref<!tpu.dma_semaphore, #tpu.memory_space<semaphore_mem>>) src(%dma_wait3A_254 : memref<100000x32xf32, #tpu.memory_space<hbm>>) dst(%dma_wait3A_248 : memref<128x32xf32, #tpu.memory_space<vmem>>)
      %run_scoped3A_255 = arith.constant 3 : i32
      %run_scoped3A_256 = arith.constant 3 : i32
      "tpu.region"() ({
        %run_scoped3A_257 = tpu.sem_alloc : memref<!tpu.dma_semaphore, #tpu.memory_space<semaphore_mem>>
        %dma_start3A_258 = arith.constant 0 : i32
        %dma_start3A_259 = arith.constant 0 : i32
        %dma_start3A_260 = tpu.memref_slice %arg10[%run_scoped3A_255, %dma_start3A_258, %dma_start3A_259] : memref<4x128x32xf32, #tpu.memory_space<vmem>> -> memref<1x128x32xf32, #tpu.memory_space<vmem>>
        %dma_start3A_261 = tpu.memref_squeeze %dma_start3A_260 : memref<1x128x32xf32, #tpu.memory_space<vmem>> -> memref<128x32xf32, #tpu.memory_space<vmem>>
        %dma_start3A_262 = arith.constant 0 : i32
        %dma_start3A_263 = tpu.memref_slice %arg9[%run_scoped3A_256, %dma_start3A_262] : memref<4x128xi32, #tpu.memory_space<vmem>> -> memref<1x128xi32, #tpu.memory_space<vmem>>
        %dma_start3A_264 = tpu.memref_squeeze %dma_start3A_263 : memref<1x128xi32, #tpu.memory_space<vmem>> -> memref<128xi32, #tpu.memory_space<vmem>>
        %dma_start3A_265 = arith.constant 0 : i32
        %dma_start3A_266 = arith.constant 0 : i32
        %dma_start3A_267 = tpu.memref_slice %arg11[%dma_start3A_265, %dma_start3A_266] : memref<50008x32xf32, #tpu.memory_space<vmem_shared>> -> memref<50008x32xf32, #tpu.memory_space<vmem_shared>>
        tpu.enqueue_indirect_dma source(%dma_start3A_261 : memref<128x32xf32, #tpu.memory_space<vmem>>) target(%dma_start3A_267 : memref<50008x32xf32, #tpu.memory_space<vmem_shared>>) offsets(%dma_start3A_264 : memref<128xi32, #tpu.memory_space<vmem>>) semaphore(%run_scoped3A_257 : memref<!tpu.dma_semaphore, #tpu.memory_space<semaphore_mem>>) {add = true}
        %dma_wait3A_268 = arith.constant 0 : i32
        %dma_wait3A_269 = arith.constant 0 : i32
        %dma_wait3A_270 = tpu.memref_slice %arg10[%run_scoped3A_255, %dma_wait3A_268, %dma_wait3A_269] : memref<4x128x32xf32, #tpu.memory_space<vmem>> -> memref<1x128x32xf32, #tpu.memory_space<vmem>>
        %dma_wait3A_271 = tpu.memref_squeeze %dma_wait3A_270 : memref<1x128x32xf32, #tpu.memory_space<vmem>> -> memref<128x32xf32, #tpu.memory_space<vmem>>
        %dma_wait3A_272 = arith.constant 0 : i32
        %dma_wait3A_273 = tpu.memref_slice %arg9[%run_scoped3A_256, %dma_wait3A_272] : memref<4x128xi32, #tpu.memory_space<vmem>> -> memref<1x128xi32, #tpu.memory_space<vmem>>
        %dma_wait3A_274 = tpu.memref_squeeze %dma_wait3A_273 : memref<1x128xi32, #tpu.memory_space<vmem>> -> memref<128xi32, #tpu.memory_space<vmem>>
        %dma_wait3A_275 = arith.constant 0 : i32
        %dma_wait3A_276 = arith.constant 0 : i32
        %dma_wait3A_277 = tpu.memref_slice %arg11[%dma_wait3A_275, %dma_wait3A_276] : memref<50008x32xf32, #tpu.memory_space<vmem_shared>> -> memref<50008x32xf32, #tpu.memory_space<vmem_shared>>
        tpu.wait_indirect_dma semaphore(%run_scoped3A_257 : memref<!tpu.dma_semaphore, #tpu.memory_space<semaphore_mem>>) src(%dma_wait3A_271 : memref<128x32xf32, #tpu.memory_space<vmem>>) dst(%dma_wait3A_277 : memref<50008x32xf32, #tpu.memory_space<vmem_shared>>)
        tpu.yield
      }) : () -> ()
    }
    %scan3A_22 = arith.constant 49 : i32
    %barrier3A_23 = arith.constant 0 : index
    tpu.barrier barrier_id(%barrier3A_23)
    %mul3A_24 = arith.constant 3125 : i32
    %mul3A_25 = arith.muli %arg1, %mul3A_24 : i32
    "tpu.region"() ({
      %run_scoped3A = tpu.sem_alloc : memref<!tpu.dma_semaphore, #tpu.memory_space<semaphore_mem>>
      %dma_start3A_26 = arith.constant 0 : i32
      %dma_start3A_27 = tpu.memref_slice %arg5[%add3A, %dma_start3A_26] : memref<100000x32xf32, #tpu.memory_space<hbm>> -> memref<3125x32xf32, #tpu.memory_space<hbm>>
      %dma_start3A_28 = arith.constant 0 : i32
      %dma_start3A_29 = tpu.memref_slice %arg11[%mul3A_25, %dma_start3A_28] : memref<50008x32xf32, #tpu.memory_space<vmem_shared>> -> memref<3125x32xf32, #tpu.memory_space<vmem_shared>>
      tpu.enqueue_dma source(%dma_start3A_29 : memref<3125x32xf32, #tpu.memory_space<vmem_shared>>) target(%dma_start3A_27 : memref<3125x32xf32, #tpu.memory_space<hbm>>) target_semaphore(%run_scoped3A : memref<!tpu.dma_semaphore, #tpu.memory_space<semaphore_mem>>)
      %dma_wait3A_30 = arith.constant 0 : i32
      %dma_wait3A_31 = tpu.memref_slice %arg5[%add3A, %dma_wait3A_30] : memref<100000x32xf32, #tpu.memory_space<hbm>> -> memref<3125x32xf32, #tpu.memory_space<hbm>>
      %dma_wait3A_32 = arith.constant 0 : i32
      %dma_wait3A_33 = tpu.memref_slice %arg11[%mul3A_25, %dma_wait3A_32] : memref<50008x32xf32, #tpu.memory_space<vmem_shared>> -> memref<3125x32xf32, #tpu.memory_space<vmem_shared>>
      tpu.wait_dma2 semaphore(%run_scoped3A : memref<!tpu.dma_semaphore, #tpu.memory_space<semaphore_mem>>) src(%dma_wait3A_33 : memref<3125x32xf32, #tpu.memory_space<vmem_shared>>) dst(%dma_wait3A_31 : memref<3125x32xf32, #tpu.memory_space<hbm>>)
      tpu.yield
    }) : () -> ()
    return
  }
}

#map = affine_map<(d0, d1) -> (0, 0)>
#map1 = affine_map<(d0, d1) -> (0)>
module attributes {stable_mosaic.version = 14 : i64} {
  func.func @_pool_body(%arg0: i32, %arg1: i32, %arg2: memref<100000x32xf32, #tpu.memory_space<hbm>>, %arg3: memref<528xi32, #tpu.memory_space<hbm>>, %arg4: memref<2048x32xf32, #tpu.memory_space<hbm>>, %arg5: memref<48xi32, #tpu.memory_space<vmem>>, %arg6: memref<128x32xf32, #tpu.memory_space<vmem>>, %arg7: memref<32x32xf32, #tpu.memory_space<vmem>>, %arg8: memref<32x32xf32, #tpu.memory_space<vmem>>) attributes {dimension_semantics = [#tpu.dimension_semantics<core_parallel>, #tpu.dimension_semantics<subcore_parallel>], iteration_bounds = array<i64: 2, 16>, scalar_prefetch = 0 : i64, scratch_operands = 4 : i64, tpu.core_type = #tpu.core_type<sc_vector_subcore>, window_params = [{transform_indices = #map}, {transform_indices = #map1}, {transform_indices = #map}]} {
    %mul3A = arith.constant 32 : i32
    %mul3A_0 = arith.muli %arg1, %mul3A : i32
    "tpu.region"() ({
      %run_scoped3A = tpu.sem_alloc : memref<!tpu.dma_semaphore, #tpu.memory_space<semaphore_mem>>
      %dma_start3A = tpu.memref_slice %arg3[%mul3A_0] : memref<528xi32, #tpu.memory_space<hbm>> -> memref<48xi32, #tpu.memory_space<hbm>>
      %dma_start3A_15 = tpu.memref_slice %arg3[%mul3A_0] : memref<528xi32, #tpu.memory_space<hbm>> -> memref<48xi32, #tpu.memory_space<hbm>>
      tpu.enqueue_dma source(%dma_start3A_15 : memref<48xi32, #tpu.memory_space<hbm>>) target(%arg5 : memref<48xi32, #tpu.memory_space<vmem>>) target_semaphore(%run_scoped3A : memref<!tpu.dma_semaphore, #tpu.memory_space<semaphore_mem>>)
      %dma_wait3A = tpu.memref_slice %arg3[%mul3A_0] : memref<528xi32, #tpu.memory_space<hbm>> -> memref<48xi32, #tpu.memory_space<hbm>>
      %dma_wait3A_16 = tpu.memref_slice %arg3[%mul3A_0] : memref<528xi32, #tpu.memory_space<hbm>> -> memref<48xi32, #tpu.memory_space<hbm>>
      tpu.wait_dma2 semaphore(%run_scoped3A : memref<!tpu.dma_semaphore, #tpu.memory_space<semaphore_mem>>) src(%dma_wait3A_16 : memref<48xi32, #tpu.memory_space<hbm>>) dst(%arg5 : memref<48xi32, #tpu.memory_space<vmem>>)
      tpu.yield
    }) : () -> ()
    %iota3A = tpu.iota {dimensions = array<i32: 0>} : vector<16xi32>
    %broadcast_in_dim3A = arith.constant 0xFF800000 : f32
    %broadcast_in_dim3A_1 = vector.broadcast %broadcast_in_dim3A : f32 to vector<16xf32>
    %broadcast_in_dim3A_2 = arith.constant 0.000000e+00 : f32
    %broadcast_in_dim3A_3 = vector.broadcast %broadcast_in_dim3A_2 : f32 to vector<16xf32>
    %scan3A = arith.constant 0 : i32
    %scan3A_4 = arith.constant 0 : i32
    %scan3A_5 = arith.constant 32 : i32
    %scan3A_6 = arith.addi %scan3A_4, %scan3A_5 : i32
    %scan3A_7 = arith.constant 1 : i32
    scf.for %scan3A_15 = %scan3A_4 to %scan3A_6 step %scan3A_7  : i32 {
      %jit3A = arith.constant 16 : i32
      %div3A = arith.divsi %scan3A_15, %jit3A : i32
      %sign3A = arith.constant 0 : i32
      %sign3A_16 = arith.cmpi sgt, %scan3A_15, %sign3A : i32
      %sign3A_17 = arith.extui %sign3A_16 : i1 to i32
      %sign3A_18 = arith.constant 0 : i32
      %sign3A_19 = arith.cmpi slt, %scan3A_15, %sign3A_18 : i32
      %sign3A_20 = arith.extui %sign3A_19 : i1 to i32
      %sign3A_21 = arith.subi %sign3A_17, %sign3A_20 : i32
      %sign3A_22 = arith.constant 0 : i32
      %sign3A_23 = arith.cmpi sgt, %jit3A, %sign3A_22 : i32
      %sign3A_24 = arith.extui %sign3A_23 : i1 to i32
      %sign3A_25 = arith.constant 0 : i32
      %sign3A_26 = arith.cmpi slt, %jit3A, %sign3A_25 : i32
      %sign3A_27 = arith.extui %sign3A_26 : i1 to i32
      %sign3A_28 = arith.subi %sign3A_24, %sign3A_27 : i32
      %ne3A = arith.cmpi ne, %sign3A_21, %sign3A_28 : i32
      %rem3A = arith.remsi %scan3A_15, %jit3A : i32
      %ne3A_29 = arith.constant 0 : i32
      %ne3A_30 = arith.cmpi ne, %rem3A, %ne3A_29 : i32
      %and3A = arith.andi %ne3A, %ne3A_30 : i1
      %sub3A = arith.constant 1 : i32
      %sub3A_31 = arith.subi %div3A, %sub3A : i32
      %select_n3A = arith.select %and3A, %sub3A_31, %div3A : i32
      %mul3A_32 = arith.constant 16 : i32
      %mul3A_33 = arith.muli %select_n3A, %mul3A_32 : i32
      %get3A = arith.index_cast %mul3A_33 : i32 to index
      %get3A_34 = tpu.vector_load %arg5[%get3A] {strides = array<i32>} : memref<48xi32, #tpu.memory_space<vmem>>, vector<16xi32>,
      %jit3A_35 = arith.constant 16 : i32
      %eq3A = arith.constant 0 : i32
      %eq3A_36 = arith.cmpi eq, %jit3A_35, %eq3A : i32
      %jit3A_37 = arith.constant 1 : i32
      %select_n3A_38 = arith.select %eq3A_36, %jit3A_37, %jit3A_35 : i32
      %rem3A_39 = arith.remsi %scan3A_15, %select_n3A_38 : i32
      %ne3A_40 = arith.constant 0 : i32
      %ne3A_41 = arith.cmpi ne, %rem3A_39, %ne3A_40 : i32
      %lt3A = arith.constant 0 : i32
      %lt3A_42 = arith.cmpi slt, %rem3A_39, %lt3A : i32
      %lt3A_43 = arith.constant 0 : i32
      %lt3A_44 = arith.cmpi slt, %select_n3A_38, %lt3A_43 : i32
      %ne3A_45 = arith.xori %lt3A_42, %lt3A_44 : i1
      %and3A_46 = arith.andi %ne3A_45, %ne3A_41 : i1
      %add3A_47 = arith.addi %rem3A_39, %select_n3A_38 : i32
      %select_n3A_48 = arith.select %and3A_46, %add3A_47, %rem3A_39 : i32
      %broadcast_in_dim3A_49 = vector.broadcast %select_n3A_48 : i32 to vector<16xi32>
      %eq3A_50 = arith.cmpi eq, %iota3A, %broadcast_in_dim3A_49 : vector<16xi32>
      %jit3A_51 = arith.constant 0 : i32
      %broadcast_in_dim3A_52 = vector.broadcast %jit3A_51 : i32 to vector<16xi32>
      %select_n3A_53 = arith.select %eq3A_50, %get3A_34, %broadcast_in_dim3A_52 : vector<16xi1>, vector<16xi32>
      %reduce_sum3A = arith.constant true
      %reduce_sum3A_54 = vector.broadcast %reduce_sum3A : i1 to vector<16xi1>
      %reduce_sum3A_55 = tpu.scan <sum>, %select_n3A_53 masked %reduce_sum3A_54 : vector<16xi32>, vector<16xi1> -> vector<16xi32>
      %reduce_sum3A_56 = vector.extract %reduce_sum3A_55[15] : i32 from vector<16xi32>
      %add3A_57 = arith.constant 1 : i32
      %add3A_58 = arith.addi %scan3A_15, %add3A_57 : i32
      %jit3A_59 = arith.constant 16 : i32
      %div3A_60 = arith.divsi %add3A_58, %jit3A_59 : i32
      %sign3A_61 = arith.constant 0 : i32
      %sign3A_62 = arith.cmpi sgt, %add3A_58, %sign3A_61 : i32
      %sign3A_63 = arith.extui %sign3A_62 : i1 to i32
      %sign3A_64 = arith.constant 0 : i32
      %sign3A_65 = arith.cmpi slt, %add3A_58, %sign3A_64 : i32
      %sign3A_66 = arith.extui %sign3A_65 : i1 to i32
      %sign3A_67 = arith.subi %sign3A_63, %sign3A_66 : i32
      %sign3A_68 = arith.constant 0 : i32
      %sign3A_69 = arith.cmpi sgt, %jit3A_59, %sign3A_68 : i32
      %sign3A_70 = arith.extui %sign3A_69 : i1 to i32
      %sign3A_71 = arith.constant 0 : i32
      %sign3A_72 = arith.cmpi slt, %jit3A_59, %sign3A_71 : i32
      %sign3A_73 = arith.extui %sign3A_72 : i1 to i32
      %sign3A_74 = arith.subi %sign3A_70, %sign3A_73 : i32
      %ne3A_75 = arith.cmpi ne, %sign3A_67, %sign3A_74 : i32
      %rem3A_76 = arith.remsi %add3A_58, %jit3A_59 : i32
      %ne3A_77 = arith.constant 0 : i32
      %ne3A_78 = arith.cmpi ne, %rem3A_76, %ne3A_77 : i32
      %and3A_79 = arith.andi %ne3A_75, %ne3A_78 : i1
      %sub3A_80 = arith.constant 1 : i32
      %sub3A_81 = arith.subi %div3A_60, %sub3A_80 : i32
      %select_n3A_82 = arith.select %and3A_79, %sub3A_81, %div3A_60 : i32
      %mul3A_83 = arith.constant 16 : i32
      %mul3A_84 = arith.muli %select_n3A_82, %mul3A_83 : i32
      %get3A_85 = arith.index_cast %mul3A_84 : i32 to index
      %get3A_86 = tpu.vector_load %arg5[%get3A_85] {strides = array<i32>} : memref<48xi32, #tpu.memory_space<vmem>>, vector<16xi32>,
      %jit3A_87 = arith.constant 16 : i32
      %eq3A_88 = arith.constant 0 : i32
      %eq3A_89 = arith.cmpi eq, %jit3A_87, %eq3A_88 : i32
      %jit3A_90 = arith.constant 1 : i32
      %select_n3A_91 = arith.select %eq3A_89, %jit3A_90, %jit3A_87 : i32
      %rem3A_92 = arith.remsi %add3A_58, %select_n3A_91 : i32
      %ne3A_93 = arith.constant 0 : i32
      %ne3A_94 = arith.cmpi ne, %rem3A_92, %ne3A_93 : i32
      %lt3A_95 = arith.constant 0 : i32
      %lt3A_96 = arith.cmpi slt, %rem3A_92, %lt3A_95 : i32
      %lt3A_97 = arith.constant 0 : i32
      %lt3A_98 = arith.cmpi slt, %select_n3A_91, %lt3A_97 : i32
      %ne3A_99 = arith.xori %lt3A_96, %lt3A_98 : i1
      %and3A_100 = arith.andi %ne3A_99, %ne3A_94 : i1
      %add3A_101 = arith.addi %rem3A_92, %select_n3A_91 : i32
      %select_n3A_102 = arith.select %and3A_100, %add3A_101, %rem3A_92 : i32
      %broadcast_in_dim3A_103 = vector.broadcast %select_n3A_102 : i32 to vector<16xi32>
      %eq3A_104 = arith.cmpi eq, %iota3A, %broadcast_in_dim3A_103 : vector<16xi32>
      %jit3A_105 = arith.constant 0 : i32
      %broadcast_in_dim3A_106 = vector.broadcast %jit3A_105 : i32 to vector<16xi32>
      %select_n3A_107 = arith.select %eq3A_104, %get3A_86, %broadcast_in_dim3A_106 : vector<16xi1>, vector<16xi32>
      %reduce_sum3A_108 = arith.constant true
      %reduce_sum3A_109 = vector.broadcast %reduce_sum3A_108 : i1 to vector<16xi1>
      %reduce_sum3A_110 = tpu.scan <sum>, %select_n3A_107 masked %reduce_sum3A_109 : vector<16xi32>, vector<16xi1> -> vector<16xi32>
      %reduce_sum3A_111 = vector.extract %reduce_sum3A_110[15] : i32 from vector<16xi32>
      %sub3A_112 = arith.subi %reduce_sum3A_111, %reduce_sum3A_56 : i32
      %add3A_113 = arith.constant 128 : i32
      %add3A_114 = arith.addi %sub3A_112, %add3A_113 : i32
      %sub3A_115 = arith.constant 1 : i32
      %sub3A_116 = arith.subi %add3A_114, %sub3A_115 : i32
      %jit3A_117 = arith.constant 128 : i32
      %div3A_118 = arith.divsi %sub3A_116, %jit3A_117 : i32
      %sign3A_119 = arith.constant 0 : i32
      %sign3A_120 = arith.cmpi sgt, %sub3A_116, %sign3A_119 : i32
      %sign3A_121 = arith.extui %sign3A_120 : i1 to i32
      %sign3A_122 = arith.constant 0 : i32
      %sign3A_123 = arith.cmpi slt, %sub3A_116, %sign3A_122 : i32
      %sign3A_124 = arith.extui %sign3A_123 : i1 to i32
      %sign3A_125 = arith.subi %sign3A_121, %sign3A_124 : i32
      %sign3A_126 = arith.constant 0 : i32
      %sign3A_127 = arith.cmpi sgt, %jit3A_117, %sign3A_126 : i32
      %sign3A_128 = arith.extui %sign3A_127 : i1 to i32
      %sign3A_129 = arith.constant 0 : i32
      %sign3A_130 = arith.cmpi slt, %jit3A_117, %sign3A_129 : i32
      %sign3A_131 = arith.extui %sign3A_130 : i1 to i32
      %sign3A_132 = arith.subi %sign3A_128, %sign3A_131 : i32
      %ne3A_133 = arith.cmpi ne, %sign3A_125, %sign3A_132 : i32
      %rem3A_134 = arith.remsi %sub3A_116, %jit3A_117 : i32
      %ne3A_135 = arith.constant 0 : i32
      %ne3A_136 = arith.cmpi ne, %rem3A_134, %ne3A_135 : i32
      %and3A_137 = arith.andi %ne3A_133, %ne3A_136 : i1
      %sub3A_138 = arith.constant 1 : i32
      %sub3A_139 = arith.subi %div3A_118, %sub3A_138 : i32
      %select_n3A_140 = arith.select %and3A_137, %sub3A_139, %div3A_118 : i32
      %while3A = arith.constant 0 : i32
      %while3A_141 = arith.subi %select_n3A_140, %while3A : i32
      %while3A_142 = arith.addi %while3A, %while3A_141 : i32
      %while3A_143 = arith.constant 1 : i32
      %while3A_144 = arith.divsi %while3A_141, %while3A_143 : i32
      %while3A_145 = arith.muli %while3A_144, %while3A_143 : i32
      %while3A_146 = arith.addi %while3A, %while3A_145 : i32
      %while3A_147 = arith.constant 1 : i32
      %while3A_148:4 = scf.for %while3A_162 = %while3A to %while3A_146 step %while3A_147 iter_args(%while3A_163 = %broadcast_in_dim3A_1, %while3A_164 = %broadcast_in_dim3A_1, %while3A_165 = %broadcast_in_dim3A_3, %while3A_166 = %broadcast_in_dim3A_3) -> (vector<16xf32>, vector<16xf32>, vector<16xf32>, vector<16xf32>)  : i32 {
        %mul3A_167 = arith.constant 128 : i32
        %mul3A_168 = arith.muli %while3A_162, %mul3A_167 : i32
        %add3A_169 = arith.addi %reduce_sum3A_56, %mul3A_168 : i32
        %min3A = arith.constant 49872 : i32
        %min3A_170 = arith.minsi %add3A_169, %min3A : i32
        %mul3A_171 = arith.constant 128 : i32
        %mul3A_172 = arith.muli %while3A_162, %mul3A_171 : i32
        %add3A_173 = arith.addi %reduce_sum3A_56, %mul3A_172 : i32
        %mul3A_174 = arith.constant 50000 : i32
        %mul3A_175 = arith.muli %arg0, %mul3A_174 : i32
        %add3A_176 = arith.addi %mul3A_175, %min3A_170 : i32
        "tpu.region"() ({
          %run_scoped3A = tpu.sem_alloc : memref<!tpu.dma_semaphore, #tpu.memory_space<semaphore_mem>>
          %dma_start3A = arith.constant 0 : i32
          %dma_start3A_183 = tpu.memref_slice %arg2[%add3A_176, %dma_start3A] : memref<100000x32xf32, #tpu.memory_space<hbm>> -> memref<128x32xf32, #tpu.memory_space<hbm>>
          %dma_start3A_184 = arith.constant 0 : i32
          %dma_start3A_185 = tpu.memref_slice %arg2[%add3A_176, %dma_start3A_184] : memref<100000x32xf32, #tpu.memory_space<hbm>> -> memref<128x32xf32, #tpu.memory_space<hbm>>
          tpu.enqueue_dma source(%dma_start3A_185 : memref<128x32xf32, #tpu.memory_space<hbm>>) target(%arg6 : memref<128x32xf32, #tpu.memory_space<vmem>>) target_semaphore(%run_scoped3A : memref<!tpu.dma_semaphore, #tpu.memory_space<semaphore_mem>>)
          %dma_wait3A = arith.constant 0 : i32
          %dma_wait3A_186 = tpu.memref_slice %arg2[%add3A_176, %dma_wait3A] : memref<100000x32xf32, #tpu.memory_space<hbm>> -> memref<128x32xf32, #tpu.memory_space<hbm>>
          %dma_wait3A_187 = arith.constant 0 : i32
          %dma_wait3A_188 = tpu.memref_slice %arg2[%add3A_176, %dma_wait3A_187] : memref<100000x32xf32, #tpu.memory_space<hbm>> -> memref<128x32xf32, #tpu.memory_space<hbm>>
          tpu.wait_dma2 semaphore(%run_scoped3A : memref<!tpu.dma_semaphore, #tpu.memory_space<semaphore_mem>>) src(%dma_wait3A_188 : memref<128x32xf32, #tpu.memory_space<hbm>>) dst(%arg6 : memref<128x32xf32, #tpu.memory_space<vmem>>)
          tpu.yield
        }) : () -> ()
        %scan3A_177 = arith.constant 0 : i32
        %scan3A_178 = arith.constant 128 : i32
        %scan3A_179 = arith.addi %scan3A_177, %scan3A_178 : i32
        %scan3A_180 = arith.constant 1 : i32
        %scan3A_181:4 = scf.for %scan3A_183 = %scan3A_177 to %scan3A_179 step %scan3A_180 iter_args(%scan3A_184 = %while3A_163, %scan3A_185 = %while3A_164, %scan3A_186 = %while3A_165, %scan3A_187 = %while3A_166) -> (vector<16xf32>, vector<16xf32>, vector<16xf32>, vector<16xf32>)  : i32 {
          %add3A_188 = arith.addi %min3A_170, %scan3A_183 : i32
          %ge3A = arith.cmpi sge, %add3A_188, %add3A_173 : i32
          %lt3A_189 = arith.cmpi slt, %add3A_188, %reduce_sum3A_111 : i32
          %and3A_190 = arith.andi %ge3A, %lt3A_189 : i1
          %broadcast_in_dim3A_191 = vector.broadcast %and3A_190 : i1 to vector<16xi1>
          %get3A_192 = arith.index_cast %scan3A_183 : i32 to index
          %get3A_193 = arith.constant 0 : index
          %get3A_194 = tpu.vector_load %arg6[%get3A_192, %get3A_193] {strides = array<i32>} : memref<128x32xf32, #tpu.memory_space<vmem>>, vector<16xf32>,
          %get3A_195 = arith.index_cast %scan3A_183 : i32 to index
          %get3A_196 = arith.constant 16 : index
          %get3A_197 = tpu.vector_load %arg6[%get3A_195, %get3A_196] {strides = array<i32>} : memref<128x32xf32, #tpu.memory_space<vmem>>, vector<16xf32>,
          %select_n3A_198 = arith.select %broadcast_in_dim3A_191, %get3A_194, %broadcast_in_dim3A_1 : vector<16xi1>, vector<16xf32>
          %max3A = arith.maximumf %scan3A_184, %select_n3A_198 : vector<16xf32>
          %select_n3A_199 = arith.select %broadcast_in_dim3A_191, %get3A_197, %broadcast_in_dim3A_1 : vector<16xi1>, vector<16xf32>
          %max3A_200 = arith.maximumf %scan3A_185, %select_n3A_199 : vector<16xf32>
          %select_n3A_201 = arith.select %broadcast_in_dim3A_191, %get3A_194, %broadcast_in_dim3A_3 : vector<16xi1>, vector<16xf32>
          %add3A_202 = arith.addf %scan3A_186, %select_n3A_201 : vector<16xf32>
          %select_n3A_203 = arith.select %broadcast_in_dim3A_191, %get3A_197, %broadcast_in_dim3A_3 : vector<16xi1>, vector<16xf32>
          %add3A_204 = arith.addf %scan3A_187, %select_n3A_203 : vector<16xf32>
          scf.yield %max3A, %max3A_200, %add3A_202, %add3A_204 : vector<16xf32>, vector<16xf32>, vector<16xf32>, vector<16xf32>
        }
        %scan3A_182 = arith.constant 128 : i32
        scf.yield %scan3A_181#0, %scan3A_181#1, %scan3A_181#2, %scan3A_181#3 : vector<16xf32>, vector<16xf32>, vector<16xf32>, vector<16xf32>
      }
      %while3A_149 = arith.constant 1 : i32
      %while3A_150:4 = scf.for %while3A_162 = %while3A_146 to %while3A_142 step %while3A_149 iter_args(%while3A_163 = %while3A_148#0, %while3A_164 = %while3A_148#1, %while3A_165 = %while3A_148#2, %while3A_166 = %while3A_148#3) -> (vector<16xf32>, vector<16xf32>, vector<16xf32>, vector<16xf32>)  : i32 {
        %mul3A_167 = arith.constant 128 : i32
        %mul3A_168 = arith.muli %while3A_162, %mul3A_167 : i32
        %add3A_169 = arith.addi %reduce_sum3A_56, %mul3A_168 : i32
        %min3A = arith.constant 49872 : i32
        %min3A_170 = arith.minsi %add3A_169, %min3A : i32
        %mul3A_171 = arith.constant 128 : i32
        %mul3A_172 = arith.muli %while3A_162, %mul3A_171 : i32
        %add3A_173 = arith.addi %reduce_sum3A_56, %mul3A_172 : i32
        %mul3A_174 = arith.constant 50000 : i32
        %mul3A_175 = arith.muli %arg0, %mul3A_174 : i32
        %add3A_176 = arith.addi %mul3A_175, %min3A_170 : i32
        "tpu.region"() ({
          %run_scoped3A = tpu.sem_alloc : memref<!tpu.dma_semaphore, #tpu.memory_space<semaphore_mem>>
          %dma_start3A = arith.constant 0 : i32
          %dma_start3A_183 = tpu.memref_slice %arg2[%add3A_176, %dma_start3A] : memref<100000x32xf32, #tpu.memory_space<hbm>> -> memref<128x32xf32, #tpu.memory_space<hbm>>
          %dma_start3A_184 = arith.constant 0 : i32
          %dma_start3A_185 = tpu.memref_slice %arg2[%add3A_176, %dma_start3A_184] : memref<100000x32xf32, #tpu.memory_space<hbm>> -> memref<128x32xf32, #tpu.memory_space<hbm>>
          tpu.enqueue_dma source(%dma_start3A_185 : memref<128x32xf32, #tpu.memory_space<hbm>>) target(%arg6 : memref<128x32xf32, #tpu.memory_space<vmem>>) target_semaphore(%run_scoped3A : memref<!tpu.dma_semaphore, #tpu.memory_space<semaphore_mem>>)
          %dma_wait3A = arith.constant 0 : i32
          %dma_wait3A_186 = tpu.memref_slice %arg2[%add3A_176, %dma_wait3A] : memref<100000x32xf32, #tpu.memory_space<hbm>> -> memref<128x32xf32, #tpu.memory_space<hbm>>
          %dma_wait3A_187 = arith.constant 0 : i32
          %dma_wait3A_188 = tpu.memref_slice %arg2[%add3A_176, %dma_wait3A_187] : memref<100000x32xf32, #tpu.memory_space<hbm>> -> memref<128x32xf32, #tpu.memory_space<hbm>>
          tpu.wait_dma2 semaphore(%run_scoped3A : memref<!tpu.dma_semaphore, #tpu.memory_space<semaphore_mem>>) src(%dma_wait3A_188 : memref<128x32xf32, #tpu.memory_space<hbm>>) dst(%arg6 : memref<128x32xf32, #tpu.memory_space<vmem>>)
          tpu.yield
        }) : () -> ()
        %scan3A_177 = arith.constant 0 : i32
        %scan3A_178 = arith.constant 128 : i32
        %scan3A_179 = arith.addi %scan3A_177, %scan3A_178 : i32
        %scan3A_180 = arith.constant 1 : i32
        %scan3A_181:4 = scf.for %scan3A_183 = %scan3A_177 to %scan3A_179 step %scan3A_180 iter_args(%scan3A_184 = %while3A_163, %scan3A_185 = %while3A_164, %scan3A_186 = %while3A_165, %scan3A_187 = %while3A_166) -> (vector<16xf32>, vector<16xf32>, vector<16xf32>, vector<16xf32>)  : i32 {
          %add3A_188 = arith.addi %min3A_170, %scan3A_183 : i32
          %ge3A = arith.cmpi sge, %add3A_188, %add3A_173 : i32
          %lt3A_189 = arith.cmpi slt, %add3A_188, %reduce_sum3A_111 : i32
          %and3A_190 = arith.andi %ge3A, %lt3A_189 : i1
          %broadcast_in_dim3A_191 = vector.broadcast %and3A_190 : i1 to vector<16xi1>
          %get3A_192 = arith.index_cast %scan3A_183 : i32 to index
          %get3A_193 = arith.constant 0 : index
          %get3A_194 = tpu.vector_load %arg6[%get3A_192, %get3A_193] {strides = array<i32>} : memref<128x32xf32, #tpu.memory_space<vmem>>, vector<16xf32>,
          %get3A_195 = arith.index_cast %scan3A_183 : i32 to index
          %get3A_196 = arith.constant 16 : index
          %get3A_197 = tpu.vector_load %arg6[%get3A_195, %get3A_196] {strides = array<i32>} : memref<128x32xf32, #tpu.memory_space<vmem>>, vector<16xf32>,
          %select_n3A_198 = arith.select %broadcast_in_dim3A_191, %get3A_194, %broadcast_in_dim3A_1 : vector<16xi1>, vector<16xf32>
          %max3A = arith.maximumf %scan3A_184, %select_n3A_198 : vector<16xf32>
          %select_n3A_199 = arith.select %broadcast_in_dim3A_191, %get3A_197, %broadcast_in_dim3A_1 : vector<16xi1>, vector<16xf32>
          %max3A_200 = arith.maximumf %scan3A_185, %select_n3A_199 : vector<16xf32>
          %select_n3A_201 = arith.select %broadcast_in_dim3A_191, %get3A_194, %broadcast_in_dim3A_3 : vector<16xi1>, vector<16xf32>
          %add3A_202 = arith.addf %scan3A_186, %select_n3A_201 : vector<16xf32>
          %select_n3A_203 = arith.select %broadcast_in_dim3A_191, %get3A_197, %broadcast_in_dim3A_3 : vector<16xi1>, vector<16xf32>
          %add3A_204 = arith.addf %scan3A_187, %select_n3A_203 : vector<16xf32>
          scf.yield %max3A, %max3A_200, %add3A_202, %add3A_204 : vector<16xf32>, vector<16xf32>, vector<16xf32>, vector<16xf32>
        }
        %scan3A_182 = arith.constant 128 : i32
        scf.yield %scan3A_181#0, %scan3A_181#1, %scan3A_181#2, %scan3A_181#3 : vector<16xf32>, vector<16xf32>, vector<16xf32>, vector<16xf32>
      }
      %swap3A = arith.index_cast %scan3A_15 : i32 to index
      %swap3A_151 = arith.constant 0 : index
      %swap3A_152 = tpu.vector_load %arg7[%swap3A, %swap3A_151] {strides = array<i32>} : memref<32x32xf32, #tpu.memory_space<vmem>>, vector<16xf32>,
      tpu.vector_store %arg7[%swap3A, %swap3A_151], %while3A_150#0 {strides = array<i32>} : memref<32x32xf32, #tpu.memory_space<vmem>>, vector<16xf32>,
      %swap3A_153 = arith.index_cast %scan3A_15 : i32 to index
      %swap3A_154 = arith.constant 16 : index
      %swap3A_155 = tpu.vector_load %arg7[%swap3A_153, %swap3A_154] {strides = array<i32>} : memref<32x32xf32, #tpu.memory_space<vmem>>, vector<16xf32>,
      tpu.vector_store %arg7[%swap3A_153, %swap3A_154], %while3A_150#1 {strides = array<i32>} : memref<32x32xf32, #tpu.memory_space<vmem>>, vector<16xf32>,
      %swap3A_156 = arith.index_cast %scan3A_15 : i32 to index
      %swap3A_157 = arith.constant 0 : index
      %swap3A_158 = tpu.vector_load %arg8[%swap3A_156, %swap3A_157] {strides = array<i32>} : memref<32x32xf32, #tpu.memory_space<vmem>>, vector<16xf32>,
      tpu.vector_store %arg8[%swap3A_156, %swap3A_157], %while3A_150#2 {strides = array<i32>} : memref<32x32xf32, #tpu.memory_space<vmem>>, vector<16xf32>,
      %swap3A_159 = arith.index_cast %scan3A_15 : i32 to index
      %swap3A_160 = arith.constant 16 : index
      %swap3A_161 = tpu.vector_load %arg8[%swap3A_159, %swap3A_160] {strides = array<i32>} : memref<32x32xf32, #tpu.memory_space<vmem>>, vector<16xf32>,
      tpu.vector_store %arg8[%swap3A_159, %swap3A_160], %while3A_150#3 {strides = array<i32>} : memref<32x32xf32, #tpu.memory_space<vmem>>, vector<16xf32>,
    }
    %scan3A_8 = arith.constant 32 : i32
    %mul3A_9 = arith.constant 512 : i32
    %mul3A_10 = arith.muli %arg0, %mul3A_9 : i32
    %mul3A_11 = arith.constant 32 : i32
    %mul3A_12 = arith.muli %arg1, %mul3A_11 : i32
    %add3A = arith.addi %mul3A_10, %mul3A_12 : i32
    "tpu.region"() ({
      %run_scoped3A = tpu.sem_alloc : memref<!tpu.dma_semaphore, #tpu.memory_space<semaphore_mem>>
      %dma_start3A = arith.constant 0 : i32
      %dma_start3A_15 = tpu.memref_slice %arg4[%add3A, %dma_start3A] : memref<2048x32xf32, #tpu.memory_space<hbm>> -> memref<32x32xf32, #tpu.memory_space<hbm>>
      %dma_start3A_16 = arith.constant 0 : i32
      %dma_start3A_17 = tpu.memref_slice %arg4[%add3A, %dma_start3A_16] : memref<2048x32xf32, #tpu.memory_space<hbm>> -> memref<32x32xf32, #tpu.memory_space<hbm>>
      tpu.enqueue_dma source(%arg7 : memref<32x32xf32, #tpu.memory_space<vmem>>) target(%dma_start3A_17 : memref<32x32xf32, #tpu.memory_space<hbm>>) target_semaphore(%run_scoped3A : memref<!tpu.dma_semaphore, #tpu.memory_space<semaphore_mem>>)
      %dma_wait3A = arith.constant 0 : i32
      %dma_wait3A_18 = tpu.memref_slice %arg4[%add3A, %dma_wait3A] : memref<2048x32xf32, #tpu.memory_space<hbm>> -> memref<32x32xf32, #tpu.memory_space<hbm>>
      %dma_wait3A_19 = arith.constant 0 : i32
      %dma_wait3A_20 = tpu.memref_slice %arg4[%add3A, %dma_wait3A_19] : memref<2048x32xf32, #tpu.memory_space<hbm>> -> memref<32x32xf32, #tpu.memory_space<hbm>>
      tpu.wait_dma2 semaphore(%run_scoped3A : memref<!tpu.dma_semaphore, #tpu.memory_space<semaphore_mem>>) src(%arg7 : memref<32x32xf32, #tpu.memory_space<vmem>>) dst(%dma_wait3A_20 : memref<32x32xf32, #tpu.memory_space<hbm>>)
      tpu.yield
    }) : () -> ()
    %add3A_13 = arith.constant 1024 : i32
    %add3A_14 = arith.addi %add3A_13, %add3A : i32
    "tpu.region"() ({
      %run_scoped3A = tpu.sem_alloc : memref<!tpu.dma_semaphore, #tpu.memory_space<semaphore_mem>>
      %dma_start3A = arith.constant 0 : i32
      %dma_start3A_15 = tpu.memref_slice %arg4[%add3A_14, %dma_start3A] : memref<2048x32xf32, #tpu.memory_space<hbm>> -> memref<32x32xf32, #tpu.memory_space<hbm>>
      %dma_start3A_16 = arith.constant 0 : i32
      %dma_start3A_17 = tpu.memref_slice %arg4[%add3A_14, %dma_start3A_16] : memref<2048x32xf32, #tpu.memory_space<hbm>> -> memref<32x32xf32, #tpu.memory_space<hbm>>
      tpu.enqueue_dma source(%arg8 : memref<32x32xf32, #tpu.memory_space<vmem>>) target(%dma_start3A_17 : memref<32x32xf32, #tpu.memory_space<hbm>>) target_semaphore(%run_scoped3A : memref<!tpu.dma_semaphore, #tpu.memory_space<semaphore_mem>>)
      %dma_wait3A = arith.constant 0 : i32
      %dma_wait3A_18 = tpu.memref_slice %arg4[%add3A_14, %dma_wait3A] : memref<2048x32xf32, #tpu.memory_space<hbm>> -> memref<32x32xf32, #tpu.memory_space<hbm>>
      %dma_wait3A_19 = arith.constant 0 : i32
      %dma_wait3A_20 = tpu.memref_slice %arg4[%add3A_14, %dma_wait3A_19] : memref<2048x32xf32, #tpu.memory_space<hbm>> -> memref<32x32xf32, #tpu.memory_space<hbm>>
      tpu.wait_dma2 semaphore(%run_scoped3A : memref<!tpu.dma_semaphore, #tpu.memory_space<semaphore_mem>>) src(%arg8 : memref<32x32xf32, #tpu.memory_space<vmem>>) dst(%dma_wait3A_20 : memref<32x32xf32, #tpu.memory_space<hbm>>)
      tpu.yield
    }) : () -> ()
    return
  }
}

module attributes {stable_mosaic.version = 14 : i64} {
  func.func @_tck0_body(%arg0: i32, %arg1: memref<1000x128xf32, #tpu.memory_space<vmem>>, %arg2: memref<1000x1xf32, #tpu.memory_space<vmem>>, %arg3: memref<1000x1xf32, #tpu.memory_space<vmem>>, %arg4: memref<128x32xf32, #tpu.memory_space<vmem>>, %arg5: memref<128x32xf32, #tpu.memory_space<vmem>>, %arg6: memref<2x1000x32xf32, #tpu.memory_space<vmem>>, %arg7: memref<1000x1xf32, #tpu.memory_space<vmem>>) attributes {dimension_semantics = [#tpu.dimension_semantics<arbitrary>], iteration_bounds = array<i64: 50>, scalar_prefetch = 0 : i64, scratch_operands = 0 : i64, tpu.core_type = #tpu.core_type<tc>, window_params = [{transform_indices = @transform_0, window_bounds = array<i64: 1000, 128>}, {transform_indices = @transform_1, window_bounds = array<i64: 1000, 1>}, {transform_indices = @transform_2, window_bounds = array<i64: 1000, 1>}, {pipeline_mode = #tpu.pipeline_mode<synchronous>, transform_indices = @transform_3, window_bounds = array<i64: 128, 32>}, {pipeline_mode = #tpu.pipeline_mode<synchronous>, transform_indices = @transform_4, window_bounds = array<i64: 128, 32>}, {transform_indices = @transform_5, window_bounds = array<i64: 2, 1000, 32>}, {transform_indices = @transform_6, window_bounds = array<i64: 1000, 1>}]} {
    %get3A = arith.constant 0 : index
    %get3A_0 = arith.constant 0 : index
    %get3A_1 = vector.load %arg2[%get3A, %get3A_0] : memref<1000x1xf32, #tpu.memory_space<vmem>>, vector<1000x1xf32>
    %get3A_2 = arith.constant 0 : index
    %get3A_3 = arith.constant 0 : index
    %get3A_4 = vector.load %arg3[%get3A_2, %get3A_3] : memref<1000x1xf32, #tpu.memory_space<vmem>>, vector<1000x1xf32>
    %add3A = arith.addf %get3A_1, %get3A_4 : vector<1000x1xf32>
    %sub3A = arith.constant 1.000000e+00 : f32
    %sub3A_5 = vector.broadcast %sub3A : f32 to vector<1000x1xf32>
    %sub3A_6 = arith.subf %add3A, %sub3A_5 : vector<1000x1xf32>
    %max3A = arith.constant 1.000000e+00 : f32
    %max3A_7 = vector.broadcast %max3A : f32 to vector<1000x1xf32>
    %max3A_8 = arith.maximumf %sub3A_6, %max3A_7 : vector<1000x1xf32>
    %rsqrt3A = math.rsqrt %max3A_8 : vector<1000x1xf32>
    %get3A_9 = arith.constant 0 : index
    %get3A_10 = arith.constant 0 : index
    %get3A_11 = vector.load %arg1[%get3A_9, %get3A_10] : memref<1000x128xf32, #tpu.memory_space<vmem>>, vector<1000x128xf32>
    %get3A_12 = arith.constant 0 : index
    %get3A_13 = arith.constant 0 : index
    %get3A_14 = vector.load %arg4[%get3A_12, %get3A_13] : memref<128x32xf32, #tpu.memory_space<vmem>>, vector<128x32xf32>
    %dot_general3A = arith.constant dense<0.000000e+00> : vector<1000x32xf32>
    %dot_general3A_15 = tpu.matmul %get3A_11, %get3A_14, %dot_general3A {dimension_numbers = #tpu.dot_dimension_numbers<[1], [0], [0], [1], [0, 0, 1, 1], [], []>, transpose_lhs_hint = false} : vector<1000x128xf32>, vector<128x32xf32>, vector<1000x32xf32> -> vector<1000x32xf32>
    %mul3A = vector.broadcast %rsqrt3A : vector<1000x1xf32> to vector<1000x32xf32>
    %mul3A_16 = arith.mulf %mul3A, %dot_general3A_15 : vector<1000x32xf32>
    %swap3A = arith.constant 0 : index
    %swap3A_17 = arith.constant 0 : index
    %swap3A_18 = arith.constant 0 : index
    %swap3A_19 = vector.load %arg6[%swap3A, %swap3A_17, %swap3A_18] : memref<2x1000x32xf32, #tpu.memory_space<vmem>>, vector<1x1000x32xf32>
    %swap3A_20 = vector.shape_cast %swap3A_19 : vector<1x1000x32xf32> to vector<1000x32xf32>
    %swap3A_21 = vector.shape_cast %mul3A_16 : vector<1000x32xf32> to vector<1x1000x32xf32>
    tpu.vector_store %arg6[%swap3A, %swap3A_17, %swap3A_18], %swap3A_21 {strides = array<i32>} : memref<2x1000x32xf32, #tpu.memory_space<vmem>>, vector<1x1000x32xf32>,
    %get3A_22 = arith.constant 0 : index
    %get3A_23 = arith.constant 0 : index
    %get3A_24 = vector.load %arg5[%get3A_22, %get3A_23] : memref<128x32xf32, #tpu.memory_space<vmem>>, vector<128x32xf32>
    %dot_general3A_25 = arith.constant dense<0.000000e+00> : vector<1000x32xf32>
    %dot_general3A_26 = tpu.matmul %get3A_11, %get3A_24, %dot_general3A_25 {dimension_numbers = #tpu.dot_dimension_numbers<[1], [0], [0], [1], [0, 0, 1, 1], [], []>, transpose_lhs_hint = false} : vector<1000x128xf32>, vector<128x32xf32>, vector<1000x32xf32> -> vector<1000x32xf32>
    %mul3A_27 = vector.broadcast %rsqrt3A : vector<1000x1xf32> to vector<1000x32xf32>
    %mul3A_28 = arith.mulf %mul3A_27, %dot_general3A_26 : vector<1000x32xf32>
    %swap3A_29 = arith.constant 1 : index
    %swap3A_30 = arith.constant 0 : index
    %swap3A_31 = arith.constant 0 : index
    %swap3A_32 = vector.load %arg6[%swap3A_29, %swap3A_30, %swap3A_31] : memref<2x1000x32xf32, #tpu.memory_space<vmem>>, vector<1x1000x32xf32>
    %swap3A_33 = vector.shape_cast %swap3A_32 : vector<1x1000x32xf32> to vector<1000x32xf32>
    %swap3A_34 = vector.shape_cast %mul3A_28 : vector<1000x32xf32> to vector<1x1000x32xf32>
    tpu.vector_store %arg6[%swap3A_29, %swap3A_30, %swap3A_31], %swap3A_34 {strides = array<i32>} : memref<2x1000x32xf32, #tpu.memory_space<vmem>>, vector<1x1000x32xf32>,
    %swap3A_35 = arith.constant 0 : index
    %swap3A_36 = arith.constant 0 : index
    %swap3A_37 = vector.load %arg7[%swap3A_35, %swap3A_36] : memref<1000x1xf32, #tpu.memory_space<vmem>>, vector<1000x1xf32>
    tpu.vector_store %arg7[%swap3A_35, %swap3A_36], %rsqrt3A {strides = array<i32>} : memref<1000x1xf32, #tpu.memory_space<vmem>>, vector<1000x1xf32>,
    return
  }
  func.func @transform_0(%arg0: i32) -> (i32, i32) {
    %c0_i32 = arith.constant 0 : i32
    %c0_i32_0 = arith.constant 0 : i32
    return %arg0, %c0_i32 : i32, i32
  }
  func.func @transform_1(%arg0: i32) -> (i32, i32) {
    %c0_i32 = arith.constant 0 : i32
    %c0_i32_0 = arith.constant 0 : i32
    return %arg0, %c0_i32 : i32, i32
  }
  func.func @transform_2(%arg0: i32) -> (i32, i32) {
    %c0_i32 = arith.constant 0 : i32
    %c0_i32_0 = arith.constant 0 : i32
    return %arg0, %c0_i32 : i32, i32
  }
  func.func @transform_3(%arg0: i32) -> (i32, i32) {
    %c0_i32 = arith.constant 0 : i32
    %c0_i32_0 = arith.constant 0 : i32
    %c0_i32_1 = arith.constant 0 : i32
    return %c0_i32, %c0_i32_0 : i32, i32
  }
  func.func @transform_4(%arg0: i32) -> (i32, i32) {
    %c0_i32 = arith.constant 0 : i32
    %c0_i32_0 = arith.constant 0 : i32
    %c0_i32_1 = arith.constant 0 : i32
    return %c0_i32, %c0_i32_0 : i32, i32
  }
  func.func @transform_5(%arg0: i32) -> (i32, i32, i32) {
    %c0_i32 = arith.constant 0 : i32
    %c0_i32_0 = arith.constant 0 : i32
    %c0_i32_1 = arith.constant 0 : i32
    return %c0_i32, %arg0, %c0_i32_0 : i32, i32, i32
  }
  func.func @transform_6(%arg0: i32) -> (i32, i32) {
    %c0_i32 = arith.constant 0 : i32
    %c0_i32_0 = arith.constant 0 : i32
    return %arg0, %c0_i32 : i32, i32
  }
}

module attributes {stable_mosaic.version = 14 : i64} {
  func.func @_tckmid_body(%arg0: i32, %arg1: memref<2x1000x32xf32, #tpu.memory_space<vmem>>, %arg2: memref<1000x1xf32, #tpu.memory_space<vmem>>, %arg3: memref<1x32xf32, #tpu.memory_space<vmem>>, %arg4: memref<1x32xf32, #tpu.memory_space<vmem>>, %arg5: memref<32x32xf32, #tpu.memory_space<vmem>>, %arg6: memref<32x32xf32, #tpu.memory_space<vmem>>, %arg7: memref<32x32xf32, #tpu.memory_space<vmem>>, %arg8: memref<32x32xf32, #tpu.memory_space<vmem>>, %arg9: memref<2x1000x32xf32, #tpu.memory_space<vmem>>) attributes {dimension_semantics = [#tpu.dimension_semantics<arbitrary>], iteration_bounds = array<i64: 50>, scalar_prefetch = 0 : i64, scratch_operands = 0 : i64, tpu.core_type = #tpu.core_type<tc>, window_params = [{transform_indices = @transform_0, window_bounds = array<i64: 2, 1000, 32>}, {transform_indices = @transform_1, window_bounds = array<i64: 1000, 1>}, {pipeline_mode = #tpu.pipeline_mode<synchronous>, transform_indices = @transform_2, window_bounds = array<i64: 1, 32>}, {pipeline_mode = #tpu.pipeline_mode<synchronous>, transform_indices = @transform_3, window_bounds = array<i64: 1, 32>}, {pipeline_mode = #tpu.pipeline_mode<synchronous>, transform_indices = @transform_4, window_bounds = array<i64: 32, 32>}, {pipeline_mode = #tpu.pipeline_mode<synchronous>, transform_indices = @transform_5, window_bounds = array<i64: 32, 32>}, {pipeline_mode = #tpu.pipeline_mode<synchronous>, transform_indices = @transform_6, window_bounds = array<i64: 32, 32>}, {pipeline_mode = #tpu.pipeline_mode<synchronous>, transform_indices = @transform_7, window_bounds = array<i64: 32, 32>}, {transform_indices = @transform_8, window_bounds = array<i64: 2, 1000, 32>}]} {
    %get3A = arith.constant 0 : index
    %get3A_0 = arith.constant 0 : index
    %get3A_1 = vector.load %arg2[%get3A, %get3A_0] : memref<1000x1xf32, #tpu.memory_space<vmem>>, vector<1000x1xf32>
    %get3A_2 = arith.constant 0 : index
    %get3A_3 = arith.constant 0 : index
    %get3A_4 = arith.constant 0 : index
    %get3A_5 = vector.load %arg1[%get3A_2, %get3A_3, %get3A_4] : memref<2x1000x32xf32, #tpu.memory_space<vmem>>, vector<1x1000x32xf32>
    %get3A_6 = vector.shape_cast %get3A_5 : vector<1x1000x32xf32> to vector<1000x32xf32>
    %mul3A = vector.broadcast %get3A_1 : vector<1000x1xf32> to vector<1000x32xf32>
    %mul3A_7 = arith.mulf %mul3A, %get3A_6 : vector<1000x32xf32>
    %get3A_8 = arith.constant 0 : index
    %get3A_9 = arith.constant 0 : index
    %get3A_10 = vector.load %arg3[%get3A_8, %get3A_9] : memref<1x32xf32, #tpu.memory_space<vmem>>, vector<1x32xf32>
    %add3A = vector.broadcast %get3A_10 : vector<1x32xf32> to vector<1000x32xf32>
    %add3A_11 = arith.addf %mul3A_7, %add3A : vector<1000x32xf32>
    %tanh3A = math.tanh %add3A_11 : vector<1000x32xf32>
    %get3A_12 = arith.constant 1 : index
    %get3A_13 = arith.constant 0 : index
    %get3A_14 = arith.constant 0 : index
    %get3A_15 = vector.load %arg1[%get3A_12, %get3A_13, %get3A_14] : memref<2x1000x32xf32, #tpu.memory_space<vmem>>, vector<1x1000x32xf32>
    %get3A_16 = vector.shape_cast %get3A_15 : vector<1x1000x32xf32> to vector<1000x32xf32>
    %mul3A_17 = vector.broadcast %get3A_1 : vector<1000x1xf32> to vector<1000x32xf32>
    %mul3A_18 = arith.mulf %mul3A_17, %get3A_16 : vector<1000x32xf32>
    %get3A_19 = arith.constant 0 : index
    %get3A_20 = arith.constant 0 : index
    %get3A_21 = vector.load %arg4[%get3A_19, %get3A_20] : memref<1x32xf32, #tpu.memory_space<vmem>>, vector<1x32xf32>
    %add3A_22 = vector.broadcast %get3A_21 : vector<1x32xf32> to vector<1000x32xf32>
    %add3A_23 = arith.addf %mul3A_18, %add3A_22 : vector<1000x32xf32>
    %tanh3A_24 = math.tanh %add3A_23 : vector<1000x32xf32>
    %get3A_25 = arith.constant 0 : index
    %get3A_26 = arith.constant 0 : index
    %get3A_27 = vector.load %arg5[%get3A_25, %get3A_26] : memref<32x32xf32, #tpu.memory_space<vmem>>, vector<32x32xf32>
    %dot_general3A = arith.constant dense<0.000000e+00> : vector<1000x32xf32>
    %dot_general3A_28 = tpu.matmul %tanh3A, %get3A_27, %dot_general3A {dimension_numbers = #tpu.dot_dimension_numbers<[1], [0], [0], [1], [0, 0, 1, 1], [], []>, transpose_lhs_hint = false} : vector<1000x32xf32>, vector<32x32xf32>, vector<1000x32xf32> -> vector<1000x32xf32>
    %get3A_29 = arith.constant 0 : index
    %get3A_30 = arith.constant 0 : index
    %get3A_31 = vector.load %arg7[%get3A_29, %get3A_30] : memref<32x32xf32, #tpu.memory_space<vmem>>, vector<32x32xf32>
    %dot_general3A_32 = arith.constant dense<0.000000e+00> : vector<1000x32xf32>
    %dot_general3A_33 = tpu.matmul %tanh3A_24, %get3A_31, %dot_general3A_32 {dimension_numbers = #tpu.dot_dimension_numbers<[1], [0], [0], [1], [0, 0, 1, 1], [], []>, transpose_lhs_hint = false} : vector<1000x32xf32>, vector<32x32xf32>, vector<1000x32xf32> -> vector<1000x32xf32>
    %add3A_34 = arith.addf %dot_general3A_28, %dot_general3A_33 : vector<1000x32xf32>
    %get3A_35 = arith.constant 0 : index
    %get3A_36 = arith.constant 0 : index
    %get3A_37 = vector.load %arg6[%get3A_35, %get3A_36] : memref<32x32xf32, #tpu.memory_space<vmem>>, vector<32x32xf32>
    %dot_general3A_38 = arith.constant dense<0.000000e+00> : vector<1000x32xf32>
    %dot_general3A_39 = tpu.matmul %tanh3A, %get3A_37, %dot_general3A_38 {dimension_numbers = #tpu.dot_dimension_numbers<[1], [0], [0], [1], [0, 0, 1, 1], [], []>, transpose_lhs_hint = false} : vector<1000x32xf32>, vector<32x32xf32>, vector<1000x32xf32> -> vector<1000x32xf32>
    %get3A_40 = arith.constant 0 : index
    %get3A_41 = arith.constant 0 : index
    %get3A_42 = vector.load %arg8[%get3A_40, %get3A_41] : memref<32x32xf32, #tpu.memory_space<vmem>>, vector<32x32xf32>
    %dot_general3A_43 = arith.constant dense<0.000000e+00> : vector<1000x32xf32>
    %dot_general3A_44 = tpu.matmul %tanh3A_24, %get3A_42, %dot_general3A_43 {dimension_numbers = #tpu.dot_dimension_numbers<[1], [0], [0], [1], [0, 0, 1, 1], [], []>, transpose_lhs_hint = false} : vector<1000x32xf32>, vector<32x32xf32>, vector<1000x32xf32> -> vector<1000x32xf32>
    %add3A_45 = arith.addf %dot_general3A_39, %dot_general3A_44 : vector<1000x32xf32>
    %mul3A_46 = vector.broadcast %get3A_1 : vector<1000x1xf32> to vector<1000x32xf32>
    %mul3A_47 = arith.mulf %mul3A_46, %add3A_34 : vector<1000x32xf32>
    %swap3A = arith.constant 0 : index
    %swap3A_48 = arith.constant 0 : index
    %swap3A_49 = arith.constant 0 : index
    %swap3A_50 = vector.load %arg9[%swap3A, %swap3A_48, %swap3A_49] : memref<2x1000x32xf32, #tpu.memory_space<vmem>>, vector<1x1000x32xf32>
    %swap3A_51 = vector.shape_cast %swap3A_50 : vector<1x1000x32xf32> to vector<1000x32xf32>
    %swap3A_52 = vector.shape_cast %mul3A_47 : vector<1000x32xf32> to vector<1x1000x32xf32>
    tpu.vector_store %arg9[%swap3A, %swap3A_48, %swap3A_49], %swap3A_52 {strides = array<i32>} : memref<2x1000x32xf32, #tpu.memory_space<vmem>>, vector<1x1000x32xf32>,
    %mul3A_53 = vector.broadcast %get3A_1 : vector<1000x1xf32> to vector<1000x32xf32>
    %mul3A_54 = arith.mulf %mul3A_53, %add3A_45 : vector<1000x32xf32>
    %swap3A_55 = arith.constant 1 : index
    %swap3A_56 = arith.constant 0 : index
    %swap3A_57 = arith.constant 0 : index
    %swap3A_58 = vector.load %arg9[%swap3A_55, %swap3A_56, %swap3A_57] : memref<2x1000x32xf32, #tpu.memory_space<vmem>>, vector<1x1000x32xf32>
    %swap3A_59 = vector.shape_cast %swap3A_58 : vector<1x1000x32xf32> to vector<1000x32xf32>
    %swap3A_60 = vector.shape_cast %mul3A_54 : vector<1000x32xf32> to vector<1x1000x32xf32>
    tpu.vector_store %arg9[%swap3A_55, %swap3A_56, %swap3A_57], %swap3A_60 {strides = array<i32>} : memref<2x1000x32xf32, #tpu.memory_space<vmem>>, vector<1x1000x32xf32>,
    return
  }
  func.func @transform_0(%arg0: i32) -> (i32, i32, i32) {
    %c0_i32 = arith.constant 0 : i32
    %c0_i32_0 = arith.constant 0 : i32
    %c0_i32_1 = arith.constant 0 : i32
    return %c0_i32, %arg0, %c0_i32_0 : i32, i32, i32
  }
  func.func @transform_1(%arg0: i32) -> (i32, i32) {
    %c0_i32 = arith.constant 0 : i32
    %c0_i32_0 = arith.constant 0 : i32
    return %arg0, %c0_i32 : i32, i32
  }
  func.func @transform_2(%arg0: i32) -> (i32, i32) {
    %c0_i32 = arith.constant 0 : i32
    %c0_i32_0 = arith.constant 0 : i32
    %c0_i32_1 = arith.constant 0 : i32
    return %c0_i32, %c0_i32_0 : i32, i32
  }
  func.func @transform_3(%arg0: i32) -> (i32, i32) {
    %c0_i32 = arith.constant 0 : i32
    %c0_i32_0 = arith.constant 0 : i32
    %c0_i32_1 = arith.constant 0 : i32
    return %c0_i32, %c0_i32_0 : i32, i32
  }
  func.func @transform_4(%arg0: i32) -> (i32, i32) {
    %c0_i32 = arith.constant 0 : i32
    %c0_i32_0 = arith.constant 0 : i32
    %c0_i32_1 = arith.constant 0 : i32
    return %c0_i32, %c0_i32_0 : i32, i32
  }
  func.func @transform_5(%arg0: i32) -> (i32, i32) {
    %c0_i32 = arith.constant 0 : i32
    %c0_i32_0 = arith.constant 0 : i32
    %c0_i32_1 = arith.constant 0 : i32
    return %c0_i32, %c0_i32_0 : i32, i32
  }
  func.func @transform_6(%arg0: i32) -> (i32, i32) {
    %c0_i32 = arith.constant 0 : i32
    %c0_i32_0 = arith.constant 0 : i32
    %c0_i32_1 = arith.constant 0 : i32
    return %c0_i32, %c0_i32_0 : i32, i32
  }
  func.func @transform_7(%arg0: i32) -> (i32, i32) {
    %c0_i32 = arith.constant 0 : i32
    %c0_i32_0 = arith.constant 0 : i32
    %c0_i32_1 = arith.constant 0 : i32
    return %c0_i32, %c0_i32_0 : i32, i32
  }
  func.func @transform_8(%arg0: i32) -> (i32, i32, i32) {
    %c0_i32 = arith.constant 0 : i32
    %c0_i32_0 = arith.constant 0 : i32
    %c0_i32_1 = arith.constant 0 : i32
    return %c0_i32, %arg0, %c0_i32_0 : i32, i32, i32
  }
}

module attributes {stable_mosaic.version = 14 : i64} {
  func.func @_tckf_body(%arg0: i32, %arg1: memref<2x1000x32xf32, #tpu.memory_space<vmem>>, %arg2: memref<1000x1xf32, #tpu.memory_space<vmem>>, %arg3: memref<1x32xf32, #tpu.memory_space<vmem>>, %arg4: memref<1x32xf32, #tpu.memory_space<vmem>>, %arg5: memref<2x1000x32xf32, #tpu.memory_space<vmem>>) attributes {dimension_semantics = [#tpu.dimension_semantics<arbitrary>], iteration_bounds = array<i64: 50>, scalar_prefetch = 0 : i64, scratch_operands = 0 : i64, tpu.core_type = #tpu.core_type<tc>, window_params = [{transform_indices = @transform_0, window_bounds = array<i64: 2, 1000, 32>}, {transform_indices = @transform_1, window_bounds = array<i64: 1000, 1>}, {pipeline_mode = #tpu.pipeline_mode<synchronous>, transform_indices = @transform_2, window_bounds = array<i64: 1, 32>}, {pipeline_mode = #tpu.pipeline_mode<synchronous>, transform_indices = @transform_3, window_bounds = array<i64: 1, 32>}, {transform_indices = @transform_4, window_bounds = array<i64: 2, 1000, 32>}]} {
    %get3A = arith.constant 0 : index
    %get3A_0 = arith.constant 0 : index
    %get3A_1 = vector.load %arg2[%get3A, %get3A_0] : memref<1000x1xf32, #tpu.memory_space<vmem>>, vector<1000x1xf32>
    %get3A_2 = arith.constant 0 : index
    %get3A_3 = arith.constant 0 : index
    %get3A_4 = arith.constant 0 : index
    %get3A_5 = vector.load %arg1[%get3A_2, %get3A_3, %get3A_4] : memref<2x1000x32xf32, #tpu.memory_space<vmem>>, vector<1x1000x32xf32>
    %get3A_6 = vector.shape_cast %get3A_5 : vector<1x1000x32xf32> to vector<1000x32xf32>
    %mul3A = vector.broadcast %get3A_1 : vector<1000x1xf32> to vector<1000x32xf32>
    %mul3A_7 = arith.mulf %mul3A, %get3A_6 : vector<1000x32xf32>
    %get3A_8 = arith.constant 0 : index
    %get3A_9 = arith.constant 0 : index
    %get3A_10 = vector.load %arg3[%get3A_8, %get3A_9] : memref<1x32xf32, #tpu.memory_space<vmem>>, vector<1x32xf32>
    %add3A = vector.broadcast %get3A_10 : vector<1x32xf32> to vector<1000x32xf32>
    %add3A_11 = arith.addf %mul3A_7, %add3A : vector<1000x32xf32>
    %tanh3A = math.tanh %add3A_11 : vector<1000x32xf32>
    %swap3A = arith.constant 0 : index
    %swap3A_12 = arith.constant 0 : index
    %swap3A_13 = arith.constant 0 : index
    %swap3A_14 = vector.load %arg5[%swap3A, %swap3A_12, %swap3A_13] : memref<2x1000x32xf32, #tpu.memory_space<vmem>>, vector<1x1000x32xf32>
    %swap3A_15 = vector.shape_cast %swap3A_14 : vector<1x1000x32xf32> to vector<1000x32xf32>
    %swap3A_16 = vector.shape_cast %tanh3A : vector<1000x32xf32> to vector<1x1000x32xf32>
    tpu.vector_store %arg5[%swap3A, %swap3A_12, %swap3A_13], %swap3A_16 {strides = array<i32>} : memref<2x1000x32xf32, #tpu.memory_space<vmem>>, vector<1x1000x32xf32>,
    %get3A_17 = arith.constant 1 : index
    %get3A_18 = arith.constant 0 : index
    %get3A_19 = arith.constant 0 : index
    %get3A_20 = vector.load %arg1[%get3A_17, %get3A_18, %get3A_19] : memref<2x1000x32xf32, #tpu.memory_space<vmem>>, vector<1x1000x32xf32>
    %get3A_21 = vector.shape_cast %get3A_20 : vector<1x1000x32xf32> to vector<1000x32xf32>
    %mul3A_22 = vector.broadcast %get3A_1 : vector<1000x1xf32> to vector<1000x32xf32>
    %mul3A_23 = arith.mulf %mul3A_22, %get3A_21 : vector<1000x32xf32>
    %get3A_24 = arith.constant 0 : index
    %get3A_25 = arith.constant 0 : index
    %get3A_26 = vector.load %arg4[%get3A_24, %get3A_25] : memref<1x32xf32, #tpu.memory_space<vmem>>, vector<1x32xf32>
    %add3A_27 = vector.broadcast %get3A_26 : vector<1x32xf32> to vector<1000x32xf32>
    %add3A_28 = arith.addf %mul3A_23, %add3A_27 : vector<1000x32xf32>
    %tanh3A_29 = math.tanh %add3A_28 : vector<1000x32xf32>
    %swap3A_30 = arith.constant 1 : index
    %swap3A_31 = arith.constant 0 : index
    %swap3A_32 = arith.constant 0 : index
    %swap3A_33 = vector.load %arg5[%swap3A_30, %swap3A_31, %swap3A_32] : memref<2x1000x32xf32, #tpu.memory_space<vmem>>, vector<1x1000x32xf32>
    %swap3A_34 = vector.shape_cast %swap3A_33 : vector<1x1000x32xf32> to vector<1000x32xf32>
    %swap3A_35 = vector.shape_cast %tanh3A_29 : vector<1000x32xf32> to vector<1x1000x32xf32>
    tpu.vector_store %arg5[%swap3A_30, %swap3A_31, %swap3A_32], %swap3A_35 {strides = array<i32>} : memref<2x1000x32xf32, #tpu.memory_space<vmem>>, vector<1x1000x32xf32>,
    return
  }
  func.func @transform_0(%arg0: i32) -> (i32, i32, i32) {
    %c0_i32 = arith.constant 0 : i32
    %c0_i32_0 = arith.constant 0 : i32
    %c0_i32_1 = arith.constant 0 : i32
    return %c0_i32, %arg0, %c0_i32_0 : i32, i32, i32
  }
  func.func @transform_1(%arg0: i32) -> (i32, i32) {
    %c0_i32 = arith.constant 0 : i32
    %c0_i32_0 = arith.constant 0 : i32
    return %arg0, %c0_i32 : i32, i32
  }
  func.func @transform_2(%arg0: i32) -> (i32, i32) {
    %c0_i32 = arith.constant 0 : i32
    %c0_i32_0 = arith.constant 0 : i32
    %c0_i32_1 = arith.constant 0 : i32
    return %c0_i32, %c0_i32_0 : i32, i32
  }
  func.func @transform_3(%arg0: i32) -> (i32, i32) {
    %c0_i32 = arith.constant 0 : i32
    %c0_i32_0 = arith.constant 0 : i32
    %c0_i32_1 = arith.constant 0 : i32
    return %c0_i32, %c0_i32_0 : i32, i32
  }
  func.func @transform_4(%arg0: i32) -> (i32, i32, i32) {
    %c0_i32 = arith.constant 0 : i32
    %c0_i32_0 = arith.constant 0 : i32
    %c0_i32_1 = arith.constant 0 : i32
    return %c0_i32, %arg0, %c0_i32_0 : i32, i32, i32
  }
}

module attributes {stable_mosaic.version = 14 : i64} {
  func.func @_tckt_body(%arg0: memref<2048x32xf32, #tpu.memory_space<vmem>>, %arg1: memref<512x1xf32, #tpu.memory_space<vmem>>, %arg2: memref<128x1xf32, #tpu.memory_space<vmem>>, %arg3: memref<1x1xf32, #tpu.memory_space<vmem>>, %arg4: memref<512x128xf32, #tpu.memory_space<vmem>>, %arg5: memref<512x1xf32, #tpu.memory_space<vmem>>) attributes {dimension_semantics = [], scalar_prefetch = 0 : i64, scratch_operands = 0 : i64, tpu.core_type = #tpu.core_type<tc>} {
    %get3A = arith.constant 0 : index
    %get3A_0 = arith.constant 0 : index
    %get3A_1 = vector.load %arg0[%get3A, %get3A_0] : memref<2048x32xf32, #tpu.memory_space<vmem>>, vector<2048x32xf32>
    %get3A_2 = arith.constant 0 : index
    %get3A_3 = arith.constant 0 : index
    %get3A_4 = vector.load %arg1[%get3A_2, %get3A_3] : memref<512x1xf32, #tpu.memory_space<vmem>>, vector<512x1xf32>
    %slice3A = vector.extract_strided_slice %get3A_1 {offsets = [0, 0], sizes = [512, 32], strides = [1, 1]} : vector<2048x32xf32> to vector<512x32xf32>
    %slice3A_5 = vector.extract_strided_slice %get3A_1 {offsets = [512, 0], sizes = [512, 32], strides = [1, 1]} : vector<2048x32xf32> to vector<512x32xf32>
    %slice3A_6 = vector.extract_strided_slice %get3A_1 {offsets = [1024, 0], sizes = [512, 32], strides = [1, 1]} : vector<2048x32xf32> to vector<512x32xf32>
    %mul3A = vector.broadcast %get3A_4 : vector<512x1xf32> to vector<512x32xf32>
    %mul3A_7 = arith.mulf %slice3A_6, %mul3A : vector<512x32xf32>
    %slice3A_8 = vector.extract_strided_slice %get3A_1 {offsets = [1536, 0], sizes = [512, 32], strides = [1, 1]} : vector<2048x32xf32> to vector<512x32xf32>
    %mul3A_9 = vector.broadcast %get3A_4 : vector<512x1xf32> to vector<512x32xf32>
    %mul3A_10 = arith.mulf %slice3A_8, %mul3A_9 : vector<512x32xf32>
    %concatenate3A = tpu.concatenate %slice3A, %slice3A_5, %mul3A_7, %mul3A_10 in 1 : vector<512x32xf32>, vector<512x32xf32>, vector<512x32xf32>, vector<512x32xf32> -> vector<512x128xf32>
    %swap3A = arith.constant 0 : index
    %swap3A_11 = arith.constant 0 : index
    %swap3A_12 = vector.load %arg4[%swap3A, %swap3A_11] : memref<512x128xf32, #tpu.memory_space<vmem>>, vector<512x128xf32>
    tpu.vector_store %arg4[%swap3A, %swap3A_11], %concatenate3A {strides = array<i32>} : memref<512x128xf32, #tpu.memory_space<vmem>>, vector<512x128xf32>,
    %get3A_13 = arith.constant 0 : index
    %get3A_14 = arith.constant 0 : index
    %get3A_15 = vector.load %arg2[%get3A_13, %get3A_14] : memref<128x1xf32, #tpu.memory_space<vmem>>, vector<128x1xf32>
    %dot_general3A = arith.constant dense<0.000000e+00> : vector<512x1xf32>
    %dot_general3A_16 = tpu.matmul %concatenate3A, %get3A_15, %dot_general3A {dimension_numbers = #tpu.dot_dimension_numbers<[1], [0], [0], [1], [0, 0, 1, 1], [], []>, transpose_lhs_hint = false} : vector<512x128xf32>, vector<128x1xf32>, vector<512x1xf32> -> vector<512x1xf32>
    %get3A_17 = arith.constant 0 : index
    %get3A_18 = arith.constant 0 : index
    %get3A_19 = vector.load %arg3[%get3A_17, %get3A_18] : memref<1x1xf32, #tpu.memory_space<vmem>>, vector<1x1xf32>
    %add3A = vector.broadcast %get3A_19 : vector<1x1xf32> to vector<512x1xf32>
    %add3A_20 = arith.addf %dot_general3A_16, %add3A : vector<512x1xf32>
    %swap3A_21 = arith.constant 0 : index
    %swap3A_22 = arith.constant 0 : index
    %swap3A_23 = vector.load %arg5[%swap3A_21, %swap3A_22] : memref<512x1xf32, #tpu.memory_space<vmem>>, vector<512x1xf32>
    tpu.vector_store %arg5[%swap3A_21, %swap3A_22], %add3A_20 {strides = array<i32>} : memref<512x1xf32, #tpu.memory_space<vmem>>, vector<512x1xf32>,
    return
  }
}

</mosaic_0001>

<sc_bundles>
// kernel: kernel.14.cloned.1.call-start
scs
__scs_entry_jumppad:
0x0: {  	(pc) =	sbr.rel $0x88, $3  }
0x1: {  	(tag) =	ssettag $0x0;
	lr =	simm.s32 $0x1  }
0x2: {  	[smem:$0x3F94] =	sst lr;
	_ =	strace $0xD0000000  }
0x3: {  	_ = 	snop  }
0x4: {  	_ = 	snop  }
0x5: {  	_ = 	snop  }
0x6: {  	_ = 	snop  }
0x7: {  	_ = 	snop  }
__scs_overlays_trampoline_lowered:
0x8: {  	[smem:$0x3FA3] =	sst s0  }
0x9: {  	[smem:$0x3FA4] =	sst s1  }
0xa: {  	[smem:$0x3FA5] =	sst s2  }
0xb: {  	[smem:$0x3FA6] =	sst s3  }
0xc: {  	[smem:$0x3FA7] =	sst s4  }
0xd: {  	[smem:$0x3FA8] =	sst s5  }
0xe: {  	[smem:$0x3FA9] =	sst s6  }
0xf: {  	[smem:$0x3FAA] =	sst s7  }
0x10: {  	[smem:$0x3FAB] =	sst s8  }
0x11: {  	[smem:$0x3FAC] =	sst s9;
	s0 =	simm.s32 @!p0 $0x0  }
0x12: {  	s1 =	sld [smem:$0x3F92];
	s0 =	simm.s32 @p0 $0x1  }
0x13: {  	[smem:$0x3FAD] =	sst s0;
	s0 =	simm.s32 @!p1 $0x0  }
0x14: {  	s2 =	sld [smem:$0x3F91];
	s0 =	simm.s32 @p1 $0x1  }
0x15: {  	[smem:$0x3FAE] =	sst s0;
	s0 =	simm.s32 @!p2 $0x0  }
0x16: {  	s3 =	sld [smem:$0x3FDB];
	s0 =	simm.s32 @p2 $0x1  }
0x17: {  	s4 =	simm.s32 $0x1BF5;
	[smem:$0x3FB0] =	sst s0  }
0x18: {  	s0 =	sld [smem:$0x3F93];
	_ =	swait.ge [sflag:s4], $0x0  }
0x19: {  	s7 =	sld [smem:$0x3F94]  }
0x1a: {  	s8 =	sadd.s32 $0xFFFFE003, lr  }
0x1b: {  	s9 =	sadd.s32 $0xFFFFFEF7, lr;
	s5 =	simm.s32 $0xFFFFFFFF;
	p2 =	slt.u32 s8, $0xFFFFF086  }
0x1c: {  	p1 =	slt.u32 s9, $0xF7A;
	s5 =	simm.s32 @!p2 $0x0  }
0x1d: {  	s5 =	simm.s32 @p1 $0x1;
	p0 =	seq.s32 s7, s2  }
0x1e: {  	s7 =	smul.u32 @!p0 $0xF7A, s2;
	p2 =	seq.s32 @!p0 s5, $0x0  }
0x1f: {  	s9 =	smul.u32 $0xF7A, s1;
	s8 =	simm.s32 @!p0 $0x1BF5;
	p2 =	por !p2, p0  }
0x20: {  	[sflag:s8] =	ssyncset.s32 @!p0 $0xFFFFF086;
	s6 =	sadd.s32 @!p0 s3, s7;
	s7 =	simm.s32 @!p0 $0x108  }
0x21: {  	s3 =	sadd.s32 s3, s9;
	s6 =	sadd.s32 @!p0 $0x88, s6;
	s7 =	simm.s32 @p2 $0x1082  }
0x22: {  	[simem:s7], [sflag:s8] =	dma.local @!p0 [hbm:s6], $0xF7A  }
0x23: {  	s9 =	sor.u32 $0xD0000000, s2;
	s6 =	simm.s32 $0x108;
	_ =	swait.ge @!p0 [sflag:s8], $0x0  }
0x24: {  	s3 =	sadd.s32 $0x88, s3;
	s6 =	simm.s32 @!p1 $0x1082;
	[sflag:s4] =	ssyncset.s32 $0xFFFFF086  }
0x25: {  	[simem:s6], [sflag:s4] =	dma.local [hbm:s3], $0xF7A  }
0x26: {  	[smem:$0x3F94] =	sst s1;
	(tag) =	ssettag s2;
	_ =	strace s9  }
0x27: {  	s1 =	sld [smem:$0x3FA4]  }
0x28: {  	s2 =	sld [smem:$0x3FA5]  }
0x29: {  	s4 =	sld [smem:$0x3FA7]  }
0x2a: {  	p0 =	seq.s32 s5, $0x0;
	s5 =	sld [smem:$0x3FA8]  }
0x2b: {  	s6 =	sld [smem:$0x3FA9]  }
0x2c: {  	s7 =	sld [smem:$0x3FAA]  }
0x2d: {  	s3 =	simm.s32 $0x108;
	s8 =	sld [smem:$0x3FAB]  }
0x2e: {  	s3 =	simm.s32 @!p0 $0x1082;
	s9 =	sld [smem:$0x3FAC]  }
0x2f: {  	lr =	sadd.s32 s0, s3;
	s0 =	sld [smem:$0x3FA3]  }
0x30: {  	s3 =	sld [smem:$0x3FA6]  }
0x31: {  	[smem:$0x3FAF] =	sst s10  }
0x32: {  	s10 =	sld [smem:$0x3FAD];
	_ =	sdelay $0x3  }
0x33: {  	p0 =	seq.s32 s10, $0x1;
	s10 =	sld [smem:$0x3FAF];
	_ =	sdelay $0x3  }
0x34: {  	[smem:$0x3FAF] =	sst s10  }
0x35: {  	s10 =	sld [smem:$0x3FAE];
	_ =	sdelay $0x3  }
0x36: {  	p1 =	seq.s32 s10, $0x1;
	s10 =	sld [smem:$0x3FAF];
	_ =	sdelay $0x3  }
0x37: {  	[smem:$0x3FAF] =	sst s10  }
0x38: {  	s10 =	sld [smem:$0x3FB0]  }
0x39: {  	_ = 	snop;
	(pc) =	sbr.ind lr, $3  }
0x3a: {  	_ = 	snop  }
0x3b: {  	_ = 	snop  }
0x3c: {  	p2 =	seq.s32 s10, $0x1;
	s10 =	sld [smem:$0x3FAF]  }
0x3d: {  	_ =	shalt  }
0x3e: {  	_ =	shalt  }
0x3f: {  	_ =	shalt  }
0x40: {  	_ =	shalt  }
0x41: {  	_ =	shalt  }
0x42: {  	_ =	shalt  }
0x43: {  	_ =	shalt  }
0x44: {  	_ =	shalt  }
0x45: {  	_ =	shalt  }
0x46: {  	_ =	shalt  }
0x47: {  	_ =	shalt  }
0x48: {  	_ =	shalt  }
0x49: {  	_ =	shalt  }
0x4a: {  	_ =	shalt  }
0x4b: {  	_ =	shalt  }
0x4c: {  	_ =	shalt  }
0x4d: {  	_ =	shalt  }
0x4e: {  	_ =	shalt  }
0x4f: {  	_ =	shalt  }
0x50: {  	_ =	shalt  }
0x51: {  	_ =	shalt  }
0x52: {  	_ =	shalt  }
0x53: {  	_ =	shalt  }
0x54: {  	_ =	shalt  }
0x55: {  	_ =	shalt  }
0x56: {  	_ =	shalt  }
0x57: {  	_ =	shalt  }
0x58: {  	_ =	shalt  }
0x59: {  	_ =	shalt  }
0x5a: {  	_ =	shalt  }
0x5b: {  	_ =	shalt  }
0x5c: {  	_ =	shalt  }
0x5d: {  	_ =	shalt  }
0x5e: {  	_ =	shalt  }
0x5f: {  	_ =	shalt  }
0x60: {  	_ =	shalt  }
0x61: {  	_ =	shalt  }
0x62: {  	_ =	shalt  }
0x63: {  	_ =	shalt  }
0x64: {  	_ =	shalt  }
0x65: {  	_ =	shalt  }
0x66: {  	_ =	shalt  }
0x67: {  	_ =	shalt  }
0x68: {  	_ =	shalt  }
0x69: {  	_ =	shalt  }
0x6a: {  	_ =	shalt  }
0x6b: {  	_ =	shalt  }
0x6c: {  	_ =	shalt  }
0x6d: {  	_ =	shalt  }
0x6e: {  	_ =	shalt  }
0x6f: {  	_ =	shalt  }
0x70: {  	_ =	shalt  }
0x71: {  	_ =	shalt  }
0x72: {  	_ =	shalt  }
0x73: {  	_ =	shalt  }
0x74: {  	_ =	shalt  }
0x75: {  	_ =	shalt  }
0x76: {  	_ =	shalt  }
0x77: {  	_ =	shalt  }
0x78: {  	_ =	shalt  }
0x79: {  	_ =	shalt  }
0x7a: {  	_ =	shalt  }
0x7b: {  	_ =	shalt  }
0x7c: {  	_ =	shalt  }
0x7d: {  	_ =	shalt  }
0x7e: {  	_ =	shalt  }
0x7f: {  	_ =	shalt  }
0x80: {  	_ =	shalt  }
0x81: {  	_ =	shalt  }
0x82: {  	_ =	shalt  }
0x83: {  	_ =	shalt  }
0x84: {  	_ =	shalt  }
0x85: {  	_ =	shalt  }
0x86: {  	_ =	shalt  }
0x87: {  	_ =	shalt  }
.Lfunc_end0:
.L_simem_size_0:
called_computation_lowered:
.L_overlay_start_0:
0x88: {  	s2 =	sld [smem:$0x3FD9]  }
0x89: {  	s3 =	sld [smem:$0x3FFE];
	_ =	sdelay $0x1  }
0x8a: {  	s1 =	srdreg.scid  }
0x8b: {  	s0 =	sand.u32 $0x1, s1  }
0x8c: {  	s16 =	sshll.u32 s0, $0xA;
	s2 =	sadd.s32 s3, s2  }
0x8d: {  	s2 =	sadd.s32 s2, s16  }
0x8e: {  	[smem:$0x3FBB] =	sst s2  }
0x8f: {  	_ = 	snop  }
0x90: {  	(tm) =	ssettm $0x1  }
0x91: {  	s17 =	sld [smem:$0x3FFB];
	_ =	sdelay $0x3  }
0x92: {  	_ =	strace s17  }
0x93: {  	s2 =	sld [smem:$0x3FFC];
	_ =	sdelay $0x3  }
0x94: {  	_ =	strace s2  }
0x95: {  	s2 =	sld [smem:$0x3FFD];
	_ =	sdelay $0x3  }
0x96: {  	_ =	strace s2  }
0x97: {  	_ =	strace $0x8FFFFFFF  }
0x98: {  	s18 =	sld [smem:$0x3FDB];
	_ =	sdelay $0x1  }
0x99: {  	s19 =	simm.s32 $_scs_section_size  }
0x9a: {  	s4 =	simm.s32 $_size__tile_overlayer_lowered;
	s5 =	simm.s32 $_tile_overlayer_lowered  }
0x9b: {  	s22 =	simm.s32 $0x1BFF;
	s21 =	sshll.u32 s5, $0x1;
	s2 =	sadd.s32 s19, s18  }
0x9c: {  	s6 =	simm.s32 $0x0;
	s20 =	sshll.u32 s4, $0x1;
	s4 =	sadd.s32 s21, s2  }
0x9d: {  	[timem:s6], [sflag:s22] =	dma.local [hbm:s4], s20  }
0x9e: {  	_ =	swait.ge [sflag:s22], s20  }
0x9f: {  	s3 =	ssub.s32 $0x0, s20;
	[sflag:s22] =	ssyncset.done $0x0  }
0xa0: {  	[sflag:s22] =	ssyncadd.s32 s3;
	_ =	sdelay $0x1  }
0xa1: {  	s23 =	simm.s32 $0x1B8B  }
0xa2: {  	_ =	swait.ge [sflag:s23], $0x1  }
0xa3: {  	[sflag:s23] =	ssyncset.done $0x0  }
0xa4: {  	s25 =	simm.s32 $0x1B8E;
	s24 =	sld [smem:$0x3FFE];
	[sflag:s23] =	ssyncadd.s32 $0xFFFFFFFF  }
0xa5: {  	s26 =	simm.s32 $execute0_lowered;
	[smem:$0x3FD2] =	sst s25  }
0xa6: {  	s4 =	sshll.u32 s26, $0x1;
	_ =	strace $0x80000046;
	[dreg:$0x1] =	wrdreg $0xFFFFFFFF  }
0xa7: {  	s28 =	simm.s32 $_size_execute0_lowered;
	s2 =	sadd.s32 s2, s4;
	[dreg:$0x0] =	wrdreg $0x0  }
0xa8: {  	s4 =	sshll.u32 s28, $0x1;
	[dreg:$0x2] =	wrdreg s2  }
0xa9: {  	[dreg:$0x3] =	wrdreg s4  }
0xaa: {  	[dreg:$0x4] =	wrdreg $0xC0  }
0xab: {  	_ =	task [dreg:s6], $0x5FFFF  }
0xac: {  	[dreg:$0x1] =	wrdreg $0xFFFFFFFF  }
0xad: {  	[dreg:$0x0] =	wrdreg $0x60  }
0xae: {  	[dreg:$0x2] =	wrdreg s24  }
0xaf: {  	[dreg:$0x3] =	wrdreg $0xA000  }
0xb0: {  	[dreg:$0x4] =	wrdreg $0x9  }
0xb1: {  	_ =	task.clear_ibuf [dreg:s6], $0x5FFFF;
	_ =	strace $0x90000046  }
0xb2: {  	s29 =	simm.s32 $0x9;
	_ =	strace $0x80000048  }
0xb3: {  	_ =	swait.ge [sflag:s29], $0x1  }
0xb4: {  	[sflag:s29] =	ssyncadd.s32 $0xFFFFFFFF  }
0xb5: {  	_ =	strace $0x90000048  }
0xb6: {  	_ =	sfence  }
0xb7: {  	s30 =	sld [smem:$0x0];
	_ =	sdelay $0x2  }
0xb8: {  	s31 =	sshll.u32 s1, $0xD;
	s1 =	sshrl.u32 s1, $0x2  }
0xb9: {  	s3 =	sand.u32 $0x4000, s31;
	s1 =	sadd.s32 s1, s30  }
0xba: {  	s0 =	sor.u32 s3, s0;
	s1 =	sshll.u32 s1, $0x11  }
0xbb: {  	s0 =	sor.u32 s1, s0  }
0xbc: {  	s0 =	sadd.s32 $0x8F2B, s0  }
0xbd: {  	[sflag:s0] =	ssyncadd.remote.s32 $0x1  }
0xbe: {  	_ =	sfence.sel $0xFFFF  }
0xbf: {  	[dreg:$0x0] =	wrdreg $0xFFFFFFFF;
	(pc) =	sbr.abs _section_cstart, $3  }
0xc0: {  	[dreg:$0x1] =	wrdreg $0xFFFFFFFF  }
0xc1: {  	_ =	task.clear_ibuf [dreg:s6], $0x2FFFF;
	_ =	strace $0x9FFFFFFF  }
0xc2: {  	(tm) =	ssettm $0x7FFFFFFF  }
0xc3: {  	_ =	shalt  }
tec
execute0_lowered:
.L_overlay_start_1:
0x0: {  	(tag) =	ssettag $0x1  }
0x1: {  	s4 =	rddreg [dreg:$0x0]  }
0x2: {  	s0 =	srdreg.scid;
	s2 =	stileid.u32  }
0x3: {  	s1 =	rddreg [dreg:$0x1];
	s8 =	smul.u32 $0x186A, s2  }
0x4: {  	s3 =	simm.s32 $0x0;
	s11 =	simm.s32 $0x100;
	s9 =	smul.u32 $0xC40, s2  }
0x5: {  	s12 =	simm.s32 $0x180;
	s5 =	sand.u32 $0x1, s0;
	s10 =	smul.u32 $0x30D40, s2  }
0x6: {  	s15 =	simm.s32 $0x0;
	s0 =	rddreg [dreg:$0x2];
	s6 =	smul.u32 $0xC400, s5  }
0x7: {  	[smem:$0x7FF] =	sst s3;
	s13 =	sshll.u32 s2, $0x6;
	s7 =	smul.u32 $0x186A0, s5  }
0x8: {  	_ =	strace $0x80000047;
	s5 =	ssub.s32 $0x2, s5;
	s13 =	sor.u32 $0x1C01, s13  }
0x9: {  	s28 =	sshrl.u32 s5, $0x1;
	s30 =	sshrl.u32 s10, $0x2;
	s10 =	simm.s32 $0x80  }
0xa: {  	s7 =	sadd.s32 s8, s7;
	s6 =	sadd.s32 s6, s4;
	s29 =	ssub.s32 s5, s28  }
0xb: {  	s5 =	sadd.s32 s30, s1;
	s8 =	simm.s32 $0x200;
	s4 =	sadd.s32 s7, s4  }
0xc: {  	s31 =	sadd.s32 s9, s6;
	s6 =	smax.u32 s29, $0x1;
	s9 =	simm.s32 $0x1  }
0xd: {  	v0 =	vimm.f32 $1.000000000e+00;
	s14 =	sshrl.u32 s5, $0x3;
	s4 =	sadd.s32 $0x1C600, s4;
	s7 =	sadd.s32 $0x3E00, s31  }
.LBB2_1:
0xe: {  	s16 =	simm.s32 $0x0  }
.LBB2_2:
0xf: {  	p0 =	sne.s32 s16, $0x1FC0  }
.Ltmp0:
0x10: {  	_ = 	snop;
	(pc) =	sbr.rel @p0 .LBB2_2-.Ltmp0, $3  }
0x11: {  	_ =	sdelay $0x1  }
0x12: {  	s17 =	sshra.s32 s16, $0x2  }
0x13: {  	s16 =	sadd.s32 $0x40, s16;
	[tilespmem:s17+$0x200] =	vst v0  }
0x14: {  	s16 =	sadd.s32 $0x0, s5  }
0x15: {  	[spmem:s16] =	stream.linear.scatter [tilespmem:s8], [sflag:$0x1], $0x7D0, $0x38;
	[tilespmem:$0xCD58] =	vst v63  }
0x16: {  	s16 =	simm.s32 $0x1F40;
	_ =	swait.ge [sflag:s9], $0x7D0  }
.LBB2_4:
0x17: {  	s17 =	sshra.s32 s16, $0x2;
	[sflag:s9] =	ssyncset.done $0x0;
	p0 =	sne.s32 s16, $0x2EE00  }
.Ltmp1:
0x18: {  	s17 =	sadd.s32 s17, s5;
	[sflag:s9] =	ssyncadd.s32 $0xFFFFF830;
	(pc) =	sbr.rel @p0 .LBB2_4-.Ltmp1, $3  }
0x19: {  	[spmem:s17] =	stream.linear.scatter [tilespmem:s8], [sflag:$0x1], $0x7D0, $0x38;
	[tilespmem:$0xCD58] =	vst v63  }
0x1a: {  	s16 =	sadd.s32 $0x1F40, s16;
	_ =	sdelay $0x1  }
0x1b: {  	_ =	swait.ge [sflag:s9], $0x7D0  }
0x1c: {  	[sflag:s9] =	ssyncset.done $0x0  }
0x1d: {  	[sflag:s9] =	ssyncadd.s32 $0xFFFFF830  }
0x1e: {  	s16 =	sadd.s32 $0x0, s7;
	[bflag:$0x0] =	sbarrier.arrive $0xFFFF  }
0x1f: {  	[tilespmem:s3], [sflag:$0x1] =	stream.linear.gather [hbm4b:s16+s3], $0x200, $0x38;
	[tilespmem:$0xCD58] =	vst v63  }
0x20: {  	_ =	swait.ge [sflag:s9], $0x200  }
0x21: {  	[sflag:s9] =	ssyncset.done $0x0  }
0x22: {  	[sflag:s9] =	ssyncadd.s32 $0xFFFFFE00  }
0x23: {  	[spmem:s1] =	stream.indirect.scatter.add.f32 [tilespmem:s8], [sflag:$0x1], $0x10, s3, s10, $0xb8;
	[tilespmem:$0xCD58] =	vst v63  }
0x24: {  	_ =	swait.ge [sflag:s9], $0x800  }
0x25: {  	[sflag:s9] =	ssyncset.done $0x0  }
0x26: {  	[sflag:s9] =	ssyncadd.s32 $0xFFFFF800  }
0x27: {  	[spmem:s1] =	stream.indirect.scatter.add.f32 [tilespmem:s8], [sflag:$0x1], $0x10, s10, s10, $0xb8;
	[tilespmem:$0xCD58] =	vst v63  }
0x28: {  	_ =	swait.ge [sflag:s9], $0x800  }
0x29: {  	[sflag:s9] =	ssyncset.done $0x0  }
0x2a: {  	[sflag:s9] =	ssyncadd.s32 $0xFFFFF800  }
0x2b: {  	[spmem:s1] =	stream.indirect.scatter.add.f32 [tilespmem:s8], [sflag:$0x1], $0x10, s11, s10, $0xb8;
	[tilespmem:$0xCD58] =	vst v63  }
0x2c: {  	_ =	swait.ge [sflag:s9], $0x800  }
0x2d: {  	[sflag:s9] =	ssyncset.done $0x0  }
0x2e: {  	[sflag:s9] =	ssyncadd.s32 $0xFFFFF800  }
0x2f: {  	[spmem:s1] =	stream.indirect.scatter.add.f32 [tilespmem:s8], [sflag:$0x1], $0x10, s12, s10, $0xb8;
	[tilespmem:$0xCD58] =	vst v63  }
0x30: {  	_ =	swait.ge [sflag:s9], $0x800  }
0x31: {  	s17 =	simm.s32 $0x80;
	s16 =	simm.s32 $0x40;
	[sflag:s9] =	ssyncset.done $0x0  }
.LBB2_6:
0x32: {  	s18 =	sadd.s32 s16, s7  }
0x33: {  	[sflag:s9] =	ssyncadd.s32 $0xFFFFF800;
	s16 =	smov.u32 s17;
	s19 =	sadd.s32 $0x40, s17  }
0x34: {  	[tilespmem:s3], [sflag:$0x1] =	stream.linear.gather [hbm4b:s18+s3], $0x200, $0x38;
	[tilespmem:$0xCD58] =	vst v63  }
0x35: {  	p0 =	sne.s32 s17, $0xC00;
	_ =	swait.ge [sflag:s9], $0x200  }
0x36: {  	[sflag:s9] =	ssyncset.done $0x0  }
0x37: {  	[sflag:s9] =	ssyncadd.s32 $0xFFFFFE00  }
0x38: {  	[spmem:s1] =	stream.indirect.scatter.add.f32 [tilespmem:s8], [sflag:$0x1], $0x10, s3, s10, $0xb8;
	[tilespmem:$0xCD58] =	vst v63  }
0x39: {  	_ =	swait.ge [sflag:s9], $0x800  }
0x3a: {  	[sflag:s9] =	ssyncset.done $0x0  }
0x3b: {  	[sflag:s9] =	ssyncadd.s32 $0xFFFFF800  }
0x3c: {  	[spmem:s1] =	stream.indirect.scatter.add.f32 [tilespmem:s8], [sflag:$0x1], $0x10, s10, s10, $0xb8;
	[tilespmem:$0xCD58] =	vst v63  }
0x3d: {  	_ =	swait.ge [sflag:s9], $0x800  }
0x3e: {  	[sflag:s9] =	ssyncset.done $0x0  }
0x3f: {  	[sflag:s9] =	ssyncadd.s32 $0xFFFFF800  }
0x40: {  	[spmem:s1] =	stream.indirect.scatter.add.f32 [tilespmem:s8], [sflag:$0x1], $0x10, s11, s10, $0xb8;
	[tilespmem:$0xCD58] =	vst v63  }
0x41: {  	_ =	swait.ge [sflag:s9], $0x800  }
.Ltmp2:
0x42: {  	[sflag:s9] =	ssyncset.done $0x0;
	(pc) =	sbr.rel @p0 .LBB2_6-.Ltmp2, $4  }
0x43: {  	[sflag:s9] =	ssyncadd.s32 $0xFFFFF800  }
0x44: {  	[spmem:s1] =	stream.indirect.scatter.add.f32 [tilespmem:s8], [sflag:$0x1], $0x10, s12, s10, $0xb8;
	[tilespmem:$0xCD58] =	vst v63  }
0x45: {  	_ =	swait.ge [sflag:s9], $0x800  }
0x46: {  	s17 =	smov.u32 s19;
	[sflag:s9] =	ssyncset.done $0x0  }
0x47: {  	s16 =	sadd.s32 s16, s7;
	[sflag:s9] =	ssyncadd.s32 $0xFFFFF800  }
0x48: {  	[tilespmem:s3], [sflag:$0x1] =	stream.linear.gather [hbm4b:s16+s3], $0x200, $0x38;
	[tilespmem:$0xCD58] =	vst v63  }
0x49: {  	_ =	swait.ge [sflag:s9], $0x200  }
0x4a: {  	[sflag:s9] =	ssyncset.done $0x0  }
0x4b: {  	[sflag:s9] =	ssyncadd.s32 $0xFFFFFE00  }
0x4c: {  	[spmem:s1] =	stream.indirect.scatter.add.f32 [tilespmem:s8], [sflag:$0x1], $0x10, s3, s10, $0xb8;
	[tilespmem:$0xCD58] =	vst v63  }
0x4d: {  	_ =	swait.ge [sflag:s9], $0x800  }
0x4e: {  	[sflag:s9] =	ssyncset.done $0x0  }
0x4f: {  	[sflag:s9] =	ssyncadd.s32 $0xFFFFF800  }
0x50: {  	[spmem:s1] =	stream.indirect.scatter.add.f32 [tilespmem:s8], [sflag:$0x1], $0x10, s10, s10, $0xb8;
	[tilespmem:$0xCD58] =	vst v63  }
0x51: {  	_ =	swait.ge [sflag:s9], $0x800  }
0x52: {  	[sflag:s9] =	ssyncset.done $0x0  }
0x53: {  	[sflag:s9] =	ssyncadd.s32 $0xFFFFF800  }
0x54: {  	[spmem:s1] =	stream.indirect.scatter.add.f32 [tilespmem:s8], [sflag:$0x1], $0x10, s11, s10, $0xb8;
	[tilespmem:$0xCD58] =	vst v63  }
0x55: {  	_ =	swait.ge [sflag:s9], $0x800  }
0x56: {  	[sflag:s9] =	ssyncset.done $0x0  }
0x57: {  	[sflag:s9] =	ssyncadd.s32 $0xFFFFF800  }
0x58: {  	[spmem:s1] =	stream.indirect.scatter.add.f32 [tilespmem:s8], [sflag:$0x1], $0x10, s12, s10, $0xb8;
	[tilespmem:$0xCD58] =	vst v63  }
0x59: {  	_ =	swait.ge [sflag:s9], $0x800  }
0x5a: {  	s15 =	sadd.s32 $0x1, s15;
	[sflag:s9] =	ssyncset.done $0x0  }
0x5b: {  	p0 =	sne.s32 s15, s6;
	[sflag:s9] =	ssyncadd.s32 $0xFFFFF800  }
.Ltmp3:
0x5c: {  	[bflag:$0x0] =	sbarrier.arrive $0xFFFF;
	(pc) =	sbr.rel @p0 .LBB2_1-.Ltmp3, $4  }
0x5d: {  	[hbm:s4], [sflag:s13] =	dma.local [spmem:s14], $0x186A  }
0x5e: {  	_ =	swait.ge [sflag:s9], $0x186A  }
0x5f: {  	[sflag:s9] =	ssyncset.done $0x0  }
0x60: {  	[sflag:s9] =	ssyncadd.s32 $0xFFFFE796  }
0x61: {  	_ =	sfence.sel $0x180000  }
0x62: {  	[bflag:$0x0] =	sbarrier.arrive $0xFFFF  }
0x63: {  	p0 =	sne.s32 s2, $0x0;
	_ =	strace $0x90000047  }
0x64: {  	s0 =	sadd.s32 @!p0 $0x100000, s0;
	[bflag:$0x2] =	sbarrier.arrive $0xFFFF  }
0x65: {  	[sflag:s0] =	ssyncadd.tile.s32 @!p0 $0x1;
	_ =	shalt  }
.Lfunc_end2:
_tile_overlayer_lowered:
.L_overlay_start_2:
0x66: {  	(tag) =	ssettag $0x2  }
0x67: {  	s0 =	rddreg [dreg:$0x0];
	s2 =	stileid.u32  }
0x68: {  	s1 =	rddreg [dreg:$0x1];
	p0 =	sne.s32 s2, $0x0  }
0x69: {  	s3 =	rddreg [dreg:$0x2];
	[bflag:$0x3] =	sbarrier.arrive $0xFFFF;
	s2 =	simm.s32 @!p0 $0x1C01  }
0x6a: {  	[timem:s3], [sflag:s2] =	dma.local @!p0 [hbm:s0], s1  }
0x6b: {  	s0 =	simm.s32 @!p0 $0x1  }
0x6c: {  	_ =	swait.ge @!p0 [sflag:s0], s1  }
0x6d: {  	s1 =	ssub.s32 @!p0 $0x0, s1;
	[sflag:s0] =	ssyncset.done @!p0 $0x0  }
0x6e: {  	[sflag:s0] =	ssyncadd.s32 @!p0 s1  }
0x6f: {  	[bflag:$0x3] =	sbarrier.arrive $0xFFFF  }
0x70: {  	_ =	shalt  }

// kernel: kernel.17.cloned.1.call-start
scs
__scs_entry_jumppad:
0x0: {  	(pc) =	sbr.rel $0x88, $3  }
0x1: {  	(tag) =	ssettag $0x0;
	lr =	simm.s32 $0x1  }
0x2: {  	[smem:$0x3F94] =	sst lr;
	_ =	strace $0xD0000000  }
0x3: {  	_ = 	snop  }
0x4: {  	_ = 	snop  }
0x5: {  	_ = 	snop  }
0x6: {  	_ = 	snop  }
0x7: {  	_ = 	snop  }
__scs_overlays_trampoline_lowered:
0x8: {  	[smem:$0x3FA3] =	sst s0  }
0x9: {  	[smem:$0x3FA4] =	sst s1  }
0xa: {  	[smem:$0x3FA5] =	sst s2  }
0xb: {  	[smem:$0x3FA6] =	sst s3  }
0xc: {  	[smem:$0x3FA7] =	sst s4  }
0xd: {  	[smem:$0x3FA8] =	sst s5  }
0xe: {  	[smem:$0x3FA9] =	sst s6  }
0xf: {  	[smem:$0x3FAA] =	sst s7  }
0x10: {  	[smem:$0x3FAB] =	sst s8  }
0x11: {  	[smem:$0x3FAC] =	sst s9;
	s0 =	simm.s32 @!p0 $0x0  }
0x12: {  	s1 =	sld [smem:$0x3F92];
	s0 =	simm.s32 @p0 $0x1  }
0x13: {  	[smem:$0x3FAD] =	sst s0;
	s0 =	simm.s32 @!p1 $0x0  }
0x14: {  	s2 =	sld [smem:$0x3F91];
	s0 =	simm.s32 @p1 $0x1  }
0x15: {  	[smem:$0x3FAE] =	sst s0;
	s0 =	simm.s32 @!p2 $0x0  }
0x16: {  	s3 =	sld [smem:$0x3FDB];
	s0 =	simm.s32 @p2 $0x1  }
0x17: {  	s4 =	simm.s32 $0x1BF5;
	[smem:$0x3FB0] =	sst s0  }
0x18: {  	s0 =	sld [smem:$0x3F93];
	_ =	swait.ge [sflag:s4], $0x0  }
0x19: {  	s7 =	sld [smem:$0x3F94]  }
0x1a: {  	s8 =	sadd.s32 $0xFFFFE003, lr  }
0x1b: {  	s9 =	sadd.s32 $0xFFFFFEF7, lr;
	s5 =	simm.s32 $0xFFFFFFFF;
	p2 =	slt.u32 s8, $0xFFFFF086  }
0x1c: {  	p1 =	slt.u32 s9, $0xF7A;
	s5 =	simm.s32 @!p2 $0x0  }
0x1d: {  	s5 =	simm.s32 @p1 $0x1;
	p0 =	seq.s32 s7, s2  }
0x1e: {  	s7 =	smul.u32 @!p0 $0xF7A, s2;
	p2 =	seq.s32 @!p0 s5, $0x0  }
0x1f: {  	s9 =	smul.u32 $0xF7A, s1;
	s8 =	simm.s32 @!p0 $0x1BF5;
	p2 =	por !p2, p0  }
0x20: {  	[sflag:s8] =	ssyncset.s32 @!p0 $0xFFFFF086;
	s6 =	sadd.s32 @!p0 s3, s7;
	s7 =	simm.s32 @!p0 $0x108  }
0x21: {  	s3 =	sadd.s32 s3, s9;
	s6 =	sadd.s32 @!p0 $0x88, s6;
	s7 =	simm.s32 @p2 $0x1082  }
0x22: {  	[simem:s7], [sflag:s8] =	dma.local @!p0 [hbm:s6], $0xF7A  }
0x23: {  	s9 =	sor.u32 $0xD0000000, s2;
	s6 =	simm.s32 $0x108;
	_ =	swait.ge @!p0 [sflag:s8], $0x0  }
0x24: {  	s3 =	sadd.s32 $0x88, s3;
	s6 =	simm.s32 @!p1 $0x1082;
	[sflag:s4] =	ssyncset.s32 $0xFFFFF086  }
0x25: {  	[simem:s6], [sflag:s4] =	dma.local [hbm:s3], $0xF7A  }
0x26: {  	[smem:$0x3F94] =	sst s1;
	(tag) =	ssettag s2;
	_ =	strace s9  }
0x27: {  	s1 =	sld [smem:$0x3FA4]  }
0x28: {  	s2 =	sld [smem:$0x3FA5]  }
0x29: {  	s4 =	sld [smem:$0x3FA7]  }
0x2a: {  	p0 =	seq.s32 s5, $0x0;
	s5 =	sld [smem:$0x3FA8]  }
0x2b: {  	s6 =	sld [smem:$0x3FA9]  }
0x2c: {  	s7 =	sld [smem:$0x3FAA]  }
0x2d: {  	s3 =	simm.s32 $0x108;
	s8 =	sld [smem:$0x3FAB]  }
0x2e: {  	s3 =	simm.s32 @!p0 $0x1082;
	s9 =	sld [smem:$0x3FAC]  }
0x2f: {  	lr =	sadd.s32 s0, s3;
	s0 =	sld [smem:$0x3FA3]  }
0x30: {  	s3 =	sld [smem:$0x3FA6]  }
0x31: {  	[smem:$0x3FAF] =	sst s10  }
0x32: {  	s10 =	sld [smem:$0x3FAD];
	_ =	sdelay $0x3  }
0x33: {  	p0 =	seq.s32 s10, $0x1;
	s10 =	sld [smem:$0x3FAF];
	_ =	sdelay $0x3  }
0x34: {  	[smem:$0x3FAF] =	sst s10  }
0x35: {  	s10 =	sld [smem:$0x3FAE];
	_ =	sdelay $0x3  }
0x36: {  	p1 =	seq.s32 s10, $0x1;
	s10 =	sld [smem:$0x3FAF];
	_ =	sdelay $0x3  }
0x37: {  	[smem:$0x3FAF] =	sst s10  }
0x38: {  	s10 =	sld [smem:$0x3FB0]  }
0x39: {  	_ = 	snop;
	(pc) =	sbr.ind lr, $3  }
0x3a: {  	_ = 	snop  }
0x3b: {  	_ = 	snop  }
0x3c: {  	p2 =	seq.s32 s10, $0x1;
	s10 =	sld [smem:$0x3FAF]  }
0x3d: {  	_ =	shalt  }
0x3e: {  	_ =	shalt  }
0x3f: {  	_ =	shalt  }
0x40: {  	_ =	shalt  }
0x41: {  	_ =	shalt  }
0x42: {  	_ =	shalt  }
0x43: {  	_ =	shalt  }
0x44: {  	_ =	shalt  }
0x45: {  	_ =	shalt  }
0x46: {  	_ =	shalt  }
0x47: {  	_ =	shalt  }
0x48: {  	_ =	shalt  }
0x49: {  	_ =	shalt  }
0x4a: {  	_ =	shalt  }
0x4b: {  	_ =	shalt  }
0x4c: {  	_ =	shalt  }
0x4d: {  	_ =	shalt  }
0x4e: {  	_ =	shalt  }
0x4f: {  	_ =	shalt  }
0x50: {  	_ =	shalt  }
0x51: {  	_ =	shalt  }
0x52: {  	_ =	shalt  }
0x53: {  	_ =	shalt  }
0x54: {  	_ =	shalt  }
0x55: {  	_ =	shalt  }
0x56: {  	_ =	shalt  }
0x57: {  	_ =	shalt  }
0x58: {  	_ =	shalt  }
0x59: {  	_ =	shalt  }
0x5a: {  	_ =	shalt  }
0x5b: {  	_ =	shalt  }
0x5c: {  	_ =	shalt  }
0x5d: {  	_ =	shalt  }
0x5e: {  	_ =	shalt  }
0x5f: {  	_ =	shalt  }
0x60: {  	_ =	shalt  }
0x61: {  	_ =	shalt  }
0x62: {  	_ =	shalt  }
0x63: {  	_ =	shalt  }
0x64: {  	_ =	shalt  }
0x65: {  	_ =	shalt  }
0x66: {  	_ =	shalt  }
0x67: {  	_ =	shalt  }
0x68: {  	_ =	shalt  }
0x69: {  	_ =	shalt  }
0x6a: {  	_ =	shalt  }
0x6b: {  	_ =	shalt  }
0x6c: {  	_ =	shalt  }
0x6d: {  	_ =	shalt  }
0x6e: {  	_ =	shalt  }
0x6f: {  	_ =	shalt  }
0x70: {  	_ =	shalt  }
0x71: {  	_ =	shalt  }
0x72: {  	_ =	shalt  }
0x73: {  	_ =	shalt  }
0x74: {  	_ =	shalt  }
0x75: {  	_ =	shalt  }
0x76: {  	_ =	shalt  }
0x77: {  	_ =	shalt  }
0x78: {  	_ =	shalt  }
0x79: {  	_ =	shalt  }
0x7a: {  	_ =	shalt  }
0x7b: {  	_ =	shalt  }
0x7c: {  	_ =	shalt  }
0x7d: {  	_ =	shalt  }
0x7e: {  	_ =	shalt  }
0x7f: {  	_ =	shalt  }
0x80: {  	_ =	shalt  }
0x81: {  	_ =	shalt  }
0x82: {  	_ =	shalt  }
0x83: {  	_ =	shalt  }
0x84: {  	_ =	shalt  }
0x85: {  	_ =	shalt  }
0x86: {  	_ =	shalt  }
0x87: {  	_ =	shalt  }
.Lfunc_end0:
.L_simem_size_0:
called_computation.1_lowered:
.L_overlay_start_0:
0x88: {  	s2 =	sld [smem:$0x3FD9]  }
0x89: {  	s3 =	sld [smem:$0x3FFE];
	_ =	sdelay $0x1  }
0x8a: {  	s1 =	srdreg.scid  }
0x8b: {  	s0 =	sand.u32 $0x1, s1  }
0x8c: {  	s16 =	sshll.u32 s0, $0xA;
	s2 =	sadd.s32 s3, s2  }
0x8d: {  	s2 =	sadd.s32 s2, s16  }
0x8e: {  	[smem:$0x3FBB] =	sst s2  }
0x8f: {  	_ = 	snop  }
0x90: {  	(tm) =	ssettm $0x1  }
0x91: {  	s17 =	sld [smem:$0x3FFB];
	_ =	sdelay $0x3  }
0x92: {  	_ =	strace s17  }
0x93: {  	s2 =	sld [smem:$0x3FFC];
	_ =	sdelay $0x3  }
0x94: {  	_ =	strace s2  }
0x95: {  	s2 =	sld [smem:$0x3FFD];
	_ =	sdelay $0x3  }
0x96: {  	_ =	strace s2  }
0x97: {  	_ =	strace $0x8FFFFFFF  }
0x98: {  	s18 =	sld [smem:$0x3FDB];
	_ =	sdelay $0x1  }
0x99: {  	s19 =	simm.s32 $_scs_section_size  }
0x9a: {  	s4 =	simm.s32 $_size__tile_overlayer_lowered;
	s5 =	simm.s32 $_tile_overlayer_lowered  }
0x9b: {  	s22 =	simm.s32 $0x1BFF;
	s21 =	sshll.u32 s5, $0x1;
	s2 =	sadd.s32 s19, s18  }
0x9c: {  	s6 =	simm.s32 $0x0;
	s20 =	sshll.u32 s4, $0x1;
	s4 =	sadd.s32 s21, s2  }
0x9d: {  	[timem:s6], [sflag:s22] =	dma.local [hbm:s4], s20  }
0x9e: {  	_ =	swait.ge [sflag:s22], s20  }
0x9f: {  	s3 =	ssub.s32 $0x0, s20;
	[sflag:s22] =	ssyncset.done $0x0  }
0xa0: {  	[sflag:s22] =	ssyncadd.s32 s3;
	_ =	sdelay $0x1  }
0xa1: {  	s23 =	simm.s32 $0x1B8B  }
0xa2: {  	_ =	swait.ge [sflag:s23], $0x1  }
0xa3: {  	[sflag:s23] =	ssyncset.done $0x0  }
0xa4: {  	s25 =	simm.s32 $0x1B8E;
	s24 =	sld [smem:$0x3FFE];
	[sflag:s23] =	ssyncadd.s32 $0xFFFFFFFF  }
0xa5: {  	s26 =	simm.s32 $execute0_lowered;
	[smem:$0x3FD2] =	sst s25  }
0xa6: {  	s4 =	sshll.u32 s26, $0x1;
	_ =	strace $0x80000049;
	[dreg:$0x1] =	wrdreg $0xFFFFFFFF  }
0xa7: {  	s28 =	simm.s32 $_size_execute0_lowered;
	s2 =	sadd.s32 s2, s4;
	[dreg:$0x0] =	wrdreg $0x0  }
0xa8: {  	s4 =	sshll.u32 s28, $0x1;
	[dreg:$0x2] =	wrdreg s2  }
0xa9: {  	[dreg:$0x3] =	wrdreg s4  }
0xaa: {  	[dreg:$0x4] =	wrdreg $0xC0  }
0xab: {  	_ =	task [dreg:s6], $0x5FFFF  }
0xac: {  	[dreg:$0x1] =	wrdreg $0xFFFFFFFF  }
0xad: {  	[dreg:$0x0] =	wrdreg $0x60  }
0xae: {  	[dreg:$0x2] =	wrdreg s24  }
0xaf: {  	[dreg:$0x3] =	wrdreg $0x48000  }
0xb0: {  	[dreg:$0x4] =	wrdreg $0x9  }
0xb1: {  	_ =	task.clear_ibuf [dreg:s6], $0x5FFFF;
	_ =	strace $0x90000049  }
0xb2: {  	s29 =	simm.s32 $0x9;
	_ =	strace $0x8000004B  }
0xb3: {  	_ =	swait.ge [sflag:s29], $0x1  }
0xb4: {  	[sflag:s29] =	ssyncadd.s32 $0xFFFFFFFF  }
0xb5: {  	_ =	strace $0x9000004B  }
0xb6: {  	_ =	sfence  }
0xb7: {  	s30 =	sld [smem:$0x0];
	_ =	sdelay $0x2  }
0xb8: {  	s31 =	sshll.u32 s1, $0xD;
	s1 =	sshrl.u32 s1, $0x2  }
0xb9: {  	s3 =	sand.u32 $0x4000, s31;
	s1 =	sadd.s32 s1, s30  }
0xba: {  	s0 =	sor.u32 s3, s0;
	s1 =	sshll.u32 s1, $0x11  }
0xbb: {  	s0 =	sor.u32 s1, s0  }
0xbc: {  	s0 =	sadd.s32 $0x8F2B, s0  }
0xbd: {  	[sflag:s0] =	ssyncadd.remote.s32 $0x1  }
0xbe: {  	_ =	sfence.sel $0xFFFF  }
0xbf: {  	[dreg:$0x0] =	wrdreg $0xFFFFFFFF;
	(pc) =	sbr.abs _section_cstart, $3  }
0xc0: {  	[dreg:$0x1] =	wrdreg $0xFFFFFFFF  }
0xc1: {  	_ =	task.clear_ibuf [dreg:s6], $0x2FFFF;
	_ =	strace $0x9FFFFFFF  }
0xc2: {  	(tm) =	ssettm $0x7FFFFFFF  }
0xc3: {  	_ =	shalt  }
tec
execute0_lowered:
.L_overlay_start_1:
0x0: {  	(tag) =	ssettag $0x1  }
0x1: {  	s0 =	rddreg [dreg:$0x0]  }
0x2: {  	s1 =	rddreg [dreg:$0x1]  }
0x3: {  	s2 =	simm.s32 $0x0;
	s3 =	srdreg.scid;
	s13 =	stileid.u32  }
0x4: {  	s18 =	simm.s32 $0x100;
	s19 =	simm.s32 $0x180;
	s20 =	simm.s32 $0x280  }
0x5: {  	s21 =	simm.s32 $0x300;
	s28 =	simm.s32 $0x400;
	s29 =	simm.s32 $0x600  }
0x6: {  	s30 =	simm.s32 $0x700;
	s31 =	simm.s32 $0x780;
	[smem:$0x7FF] =	sst s2  }
0x7: {  	s3 =	sand.u32 $0x1, s3;
	s4 =	sadd.s32 $0x204E00, s0;
	s8 =	smul.u32 $0xC35, s13  }
0x8: {  	s5 =	sadd.s32 $0x4D400, s0;
	s9 =	smul.u32 $0x61A80, s13;
	s25 =	sshll.u32 s13, $0x6  }
0x9: {  	s16 =	smul.u32 $0x1880, s13;
	_ =	strace $0x8000004A;
	[dreg:$0xd] =	wrdreg s25  }
0xa: {  	s6 =	sadd.s32 $0x3E00, s0;
	s7 =	smul.u32 $0xC350, s3;
	[dreg:$0x3] =	wrdreg s18  }
0xb: {  	s22 =	ssub.s32 $0x2, s3;
	s10 =	smul.u32 $0x1880, s3;
	[dreg:$0x4] =	wrdreg s19  }
0xc: {  	s3 =	smul.u32 $0x18800, s3;
	[dreg:$0x5] =	wrdreg s20;
	s19 =	simm.s32 $0x2  }
0xd: {  	[dreg:$0x6] =	wrdreg s21;
	s20 =	simm.s32 $0x200;
	s21 =	simm.s32 $0x1  }
0xe: {  	s12 =	sshrl.u32 s22, $0x1;
	s9 =	sshrl.u32 s9, $0x2;
	s7 =	sadd.s32 s8, s7  }
0xf: {  	s8 =	ssub.s32 s22, s12;
	s23 =	sadd.s32 s9, s1;
	s17 =	sadd.s32 s3, s5  }
0x10: {  	s22 =	simm.s32 $0x380;
	s11 =	sshll.u32 s7, $0x2;
	s7 =	smul.u32 $0x188, s13  }
0x11: {  	s13 =	sadd.s32 s6, s16;
	s15 =	smax.u32 s8, $0x1;
	[dreg:$0x7] =	wrdreg s22  }
0x12: {  	s18 =	sshrl.u32 s23, $0x3;
	s23 =	simm.s32 $0x480;
	[dreg:$0x11] =	wrdreg s15  }
0x13: {  	s0 =	sadd.s32 s11, s0;
	s24 =	sadd.s32 s4, s11;
	[dreg:$0x8] =	wrdreg s23  }
0x14: {  	[dreg:$0xc] =	wrdreg s24;
	s9 =	sadd.s32 s7, s10;
	s10 =	sor.u32 $0x1C01, s25  }
0x15: {  	s22 =	simm.s32 $0x80;
	s0 =	sadd.s32 $0x266A00, s0;
	[dreg:$0xe] =	wrdreg s10  }
0x16: {  	s8 =	sadd.s32 $0x40, s13;
	s24 =	simm.s32 $0x500;
	[dreg:$0x10] =	wrdreg s0  }
0x17: {  	s23 =	simm.s32 $0x800;
	s25 =	simm.s32 $0x580;
	[dreg:$0x9] =	wrdreg s24  }
0x18: {  	s26 =	sshll.u32 s9, $0x4;
	s0 =	sadd.s32 s16, s17;
	[dreg:$0xa] =	wrdreg s25  }
0x19: {  	s24 =	simm.s32 $0x1800;
	s25 =	simm.s32 $0x2800;
	s14 =	sadd.s32 s5, s26  }
0x1a: {  	s11 =	sadd.s32 $0x40, s0;
	s26 =	simm.s32 $0x680;
	[dreg:$0xf] =	wrdreg s14  }
0x1b: {  	s0 =	simm.s32 $0x0;
	[dreg:$0xb] =	wrdreg s26;
	s26 =	simm.s32 $0x3800  }
.LBB2_1:
0x1c: {  	s3 =	rddreg [dreg:$0xc]  }
0x1d: {  	s10 =	rddreg [dreg:$0xe]  }
0x1e: {  	[spmem:s18], [sflag:s10] =	dma.local [hbm:s3], $0x30D4  }
0x1f: {  	s3 =	rddreg [dreg:$0xf]  }
0x20: {  	[tilespmem:s2], [sflag:$0x2] =	stream.linear.gather [hbm4b:s3+s2], $0x200, $0x38;
	[tilespmem:$0x1CEB0] =	vst v63  }
0x21: {  	_ =	swait.ge [sflag:s19], $0x200  }
0x22: {  	[sflag:s19] =	ssyncset.done $0x0  }
0x23: {  	[sflag:s19] =	ssyncadd.s32 $0xFFFFFE00  }
0x24: {  	[tilespmem:s20], [sflag:$0x2] =	stream.linear.gather [hbm4b:s13+s2], $0x200, $0x38;
	[tilespmem:$0x1CEB0] =	vst v63  }
0x25: {  	_ =	swait.ge [sflag:s19], $0x200  }
0x26: {  	[sflag:s19] =	ssyncset.done $0x0  }
0x27: {  	[sflag:s19] =	ssyncadd.s32 $0xFFFFFE00  }
0x28: {  	_ =	swait.ge [sflag:s21], $0x30D4  }
0x29: {  	[sflag:s21] =	ssyncset.done $0x0  }
0x2a: {  	[sflag:s21] =	ssyncadd.s32 $0xFFFFCF2C  }
0x2b: {  	[bflag:$0x0] =	sbarrier.arrive $0xFFFF  }
0x2c: {  	[tilespmem:s23], [sflag:$0x1] =	stream.indirect.gather [hbm4b:s4+s22], $0x20, s2, s22, $0xb8;
	[tilespmem:$0x1CEB0] =	vst v63  }
0x2d: {  	_ = 	snop  }
0x2e: {  	[tilespmem:s24], [sflag:$0x1] =	stream.indirect.gather [hbm4b:s4+s22], $0x20, s22, s22, $0xb8;
	[tilespmem:$0x1CEB0] =	vst v63  }
0x2f: {  	s17 =	rddreg [dreg:$0x3]  }
0x30: {  	[tilespmem:s25], [sflag:$0x1] =	stream.indirect.gather [hbm4b:s4+s22], $0x20, s17, s22, $0xb8;
	[tilespmem:$0x1CEB0] =	vst v63  }
0x31: {  	s12 =	rddreg [dreg:$0x4]  }
0x32: {  	[tilespmem:s26], [sflag:$0x1] =	stream.indirect.gather [hbm4b:s4+s22], $0x20, s12, s22, $0xb8;
	[tilespmem:$0x1CEB0] =	vst v63  }
0x33: {  	_ = 	snop  }
0x34: {  	[tilespmem:s28], [sflag:$0x2] =	stream.linear.gather [hbm4b:s11+s2], $0x200, $0x38;
	[tilespmem:$0x1CEB0] =	vst v63  }
0x35: {  	_ =	swait.ge [sflag:s19], $0x200  }
0x36: {  	[sflag:s19] =	ssyncset.done $0x0  }
0x37: {  	[sflag:s19] =	ssyncadd.s32 $0xFFFFFE00  }
0x38: {  	[tilespmem:s29], [sflag:$0x2] =	stream.linear.gather [hbm4b:s8+s2], $0x200, $0x38;
	[tilespmem:$0x1CEB0] =	vst v63  }
0x39: {  	_ =	swait.ge [sflag:s19], $0x200  }
0x3a: {  	[sflag:s19] =	ssyncset.done $0x0  }
0x3b: {  	[sflag:s19] =	ssyncadd.s32 $0xFFFFFE00  }
0x3c: {  	_ =	swait.ge [sflag:s21], $0x1000  }
0x3d: {  	[sflag:s21] =	ssyncset.done $0x0  }
0x3e: {  	[sflag:s21] =	ssyncadd.s32 $0xFFFFF000  }
0x3f: {  	[spmem:s1] =	stream.indirect.scatter.add.f32 [tilespmem:s23], [sflag:$0x2], $0x20, s20, s22, $0xb8;
	[tilespmem:$0x1CEB0] =	vst v63  }
0x40: {  	_ =	swait.ge [sflag:s19], $0x1000  }
0x41: {  	[sflag:s19] =	ssyncset.done $0x0  }
0x42: {  	[sflag:s19] =	ssyncadd.s32 $0xFFFFF000  }
0x43: {  	_ =	swait.ge [sflag:s21], $0x1000  }
0x44: {  	[sflag:s21] =	ssyncset.done $0x0  }
0x45: {  	s10 =	rddreg [dreg:$0x5];
	[sflag:s21] =	ssyncadd.s32 $0xFFFFF000  }
0x46: {  	[spmem:s1] =	stream.indirect.scatter.add.f32 [tilespmem:s24], [sflag:$0x2], $0x20, s10, s22, $0xb8;
	[tilespmem:$0x1CEB0] =	vst v63  }
0x47: {  	_ =	swait.ge [sflag:s19], $0x1000  }
0x48: {  	[sflag:s19] =	ssyncset.done $0x0  }
0x49: {  	[sflag:s19] =	ssyncadd.s32 $0xFFFFF000  }
0x4a: {  	_ =	swait.ge [sflag:s21], $0x1000  }
0x4b: {  	[sflag:s21] =	ssyncset.done $0x0  }
0x4c: {  	s12 =	rddreg [dreg:$0x6];
	[sflag:s21] =	ssyncadd.s32 $0xFFFFF000  }
0x4d: {  	[spmem:s1] =	stream.indirect.scatter.add.f32 [tilespmem:s25], [sflag:$0x2], $0x20, s12, s22, $0xb8;
	[tilespmem:$0x1CEB0] =	vst v63  }
0x4e: {  	_ =	swait.ge [sflag:s19], $0x1000  }
0x4f: {  	[sflag:s19] =	ssyncset.done $0x0  }
0x50: {  	[sflag:s19] =	ssyncadd.s32 $0xFFFFF000  }
0x51: {  	_ =	swait.ge [sflag:s21], $0x1000  }
0x52: {  	[sflag:s21] =	ssyncset.done $0x0  }
0x53: {  	s14 =	rddreg [dreg:$0x7];
	[sflag:s21] =	ssyncadd.s32 $0xFFFFF000  }
0x54: {  	[spmem:s1] =	stream.indirect.scatter.add.f32 [tilespmem:s26], [sflag:$0x2], $0x20, s14, s22, $0xb8;
	[tilespmem:$0x1CEB0] =	vst v63  }
0x55: {  	_ =	swait.ge [sflag:s19], $0x1000  }
0x56: {  	[sflag:s19] =	ssyncset.done $0x0  }
0x57: {  	s16 =	smin.u32 s2, $0x178;
	[sflag:s19] =	ssyncadd.s32 $0xFFFFF000  }
0x58: {  	[tilespmem:s23], [sflag:$0x1] =	stream.indirect.gather [hbm4b:s4+s22], $0x20, s28, s22, $0xb8;
	[tilespmem:$0x1CEB0] =	vst v63  }
0x59: {  	s16 =	sadd.s32 $0x8, s16;
	s15 =	rddreg [dreg:$0x8]  }
0x5a: {  	[tilespmem:s24], [sflag:$0x1] =	stream.indirect.gather [hbm4b:s4+s22], $0x20, s15, s22, $0xb8;
	[tilespmem:$0x1CEB0] =	vst v63  }
0x5b: {  	s14 =	sadd.s32 s9, s16;
	s17 =	rddreg [dreg:$0x9]  }
0x5c: {  	[tilespmem:s25], [sflag:$0x1] =	stream.indirect.gather [hbm4b:s4+s22], $0x20, s17, s22, $0xb8;
	[tilespmem:$0x1CEB0] =	vst v63  }
0x5d: {  	s12 =	sshll.u32 s14, $0x4;
	s10 =	rddreg [dreg:$0xa]  }
0x5e: {  	[tilespmem:s26], [sflag:$0x1] =	stream.indirect.gather [hbm4b:s4+s22], $0x20, s10, s22, $0xb8;
	[tilespmem:$0x1CEB0] =	vst v63  }
0x5f: {  	s15 =	sadd.s32 s5, s12  }
0x60: {  	[tilespmem:s2], [sflag:$0x2] =	stream.linear.gather [hbm4b:s15+s2], $0x200, $0x38;
	[tilespmem:$0x1CEB0] =	vst v63  }
0x61: {  	s16 =	sadd.s32 s7, s16;
	_ =	swait.ge [sflag:s19], $0x200  }
0x62: {  	s3 =	sshll.u32 s16, $0x4;
	[sflag:s19] =	ssyncset.done $0x0  }
0x63: {  	s3 =	sadd.s32 s6, s3;
	[sflag:s19] =	ssyncadd.s32 $0xFFFFFE00  }
0x64: {  	[tilespmem:s20], [sflag:$0x2] =	stream.linear.gather [hbm4b:s3+s2], $0x200, $0x38;
	[tilespmem:$0x1CEB0] =	vst v63  }
0x65: {  	_ =	swait.ge [sflag:s19], $0x200  }
0x66: {  	[sflag:s19] =	ssyncset.done $0x0  }
0x67: {  	[sflag:s19] =	ssyncadd.s32 $0xFFFFFE00  }
0x68: {  	_ =	swait.ge [sflag:s21], $0x1000  }
0x69: {  	[sflag:s21] =	ssyncset.done $0x0  }
0x6a: {  	[sflag:s21] =	ssyncadd.s32 $0xFFFFF000  }
0x6b: {  	[spmem:s1] =	stream.indirect.scatter.add.f32 [tilespmem:s23], [sflag:$0x2], $0x20, s29, s22, $0xb8;
	[tilespmem:$0x1CEB0] =	vst v63  }
0x6c: {  	_ =	swait.ge [sflag:s19], $0x1000  }
0x6d: {  	[sflag:s19] =	ssyncset.done $0x0  }
0x6e: {  	[sflag:s19] =	ssyncadd.s32 $0xFFFFF000  }
0x6f: {  	_ =	swait.ge [sflag:s21], $0x1000  }
0x70: {  	[sflag:s21] =	ssyncset.done $0x0  }
0x71: {  	s17 =	rddreg [dreg:$0xb];
	[sflag:s21] =	ssyncadd.s32 $0xFFFFF000  }
0x72: {  	[spmem:s1] =	stream.indirect.scatter.add.f32 [tilespmem:s24], [sflag:$0x2], $0x20, s17, s22, $0xb8;
	[tilespmem:$0x1CEB0] =	vst v63  }
0x73: {  	_ =	swait.ge [sflag:s19], $0x1000  }
0x74: {  	[sflag:s19] =	ssyncset.done $0x0  }
0x75: {  	[sflag:s19] =	ssyncadd.s32 $0xFFFFF000  }
0x76: {  	_ =	swait.ge [sflag:s21], $0x1000  }
0x77: {  	[sflag:s21] =	ssyncset.done $0x0  }
0x78: {  	[sflag:s21] =	ssyncadd.s32 $0xFFFFF000  }
0x79: {  	[spmem:s1] =	stream.indirect.scatter.add.f32 [tilespmem:s25], [sflag:$0x2], $0x20, s30, s22, $0xb8;
	[tilespmem:$0x1CEB0] =	vst v63  }
0x7a: {  	_ =	swait.ge [sflag:s19], $0x1000  }
0x7b: {  	[sflag:s19] =	ssyncset.done $0x0  }
0x7c: {  	s16 =	smov.u32 s8;
	[sflag:s19] =	ssyncadd.s32 $0xFFFFF000  }
0x7d: {  	s3 =	simm.s32 $0x8;
	s17 =	smov.u32 s11;
	_ =	swait.ge [sflag:s21], $0x1000  }
.LBB2_2:
0x7e: {  	[sflag:s21] =	ssyncset.done $0x0  }
0x7f: {  	[sflag:s21] =	ssyncadd.s32 $0xFFFFF000  }
0x80: {  	[spmem:s1] =	stream.indirect.scatter.add.f32 [tilespmem:s26], [sflag:$0x2], $0x20, s31, s22, $0xb8;
	[tilespmem:$0x1CEB0] =	vst v63  }
0x81: {  	_ =	swait.ge [sflag:s19], $0x1000  }
0x82: {  	[sflag:s19] =	ssyncset.done $0x0  }
0x83: {  	[sflag:s19] =	ssyncadd.s32 $0xFFFFF000  }
0x84: {  	[tilespmem:s23], [sflag:$0x1] =	stream.indirect.gather [hbm4b:s4+s22], $0x20, s2, s22, $0xb8;
	[tilespmem:$0x1CEB0] =	vst v63  }
0x85: {  	_ = 	snop  }
0x86: {  	[tilespmem:s24], [sflag:$0x1] =	stream.indirect.gather [hbm4b:s4+s22], $0x20, s22, s22, $0xb8;
	[tilespmem:$0x1CEB0] =	vst v63  }
0x87: {  	s14 =	rddreg [dreg:$0x3]  }
0x88: {  	[tilespmem:s25], [sflag:$0x1] =	stream.indirect.gather [hbm4b:s4+s22], $0x20, s14, s22, $0xb8;
	[tilespmem:$0x1CEB0] =	vst v63  }
0x89: {  	s15 =	rddreg [dreg:$0x4]  }
0x8a: {  	[tilespmem:s26], [sflag:$0x1] =	stream.indirect.gather [hbm4b:s4+s22], $0x20, s15, s22, $0xb8;
	[tilespmem:$0x1CEB0] =	vst v63  }
0x8b: {  	s17 =	sadd.s32 $0x80, s17  }
0x8c: {  	[tilespmem:s28], [sflag:$0x2] =	stream.linear.gather [hbm4b:s17+s2], $0x200, $0x38;
	[tilespmem:$0x1CEB0] =	vst v63  }
0x8d: {  	_ =	swait.ge [sflag:s19], $0x200  }
0x8e: {  	[sflag:s19] =	ssyncset.done $0x0  }
0x8f: {  	s16 =	sadd.s32 $0x80, s16;
	[sflag:s19] =	ssyncadd.s32 $0xFFFFFE00  }
0x90: {  	[tilespmem:s29], [sflag:$0x2] =	stream.linear.gather [hbm4b:s16+s2], $0x200, $0x38;
	[tilespmem:$0x1CEB0] =	vst v63  }
0x91: {  	_ =	swait.ge [sflag:s19], $0x200  }
0x92: {  	[sflag:s19] =	ssyncset.done $0x0  }
0x93: {  	[sflag:s19] =	ssyncadd.s32 $0xFFFFFE00  }
0x94: {  	_ =	swait.ge [sflag:s21], $0x1000  }
0x95: {  	[sflag:s21] =	ssyncset.done $0x0  }
0x96: {  	[sflag:s21] =	ssyncadd.s32 $0xFFFFF000  }
0x97: {  	[spmem:s1] =	stream.indirect.scatter.add.f32 [tilespmem:s23], [sflag:$0x2], $0x20, s20, s22, $0xb8;
	[tilespmem:$0x1CEB0] =	vst v63  }
0x98: {  	_ =	swait.ge [sflag:s19], $0x1000  }
0x99: {  	[sflag:s19] =	ssyncset.done $0x0  }
0x9a: {  	[sflag:s19] =	ssyncadd.s32 $0xFFFFF000  }
0x9b: {  	_ =	swait.ge [sflag:s21], $0x1000  }
0x9c: {  	[sflag:s21] =	ssyncset.done $0x0  }
0x9d: {  	s10 =	rddreg [dreg:$0x5];
	[sflag:s21] =	ssyncadd.s32 $0xFFFFF000  }
0x9e: {  	[spmem:s1] =	stream.indirect.scatter.add.f32 [tilespmem:s24], [sflag:$0x2], $0x20, s10, s22, $0xb8;
	[tilespmem:$0x1CEB0] =	vst v63  }
0x9f: {  	_ =	swait.ge [sflag:s19], $0x1000  }
0xa0: {  	[sflag:s19] =	ssyncset.done $0x0  }
0xa1: {  	[sflag:s19] =	ssyncadd.s32 $0xFFFFF000  }
0xa2: {  	_ =	swait.ge [sflag:s21], $0x1000  }
0xa3: {  	[sflag:s21] =	ssyncset.done $0x0  }
0xa4: {  	s15 =	rddreg [dreg:$0x6];
	[sflag:s21] =	ssyncadd.s32 $0xFFFFF000  }
0xa5: {  	[spmem:s1] =	stream.indirect.scatter.add.f32 [tilespmem:s25], [sflag:$0x2], $0x20, s15, s22, $0xb8;
	[tilespmem:$0x1CEB0] =	vst v63  }
0xa6: {  	_ =	swait.ge [sflag:s19], $0x1000  }
0xa7: {  	[sflag:s19] =	ssyncset.done $0x0  }
0xa8: {  	[sflag:s19] =	ssyncadd.s32 $0xFFFFF000  }
0xa9: {  	_ =	swait.ge [sflag:s21], $0x1000  }
0xaa: {  	[sflag:s21] =	ssyncset.done $0x0  }
0xab: {  	s10 =	rddreg [dreg:$0x7];
	[sflag:s21] =	ssyncadd.s32 $0xFFFFF000  }
0xac: {  	[spmem:s1] =	stream.indirect.scatter.add.f32 [tilespmem:s26], [sflag:$0x2], $0x20, s10, s22, $0xb8;
	[tilespmem:$0x1CEB0] =	vst v63  }
0xad: {  	_ =	swait.ge [sflag:s19], $0x1000  }
0xae: {  	s12 =	smov.u32 s3;
	[sflag:s19] =	ssyncset.done $0x0  }
0xaf: {  	s12 =	smin.u32 s12, $0x178;
	[sflag:s19] =	ssyncadd.s32 $0xFFFFF000  }
0xb0: {  	[tilespmem:s23], [sflag:$0x1] =	stream.indirect.gather [hbm4b:s4+s22], $0x20, s28, s22, $0xb8;
	[tilespmem:$0x1CEB0] =	vst v63  }
0xb1: {  	s12 =	sadd.s32 $0x8, s12;
	s15 =	rddreg [dreg:$0x8]  }
0xb2: {  	[tilespmem:s24], [sflag:$0x1] =	stream.indirect.gather [hbm4b:s4+s22], $0x20, s15, s22, $0xb8;
	[tilespmem:$0x1CEB0] =	vst v63  }
0xb3: {  	s14 =	rddreg [dreg:$0x9];
	s15 =	sadd.s32 s9, s12  }
0xb4: {  	[tilespmem:s25], [sflag:$0x1] =	stream.indirect.gather [hbm4b:s4+s22], $0x20, s14, s22, $0xb8;
	[tilespmem:$0x1CEB0] =	vst v63  }
0xb5: {  	s10 =	rddreg [dreg:$0xa];
	s15 =	sshll.u32 s15, $0x4  }
0xb6: {  	[tilespmem:s26], [sflag:$0x1] =	stream.indirect.gather [hbm4b:s4+s22], $0x20, s10, s22, $0xb8;
	[tilespmem:$0x1CEB0] =	vst v63  }
0xb7: {  	s15 =	sadd.s32 s5, s15  }
0xb8: {  	[tilespmem:s2], [sflag:$0x2] =	stream.linear.gather [hbm4b:s15+s2], $0x200, $0x38;
	[tilespmem:$0x1CEB0] =	vst v63  }
0xb9: {  	s12 =	sadd.s32 s7, s12;
	_ =	swait.ge [sflag:s19], $0x200  }
0xba: {  	s12 =	sshll.u32 s12, $0x4;
	[sflag:s19] =	ssyncset.done $0x0  }
0xbb: {  	s14 =	sadd.s32 s6, s12;
	[sflag:s19] =	ssyncadd.s32 $0xFFFFFE00  }
0xbc: {  	[tilespmem:s20], [sflag:$0x2] =	stream.linear.gather [hbm4b:s14+s2], $0x200, $0x38;
	[tilespmem:$0x1CEB0] =	vst v63  }
0xbd: {  	_ =	swait.ge [sflag:s19], $0x200  }
0xbe: {  	[sflag:s19] =	ssyncset.done $0x0  }
0xbf: {  	[sflag:s19] =	ssyncadd.s32 $0xFFFFFE00  }
0xc0: {  	_ =	swait.ge [sflag:s21], $0x1000  }
0xc1: {  	[sflag:s21] =	ssyncset.done $0x0  }
0xc2: {  	[sflag:s21] =	ssyncadd.s32 $0xFFFFF000  }
0xc3: {  	[spmem:s1] =	stream.indirect.scatter.add.f32 [tilespmem:s23], [sflag:$0x2], $0x20, s29, s22, $0xb8;
	[tilespmem:$0x1CEB0] =	vst v63  }
0xc4: {  	_ =	swait.ge [sflag:s19], $0x1000  }
0xc5: {  	[sflag:s19] =	ssyncset.done $0x0  }
0xc6: {  	[sflag:s19] =	ssyncadd.s32 $0xFFFFF000  }
0xc7: {  	_ =	swait.ge [sflag:s21], $0x1000  }
0xc8: {  	[sflag:s21] =	ssyncset.done $0x0  }
0xc9: {  	s15 =	rddreg [dreg:$0xb];
	[sflag:s21] =	ssyncadd.s32 $0xFFFFF000  }
0xca: {  	[spmem:s1] =	stream.indirect.scatter.add.f32 [tilespmem:s24], [sflag:$0x2], $0x20, s15, s22, $0xb8;
	[tilespmem:$0x1CEB0] =	vst v63  }
0xcb: {  	_ =	swait.ge [sflag:s19], $0x1000  }
0xcc: {  	[sflag:s19] =	ssyncset.done $0x0  }
0xcd: {  	[sflag:s19] =	ssyncadd.s32 $0xFFFFF000  }
0xce: {  	_ =	swait.ge [sflag:s21], $0x1000  }
0xcf: {  	[sflag:s21] =	ssyncset.done $0x0  }
0xd0: {  	p0 =	sne.s32 s3, $0x180;
	[sflag:s21] =	ssyncadd.s32 $0xFFFFF000  }
0xd1: {  	[spmem:s1] =	stream.indirect.scatter.add.f32 [tilespmem:s25], [sflag:$0x2], $0x20, s30, s22, $0xb8;
	[tilespmem:$0x1CEB0] =	vst v63  }
.Ltmp0:
0xd2: {  	_ = 	snop;
	(pc) =	sbr.rel @p0 .LBB2_2-.Ltmp0, $4  }
0xd3: {  	_ =	swait.ge [sflag:s19], $0x1000  }
0xd4: {  	[sflag:s19] =	ssyncset.done $0x0  }
0xd5: {  	[sflag:s19] =	ssyncadd.s32 $0xFFFFF000  }
0xd6: {  	s3 =	sadd.s32 $0x8, s3;
	_ =	swait.ge [sflag:s21], $0x1000  }
0xd7: {  	[sflag:s21] =	ssyncset.done $0x0  }
0xd8: {  	[sflag:s21] =	ssyncadd.s32 $0xFFFFF000  }
0xd9: {  	[spmem:s1] =	stream.indirect.scatter.add.f32 [tilespmem:s26], [sflag:$0x2], $0x20, s31, s22, $0xb8;
	[tilespmem:$0x1CEB0] =	vst v63  }
0xda: {  	_ =	swait.ge [sflag:s19], $0x1000  }
0xdb: {  	[sflag:s19] =	ssyncset.done $0x0  }
0xdc: {  	[sflag:s19] =	ssyncadd.s32 $0xFFFFF000  }
0xdd: {  	[bflag:$0x0] =	sbarrier.arrive $0xFFFF  }
0xde: {  	s3 =	rddreg [dreg:$0xd]  }
0xdf: {  	s10 =	rddreg [dreg:$0x10];
	s3 =	sor.u32 $0x1C02, s3  }
0xe0: {  	[hbm:s10], [sflag:s3] =	dma.local [spmem:s18], $0x30D4  }
0xe1: {  	_ =	swait.ge [sflag:s19], $0x30D4  }
0xe2: {  	s0 =	sadd.s32 $0x1, s0;
	s17 =	rddreg [dreg:$0x11]  }
0xe3: {  	p0 =	sne.s32 s0, s17  }
.Ltmp1:
0xe4: {  	_ = 	snop;
	(pc) =	sbr.rel @p0 .LBB2_1-.Ltmp1, $3  }
0xe5: {  	_ =	sdelay $0x1  }
0xe6: {  	[sflag:s19] =	ssyncset.done $0x0  }
0xe7: {  	[sflag:s19] =	ssyncadd.s32 $0xFFFFCF2C  }
0xe8: {  	_ =	sfence.sel $0x180000  }
0xe9: {  	[bflag:$0x0] =	sbarrier.arrive $0xFFFF  }
0xea: {  	_ =	strace $0x9000004A  }
0xeb: {  	s0 =	stileid.u32;
	[bflag:$0x2] =	sbarrier.arrive $0xFFFF  }
0xec: {  	p0 =	sne.s32 s0, $0x0;
	s0 =	rddreg [dreg:$0x2]  }
0xed: {  	s0 =	sadd.s32 @!p0 $0x100000, s0  }
0xee: {  	[sflag:s0] =	ssyncadd.tile.s32 @!p0 $0x1;
	_ =	shalt  }
.Lfunc_end2:
_tile_overlayer_lowered:
.L_overlay_start_2:
0xef: {  	(tag) =	ssettag $0x2  }
0xf0: {  	s0 =	rddreg [dreg:$0x0];
	s2 =	stileid.u32  }
0xf1: {  	s1 =	rddreg [dreg:$0x1];
	p0 =	sne.s32 s2, $0x0  }
0xf2: {  	s3 =	rddreg [dreg:$0x2];
	[bflag:$0x3] =	sbarrier.arrive $0xFFFF;
	s2 =	simm.s32 @!p0 $0x1C02  }
0xf3: {  	[timem:s3], [sflag:s2] =	dma.local @!p0 [hbm:s0], s1  }
0xf4: {  	s0 =	simm.s32 @!p0 $0x2  }
0xf5: {  	_ =	swait.ge @!p0 [sflag:s0], s1  }
0xf6: {  	s1 =	ssub.s32 @!p0 $0x0, s1;
	[sflag:s0] =	ssyncset.done @!p0 $0x0  }
0xf7: {  	[sflag:s0] =	ssyncadd.s32 @!p0 s1  }
0xf8: {  	[bflag:$0x3] =	sbarrier.arrive $0xFFFF  }
0xf9: {  	_ =	shalt  }

// kernel: kernel.20.cloned.1.call-start
scs
__scs_entry_jumppad:
0x0: {  	(pc) =	sbr.rel $0x88, $3  }
0x1: {  	(tag) =	ssettag $0x0;
	lr =	simm.s32 $0x1  }
0x2: {  	[smem:$0x3F94] =	sst lr;
	_ =	strace $0xD0000000  }
0x3: {  	_ = 	snop  }
0x4: {  	_ = 	snop  }
0x5: {  	_ = 	snop  }
0x6: {  	_ = 	snop  }
0x7: {  	_ = 	snop  }
__scs_overlays_trampoline_lowered:
0x8: {  	[smem:$0x3FA3] =	sst s0  }
0x9: {  	[smem:$0x3FA4] =	sst s1  }
0xa: {  	[smem:$0x3FA5] =	sst s2  }
0xb: {  	[smem:$0x3FA6] =	sst s3  }
0xc: {  	[smem:$0x3FA7] =	sst s4  }
0xd: {  	[smem:$0x3FA8] =	sst s5  }
0xe: {  	[smem:$0x3FA9] =	sst s6  }
0xf: {  	[smem:$0x3FAA] =	sst s7  }
0x10: {  	[smem:$0x3FAB] =	sst s8  }
0x11: {  	[smem:$0x3FAC] =	sst s9;
	s0 =	simm.s32 @!p0 $0x0  }
0x12: {  	s1 =	sld [smem:$0x3F92];
	s0 =	simm.s32 @p0 $0x1  }
0x13: {  	[smem:$0x3FAD] =	sst s0;
	s0 =	simm.s32 @!p1 $0x0  }
0x14: {  	s2 =	sld [smem:$0x3F91];
	s0 =	simm.s32 @p1 $0x1  }
0x15: {  	[smem:$0x3FAE] =	sst s0;
	s0 =	simm.s32 @!p2 $0x0  }
0x16: {  	s3 =	sld [smem:$0x3FDB];
	s0 =	simm.s32 @p2 $0x1  }
0x17: {  	s4 =	simm.s32 $0x1BF5;
	[smem:$0x3FB0] =	sst s0  }
0x18: {  	s0 =	sld [smem:$0x3F93];
	_ =	swait.ge [sflag:s4], $0x0  }
0x19: {  	s7 =	sld [smem:$0x3F94]  }
0x1a: {  	s8 =	sadd.s32 $0xFFFFE003, lr  }
0x1b: {  	s9 =	sadd.s32 $0xFFFFFEF7, lr;
	s5 =	simm.s32 $0xFFFFFFFF;
	p2 =	slt.u32 s8, $0xFFFFF086  }
0x1c: {  	p1 =	slt.u32 s9, $0xF7A;
	s5 =	simm.s32 @!p2 $0x0  }
0x1d: {  	s5 =	simm.s32 @p1 $0x1;
	p0 =	seq.s32 s7, s2  }
0x1e: {  	s7 =	smul.u32 @!p0 $0xF7A, s2;
	p2 =	seq.s32 @!p0 s5, $0x0  }
0x1f: {  	s9 =	smul.u32 $0xF7A, s1;
	s8 =	simm.s32 @!p0 $0x1BF5;
	p2 =	por !p2, p0  }
0x20: {  	[sflag:s8] =	ssyncset.s32 @!p0 $0xFFFFF086;
	s6 =	sadd.s32 @!p0 s3, s7;
	s7 =	simm.s32 @!p0 $0x108  }
0x21: {  	s3 =	sadd.s32 s3, s9;
	s6 =	sadd.s32 @!p0 $0x88, s6;
	s7 =	simm.s32 @p2 $0x1082  }
0x22: {  	[simem:s7], [sflag:s8] =	dma.local @!p0 [hbm:s6], $0xF7A  }
0x23: {  	s9 =	sor.u32 $0xD0000000, s2;
	s6 =	simm.s32 $0x108;
	_ =	swait.ge @!p0 [sflag:s8], $0x0  }
0x24: {  	s3 =	sadd.s32 $0x88, s3;
	s6 =	simm.s32 @!p1 $0x1082;
	[sflag:s4] =	ssyncset.s32 $0xFFFFF086  }
0x25: {  	[simem:s6], [sflag:s4] =	dma.local [hbm:s3], $0xF7A  }
0x26: {  	[smem:$0x3F94] =	sst s1;
	(tag) =	ssettag s2;
	_ =	strace s9  }
0x27: {  	s1 =	sld [smem:$0x3FA4]  }
0x28: {  	s2 =	sld [smem:$0x3FA5]  }
0x29: {  	s4 =	sld [smem:$0x3FA7]  }
0x2a: {  	p0 =	seq.s32 s5, $0x0;
	s5 =	sld [smem:$0x3FA8]  }
0x2b: {  	s6 =	sld [smem:$0x3FA9]  }
0x2c: {  	s7 =	sld [smem:$0x3FAA]  }
0x2d: {  	s3 =	simm.s32 $0x108;
	s8 =	sld [smem:$0x3FAB]  }
0x2e: {  	s3 =	simm.s32 @!p0 $0x1082;
	s9 =	sld [smem:$0x3FAC]  }
0x2f: {  	lr =	sadd.s32 s0, s3;
	s0 =	sld [smem:$0x3FA3]  }
0x30: {  	s3 =	sld [smem:$0x3FA6]  }
0x31: {  	[smem:$0x3FAF] =	sst s10  }
0x32: {  	s10 =	sld [smem:$0x3FAD];
	_ =	sdelay $0x3  }
0x33: {  	p0 =	seq.s32 s10, $0x1;
	s10 =	sld [smem:$0x3FAF];
	_ =	sdelay $0x3  }
0x34: {  	[smem:$0x3FAF] =	sst s10  }
0x35: {  	s10 =	sld [smem:$0x3FAE];
	_ =	sdelay $0x3  }
0x36: {  	p1 =	seq.s32 s10, $0x1;
	s10 =	sld [smem:$0x3FAF];
	_ =	sdelay $0x3  }
0x37: {  	[smem:$0x3FAF] =	sst s10  }
0x38: {  	s10 =	sld [smem:$0x3FB0]  }
0x39: {  	_ = 	snop;
	(pc) =	sbr.ind lr, $3  }
0x3a: {  	_ = 	snop  }
0x3b: {  	_ = 	snop  }
0x3c: {  	p2 =	seq.s32 s10, $0x1;
	s10 =	sld [smem:$0x3FAF]  }
0x3d: {  	_ =	shalt  }
0x3e: {  	_ =	shalt  }
0x3f: {  	_ =	shalt  }
0x40: {  	_ =	shalt  }
0x41: {  	_ =	shalt  }
0x42: {  	_ =	shalt  }
0x43: {  	_ =	shalt  }
0x44: {  	_ =	shalt  }
0x45: {  	_ =	shalt  }
0x46: {  	_ =	shalt  }
0x47: {  	_ =	shalt  }
0x48: {  	_ =	shalt  }
0x49: {  	_ =	shalt  }
0x4a: {  	_ =	shalt  }
0x4b: {  	_ =	shalt  }
0x4c: {  	_ =	shalt  }
0x4d: {  	_ =	shalt  }
0x4e: {  	_ =	shalt  }
0x4f: {  	_ =	shalt  }
0x50: {  	_ =	shalt  }
0x51: {  	_ =	shalt  }
0x52: {  	_ =	shalt  }
0x53: {  	_ =	shalt  }
0x54: {  	_ =	shalt  }
0x55: {  	_ =	shalt  }
0x56: {  	_ =	shalt  }
0x57: {  	_ =	shalt  }
0x58: {  	_ =	shalt  }
0x59: {  	_ =	shalt  }
0x5a: {  	_ =	shalt  }
0x5b: {  	_ =	shalt  }
0x5c: {  	_ =	shalt  }
0x5d: {  	_ =	shalt  }
0x5e: {  	_ =	shalt  }
0x5f: {  	_ =	shalt  }
0x60: {  	_ =	shalt  }
0x61: {  	_ =	shalt  }
0x62: {  	_ =	shalt  }
0x63: {  	_ =	shalt  }
0x64: {  	_ =	shalt  }
0x65: {  	_ =	shalt  }
0x66: {  	_ =	shalt  }
0x67: {  	_ =	shalt  }
0x68: {  	_ =	shalt  }
0x69: {  	_ =	shalt  }
0x6a: {  	_ =	shalt  }
0x6b: {  	_ =	shalt  }
0x6c: {  	_ =	shalt  }
0x6d: {  	_ =	shalt  }
0x6e: {  	_ =	shalt  }
0x6f: {  	_ =	shalt  }
0x70: {  	_ =	shalt  }
0x71: {  	_ =	shalt  }
0x72: {  	_ =	shalt  }
0x73: {  	_ =	shalt  }
0x74: {  	_ =	shalt  }
0x75: {  	_ =	shalt  }
0x76: {  	_ =	shalt  }
0x77: {  	_ =	shalt  }
0x78: {  	_ =	shalt  }
0x79: {  	_ =	shalt  }
0x7a: {  	_ =	shalt  }
0x7b: {  	_ =	shalt  }
0x7c: {  	_ =	shalt  }
0x7d: {  	_ =	shalt  }
0x7e: {  	_ =	shalt  }
0x7f: {  	_ =	shalt  }
0x80: {  	_ =	shalt  }
0x81: {  	_ =	shalt  }
0x82: {  	_ =	shalt  }
0x83: {  	_ =	shalt  }
0x84: {  	_ =	shalt  }
0x85: {  	_ =	shalt  }
0x86: {  	_ =	shalt  }
0x87: {  	_ =	shalt  }
.Lfunc_end0:
.L_simem_size_0:
called_computation.2_lowered:
.L_overlay_start_0:
0x88: {  	s2 =	sld [smem:$0x3FD9]  }
0x89: {  	s3 =	sld [smem:$0x3FFE];
	_ =	sdelay $0x1  }
0x8a: {  	s1 =	srdreg.scid  }
0x8b: {  	s0 =	sand.u32 $0x1, s1  }
0x8c: {  	s16 =	sshll.u32 s0, $0xA;
	s2 =	sadd.s32 s3, s2  }
0x8d: {  	s2 =	sadd.s32 s2, s16  }
0x8e: {  	[smem:$0x3FBB] =	sst s2  }
0x8f: {  	_ = 	snop  }
0x90: {  	(tm) =	ssettm $0x1  }
0x91: {  	s17 =	sld [smem:$0x3FFB];
	_ =	sdelay $0x3  }
0x92: {  	_ =	strace s17  }
0x93: {  	s2 =	sld [smem:$0x3FFC];
	_ =	sdelay $0x3  }
0x94: {  	_ =	strace s2  }
0x95: {  	s2 =	sld [smem:$0x3FFD];
	_ =	sdelay $0x3  }
0x96: {  	_ =	strace s2  }
0x97: {  	_ =	strace $0x8FFFFFFF  }
0x98: {  	s18 =	sld [smem:$0x3FDB];
	_ =	sdelay $0x1  }
0x99: {  	s19 =	simm.s32 $_scs_section_size  }
0x9a: {  	s4 =	simm.s32 $_size__tile_overlayer_lowered;
	s5 =	simm.s32 $_tile_overlayer_lowered  }
0x9b: {  	s22 =	simm.s32 $0x1BFF;
	s21 =	sshll.u32 s5, $0x1;
	s2 =	sadd.s32 s19, s18  }
0x9c: {  	s6 =	simm.s32 $0x0;
	s20 =	sshll.u32 s4, $0x1;
	s4 =	sadd.s32 s21, s2  }
0x9d: {  	[timem:s6], [sflag:s22] =	dma.local [hbm:s4], s20  }
0x9e: {  	_ =	swait.ge [sflag:s22], s20  }
0x9f: {  	s3 =	ssub.s32 $0x0, s20;
	[sflag:s22] =	ssyncset.done $0x0  }
0xa0: {  	[sflag:s22] =	ssyncadd.s32 s3;
	_ =	sdelay $0x1  }
0xa1: {  	s23 =	simm.s32 $0x1B8B  }
0xa2: {  	_ =	swait.ge [sflag:s23], $0x1  }
0xa3: {  	[sflag:s23] =	ssyncset.done $0x0  }
0xa4: {  	s25 =	simm.s32 $0x1B8E;
	s24 =	sld [smem:$0x3FFE];
	[sflag:s23] =	ssyncadd.s32 $0xFFFFFFFF  }
0xa5: {  	s26 =	simm.s32 $execute0_lowered;
	[smem:$0x3FD2] =	sst s25  }
0xa6: {  	s4 =	sshll.u32 s26, $0x1;
	_ =	strace $0x8000004C;
	[dreg:$0x1] =	wrdreg $0xFFFFFFFF  }
0xa7: {  	s28 =	simm.s32 $_size_execute0_lowered;
	s2 =	sadd.s32 s2, s4;
	[dreg:$0x0] =	wrdreg $0x0  }
0xa8: {  	s4 =	sshll.u32 s28, $0x1;
	[dreg:$0x2] =	wrdreg s2  }
0xa9: {  	[dreg:$0x3] =	wrdreg s4  }
0xaa: {  	[dreg:$0x4] =	wrdreg $0xC0  }
0xab: {  	_ =	task [dreg:s6], $0x5FFFF  }
0xac: {  	[dreg:$0x1] =	wrdreg $0xFFFFFFFF  }
0xad: {  	[dreg:$0x0] =	wrdreg $0x60  }
0xae: {  	[dreg:$0x2] =	wrdreg s24  }
0xaf: {  	[dreg:$0x3] =	wrdreg $0x48000  }
0xb0: {  	[dreg:$0x4] =	wrdreg $0x9  }
0xb1: {  	_ =	task.clear_ibuf [dreg:s6], $0x5FFFF;
	_ =	strace $0x9000004C  }
0xb2: {  	s29 =	simm.s32 $0x9;
	_ =	strace $0x8000004E  }
0xb3: {  	_ =	swait.ge [sflag:s29], $0x1  }
0xb4: {  	[sflag:s29] =	ssyncadd.s32 $0xFFFFFFFF  }
0xb5: {  	_ =	strace $0x9000004E  }
0xb6: {  	_ =	sfence  }
0xb7: {  	s30 =	sld [smem:$0x0];
	_ =	sdelay $0x2  }
0xb8: {  	s31 =	sshll.u32 s1, $0xD;
	s1 =	sshrl.u32 s1, $0x2  }
0xb9: {  	s3 =	sand.u32 $0x4000, s31;
	s1 =	sadd.s32 s1, s30  }
0xba: {  	s0 =	sor.u32 s3, s0;
	s1 =	sshll.u32 s1, $0x11  }
0xbb: {  	s0 =	sor.u32 s1, s0  }
0xbc: {  	s0 =	sadd.s32 $0x8F2B, s0  }
0xbd: {  	[sflag:s0] =	ssyncadd.remote.s32 $0x1  }
0xbe: {  	_ =	sfence.sel $0xFFFF  }
0xbf: {  	[dreg:$0x0] =	wrdreg $0xFFFFFFFF;
	(pc) =	sbr.abs _section_cstart, $3  }
0xc0: {  	[dreg:$0x1] =	wrdreg $0xFFFFFFFF  }
0xc1: {  	_ =	task.clear_ibuf [dreg:s6], $0x2FFFF;
	_ =	strace $0x9FFFFFFF  }
0xc2: {  	(tm) =	ssettm $0x7FFFFFFF  }
0xc3: {  	_ =	shalt  }
tec
execute0_lowered:
.L_overlay_start_1:
0x0: {  	(tag) =	ssettag $0x1  }
0x1: {  	s0 =	rddreg [dreg:$0x0]  }
0x2: {  	s1 =	rddreg [dreg:$0x1]  }
0x3: {  	s3 =	simm.s32 $0x0;
	s2 =	srdreg.scid;
	s13 =	stileid.u32  }
0x4: {  	s18 =	simm.s32 $0x100;
	s19 =	simm.s32 $0x180;
	s20 =	simm.s32 $0x280  }
0x5: {  	s21 =	simm.s32 $0x300;
	s28 =	simm.s32 $0x400;
	s29 =	simm.s32 $0x600  }
0x6: {  	s30 =	simm.s32 $0x700;
	s31 =	simm.s32 $0x780;
	[smem:$0x7FF] =	sst s3  }
0x7: {  	s2 =	sand.u32 $0x1, s2;
	s4 =	sadd.s32 $0x7E400, s0;
	s8 =	smul.u32 $0xC35, s13  }
0x8: {  	s5 =	sadd.s32 $0x4D400, s0;
	s9 =	smul.u32 $0x61A80, s13;
	s25 =	sshll.u32 s13, $0x6  }
0x9: {  	s16 =	smul.u32 $0x1880, s13;
	_ =	strace $0x8000004D;
	[dreg:$0xd] =	wrdreg s25  }
0xa: {  	s6 =	sadd.s32 $0x3E00, s0;
	s7 =	smul.u32 $0xC350, s2;
	[dreg:$0x3] =	wrdreg s18  }
0xb: {  	s22 =	ssub.s32 $0x2, s2;
	s10 =	smul.u32 $0x1880, s2;
	[dreg:$0x4] =	wrdreg s19  }
0xc: {  	s2 =	smul.u32 $0x18800, s2;
	[dreg:$0x5] =	wrdreg s20;
	s19 =	simm.s32 $0x2  }
0xd: {  	[dreg:$0x6] =	wrdreg s21;
	s20 =	simm.s32 $0x200;
	s21 =	simm.s32 $0x1  }
0xe: {  	s12 =	sshrl.u32 s22, $0x1;
	s9 =	sshrl.u32 s9, $0x2;
	s7 =	sadd.s32 s8, s7  }
0xf: {  	s8 =	ssub.s32 s22, s12;
	s23 =	sadd.s32 s9, s1;
	s17 =	sadd.s32 s2, s5  }
0x10: {  	s22 =	simm.s32 $0x380;
	s11 =	sshll.u32 s7, $0x2;
	s7 =	smul.u32 $0x188, s13  }
0x11: {  	s13 =	sadd.s32 s6, s16;
	s15 =	smax.u32 s8, $0x1;
	[dreg:$0x7] =	wrdreg s22  }
0x12: {  	s18 =	sshrl.u32 s23, $0x3;
	s23 =	simm.s32 $0x480;
	[dreg:$0x11] =	wrdreg s15  }
0x13: {  	s0 =	sadd.s32 s11, s0;
	s24 =	sadd.s32 s4, s11;
	[dreg:$0x8] =	wrdreg s23  }
0x14: {  	[dreg:$0xc] =	wrdreg s24;
	s9 =	sadd.s32 s7, s10;
	s10 =	sor.u32 $0x1C01, s25  }
0x15: {  	s22 =	simm.s32 $0x80;
	s0 =	sadd.s32 $0xE0000, s0;
	[dreg:$0xe] =	wrdreg s10  }
0x16: {  	s8 =	sadd.s32 $0x40, s13;
	s24 =	simm.s32 $0x500;
	[dreg:$0x10] =	wrdreg s0  }
0x17: {  	s23 =	simm.s32 $0x800;
	s25 =	simm.s32 $0x580;
	[dreg:$0x9] =	wrdreg s24  }
0x18: {  	s26 =	sshll.u32 s9, $0x4;
	s0 =	sadd.s32 s16, s17;
	[dreg:$0xa] =	wrdreg s25  }
0x19: {  	s24 =	simm.s32 $0x1800;
	s25 =	simm.s32 $0x2800;
	s14 =	sadd.s32 s5, s26  }
0x1a: {  	s11 =	sadd.s32 $0x40, s0;
	s26 =	simm.s32 $0x680;
	[dreg:$0xf] =	wrdreg s14  }
0x1b: {  	s0 =	simm.s32 $0x0;
	[dreg:$0xb] =	wrdreg s26;
	s26 =	simm.s32 $0x3800  }
.LBB2_1:
0x1c: {  	s2 =	rddreg [dreg:$0xc]  }
0x1d: {  	s10 =	rddreg [dreg:$0xe]  }
0x1e: {  	[spmem:s18], [sflag:s10] =	dma.local [hbm:s2], $0x30D4  }
0x1f: {  	s2 =	rddreg [dreg:$0xf]  }
0x20: {  	[tilespmem:s3], [sflag:$0x2] =	stream.linear.gather [hbm4b:s2+s3], $0x200, $0x38;
	[tilespmem:$0x1CEB0] =	vst v63  }
0x21: {  	_ =	swait.ge [sflag:s19], $0x200  }
0x22: {  	[sflag:s19] =	ssyncset.done $0x0  }
0x23: {  	[sflag:s19] =	ssyncadd.s32 $0xFFFFFE00  }
0x24: {  	[tilespmem:s20], [sflag:$0x2] =	stream.linear.gather [hbm4b:s13+s3], $0x200, $0x38;
	[tilespmem:$0x1CEB0] =	vst v63  }
0x25: {  	_ =	swait.ge [sflag:s19], $0x200  }
0x26: {  	[sflag:s19] =	ssyncset.done $0x0  }
0x27: {  	[sflag:s19] =	ssyncadd.s32 $0xFFFFFE00  }
0x28: {  	_ =	swait.ge [sflag:s21], $0x30D4  }
0x29: {  	[sflag:s21] =	ssyncset.done $0x0  }
0x2a: {  	[sflag:s21] =	ssyncadd.s32 $0xFFFFCF2C  }
0x2b: {  	[bflag:$0x0] =	sbarrier.arrive $0xFFFF  }
0x2c: {  	[tilespmem:s23], [sflag:$0x1] =	stream.indirect.gather [hbm4b:s4+s22], $0x20, s3, s22, $0xb8;
	[tilespmem:$0x1CEB0] =	vst v63  }
0x2d: {  	_ = 	snop  }
0x2e: {  	[tilespmem:s24], [sflag:$0x1] =	stream.indirect.gather [hbm4b:s4+s22], $0x20, s22, s22, $0xb8;
	[tilespmem:$0x1CEB0] =	vst v63  }
0x2f: {  	s17 =	rddreg [dreg:$0x3]  }
0x30: {  	[tilespmem:s25], [sflag:$0x1] =	stream.indirect.gather [hbm4b:s4+s22], $0x20, s17, s22, $0xb8;
	[tilespmem:$0x1CEB0] =	vst v63  }
0x31: {  	s12 =	rddreg [dreg:$0x4]  }
0x32: {  	[tilespmem:s26], [sflag:$0x1] =	stream.indirect.gather [hbm4b:s4+s22], $0x20, s12, s22, $0xb8;
	[tilespmem:$0x1CEB0] =	vst v63  }
0x33: {  	_ = 	snop  }
0x34: {  	[tilespmem:s28], [sflag:$0x2] =	stream.linear.gather [hbm4b:s11+s3], $0x200, $0x38;
	[tilespmem:$0x1CEB0] =	vst v63  }
0x35: {  	_ =	swait.ge [sflag:s19], $0x200  }
0x36: {  	[sflag:s19] =	ssyncset.done $0x0  }
0x37: {  	[sflag:s19] =	ssyncadd.s32 $0xFFFFFE00  }
0x38: {  	[tilespmem:s29], [sflag:$0x2] =	stream.linear.gather [hbm4b:s8+s3], $0x200, $0x38;
	[tilespmem:$0x1CEB0] =	vst v63  }
0x39: {  	_ =	swait.ge [sflag:s19], $0x200  }
0x3a: {  	[sflag:s19] =	ssyncset.done $0x0  }
0x3b: {  	[sflag:s19] =	ssyncadd.s32 $0xFFFFFE00  }
0x3c: {  	_ =	swait.ge [sflag:s21], $0x1000  }
0x3d: {  	[sflag:s21] =	ssyncset.done $0x0  }
0x3e: {  	[sflag:s21] =	ssyncadd.s32 $0xFFFFF000  }
0x3f: {  	[spmem:s1] =	stream.indirect.scatter.add.f32 [tilespmem:s23], [sflag:$0x2], $0x20, s20, s22, $0xb8;
	[tilespmem:$0x1CEB0] =	vst v63  }
0x40: {  	_ =	swait.ge [sflag:s19], $0x1000  }
0x41: {  	[sflag:s19] =	ssyncset.done $0x0  }
0x42: {  	[sflag:s19] =	ssyncadd.s32 $0xFFFFF000  }
0x43: {  	_ =	swait.ge [sflag:s21], $0x1000  }
0x44: {  	[sflag:s21] =	ssyncset.done $0x0  }
0x45: {  	s10 =	rddreg [dreg:$0x5];
	[sflag:s21] =	ssyncadd.s32 $0xFFFFF000  }
0x46: {  	[spmem:s1] =	stream.indirect.scatter.add.f32 [tilespmem:s24], [sflag:$0x2], $0x20, s10, s22, $0xb8;
	[tilespmem:$0x1CEB0] =	vst v63  }
0x47: {  	_ =	swait.ge [sflag:s19], $0x1000  }
0x48: {  	[sflag:s19] =	ssyncset.done $0x0  }
0x49: {  	[sflag:s19] =	ssyncadd.s32 $0xFFFFF000  }
0x4a: {  	_ =	swait.ge [sflag:s21], $0x1000  }
0x4b: {  	[sflag:s21] =	ssyncset.done $0x0  }
0x4c: {  	s12 =	rddreg [dreg:$0x6];
	[sflag:s21] =	ssyncadd.s32 $0xFFFFF000  }
0x4d: {  	[spmem:s1] =	stream.indirect.scatter.add.f32 [tilespmem:s25], [sflag:$0x2], $0x20, s12, s22, $0xb8;
	[tilespmem:$0x1CEB0] =	vst v63  }
0x4e: {  	_ =	swait.ge [sflag:s19], $0x1000  }
0x4f: {  	[sflag:s19] =	ssyncset.done $0x0  }
0x50: {  	[sflag:s19] =	ssyncadd.s32 $0xFFFFF000  }
0x51: {  	_ =	swait.ge [sflag:s21], $0x1000  }
0x52: {  	[sflag:s21] =	ssyncset.done $0x0  }
0x53: {  	s14 =	rddreg [dreg:$0x7];
	[sflag:s21] =	ssyncadd.s32 $0xFFFFF000  }
0x54: {  	[spmem:s1] =	stream.indirect.scatter.add.f32 [tilespmem:s26], [sflag:$0x2], $0x20, s14, s22, $0xb8;
	[tilespmem:$0x1CEB0] =	vst v63  }
0x55: {  	_ =	swait.ge [sflag:s19], $0x1000  }
0x56: {  	[sflag:s19] =	ssyncset.done $0x0  }
0x57: {  	s16 =	smin.u32 s3, $0x178;
	[sflag:s19] =	ssyncadd.s32 $0xFFFFF000  }
0x58: {  	[tilespmem:s23], [sflag:$0x1] =	stream.indirect.gather [hbm4b:s4+s22], $0x20, s28, s22, $0xb8;
	[tilespmem:$0x1CEB0] =	vst v63  }
0x59: {  	s16 =	sadd.s32 $0x8, s16;
	s15 =	rddreg [dreg:$0x8]  }
0x5a: {  	[tilespmem:s24], [sflag:$0x1] =	stream.indirect.gather [hbm4b:s4+s22], $0x20, s15, s22, $0xb8;
	[tilespmem:$0x1CEB0] =	vst v63  }
0x5b: {  	s14 =	sadd.s32 s9, s16;
	s17 =	rddreg [dreg:$0x9]  }
0x5c: {  	[tilespmem:s25], [sflag:$0x1] =	stream.indirect.gather [hbm4b:s4+s22], $0x20, s17, s22, $0xb8;
	[tilespmem:$0x1CEB0] =	vst v63  }
0x5d: {  	s12 =	sshll.u32 s14, $0x4;
	s10 =	rddreg [dreg:$0xa]  }
0x5e: {  	[tilespmem:s26], [sflag:$0x1] =	stream.indirect.gather [hbm4b:s4+s22], $0x20, s10, s22, $0xb8;
	[tilespmem:$0x1CEB0] =	vst v63  }
0x5f: {  	s15 =	sadd.s32 s5, s12  }
0x60: {  	[tilespmem:s3], [sflag:$0x2] =	stream.linear.gather [hbm4b:s15+s3], $0x200, $0x38;
	[tilespmem:$0x1CEB0] =	vst v63  }
0x61: {  	s16 =	sadd.s32 s7, s16;
	_ =	swait.ge [sflag:s19], $0x200  }
0x62: {  	s2 =	sshll.u32 s16, $0x4;
	[sflag:s19] =	ssyncset.done $0x0  }
0x63: {  	s2 =	sadd.s32 s6, s2;
	[sflag:s19] =	ssyncadd.s32 $0xFFFFFE00  }
0x64: {  	[tilespmem:s20], [sflag:$0x2] =	stream.linear.gather [hbm4b:s2+s3], $0x200, $0x38;
	[tilespmem:$0x1CEB0] =	vst v63  }
0x65: {  	_ =	swait.ge [sflag:s19], $0x200  }
0x66: {  	[sflag:s19] =	ssyncset.done $0x0  }
0x67: {  	[sflag:s19] =	ssyncadd.s32 $0xFFFFFE00  }
0x68: {  	_ =	swait.ge [sflag:s21], $0x1000  }
0x69: {  	[sflag:s21] =	ssyncset.done $0x0  }
0x6a: {  	[sflag:s21] =	ssyncadd.s32 $0xFFFFF000  }
0x6b: {  	[spmem:s1] =	stream.indirect.scatter.add.f32 [tilespmem:s23], [sflag:$0x2], $0x20, s29, s22, $0xb8;
	[tilespmem:$0x1CEB0] =	vst v63  }
0x6c: {  	_ =	swait.ge [sflag:s19], $0x1000  }
0x6d: {  	[sflag:s19] =	ssyncset.done $0x0  }
0x6e: {  	[sflag:s19] =	ssyncadd.s32 $0xFFFFF000  }
0x6f: {  	_ =	swait.ge [sflag:s21], $0x1000  }
0x70: {  	[sflag:s21] =	ssyncset.done $0x0  }
0x71: {  	s17 =	rddreg [dreg:$0xb];
	[sflag:s21] =	ssyncadd.s32 $0xFFFFF000  }
0x72: {  	[spmem:s1] =	stream.indirect.scatter.add.f32 [tilespmem:s24], [sflag:$0x2], $0x20, s17, s22, $0xb8;
	[tilespmem:$0x1CEB0] =	vst v63  }
0x73: {  	_ =	swait.ge [sflag:s19], $0x1000  }
0x74: {  	[sflag:s19] =	ssyncset.done $0x0  }
0x75: {  	[sflag:s19] =	ssyncadd.s32 $0xFFFFF000  }
0x76: {  	_ =	swait.ge [sflag:s21], $0x1000  }
0x77: {  	[sflag:s21] =	ssyncset.done $0x0  }
0x78: {  	[sflag:s21] =	ssyncadd.s32 $0xFFFFF000  }
0x79: {  	[spmem:s1] =	stream.indirect.scatter.add.f32 [tilespmem:s25], [sflag:$0x2], $0x20, s30, s22, $0xb8;
	[tilespmem:$0x1CEB0] =	vst v63  }
0x7a: {  	_ =	swait.ge [sflag:s19], $0x1000  }
0x7b: {  	[sflag:s19] =	ssyncset.done $0x0  }
0x7c: {  	s16 =	smov.u32 s8;
	[sflag:s19] =	ssyncadd.s32 $0xFFFFF000  }
0x7d: {  	s2 =	simm.s32 $0x8;
	s17 =	smov.u32 s11;
	_ =	swait.ge [sflag:s21], $0x1000  }
.LBB2_2:
0x7e: {  	[sflag:s21] =	ssyncset.done $0x0  }
0x7f: {  	[sflag:s21] =	ssyncadd.s32 $0xFFFFF000  }
0x80: {  	[spmem:s1] =	stream.indirect.scatter.add.f32 [tilespmem:s26], [sflag:$0x2], $0x20, s31, s22, $0xb8;
	[tilespmem:$0x1CEB0] =	vst v63  }
0x81: {  	_ =	swait.ge [sflag:s19], $0x1000  }
0x82: {  	[sflag:s19] =	ssyncset.done $0x0  }
0x83: {  	[sflag:s19] =	ssyncadd.s32 $0xFFFFF000  }
0x84: {  	[tilespmem:s23], [sflag:$0x1] =	stream.indirect.gather [hbm4b:s4+s22], $0x20, s3, s22, $0xb8;
	[tilespmem:$0x1CEB0] =	vst v63  }
0x85: {  	_ = 	snop  }
0x86: {  	[tilespmem:s24], [sflag:$0x1] =	stream.indirect.gather [hbm4b:s4+s22], $0x20, s22, s22, $0xb8;
	[tilespmem:$0x1CEB0] =	vst v63  }
0x87: {  	s14 =	rddreg [dreg:$0x3]  }
0x88: {  	[tilespmem:s25], [sflag:$0x1] =	stream.indirect.gather [hbm4b:s4+s22], $0x20, s14, s22, $0xb8;
	[tilespmem:$0x1CEB0] =	vst v63  }
0x89: {  	s15 =	rddreg [dreg:$0x4]  }
0x8a: {  	[tilespmem:s26], [sflag:$0x1] =	stream.indirect.gather [hbm4b:s4+s22], $0x20, s15, s22, $0xb8;
	[tilespmem:$0x1CEB0] =	vst v63  }
0x8b: {  	s17 =	sadd.s32 $0x80, s17  }
0x8c: {  	[tilespmem:s28], [sflag:$0x2] =	stream.linear.gather [hbm4b:s17+s3], $0x200, $0x38;
	[tilespmem:$0x1CEB0] =	vst v63  }
0x8d: {  	_ =	swait.ge [sflag:s19], $0x200  }
0x8e: {  	[sflag:s19] =	ssyncset.done $0x0  }
0x8f: {  	s16 =	sadd.s32 $0x80, s16;
	[sflag:s19] =	ssyncadd.s32 $0xFFFFFE00  }
0x90: {  	[tilespmem:s29], [sflag:$0x2] =	stream.linear.gather [hbm4b:s16+s3], $0x200, $0x38;
	[tilespmem:$0x1CEB0] =	vst v63  }
0x91: {  	_ =	swait.ge [sflag:s19], $0x200  }
0x92: {  	[sflag:s19] =	ssyncset.done $0x0  }
0x93: {  	[sflag:s19] =	ssyncadd.s32 $0xFFFFFE00  }
0x94: {  	_ =	swait.ge [sflag:s21], $0x1000  }
0x95: {  	[sflag:s21] =	ssyncset.done $0x0  }
0x96: {  	[sflag:s21] =	ssyncadd.s32 $0xFFFFF000  }
0x97: {  	[spmem:s1] =	stream.indirect.scatter.add.f32 [tilespmem:s23], [sflag:$0x2], $0x20, s20, s22, $0xb8;
	[tilespmem:$0x1CEB0] =	vst v63  }
0x98: {  	_ =	swait.ge [sflag:s19], $0x1000  }
0x99: {  	[sflag:s19] =	ssyncset.done $0x0  }
0x9a: {  	[sflag:s19] =	ssyncadd.s32 $0xFFFFF000  }
0x9b: {  	_ =	swait.ge [sflag:s21], $0x1000  }
0x9c: {  	[sflag:s21] =	ssyncset.done $0x0  }
0x9d: {  	s10 =	rddreg [dreg:$0x5];
	[sflag:s21] =	ssyncadd.s32 $0xFFFFF000  }
0x9e: {  	[spmem:s1] =	stream.indirect.scatter.add.f32 [tilespmem:s24], [sflag:$0x2], $0x20, s10, s22, $0xb8;
	[tilespmem:$0x1CEB0] =	vst v63  }
0x9f: {  	_ =	swait.ge [sflag:s19], $0x1000  }
0xa0: {  	[sflag:s19] =	ssyncset.done $0x0  }
0xa1: {  	[sflag:s19] =	ssyncadd.s32 $0xFFFFF000  }
0xa2: {  	_ =	swait.ge [sflag:s21], $0x1000  }
0xa3: {  	[sflag:s21] =	ssyncset.done $0x0  }
0xa4: {  	s15 =	rddreg [dreg:$0x6];
	[sflag:s21] =	ssyncadd.s32 $0xFFFFF000  }
0xa5: {  	[spmem:s1] =	stream.indirect.scatter.add.f32 [tilespmem:s25], [sflag:$0x2], $0x20, s15, s22, $0xb8;
	[tilespmem:$0x1CEB0] =	vst v63  }
0xa6: {  	_ =	swait.ge [sflag:s19], $0x1000  }
0xa7: {  	[sflag:s19] =	ssyncset.done $0x0  }
0xa8: {  	[sflag:s19] =	ssyncadd.s32 $0xFFFFF000  }
0xa9: {  	_ =	swait.ge [sflag:s21], $0x1000  }
0xaa: {  	[sflag:s21] =	ssyncset.done $0x0  }
0xab: {  	s10 =	rddreg [dreg:$0x7];
	[sflag:s21] =	ssyncadd.s32 $0xFFFFF000  }
0xac: {  	[spmem:s1] =	stream.indirect.scatter.add.f32 [tilespmem:s26], [sflag:$0x2], $0x20, s10, s22, $0xb8;
	[tilespmem:$0x1CEB0] =	vst v63  }
0xad: {  	_ =	swait.ge [sflag:s19], $0x1000  }
0xae: {  	s12 =	smov.u32 s2;
	[sflag:s19] =	ssyncset.done $0x0  }
0xaf: {  	s12 =	smin.u32 s12, $0x178;
	[sflag:s19] =	ssyncadd.s32 $0xFFFFF000  }
0xb0: {  	[tilespmem:s23], [sflag:$0x1] =	stream.indirect.gather [hbm4b:s4+s22], $0x20, s28, s22, $0xb8;
	[tilespmem:$0x1CEB0] =	vst v63  }
0xb1: {  	s12 =	sadd.s32 $0x8, s12;
	s15 =	rddreg [dreg:$0x8]  }
0xb2: {  	[tilespmem:s24], [sflag:$0x1] =	stream.indirect.gather [hbm4b:s4+s22], $0x20, s15, s22, $0xb8;
	[tilespmem:$0x1CEB0] =	vst v63  }
0xb3: {  	s14 =	rddreg [dreg:$0x9];
	s15 =	sadd.s32 s9, s12  }
0xb4: {  	[tilespmem:s25], [sflag:$0x1] =	stream.indirect.gather [hbm4b:s4+s22], $0x20, s14, s22, $0xb8;
	[tilespmem:$0x1CEB0] =	vst v63  }
0xb5: {  	s10 =	rddreg [dreg:$0xa];
	s15 =	sshll.u32 s15, $0x4  }
0xb6: {  	[tilespmem:s26], [sflag:$0x1] =	stream.indirect.gather [hbm4b:s4+s22], $0x20, s10, s22, $0xb8;
	[tilespmem:$0x1CEB0] =	vst v63  }
0xb7: {  	s15 =	sadd.s32 s5, s15  }
0xb8: {  	[tilespmem:s3], [sflag:$0x2] =	stream.linear.gather [hbm4b:s15+s3], $0x200, $0x38;
	[tilespmem:$0x1CEB0] =	vst v63  }
0xb9: {  	s12 =	sadd.s32 s7, s12;
	_ =	swait.ge [sflag:s19], $0x200  }
0xba: {  	s12 =	sshll.u32 s12, $0x4;
	[sflag:s19] =	ssyncset.done $0x0  }
0xbb: {  	s14 =	sadd.s32 s6, s12;
	[sflag:s19] =	ssyncadd.s32 $0xFFFFFE00  }
0xbc: {  	[tilespmem:s20], [sflag:$0x2] =	stream.linear.gather [hbm4b:s14+s3], $0x200, $0x38;
	[tilespmem:$0x1CEB0] =	vst v63  }
0xbd: {  	_ =	swait.ge [sflag:s19], $0x200  }
0xbe: {  	[sflag:s19] =	ssyncset.done $0x0  }
0xbf: {  	[sflag:s19] =	ssyncadd.s32 $0xFFFFFE00  }
0xc0: {  	_ =	swait.ge [sflag:s21], $0x1000  }
0xc1: {  	[sflag:s21] =	ssyncset.done $0x0  }
0xc2: {  	[sflag:s21] =	ssyncadd.s32 $0xFFFFF000  }
0xc3: {  	[spmem:s1] =	stream.indirect.scatter.add.f32 [tilespmem:s23], [sflag:$0x2], $0x20, s29, s22, $0xb8;
	[tilespmem:$0x1CEB0] =	vst v63  }
0xc4: {  	_ =	swait.ge [sflag:s19], $0x1000  }
0xc5: {  	[sflag:s19] =	ssyncset.done $0x0  }
0xc6: {  	[sflag:s19] =	ssyncadd.s32 $0xFFFFF000  }
0xc7: {  	_ =	swait.ge [sflag:s21], $0x1000  }
0xc8: {  	[sflag:s21] =	ssyncset.done $0x0  }
0xc9: {  	s15 =	rddreg [dreg:$0xb];
	[sflag:s21] =	ssyncadd.s32 $0xFFFFF000  }
0xca: {  	[spmem:s1] =	stream.indirect.scatter.add.f32 [tilespmem:s24], [sflag:$0x2], $0x20, s15, s22, $0xb8;
	[tilespmem:$0x1CEB0] =	vst v63  }
0xcb: {  	_ =	swait.ge [sflag:s19], $0x1000  }
0xcc: {  	[sflag:s19] =	ssyncset.done $0x0  }
0xcd: {  	[sflag:s19] =	ssyncadd.s32 $0xFFFFF000  }
0xce: {  	_ =	swait.ge [sflag:s21], $0x1000  }
0xcf: {  	[sflag:s21] =	ssyncset.done $0x0  }
0xd0: {  	p0 =	sne.s32 s2, $0x180;
	[sflag:s21] =	ssyncadd.s32 $0xFFFFF000  }
0xd1: {  	[spmem:s1] =	stream.indirect.scatter.add.f32 [tilespmem:s25], [sflag:$0x2], $0x20, s30, s22, $0xb8;
	[tilespmem:$0x1CEB0] =	vst v63  }
.Ltmp0:
0xd2: {  	_ = 	snop;
	(pc) =	sbr.rel @p0 .LBB2_2-.Ltmp0, $4  }
0xd3: {  	_ =	swait.ge [sflag:s19], $0x1000  }
0xd4: {  	[sflag:s19] =	ssyncset.done $0x0  }
0xd5: {  	[sflag:s19] =	ssyncadd.s32 $0xFFFFF000  }
0xd6: {  	s2 =	sadd.s32 $0x8, s2;
	_ =	swait.ge [sflag:s21], $0x1000  }
0xd7: {  	[sflag:s21] =	ssyncset.done $0x0  }
0xd8: {  	[sflag:s21] =	ssyncadd.s32 $0xFFFFF000  }
0xd9: {  	[spmem:s1] =	stream.indirect.scatter.add.f32 [tilespmem:s26], [sflag:$0x2], $0x20, s31, s22, $0xb8;
	[tilespmem:$0x1CEB0] =	vst v63  }
0xda: {  	_ =	swait.ge [sflag:s19], $0x1000  }
0xdb: {  	[sflag:s19] =	ssyncset.done $0x0  }
0xdc: {  	[sflag:s19] =	ssyncadd.s32 $0xFFFFF000  }
0xdd: {  	[bflag:$0x0] =	sbarrier.arrive $0xFFFF  }
0xde: {  	s2 =	rddreg [dreg:$0xd]  }
0xdf: {  	s10 =	rddreg [dreg:$0x10];
	s2 =	sor.u32 $0x1C02, s2  }
0xe0: {  	[hbm:s10], [sflag:s2] =	dma.local [spmem:s18], $0x30D4  }
0xe1: {  	_ =	swait.ge [sflag:s19], $0x30D4  }
0xe2: {  	s0 =	sadd.s32 $0x1, s0;
	s17 =	rddreg [dreg:$0x11]  }
0xe3: {  	p0 =	sne.s32 s0, s17  }
.Ltmp1:
0xe4: {  	_ = 	snop;
	(pc) =	sbr.rel @p0 .LBB2_1-.Ltmp1, $3  }
0xe5: {  	_ =	sdelay $0x1  }
0xe6: {  	[sflag:s19] =	ssyncset.done $0x0  }
0xe7: {  	[sflag:s19] =	ssyncadd.s32 $0xFFFFCF2C  }
0xe8: {  	_ =	sfence.sel $0x180000  }
0xe9: {  	[bflag:$0x0] =	sbarrier.arrive $0xFFFF  }
0xea: {  	_ =	strace $0x9000004D  }
0xeb: {  	s0 =	stileid.u32;
	[bflag:$0x2] =	sbarrier.arrive $0xFFFF  }
0xec: {  	p0 =	sne.s32 s0, $0x0;
	s0 =	rddreg [dreg:$0x2]  }
0xed: {  	s0 =	sadd.s32 @!p0 $0x100000, s0  }
0xee: {  	[sflag:s0] =	ssyncadd.tile.s32 @!p0 $0x1;
	_ =	shalt  }
.Lfunc_end2:
_tile_overlayer_lowered:
.L_overlay_start_2:
0xef: {  	(tag) =	ssettag $0x2  }
0xf0: {  	s0 =	rddreg [dreg:$0x0];
	s2 =	stileid.u32  }
0xf1: {  	s1 =	rddreg [dreg:$0x1];
	p0 =	sne.s32 s2, $0x0  }
0xf2: {  	s3 =	rddreg [dreg:$0x2];
	[bflag:$0x3] =	sbarrier.arrive $0xFFFF;
	s2 =	simm.s32 @!p0 $0x1C02  }
0xf3: {  	[timem:s3], [sflag:s2] =	dma.local @!p0 [hbm:s0], s1  }
0xf4: {  	s0 =	simm.s32 @!p0 $0x2  }
0xf5: {  	_ =	swait.ge @!p0 [sflag:s0], s1  }
0xf6: {  	s1 =	ssub.s32 @!p0 $0x0, s1;
	[sflag:s0] =	ssyncset.done @!p0 $0x0  }
0xf7: {  	[sflag:s0] =	ssyncadd.s32 @!p0 s1  }
0xf8: {  	[bflag:$0x3] =	sbarrier.arrive $0xFFFF  }
0xf9: {  	_ =	shalt  }

// kernel: kernel.23.cloned.1.call-start
scs
__scs_entry_jumppad:
0x0: {  	(pc) =	sbr.rel $0x88, $3  }
0x1: {  	(tag) =	ssettag $0x0;
	lr =	simm.s32 $0x1  }
0x2: {  	[smem:$0x3F94] =	sst lr;
	_ =	strace $0xD0000000  }
0x3: {  	_ = 	snop  }
0x4: {  	_ = 	snop  }
0x5: {  	_ = 	snop  }
0x6: {  	_ = 	snop  }
0x7: {  	_ = 	snop  }
__scs_overlays_trampoline_lowered:
0x8: {  	[smem:$0x3FA3] =	sst s0  }
0x9: {  	[smem:$0x3FA4] =	sst s1  }
0xa: {  	[smem:$0x3FA5] =	sst s2  }
0xb: {  	[smem:$0x3FA6] =	sst s3  }
0xc: {  	[smem:$0x3FA7] =	sst s4  }
0xd: {  	[smem:$0x3FA8] =	sst s5  }
0xe: {  	[smem:$0x3FA9] =	sst s6  }
0xf: {  	[smem:$0x3FAA] =	sst s7  }
0x10: {  	[smem:$0x3FAB] =	sst s8  }
0x11: {  	[smem:$0x3FAC] =	sst s9;
	s0 =	simm.s32 @!p0 $0x0  }
0x12: {  	s1 =	sld [smem:$0x3F92];
	s0 =	simm.s32 @p0 $0x1  }
0x13: {  	[smem:$0x3FAD] =	sst s0;
	s0 =	simm.s32 @!p1 $0x0  }
0x14: {  	s2 =	sld [smem:$0x3F91];
	s0 =	simm.s32 @p1 $0x1  }
0x15: {  	[smem:$0x3FAE] =	sst s0;
	s0 =	simm.s32 @!p2 $0x0  }
0x16: {  	s3 =	sld [smem:$0x3FDB];
	s0 =	simm.s32 @p2 $0x1  }
0x17: {  	s4 =	simm.s32 $0x1BF5;
	[smem:$0x3FB0] =	sst s0  }
0x18: {  	s0 =	sld [smem:$0x3F93];
	_ =	swait.ge [sflag:s4], $0x0  }
0x19: {  	s7 =	sld [smem:$0x3F94]  }
0x1a: {  	s8 =	sadd.s32 $0xFFFFE003, lr  }
0x1b: {  	s9 =	sadd.s32 $0xFFFFFEF7, lr;
	s5 =	simm.s32 $0xFFFFFFFF;
	p2 =	slt.u32 s8, $0xFFFFF086  }
0x1c: {  	p1 =	slt.u32 s9, $0xF7A;
	s5 =	simm.s32 @!p2 $0x0  }
0x1d: {  	s5 =	simm.s32 @p1 $0x1;
	p0 =	seq.s32 s7, s2  }
0x1e: {  	s7 =	smul.u32 @!p0 $0xF7A, s2;
	p2 =	seq.s32 @!p0 s5, $0x0  }
0x1f: {  	s9 =	smul.u32 $0xF7A, s1;
	s8 =	simm.s32 @!p0 $0x1BF5;
	p2 =	por !p2, p0  }
0x20: {  	[sflag:s8] =	ssyncset.s32 @!p0 $0xFFFFF086;
	s6 =	sadd.s32 @!p0 s3, s7;
	s7 =	simm.s32 @!p0 $0x108  }
0x21: {  	s3 =	sadd.s32 s3, s9;
	s6 =	sadd.s32 @!p0 $0x88, s6;
	s7 =	simm.s32 @p2 $0x1082  }
0x22: {  	[simem:s7], [sflag:s8] =	dma.local @!p0 [hbm:s6], $0xF7A  }
0x23: {  	s9 =	sor.u32 $0xD0000000, s2;
	s6 =	simm.s32 $0x108;
	_ =	swait.ge @!p0 [sflag:s8], $0x0  }
0x24: {  	s3 =	sadd.s32 $0x88, s3;
	s6 =	simm.s32 @!p1 $0x1082;
	[sflag:s4] =	ssyncset.s32 $0xFFFFF086  }
0x25: {  	[simem:s6], [sflag:s4] =	dma.local [hbm:s3], $0xF7A  }
0x26: {  	[smem:$0x3F94] =	sst s1;
	(tag) =	ssettag s2;
	_ =	strace s9  }
0x27: {  	s1 =	sld [smem:$0x3FA4]  }
0x28: {  	s2 =	sld [smem:$0x3FA5]  }
0x29: {  	s4 =	sld [smem:$0x3FA7]  }
0x2a: {  	p0 =	seq.s32 s5, $0x0;
	s5 =	sld [smem:$0x3FA8]  }
0x2b: {  	s6 =	sld [smem:$0x3FA9]  }
0x2c: {  	s7 =	sld [smem:$0x3FAA]  }
0x2d: {  	s3 =	simm.s32 $0x108;
	s8 =	sld [smem:$0x3FAB]  }
0x2e: {  	s3 =	simm.s32 @!p0 $0x1082;
	s9 =	sld [smem:$0x3FAC]  }
0x2f: {  	lr =	sadd.s32 s0, s3;
	s0 =	sld [smem:$0x3FA3]  }
0x30: {  	s3 =	sld [smem:$0x3FA6]  }
0x31: {  	[smem:$0x3FAF] =	sst s10  }
0x32: {  	s10 =	sld [smem:$0x3FAD];
	_ =	sdelay $0x3  }
0x33: {  	p0 =	seq.s32 s10, $0x1;
	s10 =	sld [smem:$0x3FAF];
	_ =	sdelay $0x3  }
0x34: {  	[smem:$0x3FAF] =	sst s10  }
0x35: {  	s10 =	sld [smem:$0x3FAE];
	_ =	sdelay $0x3  }
0x36: {  	p1 =	seq.s32 s10, $0x1;
	s10 =	sld [smem:$0x3FAF];
	_ =	sdelay $0x3  }
0x37: {  	[smem:$0x3FAF] =	sst s10  }
0x38: {  	s10 =	sld [smem:$0x3FB0]  }
0x39: {  	_ = 	snop;
	(pc) =	sbr.ind lr, $3  }
0x3a: {  	_ = 	snop  }
0x3b: {  	_ = 	snop  }
0x3c: {  	p2 =	seq.s32 s10, $0x1;
	s10 =	sld [smem:$0x3FAF]  }
0x3d: {  	_ =	shalt  }
0x3e: {  	_ =	shalt  }
0x3f: {  	_ =	shalt  }
0x40: {  	_ =	shalt  }
0x41: {  	_ =	shalt  }
0x42: {  	_ =	shalt  }
0x43: {  	_ =	shalt  }
0x44: {  	_ =	shalt  }
0x45: {  	_ =	shalt  }
0x46: {  	_ =	shalt  }
0x47: {  	_ =	shalt  }
0x48: {  	_ =	shalt  }
0x49: {  	_ =	shalt  }
0x4a: {  	_ =	shalt  }
0x4b: {  	_ =	shalt  }
0x4c: {  	_ =	shalt  }
0x4d: {  	_ =	shalt  }
0x4e: {  	_ =	shalt  }
0x4f: {  	_ =	shalt  }
0x50: {  	_ =	shalt  }
0x51: {  	_ =	shalt  }
0x52: {  	_ =	shalt  }
0x53: {  	_ =	shalt  }
0x54: {  	_ =	shalt  }
0x55: {  	_ =	shalt  }
0x56: {  	_ =	shalt  }
0x57: {  	_ =	shalt  }
0x58: {  	_ =	shalt  }
0x59: {  	_ =	shalt  }
0x5a: {  	_ =	shalt  }
0x5b: {  	_ =	shalt  }
0x5c: {  	_ =	shalt  }
0x5d: {  	_ =	shalt  }
0x5e: {  	_ =	shalt  }
0x5f: {  	_ =	shalt  }
0x60: {  	_ =	shalt  }
0x61: {  	_ =	shalt  }
0x62: {  	_ =	shalt  }
0x63: {  	_ =	shalt  }
0x64: {  	_ =	shalt  }
0x65: {  	_ =	shalt  }
0x66: {  	_ =	shalt  }
0x67: {  	_ =	shalt  }
0x68: {  	_ =	shalt  }
0x69: {  	_ =	shalt  }
0x6a: {  	_ =	shalt  }
0x6b: {  	_ =	shalt  }
0x6c: {  	_ =	shalt  }
0x6d: {  	_ =	shalt  }
0x6e: {  	_ =	shalt  }
0x6f: {  	_ =	shalt  }
0x70: {  	_ =	shalt  }
0x71: {  	_ =	shalt  }
0x72: {  	_ =	shalt  }
0x73: {  	_ =	shalt  }
0x74: {  	_ =	shalt  }
0x75: {  	_ =	shalt  }
0x76: {  	_ =	shalt  }
0x77: {  	_ =	shalt  }
0x78: {  	_ =	shalt  }
0x79: {  	_ =	shalt  }
0x7a: {  	_ =	shalt  }
0x7b: {  	_ =	shalt  }
0x7c: {  	_ =	shalt  }
0x7d: {  	_ =	shalt  }
0x7e: {  	_ =	shalt  }
0x7f: {  	_ =	shalt  }
0x80: {  	_ =	shalt  }
0x81: {  	_ =	shalt  }
0x82: {  	_ =	shalt  }
0x83: {  	_ =	shalt  }
0x84: {  	_ =	shalt  }
0x85: {  	_ =	shalt  }
0x86: {  	_ =	shalt  }
0x87: {  	_ =	shalt  }
.Lfunc_end0:
.L_simem_size_0:
called_computation.3_lowered:
.L_overlay_start_0:
0x88: {  	s2 =	sld [smem:$0x3FD9]  }
0x89: {  	s3 =	sld [smem:$0x3FFE];
	_ =	sdelay $0x1  }
0x8a: {  	s1 =	srdreg.scid  }
0x8b: {  	s0 =	sand.u32 $0x1, s1  }
0x8c: {  	s16 =	sshll.u32 s0, $0xA;
	s2 =	sadd.s32 s3, s2  }
0x8d: {  	s2 =	sadd.s32 s2, s16  }
0x8e: {  	[smem:$0x3FBB] =	sst s2  }
0x8f: {  	_ = 	snop  }
0x90: {  	(tm) =	ssettm $0x1  }
0x91: {  	s17 =	sld [smem:$0x3FFB];
	_ =	sdelay $0x3  }
0x92: {  	_ =	strace s17  }
0x93: {  	s2 =	sld [smem:$0x3FFC];
	_ =	sdelay $0x3  }
0x94: {  	_ =	strace s2  }
0x95: {  	s2 =	sld [smem:$0x3FFD];
	_ =	sdelay $0x3  }
0x96: {  	_ =	strace s2  }
0x97: {  	_ =	strace $0x8FFFFFFF  }
0x98: {  	s18 =	sld [smem:$0x3FDB];
	_ =	sdelay $0x1  }
0x99: {  	s19 =	simm.s32 $_scs_section_size  }
0x9a: {  	s4 =	simm.s32 $_size__tile_overlayer_lowered;
	s5 =	simm.s32 $_tile_overlayer_lowered  }
0x9b: {  	s22 =	simm.s32 $0x1BFF;
	s21 =	sshll.u32 s5, $0x1;
	s2 =	sadd.s32 s19, s18  }
0x9c: {  	s6 =	simm.s32 $0x0;
	s20 =	sshll.u32 s4, $0x1;
	s4 =	sadd.s32 s21, s2  }
0x9d: {  	[timem:s6], [sflag:s22] =	dma.local [hbm:s4], s20  }
0x9e: {  	_ =	swait.ge [sflag:s22], s20  }
0x9f: {  	s3 =	ssub.s32 $0x0, s20;
	[sflag:s22] =	ssyncset.done $0x0  }
0xa0: {  	[sflag:s22] =	ssyncadd.s32 s3;
	_ =	sdelay $0x1  }
0xa1: {  	s23 =	simm.s32 $0x1B8B  }
0xa2: {  	_ =	swait.ge [sflag:s23], $0x1  }
0xa3: {  	[sflag:s23] =	ssyncset.done $0x0  }
0xa4: {  	s25 =	simm.s32 $0x1B8E;
	s24 =	sld [smem:$0x3FFE];
	[sflag:s23] =	ssyncadd.s32 $0xFFFFFFFF  }
0xa5: {  	s26 =	simm.s32 $execute0_lowered;
	[smem:$0x3FD2] =	sst s25  }
0xa6: {  	s4 =	sshll.u32 s26, $0x1;
	_ =	strace $0x8000004F;
	[dreg:$0x1] =	wrdreg $0xFFFFFFFF  }
0xa7: {  	s28 =	simm.s32 $_size_execute0_lowered;
	s2 =	sadd.s32 s2, s4;
	[dreg:$0x0] =	wrdreg $0x0  }
0xa8: {  	s4 =	sshll.u32 s28, $0x1;
	[dreg:$0x2] =	wrdreg s2  }
0xa9: {  	[dreg:$0x3] =	wrdreg s4  }
0xaa: {  	[dreg:$0x4] =	wrdreg $0xC0  }
0xab: {  	_ =	task [dreg:s6], $0x5FFFF  }
0xac: {  	[dreg:$0x1] =	wrdreg $0xFFFFFFFF  }
0xad: {  	[dreg:$0x0] =	wrdreg $0x60  }
0xae: {  	[dreg:$0x2] =	wrdreg s24  }
0xaf: {  	[dreg:$0x3] =	wrdreg $0x48000  }
0xb0: {  	[dreg:$0x4] =	wrdreg $0x9  }
0xb1: {  	_ =	task.clear_ibuf [dreg:s6], $0x5FFFF;
	_ =	strace $0x9000004F  }
0xb2: {  	s29 =	simm.s32 $0x9;
	_ =	strace $0x80000051  }
0xb3: {  	_ =	swait.ge [sflag:s29], $0x1  }
0xb4: {  	[sflag:s29] =	ssyncadd.s32 $0xFFFFFFFF  }
0xb5: {  	_ =	strace $0x90000051  }
0xb6: {  	_ =	sfence  }
0xb7: {  	s30 =	sld [smem:$0x0];
	_ =	sdelay $0x2  }
0xb8: {  	s31 =	sshll.u32 s1, $0xD;
	s1 =	sshrl.u32 s1, $0x2  }
0xb9: {  	s3 =	sand.u32 $0x4000, s31;
	s1 =	sadd.s32 s1, s30  }
0xba: {  	s0 =	sor.u32 s3, s0;
	s1 =	sshll.u32 s1, $0x11  }
0xbb: {  	s0 =	sor.u32 s1, s0  }
0xbc: {  	s0 =	sadd.s32 $0x8F2B, s0  }
0xbd: {  	[sflag:s0] =	ssyncadd.remote.s32 $0x1  }
0xbe: {  	_ =	sfence.sel $0xFFFF  }
0xbf: {  	[dreg:$0x0] =	wrdreg $0xFFFFFFFF;
	(pc) =	sbr.abs _section_cstart, $3  }
0xc0: {  	[dreg:$0x1] =	wrdreg $0xFFFFFFFF  }
0xc1: {  	_ =	task.clear_ibuf [dreg:s6], $0x2FFFF;
	_ =	strace $0x9FFFFFFF  }
0xc2: {  	(tm) =	ssettm $0x7FFFFFFF  }
0xc3: {  	_ =	shalt  }
tec
execute0_lowered:
.L_overlay_start_1:
0x0: {  	(tag) =	ssettag $0x1  }
0x1: {  	s0 =	rddreg [dreg:$0x0]  }
0x2: {  	s1 =	rddreg [dreg:$0x1]  }
0x3: {  	s3 =	simm.s32 $0x0;
	s2 =	srdreg.scid;
	s13 =	stileid.u32  }
0x4: {  	s18 =	simm.s32 $0x100;
	s19 =	simm.s32 $0x180;
	s20 =	simm.s32 $0x280  }
0x5: {  	s21 =	simm.s32 $0x300;
	s28 =	simm.s32 $0x400;
	s29 =	simm.s32 $0x600  }
0x6: {  	s30 =	simm.s32 $0x700;
	s31 =	simm.s32 $0x780;
	[smem:$0x7FF] =	sst s3  }
0x7: {  	s2 =	sand.u32 $0x1, s2;
	s4 =	sadd.s32 $0x7E400, s0;
	s8 =	smul.u32 $0xC35, s13  }
0x8: {  	s5 =	sadd.s32 $0x4D400, s0;
	s9 =	smul.u32 $0x61A80, s13;
	s25 =	sshll.u32 s13, $0x6  }
0x9: {  	s16 =	smul.u32 $0x1880, s13;
	_ =	strace $0x80000050;
	[dreg:$0xd] =	wrdreg s25  }
0xa: {  	s6 =	sadd.s32 $0x3E00, s0;
	s7 =	smul.u32 $0xC350, s2;
	[dreg:$0x3] =	wrdreg s18  }
0xb: {  	s22 =	ssub.s32 $0x2, s2;
	s10 =	smul.u32 $0x1880, s2;
	[dreg:$0x4] =	wrdreg s19  }
0xc: {  	s2 =	smul.u32 $0x18800, s2;
	[dreg:$0x5] =	wrdreg s20;
	s19 =	simm.s32 $0x2  }
0xd: {  	[dreg:$0x6] =	wrdreg s21;
	s20 =	simm.s32 $0x200;
	s21 =	simm.s32 $0x1  }
0xe: {  	s12 =	sshrl.u32 s22, $0x1;
	s9 =	sshrl.u32 s9, $0x2;
	s7 =	sadd.s32 s8, s7  }
0xf: {  	s8 =	ssub.s32 s22, s12;
	s23 =	sadd.s32 s9, s1;
	s17 =	sadd.s32 s2, s5  }
0x10: {  	s22 =	simm.s32 $0x380;
	s11 =	sshll.u32 s7, $0x2;
	s7 =	smul.u32 $0x188, s13  }
0x11: {  	s13 =	sadd.s32 s6, s16;
	s15 =	smax.u32 s8, $0x1;
	[dreg:$0x7] =	wrdreg s22  }
0x12: {  	s18 =	sshrl.u32 s23, $0x3;
	s23 =	simm.s32 $0x480;
	[dreg:$0x11] =	wrdreg s15  }
0x13: {  	s0 =	sadd.s32 s11, s0;
	s24 =	sadd.s32 s4, s11;
	[dreg:$0x8] =	wrdreg s23  }
0x14: {  	[dreg:$0xc] =	wrdreg s24;
	s9 =	sadd.s32 s7, s10;
	s10 =	sor.u32 $0x1C01, s25  }
0x15: {  	s22 =	simm.s32 $0x80;
	s0 =	sadd.s32 $0xE0000, s0;
	[dreg:$0xe] =	wrdreg s10  }
0x16: {  	s8 =	sadd.s32 $0x40, s13;
	s24 =	simm.s32 $0x500;
	[dreg:$0x10] =	wrdreg s0  }
0x17: {  	s23 =	simm.s32 $0x800;
	s25 =	simm.s32 $0x580;
	[dreg:$0x9] =	wrdreg s24  }
0x18: {  	s26 =	sshll.u32 s9, $0x4;
	s0 =	sadd.s32 s16, s17;
	[dreg:$0xa] =	wrdreg s25  }
0x19: {  	s24 =	simm.s32 $0x1800;
	s25 =	simm.s32 $0x2800;
	s14 =	sadd.s32 s5, s26  }
0x1a: {  	s11 =	sadd.s32 $0x40, s0;
	s26 =	simm.s32 $0x680;
	[dreg:$0xf] =	wrdreg s14  }
0x1b: {  	s0 =	simm.s32 $0x0;
	[dreg:$0xb] =	wrdreg s26;
	s26 =	simm.s32 $0x3800  }
.LBB2_1:
0x1c: {  	s2 =	rddreg [dreg:$0xc]  }
0x1d: {  	s10 =	rddreg [dreg:$0xe]  }
0x1e: {  	[spmem:s18], [sflag:s10] =	dma.local [hbm:s2], $0x30D4  }
0x1f: {  	s2 =	rddreg [dreg:$0xf]  }
0x20: {  	[tilespmem:s3], [sflag:$0x2] =	stream.linear.gather [hbm4b:s2+s3], $0x200, $0x38;
	[tilespmem:$0x1CEB0] =	vst v63  }
0x21: {  	_ =	swait.ge [sflag:s19], $0x200  }
0x22: {  	[sflag:s19] =	ssyncset.done $0x0  }
0x23: {  	[sflag:s19] =	ssyncadd.s32 $0xFFFFFE00  }
0x24: {  	[tilespmem:s20], [sflag:$0x2] =	stream.linear.gather [hbm4b:s13+s3], $0x200, $0x38;
	[tilespmem:$0x1CEB0] =	vst v63  }
0x25: {  	_ =	swait.ge [sflag:s19], $0x200  }
0x26: {  	[sflag:s19] =	ssyncset.done $0x0  }
0x27: {  	[sflag:s19] =	ssyncadd.s32 $0xFFFFFE00  }
0x28: {  	_ =	swait.ge [sflag:s21], $0x30D4  }
0x29: {  	[sflag:s21] =	ssyncset.done $0x0  }
0x2a: {  	[sflag:s21] =	ssyncadd.s32 $0xFFFFCF2C  }
0x2b: {  	[bflag:$0x0] =	sbarrier.arrive $0xFFFF  }
0x2c: {  	[tilespmem:s23], [sflag:$0x1] =	stream.indirect.gather [hbm4b:s4+s22], $0x20, s3, s22, $0xb8;
	[tilespmem:$0x1CEB0] =	vst v63  }
0x2d: {  	_ = 	snop  }
0x2e: {  	[tilespmem:s24], [sflag:$0x1] =	stream.indirect.gather [hbm4b:s4+s22], $0x20, s22, s22, $0xb8;
	[tilespmem:$0x1CEB0] =	vst v63  }
0x2f: {  	s17 =	rddreg [dreg:$0x3]  }
0x30: {  	[tilespmem:s25], [sflag:$0x1] =	stream.indirect.gather [hbm4b:s4+s22], $0x20, s17, s22, $0xb8;
	[tilespmem:$0x1CEB0] =	vst v63  }
0x31: {  	s12 =	rddreg [dreg:$0x4]  }
0x32: {  	[tilespmem:s26], [sflag:$0x1] =	stream.indirect.gather [hbm4b:s4+s22], $0x20, s12, s22, $0xb8;
	[tilespmem:$0x1CEB0] =	vst v63  }
0x33: {  	_ = 	snop  }
0x34: {  	[tilespmem:s28], [sflag:$0x2] =	stream.linear.gather [hbm4b:s11+s3], $0x200, $0x38;
	[tilespmem:$0x1CEB0] =	vst v63  }
0x35: {  	_ =	swait.ge [sflag:s19], $0x200  }
0x36: {  	[sflag:s19] =	ssyncset.done $0x0  }
0x37: {  	[sflag:s19] =	ssyncadd.s32 $0xFFFFFE00  }
0x38: {  	[tilespmem:s29], [sflag:$0x2] =	stream.linear.gather [hbm4b:s8+s3], $0x200, $0x38;
	[tilespmem:$0x1CEB0] =	vst v63  }
0x39: {  	_ =	swait.ge [sflag:s19], $0x200  }
0x3a: {  	[sflag:s19] =	ssyncset.done $0x0  }
0x3b: {  	[sflag:s19] =	ssyncadd.s32 $0xFFFFFE00  }
0x3c: {  	_ =	swait.ge [sflag:s21], $0x1000  }
0x3d: {  	[sflag:s21] =	ssyncset.done $0x0  }
0x3e: {  	[sflag:s21] =	ssyncadd.s32 $0xFFFFF000  }
0x3f: {  	[spmem:s1] =	stream.indirect.scatter.add.f32 [tilespmem:s23], [sflag:$0x2], $0x20, s20, s22, $0xb8;
	[tilespmem:$0x1CEB0] =	vst v63  }
0x40: {  	_ =	swait.ge [sflag:s19], $0x1000  }
0x41: {  	[sflag:s19] =	ssyncset.done $0x0  }
0x42: {  	[sflag:s19] =	ssyncadd.s32 $0xFFFFF000  }
0x43: {  	_ =	swait.ge [sflag:s21], $0x1000  }
0x44: {  	[sflag:s21] =	ssyncset.done $0x0  }
0x45: {  	s10 =	rddreg [dreg:$0x5];
	[sflag:s21] =	ssyncadd.s32 $0xFFFFF000  }
0x46: {  	[spmem:s1] =	stream.indirect.scatter.add.f32 [tilespmem:s24], [sflag:$0x2], $0x20, s10, s22, $0xb8;
	[tilespmem:$0x1CEB0] =	vst v63  }
0x47: {  	_ =	swait.ge [sflag:s19], $0x1000  }
0x48: {  	[sflag:s19] =	ssyncset.done $0x0  }
0x49: {  	[sflag:s19] =	ssyncadd.s32 $0xFFFFF000  }
0x4a: {  	_ =	swait.ge [sflag:s21], $0x1000  }
0x4b: {  	[sflag:s21] =	ssyncset.done $0x0  }
0x4c: {  	s12 =	rddreg [dreg:$0x6];
	[sflag:s21] =	ssyncadd.s32 $0xFFFFF000  }
0x4d: {  	[spmem:s1] =	stream.indirect.scatter.add.f32 [tilespmem:s25], [sflag:$0x2], $0x20, s12, s22, $0xb8;
	[tilespmem:$0x1CEB0] =	vst v63  }
0x4e: {  	_ =	swait.ge [sflag:s19], $0x1000  }
0x4f: {  	[sflag:s19] =	ssyncset.done $0x0  }
0x50: {  	[sflag:s19] =	ssyncadd.s32 $0xFFFFF000  }
0x51: {  	_ =	swait.ge [sflag:s21], $0x1000  }
0x52: {  	[sflag:s21] =	ssyncset.done $0x0  }
0x53: {  	s14 =	rddreg [dreg:$0x7];
	[sflag:s21] =	ssyncadd.s32 $0xFFFFF000  }
0x54: {  	[spmem:s1] =	stream.indirect.scatter.add.f32 [tilespmem:s26], [sflag:$0x2], $0x20, s14, s22, $0xb8;
	[tilespmem:$0x1CEB0] =	vst v63  }
0x55: {  	_ =	swait.ge [sflag:s19], $0x1000  }
0x56: {  	[sflag:s19] =	ssyncset.done $0x0  }
0x57: {  	s16 =	smin.u32 s3, $0x178;
	[sflag:s19] =	ssyncadd.s32 $0xFFFFF000  }
0x58: {  	[tilespmem:s23], [sflag:$0x1] =	stream.indirect.gather [hbm4b:s4+s22], $0x20, s28, s22, $0xb8;
	[tilespmem:$0x1CEB0] =	vst v63  }
0x59: {  	s16 =	sadd.s32 $0x8, s16;
	s15 =	rddreg [dreg:$0x8]  }
0x5a: {  	[tilespmem:s24], [sflag:$0x1] =	stream.indirect.gather [hbm4b:s4+s22], $0x20, s15, s22, $0xb8;
	[tilespmem:$0x1CEB0] =	vst v63  }
0x5b: {  	s14 =	sadd.s32 s9, s16;
	s17 =	rddreg [dreg:$0x9]  }
0x5c: {  	[tilespmem:s25], [sflag:$0x1] =	stream.indirect.gather [hbm4b:s4+s22], $0x20, s17, s22, $0xb8;
	[tilespmem:$0x1CEB0] =	vst v63  }
0x5d: {  	s12 =	sshll.u32 s14, $0x4;
	s10 =	rddreg [dreg:$0xa]  }
0x5e: {  	[tilespmem:s26], [sflag:$0x1] =	stream.indirect.gather [hbm4b:s4+s22], $0x20, s10, s22, $0xb8;
	[tilespmem:$0x1CEB0] =	vst v63  }
0x5f: {  	s15 =	sadd.s32 s5, s12  }
0x60: {  	[tilespmem:s3], [sflag:$0x2] =	stream.linear.gather [hbm4b:s15+s3], $0x200, $0x38;
	[tilespmem:$0x1CEB0] =	vst v63  }
0x61: {  	s16 =	sadd.s32 s7, s16;
	_ =	swait.ge [sflag:s19], $0x200  }
0x62: {  	s2 =	sshll.u32 s16, $0x4;
	[sflag:s19] =	ssyncset.done $0x0  }
0x63: {  	s2 =	sadd.s32 s6, s2;
	[sflag:s19] =	ssyncadd.s32 $0xFFFFFE00  }
0x64: {  	[tilespmem:s20], [sflag:$0x2] =	stream.linear.gather [hbm4b:s2+s3], $0x200, $0x38;
	[tilespmem:$0x1CEB0] =	vst v63  }
0x65: {  	_ =	swait.ge [sflag:s19], $0x200  }
0x66: {  	[sflag:s19] =	ssyncset.done $0x0  }
0x67: {  	[sflag:s19] =	ssyncadd.s32 $0xFFFFFE00  }
0x68: {  	_ =	swait.ge [sflag:s21], $0x1000  }
0x69: {  	[sflag:s21] =	ssyncset.done $0x0  }
0x6a: {  	[sflag:s21] =	ssyncadd.s32 $0xFFFFF000  }
0x6b: {  	[spmem:s1] =	stream.indirect.scatter.add.f32 [tilespmem:s23], [sflag:$0x2], $0x20, s29, s22, $0xb8;
	[tilespmem:$0x1CEB0] =	vst v63  }
0x6c: {  	_ =	swait.ge [sflag:s19], $0x1000  }
0x6d: {  	[sflag:s19] =	ssyncset.done $0x0  }
0x6e: {  	[sflag:s19] =	ssyncadd.s32 $0xFFFFF000  }
0x6f: {  	_ =	swait.ge [sflag:s21], $0x1000  }
0x70: {  	[sflag:s21] =	ssyncset.done $0x0  }
0x71: {  	s17 =	rddreg [dreg:$0xb];
	[sflag:s21] =	ssyncadd.s32 $0xFFFFF000  }
0x72: {  	[spmem:s1] =	stream.indirect.scatter.add.f32 [tilespmem:s24], [sflag:$0x2], $0x20, s17, s22, $0xb8;
	[tilespmem:$0x1CEB0] =	vst v63  }
0x73: {  	_ =	swait.ge [sflag:s19], $0x1000  }
0x74: {  	[sflag:s19] =	ssyncset.done $0x0  }
0x75: {  	[sflag:s19] =	ssyncadd.s32 $0xFFFFF000  }
0x76: {  	_ =	swait.ge [sflag:s21], $0x1000  }
0x77: {  	[sflag:s21] =	ssyncset.done $0x0  }
0x78: {  	[sflag:s21] =	ssyncadd.s32 $0xFFFFF000  }
0x79: {  	[spmem:s1] =	stream.indirect.scatter.add.f32 [tilespmem:s25], [sflag:$0x2], $0x20, s30, s22, $0xb8;
	[tilespmem:$0x1CEB0] =	vst v63  }
0x7a: {  	_ =	swait.ge [sflag:s19], $0x1000  }
0x7b: {  	[sflag:s19] =	ssyncset.done $0x0  }
0x7c: {  	s16 =	smov.u32 s8;
	[sflag:s19] =	ssyncadd.s32 $0xFFFFF000  }
0x7d: {  	s2 =	simm.s32 $0x8;
	s17 =	smov.u32 s11;
	_ =	swait.ge [sflag:s21], $0x1000  }
.LBB2_2:
0x7e: {  	[sflag:s21] =	ssyncset.done $0x0  }
0x7f: {  	[sflag:s21] =	ssyncadd.s32 $0xFFFFF000  }
0x80: {  	[spmem:s1] =	stream.indirect.scatter.add.f32 [tilespmem:s26], [sflag:$0x2], $0x20, s31, s22, $0xb8;
	[tilespmem:$0x1CEB0] =	vst v63  }
0x81: {  	_ =	swait.ge [sflag:s19], $0x1000  }
0x82: {  	[sflag:s19] =	ssyncset.done $0x0  }
0x83: {  	[sflag:s19] =	ssyncadd.s32 $0xFFFFF000  }
0x84: {  	[tilespmem:s23], [sflag:$0x1] =	stream.indirect.gather [hbm4b:s4+s22], $0x20, s3, s22, $0xb8;
	[tilespmem:$0x1CEB0] =	vst v63  }
0x85: {  	_ = 	snop  }
0x86: {  	[tilespmem:s24], [sflag:$0x1] =	stream.indirect.gather [hbm4b:s4+s22], $0x20, s22, s22, $0xb8;
	[tilespmem:$0x1CEB0] =	vst v63  }
0x87: {  	s14 =	rddreg [dreg:$0x3]  }
0x88: {  	[tilespmem:s25], [sflag:$0x1] =	stream.indirect.gather [hbm4b:s4+s22], $0x20, s14, s22, $0xb8;
	[tilespmem:$0x1CEB0] =	vst v63  }
0x89: {  	s15 =	rddreg [dreg:$0x4]  }
0x8a: {  	[tilespmem:s26], [sflag:$0x1] =	stream.indirect.gather [hbm4b:s4+s22], $0x20, s15, s22, $0xb8;
	[tilespmem:$0x1CEB0] =	vst v63  }
0x8b: {  	s17 =	sadd.s32 $0x80, s17  }
0x8c: {  	[tilespmem:s28], [sflag:$0x2] =	stream.linear.gather [hbm4b:s17+s3], $0x200, $0x38;
	[tilespmem:$0x1CEB0] =	vst v63  }
0x8d: {  	_ =	swait.ge [sflag:s19], $0x200  }
0x8e: {  	[sflag:s19] =	ssyncset.done $0x0  }
0x8f: {  	s16 =	sadd.s32 $0x80, s16;
	[sflag:s19] =	ssyncadd.s32 $0xFFFFFE00  }
0x90: {  	[tilespmem:s29], [sflag:$0x2] =	stream.linear.gather [hbm4b:s16+s3], $0x200, $0x38;
	[tilespmem:$0x1CEB0] =	vst v63  }
0x91: {  	_ =	swait.ge [sflag:s19], $0x200  }
0x92: {  	[sflag:s19] =	ssyncset.done $0x0  }
0x93: {  	[sflag:s19] =	ssyncadd.s32 $0xFFFFFE00  }
0x94: {  	_ =	swait.ge [sflag:s21], $0x1000  }
0x95: {  	[sflag:s21] =	ssyncset.done $0x0  }
0x96: {  	[sflag:s21] =	ssyncadd.s32 $0xFFFFF000  }
0x97: {  	[spmem:s1] =	stream.indirect.scatter.add.f32 [tilespmem:s23], [sflag:$0x2], $0x20, s20, s22, $0xb8;
	[tilespmem:$0x1CEB0] =	vst v63  }
0x98: {  	_ =	swait.ge [sflag:s19], $0x1000  }
0x99: {  	[sflag:s19] =	ssyncset.done $0x0  }
0x9a: {  	[sflag:s19] =	ssyncadd.s32 $0xFFFFF000  }
0x9b: {  	_ =	swait.ge [sflag:s21], $0x1000  }
0x9c: {  	[sflag:s21] =	ssyncset.done $0x0  }
0x9d: {  	s10 =	rddreg [dreg:$0x5];
	[sflag:s21] =	ssyncadd.s32 $0xFFFFF000  }
0x9e: {  	[spmem:s1] =	stream.indirect.scatter.add.f32 [tilespmem:s24], [sflag:$0x2], $0x20, s10, s22, $0xb8;
	[tilespmem:$0x1CEB0] =	vst v63  }
0x9f: {  	_ =	swait.ge [sflag:s19], $0x1000  }
0xa0: {  	[sflag:s19] =	ssyncset.done $0x0  }
0xa1: {  	[sflag:s19] =	ssyncadd.s32 $0xFFFFF000  }
0xa2: {  	_ =	swait.ge [sflag:s21], $0x1000  }
0xa3: {  	[sflag:s21] =	ssyncset.done $0x0  }
0xa4: {  	s15 =	rddreg [dreg:$0x6];
	[sflag:s21] =	ssyncadd.s32 $0xFFFFF000  }
0xa5: {  	[spmem:s1] =	stream.indirect.scatter.add.f32 [tilespmem:s25], [sflag:$0x2], $0x20, s15, s22, $0xb8;
	[tilespmem:$0x1CEB0] =	vst v63  }
0xa6: {  	_ =	swait.ge [sflag:s19], $0x1000  }
0xa7: {  	[sflag:s19] =	ssyncset.done $0x0  }
0xa8: {  	[sflag:s19] =	ssyncadd.s32 $0xFFFFF000  }
0xa9: {  	_ =	swait.ge [sflag:s21], $0x1000  }
0xaa: {  	[sflag:s21] =	ssyncset.done $0x0  }
0xab: {  	s10 =	rddreg [dreg:$0x7];
	[sflag:s21] =	ssyncadd.s32 $0xFFFFF000  }
0xac: {  	[spmem:s1] =	stream.indirect.scatter.add.f32 [tilespmem:s26], [sflag:$0x2], $0x20, s10, s22, $0xb8;
	[tilespmem:$0x1CEB0] =	vst v63  }
0xad: {  	_ =	swait.ge [sflag:s19], $0x1000  }
0xae: {  	s12 =	smov.u32 s2;
	[sflag:s19] =	ssyncset.done $0x0  }
0xaf: {  	s12 =	smin.u32 s12, $0x178;
	[sflag:s19] =	ssyncadd.s32 $0xFFFFF000  }
0xb0: {  	[tilespmem:s23], [sflag:$0x1] =	stream.indirect.gather [hbm4b:s4+s22], $0x20, s28, s22, $0xb8;
	[tilespmem:$0x1CEB0] =	vst v63  }
0xb1: {  	s12 =	sadd.s32 $0x8, s12;
	s15 =	rddreg [dreg:$0x8]  }
0xb2: {  	[tilespmem:s24], [sflag:$0x1] =	stream.indirect.gather [hbm4b:s4+s22], $0x20, s15, s22, $0xb8;
	[tilespmem:$0x1CEB0] =	vst v63  }
0xb3: {  	s14 =	rddreg [dreg:$0x9];
	s15 =	sadd.s32 s9, s12  }
0xb4: {  	[tilespmem:s25], [sflag:$0x1] =	stream.indirect.gather [hbm4b:s4+s22], $0x20, s14, s22, $0xb8;
	[tilespmem:$0x1CEB0] =	vst v63  }
0xb5: {  	s10 =	rddreg [dreg:$0xa];
	s15 =	sshll.u32 s15, $0x4  }
0xb6: {  	[tilespmem:s26], [sflag:$0x1] =	stream.indirect.gather [hbm4b:s4+s22], $0x20, s10, s22, $0xb8;
	[tilespmem:$0x1CEB0] =	vst v63  }
0xb7: {  	s15 =	sadd.s32 s5, s15  }
0xb8: {  	[tilespmem:s3], [sflag:$0x2] =	stream.linear.gather [hbm4b:s15+s3], $0x200, $0x38;
	[tilespmem:$0x1CEB0] =	vst v63  }
0xb9: {  	s12 =	sadd.s32 s7, s12;
	_ =	swait.ge [sflag:s19], $0x200  }
0xba: {  	s12 =	sshll.u32 s12, $0x4;
	[sflag:s19] =	ssyncset.done $0x0  }
0xbb: {  	s14 =	sadd.s32 s6, s12;
	[sflag:s19] =	ssyncadd.s32 $0xFFFFFE00  }
0xbc: {  	[tilespmem:s20], [sflag:$0x2] =	stream.linear.gather [hbm4b:s14+s3], $0x200, $0x38;
	[tilespmem:$0x1CEB0] =	vst v63  }
0xbd: {  	_ =	swait.ge [sflag:s19], $0x200  }
0xbe: {  	[sflag:s19] =	ssyncset.done $0x0  }
0xbf: {  	[sflag:s19] =	ssyncadd.s32 $0xFFFFFE00  }
0xc0: {  	_ =	swait.ge [sflag:s21], $0x1000  }
0xc1: {  	[sflag:s21] =	ssyncset.done $0x0  }
0xc2: {  	[sflag:s21] =	ssyncadd.s32 $0xFFFFF000  }
0xc3: {  	[spmem:s1] =	stream.indirect.scatter.add.f32 [tilespmem:s23], [sflag:$0x2], $0x20, s29, s22, $0xb8;
	[tilespmem:$0x1CEB0] =	vst v63  }
0xc4: {  	_ =	swait.ge [sflag:s19], $0x1000  }
0xc5: {  	[sflag:s19] =	ssyncset.done $0x0  }
0xc6: {  	[sflag:s19] =	ssyncadd.s32 $0xFFFFF000  }
0xc7: {  	_ =	swait.ge [sflag:s21], $0x1000  }
0xc8: {  	[sflag:s21] =	ssyncset.done $0x0  }
0xc9: {  	s15 =	rddreg [dreg:$0xb];
	[sflag:s21] =	ssyncadd.s32 $0xFFFFF000  }
0xca: {  	[spmem:s1] =	stream.indirect.scatter.add.f32 [tilespmem:s24], [sflag:$0x2], $0x20, s15, s22, $0xb8;
	[tilespmem:$0x1CEB0] =	vst v63  }
0xcb: {  	_ =	swait.ge [sflag:s19], $0x1000  }
0xcc: {  	[sflag:s19] =	ssyncset.done $0x0  }
0xcd: {  	[sflag:s19] =	ssyncadd.s32 $0xFFFFF000  }
0xce: {  	_ =	swait.ge [sflag:s21], $0x1000  }
0xcf: {  	[sflag:s21] =	ssyncset.done $0x0  }
0xd0: {  	p0 =	sne.s32 s2, $0x180;
	[sflag:s21] =	ssyncadd.s32 $0xFFFFF000  }
0xd1: {  	[spmem:s1] =	stream.indirect.scatter.add.f32 [tilespmem:s25], [sflag:$0x2], $0x20, s30, s22, $0xb8;
	[tilespmem:$0x1CEB0] =	vst v63  }
.Ltmp0:
0xd2: {  	_ = 	snop;
	(pc) =	sbr.rel @p0 .LBB2_2-.Ltmp0, $4  }
0xd3: {  	_ =	swait.ge [sflag:s19], $0x1000  }
0xd4: {  	[sflag:s19] =	ssyncset.done $0x0  }
0xd5: {  	[sflag:s19] =	ssyncadd.s32 $0xFFFFF000  }
0xd6: {  	s2 =	sadd.s32 $0x8, s2;
	_ =	swait.ge [sflag:s21], $0x1000  }
0xd7: {  	[sflag:s21] =	ssyncset.done $0x0  }
0xd8: {  	[sflag:s21] =	ssyncadd.s32 $0xFFFFF000  }
0xd9: {  	[spmem:s1] =	stream.indirect.scatter.add.f32 [tilespmem:s26], [sflag:$0x2], $0x20, s31, s22, $0xb8;
	[tilespmem:$0x1CEB0] =	vst v63  }
0xda: {  	_ =	swait.ge [sflag:s19], $0x1000  }
0xdb: {  	[sflag:s19] =	ssyncset.done $0x0  }
0xdc: {  	[sflag:s19] =	ssyncadd.s32 $0xFFFFF000  }
0xdd: {  	[bflag:$0x0] =	sbarrier.arrive $0xFFFF  }
0xde: {  	s2 =	rddreg [dreg:$0xd]  }
0xdf: {  	s10 =	rddreg [dreg:$0x10];
	s2 =	sor.u32 $0x1C02, s2  }
0xe0: {  	[hbm:s10], [sflag:s2] =	dma.local [spmem:s18], $0x30D4  }
0xe1: {  	_ =	swait.ge [sflag:s19], $0x30D4  }
0xe2: {  	s0 =	sadd.s32 $0x1, s0;
	s17 =	rddreg [dreg:$0x11]  }
0xe3: {  	p0 =	sne.s32 s0, s17  }
.Ltmp1:
0xe4: {  	_ = 	snop;
	(pc) =	sbr.rel @p0 .LBB2_1-.Ltmp1, $3  }
0xe5: {  	_ =	sdelay $0x1  }
0xe6: {  	[sflag:s19] =	ssyncset.done $0x0  }
0xe7: {  	[sflag:s19] =	ssyncadd.s32 $0xFFFFCF2C  }
0xe8: {  	_ =	sfence.sel $0x180000  }
0xe9: {  	[bflag:$0x0] =	sbarrier.arrive $0xFFFF  }
0xea: {  	_ =	strace $0x90000050  }
0xeb: {  	s0 =	stileid.u32;
	[bflag:$0x2] =	sbarrier.arrive $0xFFFF  }
0xec: {  	p0 =	sne.s32 s0, $0x0;
	s0 =	rddreg [dreg:$0x2]  }
0xed: {  	s0 =	sadd.s32 @!p0 $0x100000, s0  }
0xee: {  	[sflag:s0] =	ssyncadd.tile.s32 @!p0 $0x1;
	_ =	shalt  }
.Lfunc_end2:
_tile_overlayer_lowered:
.L_overlay_start_2:
0xef: {  	(tag) =	ssettag $0x2  }
0xf0: {  	s0 =	rddreg [dreg:$0x0];
	s2 =	stileid.u32  }
0xf1: {  	s1 =	rddreg [dreg:$0x1];
	p0 =	sne.s32 s2, $0x0  }
0xf2: {  	s3 =	rddreg [dreg:$0x2];
	[bflag:$0x3] =	sbarrier.arrive $0xFFFF;
	s2 =	simm.s32 @!p0 $0x1C02  }
0xf3: {  	[timem:s3], [sflag:s2] =	dma.local @!p0 [hbm:s0], s1  }
0xf4: {  	s0 =	simm.s32 @!p0 $0x2  }
0xf5: {  	_ =	swait.ge @!p0 [sflag:s0], s1  }
0xf6: {  	s1 =	ssub.s32 @!p0 $0x0, s1;
	[sflag:s0] =	ssyncset.done @!p0 $0x0  }
0xf7: {  	[sflag:s0] =	ssyncadd.s32 @!p0 s1  }
0xf8: {  	[bflag:$0x3] =	sbarrier.arrive $0xFFFF  }
0xf9: {  	_ =	shalt  }

// kernel: kernel.26.cloned.1.call-start
scs
__scs_entry_jumppad:
0x0: {  	(pc) =	sbr.rel $0x88, $3  }
0x1: {  	(tag) =	ssettag $0x0;
	lr =	simm.s32 $0x1  }
0x2: {  	[smem:$0x3F94] =	sst lr;
	_ =	strace $0xD0000000  }
0x3: {  	_ = 	snop  }
0x4: {  	_ = 	snop  }
0x5: {  	_ = 	snop  }
0x6: {  	_ = 	snop  }
0x7: {  	_ = 	snop  }
__scs_overlays_trampoline_lowered:
0x8: {  	[smem:$0x3FA3] =	sst s0  }
0x9: {  	[smem:$0x3FA4] =	sst s1  }
0xa: {  	[smem:$0x3FA5] =	sst s2  }
0xb: {  	[smem:$0x3FA6] =	sst s3  }
0xc: {  	[smem:$0x3FA7] =	sst s4  }
0xd: {  	[smem:$0x3FA8] =	sst s5  }
0xe: {  	[smem:$0x3FA9] =	sst s6  }
0xf: {  	[smem:$0x3FAA] =	sst s7  }
0x10: {  	[smem:$0x3FAB] =	sst s8  }
0x11: {  	[smem:$0x3FAC] =	sst s9;
	s0 =	simm.s32 @!p0 $0x0  }
0x12: {  	s1 =	sld [smem:$0x3F92];
	s0 =	simm.s32 @p0 $0x1  }
0x13: {  	[smem:$0x3FAD] =	sst s0;
	s0 =	simm.s32 @!p1 $0x0  }
0x14: {  	s2 =	sld [smem:$0x3F91];
	s0 =	simm.s32 @p1 $0x1  }
0x15: {  	[smem:$0x3FAE] =	sst s0;
	s0 =	simm.s32 @!p2 $0x0  }
0x16: {  	s3 =	sld [smem:$0x3FDB];
	s0 =	simm.s32 @p2 $0x1  }
0x17: {  	s4 =	simm.s32 $0x1BF5;
	[smem:$0x3FB0] =	sst s0  }
0x18: {  	s0 =	sld [smem:$0x3F93];
	_ =	swait.ge [sflag:s4], $0x0  }
0x19: {  	s7 =	sld [smem:$0x3F94]  }
0x1a: {  	s8 =	sadd.s32 $0xFFFFE003, lr  }
0x1b: {  	s9 =	sadd.s32 $0xFFFFFEF7, lr;
	s5 =	simm.s32 $0xFFFFFFFF;
	p2 =	slt.u32 s8, $0xFFFFF086  }
0x1c: {  	p1 =	slt.u32 s9, $0xF7A;
	s5 =	simm.s32 @!p2 $0x0  }
0x1d: {  	s5 =	simm.s32 @p1 $0x1;
	p0 =	seq.s32 s7, s2  }
0x1e: {  	s7 =	smul.u32 @!p0 $0xF7A, s2;
	p2 =	seq.s32 @!p0 s5, $0x0  }
0x1f: {  	s9 =	smul.u32 $0xF7A, s1;
	s8 =	simm.s32 @!p0 $0x1BF5;
	p2 =	por !p2, p0  }
0x20: {  	[sflag:s8] =	ssyncset.s32 @!p0 $0xFFFFF086;
	s6 =	sadd.s32 @!p0 s3, s7;
	s7 =	simm.s32 @!p0 $0x108  }
0x21: {  	s3 =	sadd.s32 s3, s9;
	s6 =	sadd.s32 @!p0 $0x88, s6;
	s7 =	simm.s32 @p2 $0x1082  }
0x22: {  	[simem:s7], [sflag:s8] =	dma.local @!p0 [hbm:s6], $0xF7A  }
0x23: {  	s9 =	sor.u32 $0xD0000000, s2;
	s6 =	simm.s32 $0x108;
	_ =	swait.ge @!p0 [sflag:s8], $0x0  }
0x24: {  	s3 =	sadd.s32 $0x88, s3;
	s6 =	simm.s32 @!p1 $0x1082;
	[sflag:s4] =	ssyncset.s32 $0xFFFFF086  }
0x25: {  	[simem:s6], [sflag:s4] =	dma.local [hbm:s3], $0xF7A  }
0x26: {  	[smem:$0x3F94] =	sst s1;
	(tag) =	ssettag s2;
	_ =	strace s9  }
0x27: {  	s1 =	sld [smem:$0x3FA4]  }
0x28: {  	s2 =	sld [smem:$0x3FA5]  }
0x29: {  	s4 =	sld [smem:$0x3FA7]  }
0x2a: {  	p0 =	seq.s32 s5, $0x0;
	s5 =	sld [smem:$0x3FA8]  }
0x2b: {  	s6 =	sld [smem:$0x3FA9]  }
0x2c: {  	s7 =	sld [smem:$0x3FAA]  }
0x2d: {  	s3 =	simm.s32 $0x108;
	s8 =	sld [smem:$0x3FAB]  }
0x2e: {  	s3 =	simm.s32 @!p0 $0x1082;
	s9 =	sld [smem:$0x3FAC]  }
0x2f: {  	lr =	sadd.s32 s0, s3;
	s0 =	sld [smem:$0x3FA3]  }
0x30: {  	s3 =	sld [smem:$0x3FA6]  }
0x31: {  	[smem:$0x3FAF] =	sst s10  }
0x32: {  	s10 =	sld [smem:$0x3FAD];
	_ =	sdelay $0x3  }
0x33: {  	p0 =	seq.s32 s10, $0x1;
	s10 =	sld [smem:$0x3FAF];
	_ =	sdelay $0x3  }
0x34: {  	[smem:$0x3FAF] =	sst s10  }
0x35: {  	s10 =	sld [smem:$0x3FAE];
	_ =	sdelay $0x3  }
0x36: {  	p1 =	seq.s32 s10, $0x1;
	s10 =	sld [smem:$0x3FAF];
	_ =	sdelay $0x3  }
0x37: {  	[smem:$0x3FAF] =	sst s10  }
0x38: {  	s10 =	sld [smem:$0x3FB0]  }
0x39: {  	_ = 	snop;
	(pc) =	sbr.ind lr, $3  }
0x3a: {  	_ = 	snop  }
0x3b: {  	_ = 	snop  }
0x3c: {  	p2 =	seq.s32 s10, $0x1;
	s10 =	sld [smem:$0x3FAF]  }
0x3d: {  	_ =	shalt  }
0x3e: {  	_ =	shalt  }
0x3f: {  	_ =	shalt  }
0x40: {  	_ =	shalt  }
0x41: {  	_ =	shalt  }
0x42: {  	_ =	shalt  }
0x43: {  	_ =	shalt  }
0x44: {  	_ =	shalt  }
0x45: {  	_ =	shalt  }
0x46: {  	_ =	shalt  }
0x47: {  	_ =	shalt  }
0x48: {  	_ =	shalt  }
0x49: {  	_ =	shalt  }
0x4a: {  	_ =	shalt  }
0x4b: {  	_ =	shalt  }
0x4c: {  	_ =	shalt  }
0x4d: {  	_ =	shalt  }
0x4e: {  	_ =	shalt  }
0x4f: {  	_ =	shalt  }
0x50: {  	_ =	shalt  }
0x51: {  	_ =	shalt  }
0x52: {  	_ =	shalt  }
0x53: {  	_ =	shalt  }
0x54: {  	_ =	shalt  }
0x55: {  	_ =	shalt  }
0x56: {  	_ =	shalt  }
0x57: {  	_ =	shalt  }
0x58: {  	_ =	shalt  }
0x59: {  	_ =	shalt  }
0x5a: {  	_ =	shalt  }
0x5b: {  	_ =	shalt  }
0x5c: {  	_ =	shalt  }
0x5d: {  	_ =	shalt  }
0x5e: {  	_ =	shalt  }
0x5f: {  	_ =	shalt  }
0x60: {  	_ =	shalt  }
0x61: {  	_ =	shalt  }
0x62: {  	_ =	shalt  }
0x63: {  	_ =	shalt  }
0x64: {  	_ =	shalt  }
0x65: {  	_ =	shalt  }
0x66: {  	_ =	shalt  }
0x67: {  	_ =	shalt  }
0x68: {  	_ =	shalt  }
0x69: {  	_ =	shalt  }
0x6a: {  	_ =	shalt  }
0x6b: {  	_ =	shalt  }
0x6c: {  	_ =	shalt  }
0x6d: {  	_ =	shalt  }
0x6e: {  	_ =	shalt  }
0x6f: {  	_ =	shalt  }
0x70: {  	_ =	shalt  }
0x71: {  	_ =	shalt  }
0x72: {  	_ =	shalt  }
0x73: {  	_ =	shalt  }
0x74: {  	_ =	shalt  }
0x75: {  	_ =	shalt  }
0x76: {  	_ =	shalt  }
0x77: {  	_ =	shalt  }
0x78: {  	_ =	shalt  }
0x79: {  	_ =	shalt  }
0x7a: {  	_ =	shalt  }
0x7b: {  	_ =	shalt  }
0x7c: {  	_ =	shalt  }
0x7d: {  	_ =	shalt  }
0x7e: {  	_ =	shalt  }
0x7f: {  	_ =	shalt  }
0x80: {  	_ =	shalt  }
0x81: {  	_ =	shalt  }
0x82: {  	_ =	shalt  }
0x83: {  	_ =	shalt  }
0x84: {  	_ =	shalt  }
0x85: {  	_ =	shalt  }
0x86: {  	_ =	shalt  }
0x87: {  	_ =	shalt  }
.Lfunc_end0:
.L_simem_size_0:
called_computation.4_lowered:
.L_overlay_start_0:
0x88: {  	s2 =	sld [smem:$0x3FD9]  }
0x89: {  	s3 =	sld [smem:$0x3FFE];
	_ =	sdelay $0x1  }
0x8a: {  	s1 =	srdreg.scid  }
0x8b: {  	s0 =	sand.u32 $0x1, s1  }
0x8c: {  	s16 =	sshll.u32 s0, $0xA;
	s2 =	sadd.s32 s3, s2  }
0x8d: {  	s2 =	sadd.s32 s2, s16  }
0x8e: {  	[smem:$0x3FBB] =	sst s2  }
0x8f: {  	_ = 	snop  }
0x90: {  	(tm) =	ssettm $0x1  }
0x91: {  	s17 =	sld [smem:$0x3FFB];
	_ =	sdelay $0x3  }
0x92: {  	_ =	strace s17  }
0x93: {  	s2 =	sld [smem:$0x3FFC];
	_ =	sdelay $0x3  }
0x94: {  	_ =	strace s2  }
0x95: {  	s2 =	sld [smem:$0x3FFD];
	_ =	sdelay $0x3  }
0x96: {  	_ =	strace s2  }
0x97: {  	_ =	strace $0x8FFFFFFF  }
0x98: {  	s18 =	sld [smem:$0x3FDB];
	_ =	sdelay $0x1  }
0x99: {  	s19 =	simm.s32 $_scs_section_size  }
0x9a: {  	s4 =	simm.s32 $_size__tile_overlayer_lowered;
	s5 =	simm.s32 $_tile_overlayer_lowered  }
0x9b: {  	s22 =	simm.s32 $0x1BFF;
	s21 =	sshll.u32 s5, $0x1;
	s2 =	sadd.s32 s19, s18  }
0x9c: {  	s6 =	simm.s32 $0x0;
	s20 =	sshll.u32 s4, $0x1;
	s4 =	sadd.s32 s21, s2  }
0x9d: {  	[timem:s6], [sflag:s22] =	dma.local [hbm:s4], s20  }
0x9e: {  	_ =	swait.ge [sflag:s22], s20  }
0x9f: {  	s3 =	ssub.s32 $0x0, s20;
	[sflag:s22] =	ssyncset.done $0x0  }
0xa0: {  	[sflag:s22] =	ssyncadd.s32 s3;
	_ =	sdelay $0x1  }
0xa1: {  	s23 =	simm.s32 $0x1B8B  }
0xa2: {  	_ =	swait.ge [sflag:s23], $0x1  }
0xa3: {  	[sflag:s23] =	ssyncset.done $0x0  }
0xa4: {  	s25 =	simm.s32 $0x1B8E;
	s24 =	sld [smem:$0x3FFE];
	[sflag:s23] =	ssyncadd.s32 $0xFFFFFFFF  }
0xa5: {  	s26 =	simm.s32 $execute0_lowered;
	[smem:$0x3FD2] =	sst s25  }
0xa6: {  	s4 =	sshll.u32 s26, $0x1;
	_ =	strace $0x80000052;
	[dreg:$0x1] =	wrdreg $0xFFFFFFFF  }
0xa7: {  	s28 =	simm.s32 $_size_execute0_lowered;
	s2 =	sadd.s32 s2, s4;
	[dreg:$0x0] =	wrdreg $0x0  }
0xa8: {  	s4 =	sshll.u32 s28, $0x1;
	[dreg:$0x2] =	wrdreg s2  }
0xa9: {  	[dreg:$0x3] =	wrdreg s4  }
0xaa: {  	[dreg:$0x4] =	wrdreg $0xC0  }
0xab: {  	_ =	task [dreg:s6], $0x5FFFF  }
0xac: {  	[dreg:$0x1] =	wrdreg $0xFFFFFFFF  }
0xad: {  	[dreg:$0x0] =	wrdreg $0x60  }
0xae: {  	[dreg:$0x2] =	wrdreg s24  }
0xaf: {  	[dreg:$0x3] =	wrdreg $0x48000  }
0xb0: {  	[dreg:$0x4] =	wrdreg $0x9  }
0xb1: {  	_ =	task.clear_ibuf [dreg:s6], $0x5FFFF;
	_ =	strace $0x90000052  }
0xb2: {  	s29 =	simm.s32 $0x9;
	_ =	strace $0x80000054  }
0xb3: {  	_ =	swait.ge [sflag:s29], $0x1  }
0xb4: {  	[sflag:s29] =	ssyncadd.s32 $0xFFFFFFFF  }
0xb5: {  	_ =	strace $0x90000054  }
0xb6: {  	_ =	sfence  }
0xb7: {  	s30 =	sld [smem:$0x0];
	_ =	sdelay $0x2  }
0xb8: {  	s31 =	sshll.u32 s1, $0xD;
	s1 =	sshrl.u32 s1, $0x2  }
0xb9: {  	s3 =	sand.u32 $0x4000, s31;
	s1 =	sadd.s32 s1, s30  }
0xba: {  	s0 =	sor.u32 s3, s0;
	s1 =	sshll.u32 s1, $0x11  }
0xbb: {  	s0 =	sor.u32 s1, s0  }
0xbc: {  	s0 =	sadd.s32 $0x8F2B, s0  }
0xbd: {  	[sflag:s0] =	ssyncadd.remote.s32 $0x1  }
0xbe: {  	_ =	sfence.sel $0xFFFF  }
0xbf: {  	[dreg:$0x0] =	wrdreg $0xFFFFFFFF;
	(pc) =	sbr.abs _section_cstart, $3  }
0xc0: {  	[dreg:$0x1] =	wrdreg $0xFFFFFFFF  }
0xc1: {  	_ =	task.clear_ibuf [dreg:s6], $0x2FFFF;
	_ =	strace $0x9FFFFFFF  }
0xc2: {  	(tm) =	ssettm $0x7FFFFFFF  }
0xc3: {  	_ =	shalt  }
tec
execute0_lowered:
.L_overlay_start_1:
0x0: {  	(tag) =	ssettag $0x1  }
0x1: {  	s0 =	rddreg [dreg:$0x0]  }
0x2: {  	s1 =	rddreg [dreg:$0x1]  }
0x3: {  	s3 =	simm.s32 $0x0;
	s2 =	srdreg.scid;
	s13 =	stileid.u32  }
0x4: {  	s18 =	simm.s32 $0x100;
	s19 =	simm.s32 $0x180;
	s20 =	simm.s32 $0x280  }
0x5: {  	s21 =	simm.s32 $0x300;
	s28 =	simm.s32 $0x400;
	s29 =	simm.s32 $0x600  }
0x6: {  	s30 =	simm.s32 $0x700;
	s31 =	simm.s32 $0x780;
	[smem:$0x7FF] =	sst s3  }
0x7: {  	s2 =	sand.u32 $0x1, s2;
	s4 =	sadd.s32 $0x7E400, s0;
	s8 =	smul.u32 $0xC35, s13  }
0x8: {  	s5 =	sadd.s32 $0x4D400, s0;
	s9 =	smul.u32 $0x61A80, s13;
	s25 =	sshll.u32 s13, $0x6  }
0x9: {  	s16 =	smul.u32 $0x1880, s13;
	_ =	strace $0x80000053;
	[dreg:$0xd] =	wrdreg s25  }
0xa: {  	s6 =	sadd.s32 $0x3E00, s0;
	s7 =	smul.u32 $0xC350, s2;
	[dreg:$0x3] =	wrdreg s18  }
0xb: {  	s22 =	ssub.s32 $0x2, s2;
	s10 =	smul.u32 $0x1880, s2;
	[dreg:$0x4] =	wrdreg s19  }
0xc: {  	s2 =	smul.u32 $0x18800, s2;
	[dreg:$0x5] =	wrdreg s20;
	s19 =	simm.s32 $0x2  }
0xd: {  	[dreg:$0x6] =	wrdreg s21;
	s20 =	simm.s32 $0x200;
	s21 =	simm.s32 $0x1  }
0xe: {  	s12 =	sshrl.u32 s22, $0x1;
	s9 =	sshrl.u32 s9, $0x2;
	s7 =	sadd.s32 s8, s7  }
0xf: {  	s8 =	ssub.s32 s22, s12;
	s23 =	sadd.s32 s9, s1;
	s17 =	sadd.s32 s2, s5  }
0x10: {  	s22 =	simm.s32 $0x380;
	s11 =	sshll.u32 s7, $0x2;
	s7 =	smul.u32 $0x188, s13  }
0x11: {  	s13 =	sadd.s32 s6, s16;
	s15 =	smax.u32 s8, $0x1;
	[dreg:$0x7] =	wrdreg s22  }
0x12: {  	s18 =	sshrl.u32 s23, $0x3;
	s23 =	simm.s32 $0x480;
	[dreg:$0x11] =	wrdreg s15  }
0x13: {  	s0 =	sadd.s32 s11, s0;
	s24 =	sadd.s32 s4, s11;
	[dreg:$0x8] =	wrdreg s23  }
0x14: {  	[dreg:$0xc] =	wrdreg s24;
	s9 =	sadd.s32 s7, s10;
	s10 =	sor.u32 $0x1C01, s25  }
0x15: {  	s22 =	simm.s32 $0x80;
	s0 =	sadd.s32 $0xE0000, s0;
	[dreg:$0xe] =	wrdreg s10  }
0x16: {  	s8 =	sadd.s32 $0x40, s13;
	s24 =	simm.s32 $0x500;
	[dreg:$0x10] =	wrdreg s0  }
0x17: {  	s23 =	simm.s32 $0x800;
	s25 =	simm.s32 $0x580;
	[dreg:$0x9] =	wrdreg s24  }
0x18: {  	s26 =	sshll.u32 s9, $0x4;
	s0 =	sadd.s32 s16, s17;
	[dreg:$0xa] =	wrdreg s25  }
0x19: {  	s24 =	simm.s32 $0x1800;
	s25 =	simm.s32 $0x2800;
	s14 =	sadd.s32 s5, s26  }
0x1a: {  	s11 =	sadd.s32 $0x40, s0;
	s26 =	simm.s32 $0x680;
	[dreg:$0xf] =	wrdreg s14  }
0x1b: {  	s0 =	simm.s32 $0x0;
	[dreg:$0xb] =	wrdreg s26;
	s26 =	simm.s32 $0x3800  }
.LBB2_1:
0x1c: {  	s2 =	rddreg [dreg:$0xc]  }
0x1d: {  	s10 =	rddreg [dreg:$0xe]  }
0x1e: {  	[spmem:s18], [sflag:s10] =	dma.local [hbm:s2], $0x30D4  }
0x1f: {  	s2 =	rddreg [dreg:$0xf]  }
0x20: {  	[tilespmem:s3], [sflag:$0x2] =	stream.linear.gather [hbm4b:s2+s3], $0x200, $0x38;
	[tilespmem:$0x1CEB0] =	vst v63  }
0x21: {  	_ =	swait.ge [sflag:s19], $0x200  }
0x22: {  	[sflag:s19] =	ssyncset.done $0x0  }
0x23: {  	[sflag:s19] =	ssyncadd.s32 $0xFFFFFE00  }
0x24: {  	[tilespmem:s20], [sflag:$0x2] =	stream.linear.gather [hbm4b:s13+s3], $0x200, $0x38;
	[tilespmem:$0x1CEB0] =	vst v63  }
0x25: {  	_ =	swait.ge [sflag:s19], $0x200  }
0x26: {  	[sflag:s19] =	ssyncset.done $0x0  }
0x27: {  	[sflag:s19] =	ssyncadd.s32 $0xFFFFFE00  }
0x28: {  	_ =	swait.ge [sflag:s21], $0x30D4  }
0x29: {  	[sflag:s21] =	ssyncset.done $0x0  }
0x2a: {  	[sflag:s21] =	ssyncadd.s32 $0xFFFFCF2C  }
0x2b: {  	[bflag:$0x0] =	sbarrier.arrive $0xFFFF  }
0x2c: {  	[tilespmem:s23], [sflag:$0x1] =	stream.indirect.gather [hbm4b:s4+s22], $0x20, s3, s22, $0xb8;
	[tilespmem:$0x1CEB0] =	vst v63  }
0x2d: {  	_ = 	snop  }
0x2e: {  	[tilespmem:s24], [sflag:$0x1] =	stream.indirect.gather [hbm4b:s4+s22], $0x20, s22, s22, $0xb8;
	[tilespmem:$0x1CEB0] =	vst v63  }
0x2f: {  	s17 =	rddreg [dreg:$0x3]  }
0x30: {  	[tilespmem:s25], [sflag:$0x1] =	stream.indirect.gather [hbm4b:s4+s22], $0x20, s17, s22, $0xb8;
	[tilespmem:$0x1CEB0] =	vst v63  }
0x31: {  	s12 =	rddreg [dreg:$0x4]  }
0x32: {  	[tilespmem:s26], [sflag:$0x1] =	stream.indirect.gather [hbm4b:s4+s22], $0x20, s12, s22, $0xb8;
	[tilespmem:$0x1CEB0] =	vst v63  }
0x33: {  	_ = 	snop  }
0x34: {  	[tilespmem:s28], [sflag:$0x2] =	stream.linear.gather [hbm4b:s11+s3], $0x200, $0x38;
	[tilespmem:$0x1CEB0] =	vst v63  }
0x35: {  	_ =	swait.ge [sflag:s19], $0x200  }
0x36: {  	[sflag:s19] =	ssyncset.done $0x0  }
0x37: {  	[sflag:s19] =	ssyncadd.s32 $0xFFFFFE00  }
0x38: {  	[tilespmem:s29], [sflag:$0x2] =	stream.linear.gather [hbm4b:s8+s3], $0x200, $0x38;
	[tilespmem:$0x1CEB0] =	vst v63  }
0x39: {  	_ =	swait.ge [sflag:s19], $0x200  }
0x3a: {  	[sflag:s19] =	ssyncset.done $0x0  }
0x3b: {  	[sflag:s19] =	ssyncadd.s32 $0xFFFFFE00  }
0x3c: {  	_ =	swait.ge [sflag:s21], $0x1000  }
0x3d: {  	[sflag:s21] =	ssyncset.done $0x0  }
0x3e: {  	[sflag:s21] =	ssyncadd.s32 $0xFFFFF000  }
0x3f: {  	[spmem:s1] =	stream.indirect.scatter.add.f32 [tilespmem:s23], [sflag:$0x2], $0x20, s20, s22, $0xb8;
	[tilespmem:$0x1CEB0] =	vst v63  }
0x40: {  	_ =	swait.ge [sflag:s19], $0x1000  }
0x41: {  	[sflag:s19] =	ssyncset.done $0x0  }
0x42: {  	[sflag:s19] =	ssyncadd.s32 $0xFFFFF000  }
0x43: {  	_ =	swait.ge [sflag:s21], $0x1000  }
0x44: {  	[sflag:s21] =	ssyncset.done $0x0  }
0x45: {  	s10 =	rddreg [dreg:$0x5];
	[sflag:s21] =	ssyncadd.s32 $0xFFFFF000  }
0x46: {  	[spmem:s1] =	stream.indirect.scatter.add.f32 [tilespmem:s24], [sflag:$0x2], $0x20, s10, s22, $0xb8;
	[tilespmem:$0x1CEB0] =	vst v63  }
0x47: {  	_ =	swait.ge [sflag:s19], $0x1000  }
0x48: {  	[sflag:s19] =	ssyncset.done $0x0  }
0x49: {  	[sflag:s19] =	ssyncadd.s32 $0xFFFFF000  }
0x4a: {  	_ =	swait.ge [sflag:s21], $0x1000  }
0x4b: {  	[sflag:s21] =	ssyncset.done $0x0  }
0x4c: {  	s12 =	rddreg [dreg:$0x6];
	[sflag:s21] =	ssyncadd.s32 $0xFFFFF000  }
0x4d: {  	[spmem:s1] =	stream.indirect.scatter.add.f32 [tilespmem:s25], [sflag:$0x2], $0x20, s12, s22, $0xb8;
	[tilespmem:$0x1CEB0] =	vst v63  }
0x4e: {  	_ =	swait.ge [sflag:s19], $0x1000  }
0x4f: {  	[sflag:s19] =	ssyncset.done $0x0  }
0x50: {  	[sflag:s19] =	ssyncadd.s32 $0xFFFFF000  }
0x51: {  	_ =	swait.ge [sflag:s21], $0x1000  }
0x52: {  	[sflag:s21] =	ssyncset.done $0x0  }
0x53: {  	s14 =	rddreg [dreg:$0x7];
	[sflag:s21] =	ssyncadd.s32 $0xFFFFF000  }
0x54: {  	[spmem:s1] =	stream.indirect.scatter.add.f32 [tilespmem:s26], [sflag:$0x2], $0x20, s14, s22, $0xb8;
	[tilespmem:$0x1CEB0] =	vst v63  }
0x55: {  	_ =	swait.ge [sflag:s19], $0x1000  }
0x56: {  	[sflag:s19] =	ssyncset.done $0x0  }
0x57: {  	s16 =	smin.u32 s3, $0x178;
	[sflag:s19] =	ssyncadd.s32 $0xFFFFF000  }
0x58: {  	[tilespmem:s23], [sflag:$0x1] =	stream.indirect.gather [hbm4b:s4+s22], $0x20, s28, s22, $0xb8;
	[tilespmem:$0x1CEB0] =	vst v63  }
0x59: {  	s16 =	sadd.s32 $0x8, s16;
	s15 =	rddreg [dreg:$0x8]  }
0x5a: {  	[tilespmem:s24], [sflag:$0x1] =	stream.indirect.gather [hbm4b:s4+s22], $0x20, s15, s22, $0xb8;
	[tilespmem:$0x1CEB0] =	vst v63  }
0x5b: {  	s14 =	sadd.s32 s9, s16;
	s17 =	rddreg [dreg:$0x9]  }
0x5c: {  	[tilespmem:s25], [sflag:$0x1] =	stream.indirect.gather [hbm4b:s4+s22], $0x20, s17, s22, $0xb8;
	[tilespmem:$0x1CEB0] =	vst v63  }
0x5d: {  	s12 =	sshll.u32 s14, $0x4;
	s10 =	rddreg [dreg:$0xa]  }
0x5e: {  	[tilespmem:s26], [sflag:$0x1] =	stream.indirect.gather [hbm4b:s4+s22], $0x20, s10, s22, $0xb8;
	[tilespmem:$0x1CEB0] =	vst v63  }
0x5f: {  	s15 =	sadd.s32 s5, s12  }
0x60: {  	[tilespmem:s3], [sflag:$0x2] =	stream.linear.gather [hbm4b:s15+s3], $0x200, $0x38;
	[tilespmem:$0x1CEB0] =	vst v63  }
0x61: {  	s16 =	sadd.s32 s7, s16;
	_ =	swait.ge [sflag:s19], $0x200  }
0x62: {  	s2 =	sshll.u32 s16, $0x4;
	[sflag:s19] =	ssyncset.done $0x0  }
0x63: {  	s2 =	sadd.s32 s6, s2;
	[sflag:s19] =	ssyncadd.s32 $0xFFFFFE00  }
0x64: {  	[tilespmem:s20], [sflag:$0x2] =	stream.linear.gather [hbm4b:s2+s3], $0x200, $0x38;
	[tilespmem:$0x1CEB0] =	vst v63  }
0x65: {  	_ =	swait.ge [sflag:s19], $0x200  }
0x66: {  	[sflag:s19] =	ssyncset.done $0x0  }
0x67: {  	[sflag:s19] =	ssyncadd.s32 $0xFFFFFE00  }
0x68: {  	_ =	swait.ge [sflag:s21], $0x1000  }
0x69: {  	[sflag:s21] =	ssyncset.done $0x0  }
0x6a: {  	[sflag:s21] =	ssyncadd.s32 $0xFFFFF000  }
0x6b: {  	[spmem:s1] =	stream.indirect.scatter.add.f32 [tilespmem:s23], [sflag:$0x2], $0x20, s29, s22, $0xb8;
	[tilespmem:$0x1CEB0] =	vst v63  }
0x6c: {  	_ =	swait.ge [sflag:s19], $0x1000  }
0x6d: {  	[sflag:s19] =	ssyncset.done $0x0  }
0x6e: {  	[sflag:s19] =	ssyncadd.s32 $0xFFFFF000  }
0x6f: {  	_ =	swait.ge [sflag:s21], $0x1000  }
0x70: {  	[sflag:s21] =	ssyncset.done $0x0  }
0x71: {  	s17 =	rddreg [dreg:$0xb];
	[sflag:s21] =	ssyncadd.s32 $0xFFFFF000  }
0x72: {  	[spmem:s1] =	stream.indirect.scatter.add.f32 [tilespmem:s24], [sflag:$0x2], $0x20, s17, s22, $0xb8;
	[tilespmem:$0x1CEB0] =	vst v63  }
0x73: {  	_ =	swait.ge [sflag:s19], $0x1000  }
0x74: {  	[sflag:s19] =	ssyncset.done $0x0  }
0x75: {  	[sflag:s19] =	ssyncadd.s32 $0xFFFFF000  }
0x76: {  	_ =	swait.ge [sflag:s21], $0x1000  }
0x77: {  	[sflag:s21] =	ssyncset.done $0x0  }
0x78: {  	[sflag:s21] =	ssyncadd.s32 $0xFFFFF000  }
0x79: {  	[spmem:s1] =	stream.indirect.scatter.add.f32 [tilespmem:s25], [sflag:$0x2], $0x20, s30, s22, $0xb8;
	[tilespmem:$0x1CEB0] =	vst v63  }
0x7a: {  	_ =	swait.ge [sflag:s19], $0x1000  }
0x7b: {  	[sflag:s19] =	ssyncset.done $0x0  }
0x7c: {  	s16 =	smov.u32 s8;
	[sflag:s19] =	ssyncadd.s32 $0xFFFFF000  }
0x7d: {  	s2 =	simm.s32 $0x8;
	s17 =	smov.u32 s11;
	_ =	swait.ge [sflag:s21], $0x1000  }
.LBB2_2:
0x7e: {  	[sflag:s21] =	ssyncset.done $0x0  }
0x7f: {  	[sflag:s21] =	ssyncadd.s32 $0xFFFFF000  }
0x80: {  	[spmem:s1] =	stream.indirect.scatter.add.f32 [tilespmem:s26], [sflag:$0x2], $0x20, s31, s22, $0xb8;
	[tilespmem:$0x1CEB0] =	vst v63  }
0x81: {  	_ =	swait.ge [sflag:s19], $0x1000  }
0x82: {  	[sflag:s19] =	ssyncset.done $0x0  }
0x83: {  	[sflag:s19] =	ssyncadd.s32 $0xFFFFF000  }
0x84: {  	[tilespmem:s23], [sflag:$0x1] =	stream.indirect.gather [hbm4b:s4+s22], $0x20, s3, s22, $0xb8;
	[tilespmem:$0x1CEB0] =	vst v63  }
0x85: {  	_ = 	snop  }
0x86: {  	[tilespmem:s24], [sflag:$0x1] =	stream.indirect.gather [hbm4b:s4+s22], $0x20, s22, s22, $0xb8;
	[tilespmem:$0x1CEB0] =	vst v63  }
0x87: {  	s14 =	rddreg [dreg:$0x3]  }
0x88: {  	[tilespmem:s25], [sflag:$0x1] =	stream.indirect.gather [hbm4b:s4+s22], $0x20, s14, s22, $0xb8;
	[tilespmem:$0x1CEB0] =	vst v63  }
0x89: {  	s15 =	rddreg [dreg:$0x4]  }
0x8a: {  	[tilespmem:s26], [sflag:$0x1] =	stream.indirect.gather [hbm4b:s4+s22], $0x20, s15, s22, $0xb8;
	[tilespmem:$0x1CEB0] =	vst v63  }
0x8b: {  	s17 =	sadd.s32 $0x80, s17  }
0x8c: {  	[tilespmem:s28], [sflag:$0x2] =	stream.linear.gather [hbm4b:s17+s3], $0x200, $0x38;
	[tilespmem:$0x1CEB0] =	vst v63  }
0x8d: {  	_ =	swait.ge [sflag:s19], $0x200  }
0x8e: {  	[sflag:s19] =	ssyncset.done $0x0  }
0x8f: {  	s16 =	sadd.s32 $0x80, s16;
	[sflag:s19] =	ssyncadd.s32 $0xFFFFFE00  }
0x90: {  	[tilespmem:s29], [sflag:$0x2] =	stream.linear.gather [hbm4b:s16+s3], $0x200, $0x38;
	[tilespmem:$0x1CEB0] =	vst v63  }
0x91: {  	_ =	swait.ge [sflag:s19], $0x200  }
0x92: {  	[sflag:s19] =	ssyncset.done $0x0  }
0x93: {  	[sflag:s19] =	ssyncadd.s32 $0xFFFFFE00  }
0x94: {  	_ =	swait.ge [sflag:s21], $0x1000  }
0x95: {  	[sflag:s21] =	ssyncset.done $0x0  }
0x96: {  	[sflag:s21] =	ssyncadd.s32 $0xFFFFF000  }
0x97: {  	[spmem:s1] =	stream.indirect.scatter.add.f32 [tilespmem:s23], [sflag:$0x2], $0x20, s20, s22, $0xb8;
	[tilespmem:$0x1CEB0] =	vst v63  }
0x98: {  	_ =	swait.ge [sflag:s19], $0x1000  }
0x99: {  	[sflag:s19] =	ssyncset.done $0x0  }
0x9a: {  	[sflag:s19] =	ssyncadd.s32 $0xFFFFF000  }
0x9b: {  	_ =	swait.ge [sflag:s21], $0x1000  }
0x9c: {  	[sflag:s21] =	ssyncset.done $0x0  }
0x9d: {  	s10 =	rddreg [dreg:$0x5];
	[sflag:s21] =	ssyncadd.s32 $0xFFFFF000  }
0x9e: {  	[spmem:s1] =	stream.indirect.scatter.add.f32 [tilespmem:s24], [sflag:$0x2], $0x20, s10, s22, $0xb8;
	[tilespmem:$0x1CEB0] =	vst v63  }
0x9f: {  	_ =	swait.ge [sflag:s19], $0x1000  }
0xa0: {  	[sflag:s19] =	ssyncset.done $0x0  }
0xa1: {  	[sflag:s19] =	ssyncadd.s32 $0xFFFFF000  }
0xa2: {  	_ =	swait.ge [sflag:s21], $0x1000  }
0xa3: {  	[sflag:s21] =	ssyncset.done $0x0  }
0xa4: {  	s15 =	rddreg [dreg:$0x6];
	[sflag:s21] =	ssyncadd.s32 $0xFFFFF000  }
0xa5: {  	[spmem:s1] =	stream.indirect.scatter.add.f32 [tilespmem:s25], [sflag:$0x2], $0x20, s15, s22, $0xb8;
	[tilespmem:$0x1CEB0] =	vst v63  }
0xa6: {  	_ =	swait.ge [sflag:s19], $0x1000  }
0xa7: {  	[sflag:s19] =	ssyncset.done $0x0  }
0xa8: {  	[sflag:s19] =	ssyncadd.s32 $0xFFFFF000  }
0xa9: {  	_ =	swait.ge [sflag:s21], $0x1000  }
0xaa: {  	[sflag:s21] =	ssyncset.done $0x0  }
0xab: {  	s10 =	rddreg [dreg:$0x7];
	[sflag:s21] =	ssyncadd.s32 $0xFFFFF000  }
0xac: {  	[spmem:s1] =	stream.indirect.scatter.add.f32 [tilespmem:s26], [sflag:$0x2], $0x20, s10, s22, $0xb8;
	[tilespmem:$0x1CEB0] =	vst v63  }
0xad: {  	_ =	swait.ge [sflag:s19], $0x1000  }
0xae: {  	s12 =	smov.u32 s2;
	[sflag:s19] =	ssyncset.done $0x0  }
0xaf: {  	s12 =	smin.u32 s12, $0x178;
	[sflag:s19] =	ssyncadd.s32 $0xFFFFF000  }
0xb0: {  	[tilespmem:s23], [sflag:$0x1] =	stream.indirect.gather [hbm4b:s4+s22], $0x20, s28, s22, $0xb8;
	[tilespmem:$0x1CEB0] =	vst v63  }
0xb1: {  	s12 =	sadd.s32 $0x8, s12;
	s15 =	rddreg [dreg:$0x8]  }
0xb2: {  	[tilespmem:s24], [sflag:$0x1] =	stream.indirect.gather [hbm4b:s4+s22], $0x20, s15, s22, $0xb8;
	[tilespmem:$0x1CEB0] =	vst v63  }
0xb3: {  	s14 =	rddreg [dreg:$0x9];
	s15 =	sadd.s32 s9, s12  }
0xb4: {  	[tilespmem:s25], [sflag:$0x1] =	stream.indirect.gather [hbm4b:s4+s22], $0x20, s14, s22, $0xb8;
	[tilespmem:$0x1CEB0] =	vst v63  }
0xb5: {  	s10 =	rddreg [dreg:$0xa];
	s15 =	sshll.u32 s15, $0x4  }
0xb6: {  	[tilespmem:s26], [sflag:$0x1] =	stream.indirect.gather [hbm4b:s4+s22], $0x20, s10, s22, $0xb8;
	[tilespmem:$0x1CEB0] =	vst v63  }
0xb7: {  	s15 =	sadd.s32 s5, s15  }
0xb8: {  	[tilespmem:s3], [sflag:$0x2] =	stream.linear.gather [hbm4b:s15+s3], $0x200, $0x38;
	[tilespmem:$0x1CEB0] =	vst v63  }
0xb9: {  	s12 =	sadd.s32 s7, s12;
	_ =	swait.ge [sflag:s19], $0x200  }
0xba: {  	s12 =	sshll.u32 s12, $0x4;
	[sflag:s19] =	ssyncset.done $0x0  }
0xbb: {  	s14 =	sadd.s32 s6, s12;
	[sflag:s19] =	ssyncadd.s32 $0xFFFFFE00  }
0xbc: {  	[tilespmem:s20], [sflag:$0x2] =	stream.linear.gather [hbm4b:s14+s3], $0x200, $0x38;
	[tilespmem:$0x1CEB0] =	vst v63  }
0xbd: {  	_ =	swait.ge [sflag:s19], $0x200  }
0xbe: {  	[sflag:s19] =	ssyncset.done $0x0  }
0xbf: {  	[sflag:s19] =	ssyncadd.s32 $0xFFFFFE00  }
0xc0: {  	_ =	swait.ge [sflag:s21], $0x1000  }
0xc1: {  	[sflag:s21] =	ssyncset.done $0x0  }
0xc2: {  	[sflag:s21] =	ssyncadd.s32 $0xFFFFF000  }
0xc3: {  	[spmem:s1] =	stream.indirect.scatter.add.f32 [tilespmem:s23], [sflag:$0x2], $0x20, s29, s22, $0xb8;
	[tilespmem:$0x1CEB0] =	vst v63  }
0xc4: {  	_ =	swait.ge [sflag:s19], $0x1000  }
0xc5: {  	[sflag:s19] =	ssyncset.done $0x0  }
0xc6: {  	[sflag:s19] =	ssyncadd.s32 $0xFFFFF000  }
0xc7: {  	_ =	swait.ge [sflag:s21], $0x1000  }
0xc8: {  	[sflag:s21] =	ssyncset.done $0x0  }
0xc9: {  	s15 =	rddreg [dreg:$0xb];
	[sflag:s21] =	ssyncadd.s32 $0xFFFFF000  }
0xca: {  	[spmem:s1] =	stream.indirect.scatter.add.f32 [tilespmem:s24], [sflag:$0x2], $0x20, s15, s22, $0xb8;
	[tilespmem:$0x1CEB0] =	vst v63  }
0xcb: {  	_ =	swait.ge [sflag:s19], $0x1000  }
0xcc: {  	[sflag:s19] =	ssyncset.done $0x0  }
0xcd: {  	[sflag:s19] =	ssyncadd.s32 $0xFFFFF000  }
0xce: {  	_ =	swait.ge [sflag:s21], $0x1000  }
0xcf: {  	[sflag:s21] =	ssyncset.done $0x0  }
0xd0: {  	p0 =	sne.s32 s2, $0x180;
	[sflag:s21] =	ssyncadd.s32 $0xFFFFF000  }
0xd1: {  	[spmem:s1] =	stream.indirect.scatter.add.f32 [tilespmem:s25], [sflag:$0x2], $0x20, s30, s22, $0xb8;
	[tilespmem:$0x1CEB0] =	vst v63  }
.Ltmp0:
0xd2: {  	_ = 	snop;
	(pc) =	sbr.rel @p0 .LBB2_2-.Ltmp0, $4  }
0xd3: {  	_ =	swait.ge [sflag:s19], $0x1000  }
0xd4: {  	[sflag:s19] =	ssyncset.done $0x0  }
0xd5: {  	[sflag:s19] =	ssyncadd.s32 $0xFFFFF000  }
0xd6: {  	s2 =	sadd.s32 $0x8, s2;
	_ =	swait.ge [sflag:s21], $0x1000  }
0xd7: {  	[sflag:s21] =	ssyncset.done $0x0  }
0xd8: {  	[sflag:s21] =	ssyncadd.s32 $0xFFFFF000  }
0xd9: {  	[spmem:s1] =	stream.indirect.scatter.add.f32 [tilespmem:s26], [sflag:$0x2], $0x20, s31, s22, $0xb8;
	[tilespmem:$0x1CEB0] =	vst v63  }
0xda: {  	_ =	swait.ge [sflag:s19], $0x1000  }
0xdb: {  	[sflag:s19] =	ssyncset.done $0x0  }
0xdc: {  	[sflag:s19] =	ssyncadd.s32 $0xFFFFF000  }
0xdd: {  	[bflag:$0x0] =	sbarrier.arrive $0xFFFF  }
0xde: {  	s2 =	rddreg [dreg:$0xd]  }
0xdf: {  	s10 =	rddreg [dreg:$0x10];
	s2 =	sor.u32 $0x1C02, s2  }
0xe0: {  	[hbm:s10], [sflag:s2] =	dma.local [spmem:s18], $0x30D4  }
0xe1: {  	_ =	swait.ge [sflag:s19], $0x30D4  }
0xe2: {  	s0 =	sadd.s32 $0x1, s0;
	s17 =	rddreg [dreg:$0x11]  }
0xe3: {  	p0 =	sne.s32 s0, s17  }
.Ltmp1:
0xe4: {  	_ = 	snop;
	(pc) =	sbr.rel @p0 .LBB2_1-.Ltmp1, $3  }
0xe5: {  	_ =	sdelay $0x1  }
0xe6: {  	[sflag:s19] =	ssyncset.done $0x0  }
0xe7: {  	[sflag:s19] =	ssyncadd.s32 $0xFFFFCF2C  }
0xe8: {  	_ =	sfence.sel $0x180000  }
0xe9: {  	[bflag:$0x0] =	sbarrier.arrive $0xFFFF  }
0xea: {  	_ =	strace $0x90000053  }
0xeb: {  	s0 =	stileid.u32;
	[bflag:$0x2] =	sbarrier.arrive $0xFFFF  }
0xec: {  	p0 =	sne.s32 s0, $0x0;
	s0 =	rddreg [dreg:$0x2]  }
0xed: {  	s0 =	sadd.s32 @!p0 $0x100000, s0  }
0xee: {  	[sflag:s0] =	ssyncadd.tile.s32 @!p0 $0x1;
	_ =	shalt  }
.Lfunc_end2:
_tile_overlayer_lowered:
.L_overlay_start_2:
0xef: {  	(tag) =	ssettag $0x2  }
0xf0: {  	s0 =	rddreg [dreg:$0x0];
	s2 =	stileid.u32  }
0xf1: {  	s1 =	rddreg [dreg:$0x1];
	p0 =	sne.s32 s2, $0x0  }
0xf2: {  	s3 =	rddreg [dreg:$0x2];
	[bflag:$0x3] =	sbarrier.arrive $0xFFFF;
	s2 =	simm.s32 @!p0 $0x1C02  }
0xf3: {  	[timem:s3], [sflag:s2] =	dma.local @!p0 [hbm:s0], s1  }
0xf4: {  	s0 =	simm.s32 @!p0 $0x2  }
0xf5: {  	_ =	swait.ge @!p0 [sflag:s0], s1  }
0xf6: {  	s1 =	ssub.s32 @!p0 $0x0, s1;
	[sflag:s0] =	ssyncset.done @!p0 $0x0  }
0xf7: {  	[sflag:s0] =	ssyncadd.s32 @!p0 s1  }
0xf8: {  	[bflag:$0x3] =	sbarrier.arrive $0xFFFF  }
0xf9: {  	_ =	shalt  }

// kernel: kernel.29.cloned.1.call-start
scs
__scs_entry_jumppad:
0x0: {  	(pc) =	sbr.rel $0x88, $3  }
0x1: {  	(tag) =	ssettag $0x0;
	lr =	simm.s32 $0x1  }
0x2: {  	[smem:$0x3F94] =	sst lr;
	_ =	strace $0xD0000000  }
0x3: {  	_ = 	snop  }
0x4: {  	_ = 	snop  }
0x5: {  	_ = 	snop  }
0x6: {  	_ = 	snop  }
0x7: {  	_ = 	snop  }
__scs_overlays_trampoline_lowered:
0x8: {  	[smem:$0x3FA3] =	sst s0  }
0x9: {  	[smem:$0x3FA4] =	sst s1  }
0xa: {  	[smem:$0x3FA5] =	sst s2  }
0xb: {  	[smem:$0x3FA6] =	sst s3  }
0xc: {  	[smem:$0x3FA7] =	sst s4  }
0xd: {  	[smem:$0x3FA8] =	sst s5  }
0xe: {  	[smem:$0x3FA9] =	sst s6  }
0xf: {  	[smem:$0x3FAA] =	sst s7  }
0x10: {  	[smem:$0x3FAB] =	sst s8  }
0x11: {  	[smem:$0x3FAC] =	sst s9;
	s0 =	simm.s32 @!p0 $0x0  }
0x12: {  	s1 =	sld [smem:$0x3F92];
	s0 =	simm.s32 @p0 $0x1  }
0x13: {  	[smem:$0x3FAD] =	sst s0;
	s0 =	simm.s32 @!p1 $0x0  }
0x14: {  	s2 =	sld [smem:$0x3F91];
	s0 =	simm.s32 @p1 $0x1  }
0x15: {  	[smem:$0x3FAE] =	sst s0;
	s0 =	simm.s32 @!p2 $0x0  }
0x16: {  	s3 =	sld [smem:$0x3FDB];
	s0 =	simm.s32 @p2 $0x1  }
0x17: {  	s4 =	simm.s32 $0x1BF5;
	[smem:$0x3FB0] =	sst s0  }
0x18: {  	s0 =	sld [smem:$0x3F93];
	_ =	swait.ge [sflag:s4], $0x0  }
0x19: {  	s7 =	sld [smem:$0x3F94]  }
0x1a: {  	s8 =	sadd.s32 $0xFFFFE003, lr  }
0x1b: {  	s9 =	sadd.s32 $0xFFFFFEF7, lr;
	s5 =	simm.s32 $0xFFFFFFFF;
	p2 =	slt.u32 s8, $0xFFFFF086  }
0x1c: {  	p1 =	slt.u32 s9, $0xF7A;
	s5 =	simm.s32 @!p2 $0x0  }
0x1d: {  	s5 =	simm.s32 @p1 $0x1;
	p0 =	seq.s32 s7, s2  }
0x1e: {  	s7 =	smul.u32 @!p0 $0xF7A, s2;
	p2 =	seq.s32 @!p0 s5, $0x0  }
0x1f: {  	s9 =	smul.u32 $0xF7A, s1;
	s8 =	simm.s32 @!p0 $0x1BF5;
	p2 =	por !p2, p0  }
0x20: {  	[sflag:s8] =	ssyncset.s32 @!p0 $0xFFFFF086;
	s6 =	sadd.s32 @!p0 s3, s7;
	s7 =	simm.s32 @!p0 $0x108  }
0x21: {  	s3 =	sadd.s32 s3, s9;
	s6 =	sadd.s32 @!p0 $0x88, s6;
	s7 =	simm.s32 @p2 $0x1082  }
0x22: {  	[simem:s7], [sflag:s8] =	dma.local @!p0 [hbm:s6], $0xF7A  }
0x23: {  	s9 =	sor.u32 $0xD0000000, s2;
	s6 =	simm.s32 $0x108;
	_ =	swait.ge @!p0 [sflag:s8], $0x0  }
0x24: {  	s3 =	sadd.s32 $0x88, s3;
	s6 =	simm.s32 @!p1 $0x1082;
	[sflag:s4] =	ssyncset.s32 $0xFFFFF086  }
0x25: {  	[simem:s6], [sflag:s4] =	dma.local [hbm:s3], $0xF7A  }
0x26: {  	[smem:$0x3F94] =	sst s1;
	(tag) =	ssettag s2;
	_ =	strace s9  }
0x27: {  	s1 =	sld [smem:$0x3FA4]  }
0x28: {  	s2 =	sld [smem:$0x3FA5]  }
0x29: {  	s4 =	sld [smem:$0x3FA7]  }
0x2a: {  	p0 =	seq.s32 s5, $0x0;
	s5 =	sld [smem:$0x3FA8]  }
0x2b: {  	s6 =	sld [smem:$0x3FA9]  }
0x2c: {  	s7 =	sld [smem:$0x3FAA]  }
0x2d: {  	s3 =	simm.s32 $0x108;
	s8 =	sld [smem:$0x3FAB]  }
0x2e: {  	s3 =	simm.s32 @!p0 $0x1082;
	s9 =	sld [smem:$0x3FAC]  }
0x2f: {  	lr =	sadd.s32 s0, s3;
	s0 =	sld [smem:$0x3FA3]  }
0x30: {  	s3 =	sld [smem:$0x3FA6]  }
0x31: {  	[smem:$0x3FAF] =	sst s10  }
0x32: {  	s10 =	sld [smem:$0x3FAD];
	_ =	sdelay $0x3  }
0x33: {  	p0 =	seq.s32 s10, $0x1;
	s10 =	sld [smem:$0x3FAF];
	_ =	sdelay $0x3  }
0x34: {  	[smem:$0x3FAF] =	sst s10  }
0x35: {  	s10 =	sld [smem:$0x3FAE];
	_ =	sdelay $0x3  }
0x36: {  	p1 =	seq.s32 s10, $0x1;
	s10 =	sld [smem:$0x3FAF];
	_ =	sdelay $0x3  }
0x37: {  	[smem:$0x3FAF] =	sst s10  }
0x38: {  	s10 =	sld [smem:$0x3FB0]  }
0x39: {  	_ = 	snop;
	(pc) =	sbr.ind lr, $3  }
0x3a: {  	_ = 	snop  }
0x3b: {  	_ = 	snop  }
0x3c: {  	p2 =	seq.s32 s10, $0x1;
	s10 =	sld [smem:$0x3FAF]  }
0x3d: {  	_ =	shalt  }
0x3e: {  	_ =	shalt  }
0x3f: {  	_ =	shalt  }
0x40: {  	_ =	shalt  }
0x41: {  	_ =	shalt  }
0x42: {  	_ =	shalt  }
0x43: {  	_ =	shalt  }
0x44: {  	_ =	shalt  }
0x45: {  	_ =	shalt  }
0x46: {  	_ =	shalt  }
0x47: {  	_ =	shalt  }
0x48: {  	_ =	shalt  }
0x49: {  	_ =	shalt  }
0x4a: {  	_ =	shalt  }
0x4b: {  	_ =	shalt  }
0x4c: {  	_ =	shalt  }
0x4d: {  	_ =	shalt  }
0x4e: {  	_ =	shalt  }
0x4f: {  	_ =	shalt  }
0x50: {  	_ =	shalt  }
0x51: {  	_ =	shalt  }
0x52: {  	_ =	shalt  }
0x53: {  	_ =	shalt  }
0x54: {  	_ =	shalt  }
0x55: {  	_ =	shalt  }
0x56: {  	_ =	shalt  }
0x57: {  	_ =	shalt  }
0x58: {  	_ =	shalt  }
0x59: {  	_ =	shalt  }
0x5a: {  	_ =	shalt  }
0x5b: {  	_ =	shalt  }
0x5c: {  	_ =	shalt  }
0x5d: {  	_ =	shalt  }
0x5e: {  	_ =	shalt  }
0x5f: {  	_ =	shalt  }
0x60: {  	_ =	shalt  }
0x61: {  	_ =	shalt  }
0x62: {  	_ =	shalt  }
0x63: {  	_ =	shalt  }
0x64: {  	_ =	shalt  }
0x65: {  	_ =	shalt  }
0x66: {  	_ =	shalt  }
0x67: {  	_ =	shalt  }
0x68: {  	_ =	shalt  }
0x69: {  	_ =	shalt  }
0x6a: {  	_ =	shalt  }
0x6b: {  	_ =	shalt  }
0x6c: {  	_ =	shalt  }
0x6d: {  	_ =	shalt  }
0x6e: {  	_ =	shalt  }
0x6f: {  	_ =	shalt  }
0x70: {  	_ =	shalt  }
0x71: {  	_ =	shalt  }
0x72: {  	_ =	shalt  }
0x73: {  	_ =	shalt  }
0x74: {  	_ =	shalt  }
0x75: {  	_ =	shalt  }
0x76: {  	_ =	shalt  }
0x77: {  	_ =	shalt  }
0x78: {  	_ =	shalt  }
0x79: {  	_ =	shalt  }
0x7a: {  	_ =	shalt  }
0x7b: {  	_ =	shalt  }
0x7c: {  	_ =	shalt  }
0x7d: {  	_ =	shalt  }
0x7e: {  	_ =	shalt  }
0x7f: {  	_ =	shalt  }
0x80: {  	_ =	shalt  }
0x81: {  	_ =	shalt  }
0x82: {  	_ =	shalt  }
0x83: {  	_ =	shalt  }
0x84: {  	_ =	shalt  }
0x85: {  	_ =	shalt  }
0x86: {  	_ =	shalt  }
0x87: {  	_ =	shalt  }
.Lfunc_end0:
.L_simem_size_0:
called_computation.5_lowered:
.L_overlay_start_0:
0x88: {  	s2 =	sld [smem:$0x3FD9]  }
0x89: {  	s3 =	sld [smem:$0x3FFE];
	_ =	sdelay $0x1  }
0x8a: {  	s1 =	srdreg.scid  }
0x8b: {  	s0 =	sand.u32 $0x1, s1  }
0x8c: {  	s14 =	sshll.u32 s0, $0xA;
	s2 =	sadd.s32 s3, s2  }
0x8d: {  	s2 =	sadd.s32 s2, s14  }
0x8e: {  	[smem:$0x3FBB] =	sst s2  }
0x8f: {  	_ = 	snop  }
0x90: {  	s2 =	sld [smem:$0x3FD0];
	_ =	sdelay $0x2  }
0x91: {  	s15 =	simm.s32 $0xA;
	s4 =	simm.s32 $0x10  }
0x92: {  	[smem:s4], [sflag:s15] =	dma.local [hbm:s2], $0x1  }
0x93: {  	_ =	swait.eq [sflag:s15], $0x1  }
0x94: {  	[sflag:s15] =	ssyncset.done $0x0  }
0x95: {  	[sflag:s15] =	ssyncadd.s32 $0xFFFFFFFF  }
0x96: {  	s16 =	sld [smem:$0x11];
	(tm) =	ssettm $0x1  }
0x97: {  	s17 =	sld [smem:$0x3FFB];
	_ =	sdelay $0x3  }
0x98: {  	_ =	strace s17  }
0x99: {  	s3 =	sld [smem:$0x3FFC];
	_ =	sdelay $0x3  }
0x9a: {  	_ =	strace s3  }
0x9b: {  	s3 =	sld [smem:$0x3FFD];
	_ =	sdelay $0x3  }
0x9c: {  	_ =	strace s3  }
0x9d: {  	_ =	strace $0x8FFFFFFF  }
0x9e: {  	s18 =	sld [smem:$0x3FDB];
	_ =	sdelay $0x1  }
0x9f: {  	s19 =	simm.s32 $_scs_section_size  }
0xa0: {  	s5 =	simm.s32 $_size__tile_overlayer_lowered;
	s6 =	simm.s32 $_tile_overlayer_lowered  }
0xa1: {  	s22 =	simm.s32 $0x1BFF;
	s21 =	sshll.u32 s6, $0x1;
	s3 =	sadd.s32 s19, s18  }
0xa2: {  	s7 =	simm.s32 $0x0;
	s20 =	sshll.u32 s5, $0x1;
	s5 =	sadd.s32 s21, s3  }
0xa3: {  	[timem:s7], [sflag:s22] =	dma.local [hbm:s5], s20  }
0xa4: {  	_ =	swait.ge [sflag:s22], s20  }
0xa5: {  	s4 =	ssub.s32 $0x0, s20;
	[sflag:s22] =	ssyncset.done $0x0  }
0xa6: {  	[sflag:s22] =	ssyncadd.s32 s4;
	_ =	sdelay $0x1  }
0xa7: {  	s23 =	simm.s32 $0x1B8B  }
0xa8: {  	_ =	swait.ge [sflag:s23], $0x1  }
0xa9: {  	[sflag:s23] =	ssyncset.done $0x0  }
0xaa: {  	s25 =	simm.s32 $0x1B8E;
	s24 =	sld [smem:$0x3FFE];
	[sflag:s23] =	ssyncadd.s32 $0xFFFFFFFF  }
0xab: {  	s26 =	simm.s32 $execute0_lowered;
	[smem:$0x3FD2] =	sst s25  }
0xac: {  	s5 =	sshll.u32 s26, $0x1;
	_ =	strace $0x80000055;
	[dreg:$0x1] =	wrdreg $0xFFFFFFFF  }
0xad: {  	s28 =	simm.s32 $_size_execute0_lowered;
	s3 =	sadd.s32 s3, s5;
	[dreg:$0x0] =	wrdreg $0x0  }
0xae: {  	s5 =	sshll.u32 s28, $0x1;
	[dreg:$0x2] =	wrdreg s3  }
0xaf: {  	[dreg:$0x3] =	wrdreg s5  }
0xb0: {  	[dreg:$0x4] =	wrdreg $0xC0  }
0xb1: {  	_ =	task [dreg:s7], $0x5FFFF  }
0xb2: {  	[dreg:$0x1] =	wrdreg $0xFFFFFFFF  }
0xb3: {  	[dreg:$0x0] =	wrdreg $0x60  }
0xb4: {  	[dreg:$0x2] =	wrdreg s24  }
0xb5: {  	[dreg:$0x3] =	wrdreg s16  }
0xb6: {  	[dreg:$0x4] =	wrdreg $0x9  }
0xb7: {  	_ =	task.clear_ibuf [dreg:s7], $0x5FFFF;
	_ =	strace $0x90000055  }
0xb8: {  	s29 =	simm.s32 $0x9;
	_ =	strace $0x80000057  }
0xb9: {  	_ =	swait.ge [sflag:s29], $0x1  }
0xba: {  	[sflag:s29] =	ssyncadd.s32 $0xFFFFFFFF  }
0xbb: {  	_ =	strace $0x90000057  }
0xbc: {  	_ =	sfence  }
0xbd: {  	s30 =	sld [smem:$0x0];
	_ =	sdelay $0x2  }
0xbe: {  	s31 =	sshll.u32 s1, $0xD;
	s1 =	sshrl.u32 s1, $0x2  }
0xbf: {  	s3 =	sand.u32 $0x4000, s31;
	s1 =	sadd.s32 s1, s30  }
0xc0: {  	s0 =	sor.u32 s3, s0;
	s1 =	sshll.u32 s1, $0x11  }
0xc1: {  	s0 =	sor.u32 s1, s0  }
0xc2: {  	s0 =	sadd.s32 $0x8F2B, s0  }
0xc3: {  	[sflag:s0] =	ssyncadd.remote.s32 $0x1  }
0xc4: {  	_ =	sfence.sel $0xFFFF  }
0xc5: {  	[dreg:$0x0] =	wrdreg $0xFFFFFFFF;
	(pc) =	sbr.abs _section_cstart, $3  }
0xc6: {  	[dreg:$0x1] =	wrdreg $0xFFFFFFFF  }
0xc7: {  	_ =	task.clear_ibuf [dreg:s7], $0x2FFFF;
	_ =	strace $0x9FFFFFFF  }
0xc8: {  	(tm) =	ssettm $0x7FFFFFFF  }
0xc9: {  	_ =	shalt  }
tec
execute0_lowered:
.L_overlay_start_1:
0x0: {  	(tag) =	ssettag $0x1  }
0x1: {  	s4 =	rddreg [dreg:$0x0]  }
0x2: {  	s5 =	rddreg [dreg:$0x1]  }
0x3: {  	s0 =	rddreg [dreg:$0x2];
	s1 =	simm.s32 $0x0;
	s6 =	srdreg.scid  }
0x4: {  	s2 =	stileid.u32;
	s12 =	simm.s32 $0x1430;
	s13 =	simm.s32 $0x0  }
0x5: {  	[smem:$0x7FF] =	sst s1;
	s3 =	sadd.s32 $0x1C800, s4;
	s6 =	sand.u32 $0x1, s6  }
0x6: {  	s8 =	sshll.u32 s2, $0x7;
	s10 =	sshll.u32 s2, $0x2;
	_ =	strace $0x80000056  }
.Ltmp0:
0x7: {  	s7 =	ssub.s32 $0x2, s6;
	s9 =	sshll.u32 s6, $0xB;
	(pc) =	sbr.rel .LBB2_1-.Ltmp0, $4  }
0x8: {  	s30 =	sadd.s32 s10, s4;
	s6 =	smul.u32 $0xC350, s6;
	s10 =	simm.s32 $0x30  }
0x9: {  	s11 =	sshrl.u32 s7, $0x1;
	s8 =	sor.u32 s8, s9;
	s9 =	simm.s32 $0x1  }
0xa: {  	s31 =	ssub.s32 s7, s11;
	s4 =	sadd.s32 s5, s8;
	s5 =	sadd.s32 $0x1C600, s30  }
0xb: {  	v0 =	vlaneseq.u32;
	s11 =	simm.s32 $0x1030;
	s7 =	sadd.s32 $0x1000, s4;
	s8 =	smax.u32 s31, $0x1  }
.LBB2_7:
0xc: {  	[hbm4b:s4+s1] =	stream.linear.scatter [tilespmem:s11], [sflag:$0x1], $0x400, $0x38;
	[tilespmem:$0x1830] =	vst v63  }
0xd: {  	s13 =	sadd.s32 $0x1, s13;
	_ =	swait.ge [sflag:s9], $0x400  }
0xe: {  	p0 =	sne.s32 s13, s8;
	[sflag:s9] =	ssyncset.done $0x0  }
.Ltmp1:
0xf: {  	[sflag:s9] =	ssyncadd.s32 $0xFFFFFC00;
	(pc) =	sbr.rel @!p0 .LBB2_8-.Ltmp1, $4  }
0x10: {  	[hbm4b:s7+s1] =	stream.linear.scatter [tilespmem:s12], [sflag:$0x1], $0x400, $0x38;
	[tilespmem:$0x1830] =	vst v63  }
0x11: {  	_ =	swait.ge [sflag:s9], $0x400  }
0x12: {  	[sflag:s9] =	ssyncset.done $0x0  }
0x13: {  	[sflag:s9] =	ssyncadd.s32 $0xFFFFFC00  }
.LBB2_1:
.Ltmp2:
0x14: {  	(pc) =	sbr.rel .LBB2_2-.Ltmp2, $4  }
0x15: {  	[tilespmem:s1], [sflag:$0x1] =	stream.linear.gather [hbm4b:s5+s1], $0x30, $0x38;
	[tilespmem:$0x1830] =	vst v63  }
0x16: {  	_ =	swait.ge [sflag:s9], $0x30  }
0x17: {  	[sflag:s9] =	ssyncset.done $0x0  }
0x18: {  	s15 =	simm.s32 $0x0;
	[sflag:s9] =	ssyncadd.s32 $0xFFFFFFD0  }
.LBB2_6:
0x19: {  	p0 =	sne.s32 s14, $0x20  }
.Ltmp3:
0x1a: {  	s15 =	sshll.u32 s15, $0x5;
	(pc) =	sbr.rel @!p0 .LBB2_7-.Ltmp3, $4  }
0x1b: {  	[tilespmem:s15+$0x1030] =	vst v4  }
0x1c: {  	[tilespmem:s15+$0x1040] =	vst v2  }
0x1d: {  	[tilespmem:s15+$0x1430] =	vst v3  }
0x1e: {  	[tilespmem:s15+$0x1440] =	vst v1;
	s15 =	smov.u32 s14  }
.LBB2_2:
0x1f: {  	s16 =	sand.u32 $0x10, s15;
	s14 =	sadd.s32 $0x1, s15  }
0x20: {  	v1 =	vld [tilespmem:s16+$0x0];
	s28 =	sand.u32 $0x30, s14  }
0x21: {  	v2 =	vld [tilespmem:s28+$0x0]  }
0x22: {  	s29 =	sand.u32 $0xF, s15  }
0x23: {  	v3 =	vmov s29;
	s30 =	sand.u32 $0xF, s14  }
0x24: {  	vm0 =	veq.s32 v3, v0;
	v3 =	vmov s30  }
0x25: {  	vm15 =	veq.s32 v3, v0;
	v1 =	vnsel vm0, $0x0, v1  }
0x26: {  	(xrf0) =	vadd.scan.msk.s32 $0xffff, v1;
	v1 =	vnsel vm15, $0x0, v2  }
0x27: {  	(xrf0) =	vadd.scan.msk.s32 $0xffff, v1;
	_ =	sdelay $0x4  }
0x28: {  	v1, _, _ =	vpop (xrf0)  }
0x29: {  	(v2sf) =	vpush v1, $0xF;
	v1, _, _ =	vpop (xrf0)  }
0x2a: {  	(v2sf) =	vpush v1, $0xF;
	_ =	sdelay $0xd  }
0x2b: {  	s16 =	spop (v2sf)  }
0x2c: {  	s17 =	spop (v2sf)  }
0x2d: {  	s18 =	ssub.s32 s17, s16  }
0x2e: {  	s18 =	sadd.s32 $0x7F, s18  }
0x2f: {  	s19 =	sand.u32 $0x7F, s18  }
0x30: {  	s20 =	sshra.s32 s18, $0x1F;
	p0 =	slt.s32 s18, $0x1;
	p1 =	sne.s32 s19, $0x0  }
0x31: {  	s31 =	sshrl.u32 s20, $0x19;
	p0 =	por !p0, !p1  }
0x32: {  	s19 =	simm.s32 $0x1;
	s18 =	sadd.s32 s31, s18;
	p0 =	por !p0, !p0  }
0x33: {  	s18 =	sshra.s32 s18, $0x7;
	s19 =	simm.s32 @!p0 $0x0  }
0x34: {  	s18 =	ssub.s32 s18, s19  }
0x35: {  	p0 =	slt.s32 s18, $0x1  }
.Ltmp4:
0x36: {  	_ = 	snop;
	(pc) =	sbr.rel @p0 .LBB2_6-.Ltmp4, $3  }
0x37: {  	_ =	sdelay $0x1  }
0x38: {  	v4 =	vimm.f32 $-Inf  }
0x39: {  	s21 =	simm.s32 $0x0;
	v3 =	vimm.f32 $0.0e+00;
	v2 =	vimm.f32 $-Inf;
	v1 =	vimm.f32 $0.0e+00;
	s20 =	smov.u32 s16;
	s19 =	simm.s32 $0x0  }
.LBB2_3:
0x3a: {  	s22 =	sshll.u32 s21, $0x7  }
0x3b: {  	s22 =	sadd.s32 s16, s22  }
0x3c: {  	p0 =	slt.s32 s22, $0xC2D0;
	s23 =	smov.u32 s22  }
0x3d: {  	s23 =	simm.s32 @!p0 $0xC2D0  }
0x3e: {  	s23 =	sadd.s32 s6, s23  }
0x3f: {  	s23 =	sshll.u32 s23, $0x2  }
0x40: {  	s23 =	sand.u32 $0x1FFFFFFC, s23  }
0x41: {  	s23 =	sadd.s32 s3, s23  }
0x42: {  	[tilespmem:s10], [sflag:$0x1] =	stream.linear.gather [hbm4b:s23+s19], $0x1000, $0x38;
	[tilespmem:$0x1830] =	vst v63  }
0x43: {  	_ =	swait.ge [sflag:s9], $0x1000  }
0x44: {  	[sflag:s9] =	ssyncset.done $0x0  }
0x45: {  	s24 =	simm.s32 $0x40;
	[sflag:s9] =	ssyncadd.s32 $0xFFFFF000  }
0x46: {  	v6 =	vld [tilespmem:s24+$0xFFFFFFF0]  }
0x47: {  	p0 =	slt.s32 s20, $0xC2D0;
	s23 =	smov.u32 s20;
	v5 =	vld [tilespmem:s24+$0x0]  }
0x48: {  	s23 =	simm.s32 @!p0 $0xC2D0  }
0x49: {  	s25 =	sadd.s32 $0x0, s23  }
0x4a: {  	p6 =	sge.s32 s25, s22;
	p1 =	slt.s32 s25, s17  }
0x4b: {  	s25 =	simm.s32 $0x60;
	s24 =	simm.s32 $0x1;
	p1 =	por !p6, !p1  }
.LBB2_4:
0x4c: {  	v7 =	vld [tilespmem:s25+$0xFFFFFFF0];
	p1 =	por !p1, !p1;
	v8 =	vmax.f32 v4, v6;
	v9 =	vmax.f32 v2, v5;
	v10 =	vmov v5;
	s26 =	smov.u32 s24;
	p0 =	sne.s32 s24, $0x7F  }
.Ltmp5:
0x4d: {  	s24 =	sadd.s32 $0x1, s24;
	v5 =	vld [tilespmem:s25+$0x0];
	v4 =	vpsel p1, v8, v4;
	v2 =	vpsel p1, v9, v2;
	v6 =	vpsel !p1, $0x0, v6;
	(pc) =	sbr.rel @p0 .LBB2_4-.Ltmp5, $4  }
0x4e: {  	v3 =	vadd.f32 v6, v3;
	v6 =	vpsel !p1, $0x0, v10  }
0x4f: {  	s26 =	sadd.s32 s26, s23;
	v1 =	vadd.f32 v6, v1  }
0x50: {  	p1 =	sge.s32 s26, s22;
	p2 =	slt.s32 s26, s17  }
0x51: {  	s25 =	sadd.s32 $0x20, s25;
	p1 =	por !p1, !p2;
	v6 =	vmov v7  }
0x52: {  	s21 =	sadd.s32 $0x1, s21  }
0x53: {  	p0 =	por !p1, !p1;
	p1 =	sne.s32 s21, s18  }
.Ltmp6:
0x54: {  	_ = 	snop;
	(pc) =	sbr.rel @p1 .LBB2_3-.Ltmp6, $4  }
.Ltmp7:
0x55: {  	_ = 	snop;
	(pc) =	sbr.rel @!p1 .LBB2_6-.Ltmp7, $4  }
0x56: {  	v7 =	vmax.f32 v4, v6;
	v8 =	vmax.f32 v2, v5  }
0x57: {  	v4 =	vpsel p0, v7, v4;
	v6 =	vpsel !p0, $0x0, v6;
	v5 =	vpsel !p0, $0x0, v5  }
0x58: {  	s20 =	sadd.s32 $0x80, s20;
	v2 =	vpsel p0, v8, v2;
	v3 =	vadd.f32 v6, v3;
	v1 =	vadd.f32 v5, v1  }
0x59: {  	_ = 	snop  }
.LBB2_8:
0x5a: {  	_ =	sfence.sel $0x180000  }
0x5b: {  	[bflag:$0x0] =	sbarrier.arrive $0xFFFF  }
0x5c: {  	p0 =	sne.s32 s2, $0x0;
	_ =	strace $0x90000056  }
0x5d: {  	s0 =	sadd.s32 @!p0 $0x100000, s0;
	[bflag:$0x2] =	sbarrier.arrive $0xFFFF  }
0x5e: {  	[sflag:s0] =	ssyncadd.tile.s32 @!p0 $0x1;
	_ =	shalt  }
.Lfunc_end2:
_tile_overlayer_lowered:
.L_overlay_start_2:
0x5f: {  	(tag) =	ssettag $0x2  }
0x60: {  	s0 =	rddreg [dreg:$0x0];
	s2 =	stileid.u32  }
0x61: {  	s1 =	rddreg [dreg:$0x1];
	p0 =	sne.s32 s2, $0x0  }
0x62: {  	s3 =	rddreg [dreg:$0x2];
	[bflag:$0x3] =	sbarrier.arrive $0xFFFF;
	s2 =	simm.s32 @!p0 $0x1C01  }
0x63: {  	[timem:s3], [sflag:s2] =	dma.local @!p0 [hbm:s0], s1  }
0x64: {  	s0 =	simm.s32 @!p0 $0x1  }
0x65: {  	_ =	swait.ge @!p0 [sflag:s0], s1  }
0x66: {  	s1 =	ssub.s32 @!p0 $0x0, s1;
	[sflag:s0] =	ssyncset.done @!p0 $0x0  }
0x67: {  	[sflag:s0] =	ssyncadd.s32 @!p0 s1  }
0x68: {  	[bflag:$0x3] =	sbarrier.arrive $0xFFFF  }
0x69: {  	_ =	shalt  }

</sc_bundles>
